<compile_context>
chip_gen: v7x
topology: tpu7x:2x2x1
jax: 0.10.2.dev20260603
libtpu: 0.0.44.dev20260713+nightly
codegen_flags: <defaults>
</compile_context>

<pallas_src>
import functools

import jax
import jax.numpy as jnp
from jax import lax
from jax.experimental import pallas as pl
from jax.experimental.pallas import tpu as pltpu
from jax.experimental.pallas import tpu_sc as plsc

D_MODEL = 64
SCALE = 8.0

_NC = 2
_NS = 16
_NW = _NC * _NS

_V = 1000000
_CA = 128
_NCHA = _V // _CA
_TAILR = _V - _NCHA * _CA
_TAILW = 4

_B = 4096 * 200
_BPW = _B // _NW
_C = 128
_NCHUNK = _BPW // _C

_MESH = dict(core_axis_name="c", subcore_axis_name="s")
_PARAMS = pltpu.CompilerParams(use_tc_tiling_on_sc=True)


def _worker_id():
    return lax.axis_index("s") * _NC + lax.axis_index("c")


def _copy_rows(src, dst, nrows, scale):

    def rows4(i, carry):
        r = i * 4
        for u in range(4):
            for j in range(4):
                sl = pl.ds(16 * j, 16)
                dst[r + u, sl] = src[r + u, sl] * scale
        return carry

    lax.fori_loop(0, nrows // 4, rows4, 0)


@functools.partial(
    pl.kernel,
    out_type=jax.ShapeDtypeStruct((_V, 128), jnp.float32),
    mesh=plsc.VectorSubcoreMesh(**_MESH),
    compiler_params=_PARAMS,
    scratch_types=(
        [pltpu.VMEM((_CA, D_MODEL), jnp.float32) for _ in range(2)]
        + [pltpu.VMEM((_CA, 128), jnp.float32) for _ in range(2)]
        + [pltpu.SemaphoreType.DMA for _ in range(4)]
    ),
)
def _relayout(lut_hbm, t2_hbm, bi0, bi1, bo0, bo1, si0, si1, so0, so1):
    wid = _worker_id()
    bibufs, bobufs = (bi0, bi1), (bo0, bo1)
    isems, osems = (si0, si1), (so0, so1)

    def in_copy(cid, b):
        return pltpu.make_async_copy(
            lut_hbm.at[pl.ds(cid * _CA, _CA)], bibufs[b], isems[b]
        )

    def out_copy(cid, b):
        return pltpu.make_async_copy(
            bobufs[b], t2_hbm.at[pl.ds(cid * _CA, _CA)], osems[b]
        )

    n_k = (_NCHA - 1 - wid) // _NW + 1

    def cid_of(k):
        return wid + _NW * k

    in_copy(cid_of(0), 0).start()
    in_copy(cid_of(1), 1).start()

    def step(k, b):
        in_copy(cid_of(k), b).wait()

        @pl.when(k >= 2)
        def _():
            out_copy(0, b).wait()

        _copy_rows(bibufs[b], bobufs[b], _CA, SCALE)

        @pl.when(k + 2 < n_k)
        def _():
            in_copy(cid_of(k + 2), b).start()

        out_copy(cid_of(k), b).start()

    def pair(g, carry):
        step(2 * g, 0)
        step(2 * g + 1, 1)
        return carry

    lax.fori_loop(0, n_k // 2, pair, 0)

    @pl.when(n_k % 2 == 1)
    def _():
        step(n_k - 1, 0)

    for b in range(2):
        out_copy(0, b).wait()

    @pl.when(wid == _TAILW)
    def _():
        r0 = _NCHA * _CA
        pltpu.make_async_copy(
            lut_hbm.at[pl.ds(r0, _TAILR)], bi0.at[pl.ds(0, _TAILR)], si0
        ).start()
        pltpu.make_async_copy(
            lut_hbm.at[pl.ds(r0, _TAILR)], bi0.at[pl.ds(0, _TAILR)], si0
        ).wait()
        _copy_rows(bi0, bo0, _TAILR, SCALE)
        pltpu.make_async_copy(
            bo0.at[pl.ds(0, _TAILR)], t2_hbm.at[pl.ds(r0, _TAILR)], so0
        ).start()
        pltpu.make_async_copy(
            bo0.at[pl.ds(0, _TAILR)], t2_hbm.at[pl.ds(r0, _TAILR)], so0
        ).wait()


@functools.partial(
    pl.kernel,
    out_type=jax.ShapeDtypeStruct((_B, D_MODEL), jnp.float32),
    mesh=plsc.VectorSubcoreMesh(**_MESH),
    compiler_params=_PARAMS,
    scratch_types=(
        [pltpu.VMEM((_C,), jnp.int32) for _ in range(4)]
        + [pltpu.VMEM((_C, 128), jnp.float32) for _ in range(2)]
        + [pltpu.VMEM((_C, D_MODEL), jnp.float32) for _ in range(2)]
        + [pltpu.SemaphoreType.DMA for _ in range(8)]
    ),
)
def _gather(x_hbm, t2_hbm, out_hbm,
            i0, i1, i2, i3, a0, a1, s0, s1,
            ig0, ig1, ig2, ig3, g0, g1, st0, st1):
    wid = _worker_id()
    base = wid * _BPW
    ibufs, isems = (i0, i1, i2, i3), (ig0, ig1, ig2, ig3)
    abufs, sbufs = (a0, a1), (s0, s1)
    gsems, ssems = (g0, g1), (st0, st1)

    def idx_copy(cn, k):
        return pltpu.make_async_copy(x_hbm.at[wid, cn], ibufs[k], isems[k])

    def gather_copy(k, ab):
        return pltpu.make_async_copy(t2_hbm.at[ibufs[k]], abufs[ab], gsems[ab])

    def store_copy(cn, ab):
        return pltpu.make_async_copy(
            sbufs[ab], out_hbm.at[pl.ds(base + cn * _C, _C)], ssems[ab]
        )

    for k in range(4):
        idx_copy(k, k).start()
    for b in range(2):
        idx_copy(b, b).wait()
        gather_copy(b, b).start()

    def quad(g, carry):
        for b in range(4):
            c = 4 * g + b
            ab = b % 2
            gather_copy(b, ab).wait()

            @pl.when(c + 4 < _NCHUNK)
            def _(c=c, b=b):
                idx_copy(c + 4, b).start()

            @pl.when(c >= 2)
            def _(c=c, ab=ab):
                store_copy(c - 2, ab).wait()

            _copy_rows(abufs[ab], sbufs[ab], _C, 1.0)

            store_copy(c, ab).start()

            @pl.when(c + 2 < _NCHUNK)
            def _(c=c, b=b, ab=ab):
                idx_copy(c + 2, (b + 2) % 4).wait()
                gather_copy((b + 2) % 4, ab).start()
        return carry

    lax.fori_loop(0, _NCHUNK // 4, quad, 0)

    for b in range(2):
        store_copy(_NCHUNK - 2 + b, b).wait()


def kernel(x, lut):
    x_grouped = x.reshape(_NW, _NCHUNK, _C).astype(jnp.int32)
    t2 = _relayout(lut)
    dep = (jnp.sum(t2[0, :1]) * 0.0).astype(jnp.int32)
    out = _gather(jnp.bitwise_or(x_grouped, dep), t2)
    return out.reshape(x.shape[0], x.shape[1], D_MODEL)

# --- scband reference (transcript-rebuilt; emitter-appended) ---
"""Pipeline reference for scband-embeddings-4698694221975 (READ-ONLY COPY).

The authoritative reference and input builder live on the scoring server;
editing this copy changes nothing except your own understanding.
"""

import jax, jax.numpy as jnp
import numpy as np
import math

D_MODEL = 64
VOCAB = 1000000

def setup_inputs(seed: int = 0) -> dict:
    key = jax.random.key(seed)
    k1, k2 = jax.random.split(key)
    x = jax.random.randint(k1, (4096, 200), 0, VOCAB, dtype=jnp.int64)
    lut = jax.random.normal(k2, (VOCAB, D_MODEL), dtype=jnp.float32)
    return {"x": x, "lut": lut}

def reference(x, lut):
    # Embeddings.forward: self.lut(x) * math.sqrt(self.d_model)
    emb = jnp.take(lut, x, axis=0)
    return emb * math.sqrt(D_MODEL)

if __name__ == "__main__":
    import jax
    _d = setup_inputs()
    print(jax.jit(kernel)(*tuple(_d.values())))

</pallas_src>

<mosaic_0001>
#map = affine_map<(d0, d1) -> (0, 0)>
module attributes {stable_mosaic.version = 14 : i64} {
  func.func @_relayout(%arg0: i32, %arg1: i32, %arg2: memref<1000000x64xf32, #tpu.memory_space<hbm>>, %arg3: memref<1000000x128xf32, #tpu.memory_space<hbm>>, %arg4: memref<128x64xf32, #tpu.memory_space<vmem>>, %arg5: memref<128x64xf32, #tpu.memory_space<vmem>>, %arg6: memref<128x128xf32, #tpu.memory_space<vmem>>, %arg7: memref<128x128xf32, #tpu.memory_space<vmem>>, %arg8: memref<!tpu.dma_semaphore, #tpu.memory_space<semaphore_mem>>, %arg9: memref<!tpu.dma_semaphore, #tpu.memory_space<semaphore_mem>>, %arg10: memref<!tpu.dma_semaphore, #tpu.memory_space<semaphore_mem>>, %arg11: memref<!tpu.dma_semaphore, #tpu.memory_space<semaphore_mem>>) attributes {dimension_semantics = [#tpu.dimension_semantics<core_parallel>, #tpu.dimension_semantics<subcore_parallel>], iteration_bounds = array<i64: 2, 16>, scalar_prefetch = 0 : i64, scratch_operands = 8 : i64, tpu.core_type = #tpu.core_type<sc_vector_subcore>, window_params = [{transform_indices = #map}, {transform_indices = #map}]} {
    %mul3A = arith.constant 2 : i32
    %mul3A_0 = arith.muli %arg1, %mul3A : i32
    %add3A = arith.addi %mul3A_0, %arg0 : i32
    %sub3A = arith.constant 7811 : i32
    %sub3A_1 = arith.subi %sub3A, %add3A : i32
    %jit3A = arith.constant 32 : i32
    %div3A = arith.divsi %sub3A_1, %jit3A : i32
    %sign3A = arith.constant 0 : i32
    %sign3A_2 = arith.cmpi sgt, %sub3A_1, %sign3A : i32
    %sign3A_3 = arith.extui %sign3A_2 : i1 to i32
    %sign3A_4 = arith.constant 0 : i32
    %sign3A_5 = arith.cmpi slt, %sub3A_1, %sign3A_4 : i32
    %sign3A_6 = arith.extui %sign3A_5 : i1 to i32
    %sign3A_7 = arith.subi %sign3A_3, %sign3A_6 : i32
    %sign3A_8 = arith.constant 0 : i32
    %sign3A_9 = arith.cmpi sgt, %jit3A, %sign3A_8 : i32
    %sign3A_10 = arith.extui %sign3A_9 : i1 to i32
    %sign3A_11 = arith.constant 0 : i32
    %sign3A_12 = arith.cmpi slt, %jit3A, %sign3A_11 : i32
    %sign3A_13 = arith.extui %sign3A_12 : i1 to i32
    %sign3A_14 = arith.subi %sign3A_10, %sign3A_13 : i32
    %ne3A = arith.cmpi ne, %sign3A_7, %sign3A_14 : i32
    %rem3A = arith.remsi %sub3A_1, %jit3A : i32
    %ne3A_15 = arith.constant 0 : i32
    %ne3A_16 = arith.cmpi ne, %rem3A, %ne3A_15 : i32
    %and3A = arith.andi %ne3A, %ne3A_16 : i1
    %sub3A_17 = arith.constant 1 : i32
    %sub3A_18 = arith.subi %div3A, %sub3A_17 : i32
    %select_n3A = arith.select %and3A, %sub3A_18, %div3A : i32
    %add3A_19 = arith.constant 1 : i32
    %add3A_20 = arith.addi %select_n3A, %add3A_19 : i32
    %add3A_21 = arith.constant 0 : i32
    %add3A_22 = arith.addi %add3A, %add3A_21 : i32
    %mul3A_23 = arith.constant 128 : i32
    %mul3A_24 = arith.muli %add3A_22, %mul3A_23 : i32
    %dma_start3A = arith.constant 0 : i32
    %dma_start3A_25 = tpu.memref_slice %arg2[%mul3A_24, %dma_start3A] : memref<1000000x64xf32, #tpu.memory_space<hbm>> -> memref<128x64xf32, #tpu.memory_space<hbm>>
    %dma_start3A_26 = arith.constant 0 : i32
    %dma_start3A_27 = tpu.memref_slice %arg2[%mul3A_24, %dma_start3A_26] : memref<1000000x64xf32, #tpu.memory_space<hbm>> -> memref<128x64xf32, #tpu.memory_space<hbm>>
    tpu.enqueue_dma source(%dma_start3A_27 : memref<128x64xf32, #tpu.memory_space<hbm>>) target(%arg4 : memref<128x64xf32, #tpu.memory_space<vmem>>) target_semaphore(%arg8 : memref<!tpu.dma_semaphore, #tpu.memory_space<semaphore_mem>>)
    %add3A_28 = arith.constant 32 : i32
    %add3A_29 = arith.addi %add3A, %add3A_28 : i32
    %mul3A_30 = arith.constant 128 : i32
    %mul3A_31 = arith.muli %add3A_29, %mul3A_30 : i32
    %dma_start3A_32 = arith.constant 0 : i32
    %dma_start3A_33 = tpu.memref_slice %arg2[%mul3A_31, %dma_start3A_32] : memref<1000000x64xf32, #tpu.memory_space<hbm>> -> memref<128x64xf32, #tpu.memory_space<hbm>>
    %dma_start3A_34 = arith.constant 0 : i32
    %dma_start3A_35 = tpu.memref_slice %arg2[%mul3A_31, %dma_start3A_34] : memref<1000000x64xf32, #tpu.memory_space<hbm>> -> memref<128x64xf32, #tpu.memory_space<hbm>>
    tpu.enqueue_dma source(%dma_start3A_35 : memref<128x64xf32, #tpu.memory_space<hbm>>) target(%arg5 : memref<128x64xf32, #tpu.memory_space<vmem>>) target_semaphore(%arg9 : memref<!tpu.dma_semaphore, #tpu.memory_space<semaphore_mem>>)
    %jit3A_36 = arith.constant 2 : i32
    %div3A_37 = arith.divsi %add3A_20, %jit3A_36 : i32
    %sign3A_38 = arith.constant 0 : i32
    %sign3A_39 = arith.cmpi sgt, %add3A_20, %sign3A_38 : i32
    %sign3A_40 = arith.extui %sign3A_39 : i1 to i32
    %sign3A_41 = arith.constant 0 : i32
    %sign3A_42 = arith.cmpi slt, %add3A_20, %sign3A_41 : i32
    %sign3A_43 = arith.extui %sign3A_42 : i1 to i32
    %sign3A_44 = arith.subi %sign3A_40, %sign3A_43 : i32
    %sign3A_45 = arith.constant 0 : i32
    %sign3A_46 = arith.cmpi sgt, %jit3A_36, %sign3A_45 : i32
    %sign3A_47 = arith.extui %sign3A_46 : i1 to i32
    %sign3A_48 = arith.constant 0 : i32
    %sign3A_49 = arith.cmpi slt, %jit3A_36, %sign3A_48 : i32
    %sign3A_50 = arith.extui %sign3A_49 : i1 to i32
    %sign3A_51 = arith.subi %sign3A_47, %sign3A_50 : i32
    %ne3A_52 = arith.cmpi ne, %sign3A_44, %sign3A_51 : i32
    %rem3A_53 = arith.remsi %add3A_20, %jit3A_36 : i32
    %ne3A_54 = arith.constant 0 : i32
    %ne3A_55 = arith.cmpi ne, %rem3A_53, %ne3A_54 : i32
    %and3A_56 = arith.andi %ne3A_52, %ne3A_55 : i1
    %sub3A_57 = arith.constant 1 : i32
    %sub3A_58 = arith.subi %div3A_37, %sub3A_57 : i32
    %select_n3A_59 = arith.select %and3A_56, %sub3A_58, %div3A_37 : i32
    %while3A = arith.constant 0 : i32
    %while3A_60 = arith.constant 0 : i32
    %while3A_61 = arith.subi %select_n3A_59, %while3A_60 : i32
    %while3A_62 = arith.addi %while3A_60, %while3A_61 : i32
    %while3A_63 = arith.constant 1 : i32
    %while3A_64 = arith.divsi %while3A_61, %while3A_63 : i32
    %while3A_65 = arith.muli %while3A_64, %while3A_63 : i32
    %while3A_66 = arith.addi %while3A_60, %while3A_65 : i32
    %while3A_67 = arith.constant 1 : i32
    scf.for %while3A_102 = %while3A_60 to %while3A_66 step %while3A_67  : i32 {
      %mul3A_103 = arith.constant 2 : i32
      %mul3A_104 = arith.muli %mul3A_103, %while3A_102 : i32
      %mul3A_105 = arith.constant 32 : i32
      %mul3A_106 = arith.muli %mul3A_105, %mul3A_104 : i32
      %add3A_107 = arith.addi %add3A, %mul3A_106 : i32
      %mul3A_108 = arith.constant 128 : i32
      %mul3A_109 = arith.muli %add3A_107, %mul3A_108 : i32
      %dma_wait3A_110 = arith.constant 0 : i32
      %dma_wait3A_111 = tpu.memref_slice %arg2[%mul3A_109, %dma_wait3A_110] : memref<1000000x64xf32, #tpu.memory_space<hbm>> -> memref<128x64xf32, #tpu.memory_space<hbm>>
      %dma_wait3A_112 = arith.constant 0 : i32
      %dma_wait3A_113 = tpu.memref_slice %arg2[%mul3A_109, %dma_wait3A_112] : memref<1000000x64xf32, #tpu.memory_space<hbm>> -> memref<128x64xf32, #tpu.memory_space<hbm>>
      tpu.wait_dma2 semaphore(%arg8 : memref<!tpu.dma_semaphore, #tpu.memory_space<semaphore_mem>>) src(%dma_wait3A_113 : memref<128x64xf32, #tpu.memory_space<hbm>>) dst(%arg4 : memref<128x64xf32, #tpu.memory_space<vmem>>)
      %ge3A = arith.constant 2 : i32
      %ge3A_114 = arith.cmpi sge, %mul3A_104, %ge3A : i32
      %convert_element_type3A_115 = arith.extui %ge3A_114 : i1 to i32
      %cond3A_116 = arith.constant 0 : i32
      %cond3A_117 = arith.cmpi ne, %convert_element_type3A_115, %cond3A_116 : i32
      scf.if %cond3A_117 {
        %dma_wait3A_177 = arith.constant 0 : i32
        %dma_wait3A_178 = arith.constant 0 : i32
        %dma_wait3A_179 = tpu.memref_slice %arg3[%dma_wait3A_177, %dma_wait3A_178] : memref<1000000x128xf32, #tpu.memory_space<hbm>> -> memref<128x128xf32, #tpu.memory_space<hbm>>
        %dma_wait3A_180 = arith.constant 0 : i32
        %dma_wait3A_181 = arith.constant 0 : i32
        %dma_wait3A_182 = tpu.memref_slice %arg3[%dma_wait3A_180, %dma_wait3A_181] : memref<1000000x128xf32, #tpu.memory_space<hbm>> -> memref<128x128xf32, #tpu.memory_space<hbm>>
        tpu.wait_dma2 semaphore(%arg10 : memref<!tpu.dma_semaphore, #tpu.memory_space<semaphore_mem>>) src(%arg6 : memref<128x128xf32, #tpu.memory_space<vmem>>) dst(%dma_wait3A_182 : memref<128x128xf32, #tpu.memory_space<hbm>>)
      } else {
      }
      %scan3A = arith.constant 0 : i32
      %scan3A_118 = arith.constant 0 : i32
      %scan3A_119 = arith.constant 32 : i32
      %scan3A_120 = arith.addi %scan3A_118, %scan3A_119 : i32
      %scan3A_121 = arith.constant 1 : i32
      scf.for %scan3A_177 = %scan3A_118 to %scan3A_120 step %scan3A_121  : i32 {
        %mul3A_178 = arith.constant 4 : i32
        %mul3A_179 = arith.muli %scan3A_177, %mul3A_178 : i32
        %add3A_180 = arith.constant 0 : i32
        %add3A_181 = arith.addi %mul3A_179, %add3A_180 : i32
        %get3A = arith.index_cast %add3A_181 : i32 to index
        %get3A_182 = arith.constant 0 : index
        %get3A_183 = tpu.vector_load %arg4[%get3A, %get3A_182] {strides = array<i32>} : memref<128x64xf32, #tpu.memory_space<vmem>>, vector<1x16xf32>,
        %get3A_184 = vector.shape_cast %get3A_183 : vector<1x16xf32> to vector<16xf32>
        %mul3A_185 = arith.constant 8.000000e+00 : f32
        %mul3A_186 = vector.broadcast %mul3A_185 : f32 to vector<16xf32>
        %mul3A_187 = arith.mulf %get3A_184, %mul3A_186 : vector<16xf32>
        %add3A_188 = arith.constant 0 : i32
        %add3A_189 = arith.addi %mul3A_179, %add3A_188 : i32
        %swap3A = arith.index_cast %add3A_189 : i32 to index
        %swap3A_190 = arith.constant 0 : index
        %swap3A_191 = tpu.vector_load %arg6[%swap3A, %swap3A_190] {strides = array<i32>} : memref<128x128xf32, #tpu.memory_space<vmem>>, vector<1x16xf32>,
        %swap3A_192 = vector.shape_cast %swap3A_191 : vector<1x16xf32> to vector<16xf32>
        %swap3A_193 = vector.shape_cast %mul3A_187 : vector<16xf32> to vector<1x16xf32>
        tpu.vector_store %arg6[%swap3A, %swap3A_190], %swap3A_193 {strides = array<i32>} : memref<128x128xf32, #tpu.memory_space<vmem>>, vector<1x16xf32>,
        %add3A_194 = arith.constant 0 : i32
        %add3A_195 = arith.addi %mul3A_179, %add3A_194 : i32
        %get3A_196 = arith.index_cast %add3A_195 : i32 to index
        %get3A_197 = arith.constant 16 : index
        %get3A_198 = tpu.vector_load %arg4[%get3A_196, %get3A_197] {strides = array<i32>} : memref<128x64xf32, #tpu.memory_space<vmem>>, vector<1x16xf32>,
        %get3A_199 = vector.shape_cast %get3A_198 : vector<1x16xf32> to vector<16xf32>
        %mul3A_200 = arith.constant 8.000000e+00 : f32
        %mul3A_201 = vector.broadcast %mul3A_200 : f32 to vector<16xf32>
        %mul3A_202 = arith.mulf %get3A_199, %mul3A_201 : vector<16xf32>
        %add3A_203 = arith.constant 0 : i32
        %add3A_204 = arith.addi %mul3A_179, %add3A_203 : i32
        %swap3A_205 = arith.index_cast %add3A_204 : i32 to index
        %swap3A_206 = arith.constant 16 : index
        %swap3A_207 = tpu.vector_load %arg6[%swap3A_205, %swap3A_206] {strides = array<i32>} : memref<128x128xf32, #tpu.memory_space<vmem>>, vector<1x16xf32>,
        %swap3A_208 = vector.shape_cast %swap3A_207 : vector<1x16xf32> to vector<16xf32>
        %swap3A_209 = vector.shape_cast %mul3A_202 : vector<16xf32> to vector<1x16xf32>
        tpu.vector_store %arg6[%swap3A_205, %swap3A_206], %swap3A_209 {strides = array<i32>} : memref<128x128xf32, #tpu.memory_space<vmem>>, vector<1x16xf32>,
        %add3A_210 = arith.constant 0 : i32
        %add3A_211 = arith.addi %mul3A_179, %add3A_210 : i32
        %get3A_212 = arith.index_cast %add3A_211 : i32 to index
        %get3A_213 = arith.constant 32 : index
        %get3A_214 = tpu.vector_load %arg4[%get3A_212, %get3A_213] {strides = array<i32>} : memref<128x64xf32, #tpu.memory_space<vmem>>, vector<1x16xf32>,
        %get3A_215 = vector.shape_cast %get3A_214 : vector<1x16xf32> to vector<16xf32>
        %mul3A_216 = arith.constant 8.000000e+00 : f32
        %mul3A_217 = vector.broadcast %mul3A_216 : f32 to vector<16xf32>
        %mul3A_218 = arith.mulf %get3A_215, %mul3A_217 : vector<16xf32>
        %add3A_219 = arith.constant 0 : i32
        %add3A_220 = arith.addi %mul3A_179, %add3A_219 : i32
        %swap3A_221 = arith.index_cast %add3A_220 : i32 to index
        %swap3A_222 = arith.constant 32 : index
        %swap3A_223 = tpu.vector_load %arg6[%swap3A_221, %swap3A_222] {strides = array<i32>} : memref<128x128xf32, #tpu.memory_space<vmem>>, vector<1x16xf32>,
        %swap3A_224 = vector.shape_cast %swap3A_223 : vector<1x16xf32> to vector<16xf32>
        %swap3A_225 = vector.shape_cast %mul3A_218 : vector<16xf32> to vector<1x16xf32>
        tpu.vector_store %arg6[%swap3A_221, %swap3A_222], %swap3A_225 {strides = array<i32>} : memref<128x128xf32, #tpu.memory_space<vmem>>, vector<1x16xf32>,
        %add3A_226 = arith.constant 0 : i32
        %add3A_227 = arith.addi %mul3A_179, %add3A_226 : i32
        %get3A_228 = arith.index_cast %add3A_227 : i32 to index
        %get3A_229 = arith.constant 48 : index
        %get3A_230 = tpu.vector_load %arg4[%get3A_228, %get3A_229] {strides = array<i32>} : memref<128x64xf32, #tpu.memory_space<vmem>>, vector<1x16xf32>,
        %get3A_231 = vector.shape_cast %get3A_230 : vector<1x16xf32> to vector<16xf32>
        %mul3A_232 = arith.constant 8.000000e+00 : f32
        %mul3A_233 = vector.broadcast %mul3A_232 : f32 to vector<16xf32>
        %mul3A_234 = arith.mulf %get3A_231, %mul3A_233 : vector<16xf32>
        %add3A_235 = arith.constant 0 : i32
        %add3A_236 = arith.addi %mul3A_179, %add3A_235 : i32
        %swap3A_237 = arith.index_cast %add3A_236 : i32 to index
        %swap3A_238 = arith.constant 48 : index
        %swap3A_239 = tpu.vector_load %arg6[%swap3A_237, %swap3A_238] {strides = array<i32>} : memref<128x128xf32, #tpu.memory_space<vmem>>, vector<1x16xf32>,
        %swap3A_240 = vector.shape_cast %swap3A_239 : vector<1x16xf32> to vector<16xf32>
        %swap3A_241 = vector.shape_cast %mul3A_234 : vector<16xf32> to vector<1x16xf32>
        tpu.vector_store %arg6[%swap3A_237, %swap3A_238], %swap3A_241 {strides = array<i32>} : memref<128x128xf32, #tpu.memory_space<vmem>>, vector<1x16xf32>,
        %add3A_242 = arith.constant 1 : i32
        %add3A_243 = arith.addi %mul3A_179, %add3A_242 : i32
        %get3A_244 = arith.index_cast %add3A_243 : i32 to index
        %get3A_245 = arith.constant 0 : index
        %get3A_246 = tpu.vector_load %arg4[%get3A_244, %get3A_245] {strides = array<i32>} : memref<128x64xf32, #tpu.memory_space<vmem>>, vector<1x16xf32>,
        %get3A_247 = vector.shape_cast %get3A_246 : vector<1x16xf32> to vector<16xf32>
        %mul3A_248 = arith.constant 8.000000e+00 : f32
        %mul3A_249 = vector.broadcast %mul3A_248 : f32 to vector<16xf32>
        %mul3A_250 = arith.mulf %get3A_247, %mul3A_249 : vector<16xf32>
        %add3A_251 = arith.constant 1 : i32
        %add3A_252 = arith.addi %mul3A_179, %add3A_251 : i32
        %swap3A_253 = arith.index_cast %add3A_252 : i32 to index
        %swap3A_254 = arith.constant 0 : index
        %swap3A_255 = tpu.vector_load %arg6[%swap3A_253, %swap3A_254] {strides = array<i32>} : memref<128x128xf32, #tpu.memory_space<vmem>>, vector<1x16xf32>,
        %swap3A_256 = vector.shape_cast %swap3A_255 : vector<1x16xf32> to vector<16xf32>
        %swap3A_257 = vector.shape_cast %mul3A_250 : vector<16xf32> to vector<1x16xf32>
        tpu.vector_store %arg6[%swap3A_253, %swap3A_254], %swap3A_257 {strides = array<i32>} : memref<128x128xf32, #tpu.memory_space<vmem>>, vector<1x16xf32>,
        %add3A_258 = arith.constant 1 : i32
        %add3A_259 = arith.addi %mul3A_179, %add3A_258 : i32
        %get3A_260 = arith.index_cast %add3A_259 : i32 to index
        %get3A_261 = arith.constant 16 : index
        %get3A_262 = tpu.vector_load %arg4[%get3A_260, %get3A_261] {strides = array<i32>} : memref<128x64xf32, #tpu.memory_space<vmem>>, vector<1x16xf32>,
        %get3A_263 = vector.shape_cast %get3A_262 : vector<1x16xf32> to vector<16xf32>
        %mul3A_264 = arith.constant 8.000000e+00 : f32
        %mul3A_265 = vector.broadcast %mul3A_264 : f32 to vector<16xf32>
        %mul3A_266 = arith.mulf %get3A_263, %mul3A_265 : vector<16xf32>
        %add3A_267 = arith.constant 1 : i32
        %add3A_268 = arith.addi %mul3A_179, %add3A_267 : i32
        %swap3A_269 = arith.index_cast %add3A_268 : i32 to index
        %swap3A_270 = arith.constant 16 : index
        %swap3A_271 = tpu.vector_load %arg6[%swap3A_269, %swap3A_270] {strides = array<i32>} : memref<128x128xf32, #tpu.memory_space<vmem>>, vector<1x16xf32>,
        %swap3A_272 = vector.shape_cast %swap3A_271 : vector<1x16xf32> to vector<16xf32>
        %swap3A_273 = vector.shape_cast %mul3A_266 : vector<16xf32> to vector<1x16xf32>
        tpu.vector_store %arg6[%swap3A_269, %swap3A_270], %swap3A_273 {strides = array<i32>} : memref<128x128xf32, #tpu.memory_space<vmem>>, vector<1x16xf32>,
        %add3A_274 = arith.constant 1 : i32
        %add3A_275 = arith.addi %mul3A_179, %add3A_274 : i32
        %get3A_276 = arith.index_cast %add3A_275 : i32 to index
        %get3A_277 = arith.constant 32 : index
        %get3A_278 = tpu.vector_load %arg4[%get3A_276, %get3A_277] {strides = array<i32>} : memref<128x64xf32, #tpu.memory_space<vmem>>, vector<1x16xf32>,
        %get3A_279 = vector.shape_cast %get3A_278 : vector<1x16xf32> to vector<16xf32>
        %mul3A_280 = arith.constant 8.000000e+00 : f32
        %mul3A_281 = vector.broadcast %mul3A_280 : f32 to vector<16xf32>
        %mul3A_282 = arith.mulf %get3A_279, %mul3A_281 : vector<16xf32>
        %add3A_283 = arith.constant 1 : i32
        %add3A_284 = arith.addi %mul3A_179, %add3A_283 : i32
        %swap3A_285 = arith.index_cast %add3A_284 : i32 to index
        %swap3A_286 = arith.constant 32 : index
        %swap3A_287 = tpu.vector_load %arg6[%swap3A_285, %swap3A_286] {strides = array<i32>} : memref<128x128xf32, #tpu.memory_space<vmem>>, vector<1x16xf32>,
        %swap3A_288 = vector.shape_cast %swap3A_287 : vector<1x16xf32> to vector<16xf32>
        %swap3A_289 = vector.shape_cast %mul3A_282 : vector<16xf32> to vector<1x16xf32>
        tpu.vector_store %arg6[%swap3A_285, %swap3A_286], %swap3A_289 {strides = array<i32>} : memref<128x128xf32, #tpu.memory_space<vmem>>, vector<1x16xf32>,
        %add3A_290 = arith.constant 1 : i32
        %add3A_291 = arith.addi %mul3A_179, %add3A_290 : i32
        %get3A_292 = arith.index_cast %add3A_291 : i32 to index
        %get3A_293 = arith.constant 48 : index
        %get3A_294 = tpu.vector_load %arg4[%get3A_292, %get3A_293] {strides = array<i32>} : memref<128x64xf32, #tpu.memory_space<vmem>>, vector<1x16xf32>,
        %get3A_295 = vector.shape_cast %get3A_294 : vector<1x16xf32> to vector<16xf32>
        %mul3A_296 = arith.constant 8.000000e+00 : f32
        %mul3A_297 = vector.broadcast %mul3A_296 : f32 to vector<16xf32>
        %mul3A_298 = arith.mulf %get3A_295, %mul3A_297 : vector<16xf32>
        %add3A_299 = arith.constant 1 : i32
        %add3A_300 = arith.addi %mul3A_179, %add3A_299 : i32
        %swap3A_301 = arith.index_cast %add3A_300 : i32 to index
        %swap3A_302 = arith.constant 48 : index
        %swap3A_303 = tpu.vector_load %arg6[%swap3A_301, %swap3A_302] {strides = array<i32>} : memref<128x128xf32, #tpu.memory_space<vmem>>, vector<1x16xf32>,
        %swap3A_304 = vector.shape_cast %swap3A_303 : vector<1x16xf32> to vector<16xf32>
        %swap3A_305 = vector.shape_cast %mul3A_298 : vector<16xf32> to vector<1x16xf32>
        tpu.vector_store %arg6[%swap3A_301, %swap3A_302], %swap3A_305 {strides = array<i32>} : memref<128x128xf32, #tpu.memory_space<vmem>>, vector<1x16xf32>,
        %add3A_306 = arith.constant 2 : i32
        %add3A_307 = arith.addi %mul3A_179, %add3A_306 : i32
        %get3A_308 = arith.index_cast %add3A_307 : i32 to index
        %get3A_309 = arith.constant 0 : index
        %get3A_310 = tpu.vector_load %arg4[%get3A_308, %get3A_309] {strides = array<i32>} : memref<128x64xf32, #tpu.memory_space<vmem>>, vector<1x16xf32>,
        %get3A_311 = vector.shape_cast %get3A_310 : vector<1x16xf32> to vector<16xf32>
        %mul3A_312 = arith.constant 8.000000e+00 : f32
        %mul3A_313 = vector.broadcast %mul3A_312 : f32 to vector<16xf32>
        %mul3A_314 = arith.mulf %get3A_311, %mul3A_313 : vector<16xf32>
        %add3A_315 = arith.constant 2 : i32
        %add3A_316 = arith.addi %mul3A_179, %add3A_315 : i32
        %swap3A_317 = arith.index_cast %add3A_316 : i32 to index
        %swap3A_318 = arith.constant 0 : index
        %swap3A_319 = tpu.vector_load %arg6[%swap3A_317, %swap3A_318] {strides = array<i32>} : memref<128x128xf32, #tpu.memory_space<vmem>>, vector<1x16xf32>,
        %swap3A_320 = vector.shape_cast %swap3A_319 : vector<1x16xf32> to vector<16xf32>
        %swap3A_321 = vector.shape_cast %mul3A_314 : vector<16xf32> to vector<1x16xf32>
        tpu.vector_store %arg6[%swap3A_317, %swap3A_318], %swap3A_321 {strides = array<i32>} : memref<128x128xf32, #tpu.memory_space<vmem>>, vector<1x16xf32>,
        %add3A_322 = arith.constant 2 : i32
        %add3A_323 = arith.addi %mul3A_179, %add3A_322 : i32
        %get3A_324 = arith.index_cast %add3A_323 : i32 to index
        %get3A_325 = arith.constant 16 : index
        %get3A_326 = tpu.vector_load %arg4[%get3A_324, %get3A_325] {strides = array<i32>} : memref<128x64xf32, #tpu.memory_space<vmem>>, vector<1x16xf32>,
        %get3A_327 = vector.shape_cast %get3A_326 : vector<1x16xf32> to vector<16xf32>
        %mul3A_328 = arith.constant 8.000000e+00 : f32
        %mul3A_329 = vector.broadcast %mul3A_328 : f32 to vector<16xf32>
        %mul3A_330 = arith.mulf %get3A_327, %mul3A_329 : vector<16xf32>
        %add3A_331 = arith.constant 2 : i32
        %add3A_332 = arith.addi %mul3A_179, %add3A_331 : i32
        %swap3A_333 = arith.index_cast %add3A_332 : i32 to index
        %swap3A_334 = arith.constant 16 : index
        %swap3A_335 = tpu.vector_load %arg6[%swap3A_333, %swap3A_334] {strides = array<i32>} : memref<128x128xf32, #tpu.memory_space<vmem>>, vector<1x16xf32>,
        %swap3A_336 = vector.shape_cast %swap3A_335 : vector<1x16xf32> to vector<16xf32>
        %swap3A_337 = vector.shape_cast %mul3A_330 : vector<16xf32> to vector<1x16xf32>
        tpu.vector_store %arg6[%swap3A_333, %swap3A_334], %swap3A_337 {strides = array<i32>} : memref<128x128xf32, #tpu.memory_space<vmem>>, vector<1x16xf32>,
        %add3A_338 = arith.constant 2 : i32
        %add3A_339 = arith.addi %mul3A_179, %add3A_338 : i32
        %get3A_340 = arith.index_cast %add3A_339 : i32 to index
        %get3A_341 = arith.constant 32 : index
        %get3A_342 = tpu.vector_load %arg4[%get3A_340, %get3A_341] {strides = array<i32>} : memref<128x64xf32, #tpu.memory_space<vmem>>, vector<1x16xf32>,
        %get3A_343 = vector.shape_cast %get3A_342 : vector<1x16xf32> to vector<16xf32>
        %mul3A_344 = arith.constant 8.000000e+00 : f32
        %mul3A_345 = vector.broadcast %mul3A_344 : f32 to vector<16xf32>
        %mul3A_346 = arith.mulf %get3A_343, %mul3A_345 : vector<16xf32>
        %add3A_347 = arith.constant 2 : i32
        %add3A_348 = arith.addi %mul3A_179, %add3A_347 : i32
        %swap3A_349 = arith.index_cast %add3A_348 : i32 to index
        %swap3A_350 = arith.constant 32 : index
        %swap3A_351 = tpu.vector_load %arg6[%swap3A_349, %swap3A_350] {strides = array<i32>} : memref<128x128xf32, #tpu.memory_space<vmem>>, vector<1x16xf32>,
        %swap3A_352 = vector.shape_cast %swap3A_351 : vector<1x16xf32> to vector<16xf32>
        %swap3A_353 = vector.shape_cast %mul3A_346 : vector<16xf32> to vector<1x16xf32>
        tpu.vector_store %arg6[%swap3A_349, %swap3A_350], %swap3A_353 {strides = array<i32>} : memref<128x128xf32, #tpu.memory_space<vmem>>, vector<1x16xf32>,
        %add3A_354 = arith.constant 2 : i32
        %add3A_355 = arith.addi %mul3A_179, %add3A_354 : i32
        %get3A_356 = arith.index_cast %add3A_355 : i32 to index
        %get3A_357 = arith.constant 48 : index
        %get3A_358 = tpu.vector_load %arg4[%get3A_356, %get3A_357] {strides = array<i32>} : memref<128x64xf32, #tpu.memory_space<vmem>>, vector<1x16xf32>,
        %get3A_359 = vector.shape_cast %get3A_358 : vector<1x16xf32> to vector<16xf32>
        %mul3A_360 = arith.constant 8.000000e+00 : f32
        %mul3A_361 = vector.broadcast %mul3A_360 : f32 to vector<16xf32>
        %mul3A_362 = arith.mulf %get3A_359, %mul3A_361 : vector<16xf32>
        %add3A_363 = arith.constant 2 : i32
        %add3A_364 = arith.addi %mul3A_179, %add3A_363 : i32
        %swap3A_365 = arith.index_cast %add3A_364 : i32 to index
        %swap3A_366 = arith.constant 48 : index
        %swap3A_367 = tpu.vector_load %arg6[%swap3A_365, %swap3A_366] {strides = array<i32>} : memref<128x128xf32, #tpu.memory_space<vmem>>, vector<1x16xf32>,
        %swap3A_368 = vector.shape_cast %swap3A_367 : vector<1x16xf32> to vector<16xf32>
        %swap3A_369 = vector.shape_cast %mul3A_362 : vector<16xf32> to vector<1x16xf32>
        tpu.vector_store %arg6[%swap3A_365, %swap3A_366], %swap3A_369 {strides = array<i32>} : memref<128x128xf32, #tpu.memory_space<vmem>>, vector<1x16xf32>,
        %add3A_370 = arith.constant 3 : i32
        %add3A_371 = arith.addi %mul3A_179, %add3A_370 : i32
        %get3A_372 = arith.index_cast %add3A_371 : i32 to index
        %get3A_373 = arith.constant 0 : index
        %get3A_374 = tpu.vector_load %arg4[%get3A_372, %get3A_373] {strides = array<i32>} : memref<128x64xf32, #tpu.memory_space<vmem>>, vector<1x16xf32>,
        %get3A_375 = vector.shape_cast %get3A_374 : vector<1x16xf32> to vector<16xf32>
        %mul3A_376 = arith.constant 8.000000e+00 : f32
        %mul3A_377 = vector.broadcast %mul3A_376 : f32 to vector<16xf32>
        %mul3A_378 = arith.mulf %get3A_375, %mul3A_377 : vector<16xf32>
        %add3A_379 = arith.constant 3 : i32
        %add3A_380 = arith.addi %mul3A_179, %add3A_379 : i32
        %swap3A_381 = arith.index_cast %add3A_380 : i32 to index
        %swap3A_382 = arith.constant 0 : index
        %swap3A_383 = tpu.vector_load %arg6[%swap3A_381, %swap3A_382] {strides = array<i32>} : memref<128x128xf32, #tpu.memory_space<vmem>>, vector<1x16xf32>,
        %swap3A_384 = vector.shape_cast %swap3A_383 : vector<1x16xf32> to vector<16xf32>
        %swap3A_385 = vector.shape_cast %mul3A_378 : vector<16xf32> to vector<1x16xf32>
        tpu.vector_store %arg6[%swap3A_381, %swap3A_382], %swap3A_385 {strides = array<i32>} : memref<128x128xf32, #tpu.memory_space<vmem>>, vector<1x16xf32>,
        %add3A_386 = arith.constant 3 : i32
        %add3A_387 = arith.addi %mul3A_179, %add3A_386 : i32
        %get3A_388 = arith.index_cast %add3A_387 : i32 to index
        %get3A_389 = arith.constant 16 : index
        %get3A_390 = tpu.vector_load %arg4[%get3A_388, %get3A_389] {strides = array<i32>} : memref<128x64xf32, #tpu.memory_space<vmem>>, vector<1x16xf32>,
        %get3A_391 = vector.shape_cast %get3A_390 : vector<1x16xf32> to vector<16xf32>
        %mul3A_392 = arith.constant 8.000000e+00 : f32
        %mul3A_393 = vector.broadcast %mul3A_392 : f32 to vector<16xf32>
        %mul3A_394 = arith.mulf %get3A_391, %mul3A_393 : vector<16xf32>
        %add3A_395 = arith.constant 3 : i32
        %add3A_396 = arith.addi %mul3A_179, %add3A_395 : i32
        %swap3A_397 = arith.index_cast %add3A_396 : i32 to index
        %swap3A_398 = arith.constant 16 : index
        %swap3A_399 = tpu.vector_load %arg6[%swap3A_397, %swap3A_398] {strides = array<i32>} : memref<128x128xf32, #tpu.memory_space<vmem>>, vector<1x16xf32>,
        %swap3A_400 = vector.shape_cast %swap3A_399 : vector<1x16xf32> to vector<16xf32>
        %swap3A_401 = vector.shape_cast %mul3A_394 : vector<16xf32> to vector<1x16xf32>
        tpu.vector_store %arg6[%swap3A_397, %swap3A_398], %swap3A_401 {strides = array<i32>} : memref<128x128xf32, #tpu.memory_space<vmem>>, vector<1x16xf32>,
        %add3A_402 = arith.constant 3 : i32
        %add3A_403 = arith.addi %mul3A_179, %add3A_402 : i32
        %get3A_404 = arith.index_cast %add3A_403 : i32 to index
        %get3A_405 = arith.constant 32 : index
        %get3A_406 = tpu.vector_load %arg4[%get3A_404, %get3A_405] {strides = array<i32>} : memref<128x64xf32, #tpu.memory_space<vmem>>, vector<1x16xf32>,
        %get3A_407 = vector.shape_cast %get3A_406 : vector<1x16xf32> to vector<16xf32>
        %mul3A_408 = arith.constant 8.000000e+00 : f32
        %mul3A_409 = vector.broadcast %mul3A_408 : f32 to vector<16xf32>
        %mul3A_410 = arith.mulf %get3A_407, %mul3A_409 : vector<16xf32>
        %add3A_411 = arith.constant 3 : i32
        %add3A_412 = arith.addi %mul3A_179, %add3A_411 : i32
        %swap3A_413 = arith.index_cast %add3A_412 : i32 to index
        %swap3A_414 = arith.constant 32 : index
        %swap3A_415 = tpu.vector_load %arg6[%swap3A_413, %swap3A_414] {strides = array<i32>} : memref<128x128xf32, #tpu.memory_space<vmem>>, vector<1x16xf32>,
        %swap3A_416 = vector.shape_cast %swap3A_415 : vector<1x16xf32> to vector<16xf32>
        %swap3A_417 = vector.shape_cast %mul3A_410 : vector<16xf32> to vector<1x16xf32>
        tpu.vector_store %arg6[%swap3A_413, %swap3A_414], %swap3A_417 {strides = array<i32>} : memref<128x128xf32, #tpu.memory_space<vmem>>, vector<1x16xf32>,
        %add3A_418 = arith.constant 3 : i32
        %add3A_419 = arith.addi %mul3A_179, %add3A_418 : i32
        %get3A_420 = arith.index_cast %add3A_419 : i32 to index
        %get3A_421 = arith.constant 48 : index
        %get3A_422 = tpu.vector_load %arg4[%get3A_420, %get3A_421] {strides = array<i32>} : memref<128x64xf32, #tpu.memory_space<vmem>>, vector<1x16xf32>,
        %get3A_423 = vector.shape_cast %get3A_422 : vector<1x16xf32> to vector<16xf32>
        %mul3A_424 = arith.constant 8.000000e+00 : f32
        %mul3A_425 = vector.broadcast %mul3A_424 : f32 to vector<16xf32>
        %mul3A_426 = arith.mulf %get3A_423, %mul3A_425 : vector<16xf32>
        %add3A_427 = arith.constant 3 : i32
        %add3A_428 = arith.addi %mul3A_179, %add3A_427 : i32
        %swap3A_429 = arith.index_cast %add3A_428 : i32 to index
        %swap3A_430 = arith.constant 48 : index
        %swap3A_431 = tpu.vector_load %arg6[%swap3A_429, %swap3A_430] {strides = array<i32>} : memref<128x128xf32, #tpu.memory_space<vmem>>, vector<1x16xf32>,
        %swap3A_432 = vector.shape_cast %swap3A_431 : vector<1x16xf32> to vector<16xf32>
        %swap3A_433 = vector.shape_cast %mul3A_426 : vector<16xf32> to vector<1x16xf32>
        tpu.vector_store %arg6[%swap3A_429, %swap3A_430], %swap3A_433 {strides = array<i32>} : memref<128x128xf32, #tpu.memory_space<vmem>>, vector<1x16xf32>,
      }
      %scan3A_122 = arith.constant 32 : i32
      %add3A_123 = arith.constant 2 : i32
      %add3A_124 = arith.addi %mul3A_104, %add3A_123 : i32
      %lt3A_125 = arith.cmpi slt, %add3A_124, %add3A_20 : i32
      %convert_element_type3A_126 = arith.extui %lt3A_125 : i1 to i32
      %cond3A_127 = arith.constant 0 : i32
      %cond3A_128 = arith.cmpi ne, %convert_element_type3A_126, %cond3A_127 : i32
      scf.if %cond3A_128 {
        %add3A_177 = arith.constant 2 : i32
        %add3A_178 = arith.addi %mul3A_104, %add3A_177 : i32
        %mul3A_179 = arith.constant 32 : i32
        %mul3A_180 = arith.muli %mul3A_179, %add3A_178 : i32
        %add3A_181 = arith.addi %add3A, %mul3A_180 : i32
        %mul3A_182 = arith.constant 128 : i32
        %mul3A_183 = arith.muli %add3A_181, %mul3A_182 : i32
        %dma_start3A_184 = arith.constant 0 : i32
        %dma_start3A_185 = tpu.memref_slice %arg2[%mul3A_183, %dma_start3A_184] : memref<1000000x64xf32, #tpu.memory_space<hbm>> -> memref<128x64xf32, #tpu.memory_space<hbm>>
        %dma_start3A_186 = arith.constant 0 : i32
        %dma_start3A_187 = tpu.memref_slice %arg2[%mul3A_183, %dma_start3A_186] : memref<1000000x64xf32, #tpu.memory_space<hbm>> -> memref<128x64xf32, #tpu.memory_space<hbm>>
        tpu.enqueue_dma source(%dma_start3A_187 : memref<128x64xf32, #tpu.memory_space<hbm>>) target(%arg4 : memref<128x64xf32, #tpu.memory_space<vmem>>) target_semaphore(%arg8 : memref<!tpu.dma_semaphore, #tpu.memory_space<semaphore_mem>>)
      } else {
      }
      %mul3A_129 = arith.constant 32 : i32
      %mul3A_130 = arith.muli %mul3A_129, %mul3A_104 : i32
      %add3A_131 = arith.addi %add3A, %mul3A_130 : i32
      %mul3A_132 = arith.constant 128 : i32
      %mul3A_133 = arith.muli %add3A_131, %mul3A_132 : i32
      %dma_start3A_134 = arith.constant 0 : i32
      %dma_start3A_135 = tpu.memref_slice %arg3[%mul3A_133, %dma_start3A_134] : memref<1000000x128xf32, #tpu.memory_space<hbm>> -> memref<128x128xf32, #tpu.memory_space<hbm>>
      %dma_start3A_136 = arith.constant 0 : i32
      %dma_start3A_137 = tpu.memref_slice %arg3[%mul3A_133, %dma_start3A_136] : memref<1000000x128xf32, #tpu.memory_space<hbm>> -> memref<128x128xf32, #tpu.memory_space<hbm>>
      tpu.enqueue_dma source(%arg6 : memref<128x128xf32, #tpu.memory_space<vmem>>) target(%dma_start3A_137 : memref<128x128xf32, #tpu.memory_space<hbm>>) target_semaphore(%arg10 : memref<!tpu.dma_semaphore, #tpu.memory_space<semaphore_mem>>)
      %mul3A_138 = arith.constant 2 : i32
      %mul3A_139 = arith.muli %mul3A_138, %while3A_102 : i32
      %add3A_140 = arith.constant 1 : i32
      %add3A_141 = arith.addi %mul3A_139, %add3A_140 : i32
      %mul3A_142 = arith.constant 32 : i32
      %mul3A_143 = arith.muli %mul3A_142, %add3A_141 : i32
      %add3A_144 = arith.addi %add3A, %mul3A_143 : i32
      %mul3A_145 = arith.constant 128 : i32
      %mul3A_146 = arith.muli %add3A_144, %mul3A_145 : i32
      %dma_wait3A_147 = arith.constant 0 : i32
      %dma_wait3A_148 = tpu.memref_slice %arg2[%mul3A_146, %dma_wait3A_147] : memref<1000000x64xf32, #tpu.memory_space<hbm>> -> memref<128x64xf32, #tpu.memory_space<hbm>>
      %dma_wait3A_149 = arith.constant 0 : i32
      %dma_wait3A_150 = tpu.memref_slice %arg2[%mul3A_146, %dma_wait3A_149] : memref<1000000x64xf32, #tpu.memory_space<hbm>> -> memref<128x64xf32, #tpu.memory_space<hbm>>
      tpu.wait_dma2 semaphore(%arg9 : memref<!tpu.dma_semaphore, #tpu.memory_space<semaphore_mem>>) src(%dma_wait3A_150 : memref<128x64xf32, #tpu.memory_space<hbm>>) dst(%arg5 : memref<128x64xf32, #tpu.memory_space<vmem>>)
      %ge3A_151 = arith.constant 2 : i32
      %ge3A_152 = arith.cmpi sge, %add3A_141, %ge3A_151 : i32
      %convert_element_type3A_153 = arith.extui %ge3A_152 : i1 to i32
      %cond3A_154 = arith.constant 0 : i32
      %cond3A_155 = arith.cmpi ne, %convert_element_type3A_153, %cond3A_154 : i32
      scf.if %cond3A_155 {
        %dma_wait3A_177 = arith.constant 0 : i32
        %dma_wait3A_178 = arith.constant 0 : i32
        %dma_wait3A_179 = tpu.memref_slice %arg3[%dma_wait3A_177, %dma_wait3A_178] : memref<1000000x128xf32, #tpu.memory_space<hbm>> -> memref<128x128xf32, #tpu.memory_space<hbm>>
        %dma_wait3A_180 = arith.constant 0 : i32
        %dma_wait3A_181 = arith.constant 0 : i32
        %dma_wait3A_182 = tpu.memref_slice %arg3[%dma_wait3A_180, %dma_wait3A_181] : memref<1000000x128xf32, #tpu.memory_space<hbm>> -> memref<128x128xf32, #tpu.memory_space<hbm>>
        tpu.wait_dma2 semaphore(%arg11 : memref<!tpu.dma_semaphore, #tpu.memory_space<semaphore_mem>>) src(%arg7 : memref<128x128xf32, #tpu.memory_space<vmem>>) dst(%dma_wait3A_182 : memref<128x128xf32, #tpu.memory_space<hbm>>)
      } else {
      }
      %scan3A_156 = arith.constant 0 : i32
      %scan3A_157 = arith.constant 0 : i32
      %scan3A_158 = arith.constant 32 : i32
      %scan3A_159 = arith.addi %scan3A_157, %scan3A_158 : i32
      %scan3A_160 = arith.constant 1 : i32
      scf.for %scan3A_177 = %scan3A_157 to %scan3A_159 step %scan3A_160  : i32 {
        %mul3A_178 = arith.constant 4 : i32
        %mul3A_179 = arith.muli %scan3A_177, %mul3A_178 : i32
        %add3A_180 = arith.constant 0 : i32
        %add3A_181 = arith.addi %mul3A_179, %add3A_180 : i32
        %get3A = arith.index_cast %add3A_181 : i32 to index
        %get3A_182 = arith.constant 0 : index
        %get3A_183 = tpu.vector_load %arg5[%get3A, %get3A_182] {strides = array<i32>} : memref<128x64xf32, #tpu.memory_space<vmem>>, vector<1x16xf32>,
        %get3A_184 = vector.shape_cast %get3A_183 : vector<1x16xf32> to vector<16xf32>
        %mul3A_185 = arith.constant 8.000000e+00 : f32
        %mul3A_186 = vector.broadcast %mul3A_185 : f32 to vector<16xf32>
        %mul3A_187 = arith.mulf %get3A_184, %mul3A_186 : vector<16xf32>
        %add3A_188 = arith.constant 0 : i32
        %add3A_189 = arith.addi %mul3A_179, %add3A_188 : i32
        %swap3A = arith.index_cast %add3A_189 : i32 to index
        %swap3A_190 = arith.constant 0 : index
        %swap3A_191 = tpu.vector_load %arg7[%swap3A, %swap3A_190] {strides = array<i32>} : memref<128x128xf32, #tpu.memory_space<vmem>>, vector<1x16xf32>,
        %swap3A_192 = vector.shape_cast %swap3A_191 : vector<1x16xf32> to vector<16xf32>
        %swap3A_193 = vector.shape_cast %mul3A_187 : vector<16xf32> to vector<1x16xf32>
        tpu.vector_store %arg7[%swap3A, %swap3A_190], %swap3A_193 {strides = array<i32>} : memref<128x128xf32, #tpu.memory_space<vmem>>, vector<1x16xf32>,
        %add3A_194 = arith.constant 0 : i32
        %add3A_195 = arith.addi %mul3A_179, %add3A_194 : i32
        %get3A_196 = arith.index_cast %add3A_195 : i32 to index
        %get3A_197 = arith.constant 16 : index
        %get3A_198 = tpu.vector_load %arg5[%get3A_196, %get3A_197] {strides = array<i32>} : memref<128x64xf32, #tpu.memory_space<vmem>>, vector<1x16xf32>,
        %get3A_199 = vector.shape_cast %get3A_198 : vector<1x16xf32> to vector<16xf32>
        %mul3A_200 = arith.constant 8.000000e+00 : f32
        %mul3A_201 = vector.broadcast %mul3A_200 : f32 to vector<16xf32>
        %mul3A_202 = arith.mulf %get3A_199, %mul3A_201 : vector<16xf32>
        %add3A_203 = arith.constant 0 : i32
        %add3A_204 = arith.addi %mul3A_179, %add3A_203 : i32
        %swap3A_205 = arith.index_cast %add3A_204 : i32 to index
        %swap3A_206 = arith.constant 16 : index
        %swap3A_207 = tpu.vector_load %arg7[%swap3A_205, %swap3A_206] {strides = array<i32>} : memref<128x128xf32, #tpu.memory_space<vmem>>, vector<1x16xf32>,
        %swap3A_208 = vector.shape_cast %swap3A_207 : vector<1x16xf32> to vector<16xf32>
        %swap3A_209 = vector.shape_cast %mul3A_202 : vector<16xf32> to vector<1x16xf32>
        tpu.vector_store %arg7[%swap3A_205, %swap3A_206], %swap3A_209 {strides = array<i32>} : memref<128x128xf32, #tpu.memory_space<vmem>>, vector<1x16xf32>,
        %add3A_210 = arith.constant 0 : i32
        %add3A_211 = arith.addi %mul3A_179, %add3A_210 : i32
        %get3A_212 = arith.index_cast %add3A_211 : i32 to index
        %get3A_213 = arith.constant 32 : index
        %get3A_214 = tpu.vector_load %arg5[%get3A_212, %get3A_213] {strides = array<i32>} : memref<128x64xf32, #tpu.memory_space<vmem>>, vector<1x16xf32>,
        %get3A_215 = vector.shape_cast %get3A_214 : vector<1x16xf32> to vector<16xf32>
        %mul3A_216 = arith.constant 8.000000e+00 : f32
        %mul3A_217 = vector.broadcast %mul3A_216 : f32 to vector<16xf32>
        %mul3A_218 = arith.mulf %get3A_215, %mul3A_217 : vector<16xf32>
        %add3A_219 = arith.constant 0 : i32
        %add3A_220 = arith.addi %mul3A_179, %add3A_219 : i32
        %swap3A_221 = arith.index_cast %add3A_220 : i32 to index
        %swap3A_222 = arith.constant 32 : index
        %swap3A_223 = tpu.vector_load %arg7[%swap3A_221, %swap3A_222] {strides = array<i32>} : memref<128x128xf32, #tpu.memory_space<vmem>>, vector<1x16xf32>,
        %swap3A_224 = vector.shape_cast %swap3A_223 : vector<1x16xf32> to vector<16xf32>
        %swap3A_225 = vector.shape_cast %mul3A_218 : vector<16xf32> to vector<1x16xf32>
        tpu.vector_store %arg7[%swap3A_221, %swap3A_222], %swap3A_225 {strides = array<i32>} : memref<128x128xf32, #tpu.memory_space<vmem>>, vector<1x16xf32>,
        %add3A_226 = arith.constant 0 : i32
        %add3A_227 = arith.addi %mul3A_179, %add3A_226 : i32
        %get3A_228 = arith.index_cast %add3A_227 : i32 to index
        %get3A_229 = arith.constant 48 : index
        %get3A_230 = tpu.vector_load %arg5[%get3A_228, %get3A_229] {strides = array<i32>} : memref<128x64xf32, #tpu.memory_space<vmem>>, vector<1x16xf32>,
        %get3A_231 = vector.shape_cast %get3A_230 : vector<1x16xf32> to vector<16xf32>
        %mul3A_232 = arith.constant 8.000000e+00 : f32
        %mul3A_233 = vector.broadcast %mul3A_232 : f32 to vector<16xf32>
        %mul3A_234 = arith.mulf %get3A_231, %mul3A_233 : vector<16xf32>
        %add3A_235 = arith.constant 0 : i32
        %add3A_236 = arith.addi %mul3A_179, %add3A_235 : i32
        %swap3A_237 = arith.index_cast %add3A_236 : i32 to index
        %swap3A_238 = arith.constant 48 : index
        %swap3A_239 = tpu.vector_load %arg7[%swap3A_237, %swap3A_238] {strides = array<i32>} : memref<128x128xf32, #tpu.memory_space<vmem>>, vector<1x16xf32>,
        %swap3A_240 = vector.shape_cast %swap3A_239 : vector<1x16xf32> to vector<16xf32>
        %swap3A_241 = vector.shape_cast %mul3A_234 : vector<16xf32> to vector<1x16xf32>
        tpu.vector_store %arg7[%swap3A_237, %swap3A_238], %swap3A_241 {strides = array<i32>} : memref<128x128xf32, #tpu.memory_space<vmem>>, vector<1x16xf32>,
        %add3A_242 = arith.constant 1 : i32
        %add3A_243 = arith.addi %mul3A_179, %add3A_242 : i32
        %get3A_244 = arith.index_cast %add3A_243 : i32 to index
        %get3A_245 = arith.constant 0 : index
        %get3A_246 = tpu.vector_load %arg5[%get3A_244, %get3A_245] {strides = array<i32>} : memref<128x64xf32, #tpu.memory_space<vmem>>, vector<1x16xf32>,
        %get3A_247 = vector.shape_cast %get3A_246 : vector<1x16xf32> to vector<16xf32>
        %mul3A_248 = arith.constant 8.000000e+00 : f32
        %mul3A_249 = vector.broadcast %mul3A_248 : f32 to vector<16xf32>
        %mul3A_250 = arith.mulf %get3A_247, %mul3A_249 : vector<16xf32>
        %add3A_251 = arith.constant 1 : i32
        %add3A_252 = arith.addi %mul3A_179, %add3A_251 : i32
        %swap3A_253 = arith.index_cast %add3A_252 : i32 to index
        %swap3A_254 = arith.constant 0 : index
        %swap3A_255 = tpu.vector_load %arg7[%swap3A_253, %swap3A_254] {strides = array<i32>} : memref<128x128xf32, #tpu.memory_space<vmem>>, vector<1x16xf32>,
        %swap3A_256 = vector.shape_cast %swap3A_255 : vector<1x16xf32> to vector<16xf32>
        %swap3A_257 = vector.shape_cast %mul3A_250 : vector<16xf32> to vector<1x16xf32>
        tpu.vector_store %arg7[%swap3A_253, %swap3A_254], %swap3A_257 {strides = array<i32>} : memref<128x128xf32, #tpu.memory_space<vmem>>, vector<1x16xf32>,
        %add3A_258 = arith.constant 1 : i32
        %add3A_259 = arith.addi %mul3A_179, %add3A_258 : i32
        %get3A_260 = arith.index_cast %add3A_259 : i32 to index
        %get3A_261 = arith.constant 16 : index
        %get3A_262 = tpu.vector_load %arg5[%get3A_260, %get3A_261] {strides = array<i32>} : memref<128x64xf32, #tpu.memory_space<vmem>>, vector<1x16xf32>,
        %get3A_263 = vector.shape_cast %get3A_262 : vector<1x16xf32> to vector<16xf32>
        %mul3A_264 = arith.constant 8.000000e+00 : f32
        %mul3A_265 = vector.broadcast %mul3A_264 : f32 to vector<16xf32>
        %mul3A_266 = arith.mulf %get3A_263, %mul3A_265 : vector<16xf32>
        %add3A_267 = arith.constant 1 : i32
        %add3A_268 = arith.addi %mul3A_179, %add3A_267 : i32
        %swap3A_269 = arith.index_cast %add3A_268 : i32 to index
        %swap3A_270 = arith.constant 16 : index
        %swap3A_271 = tpu.vector_load %arg7[%swap3A_269, %swap3A_270] {strides = array<i32>} : memref<128x128xf32, #tpu.memory_space<vmem>>, vector<1x16xf32>,
        %swap3A_272 = vector.shape_cast %swap3A_271 : vector<1x16xf32> to vector<16xf32>
        %swap3A_273 = vector.shape_cast %mul3A_266 : vector<16xf32> to vector<1x16xf32>
        tpu.vector_store %arg7[%swap3A_269, %swap3A_270], %swap3A_273 {strides = array<i32>} : memref<128x128xf32, #tpu.memory_space<vmem>>, vector<1x16xf32>,
        %add3A_274 = arith.constant 1 : i32
        %add3A_275 = arith.addi %mul3A_179, %add3A_274 : i32
        %get3A_276 = arith.index_cast %add3A_275 : i32 to index
        %get3A_277 = arith.constant 32 : index
        %get3A_278 = tpu.vector_load %arg5[%get3A_276, %get3A_277] {strides = array<i32>} : memref<128x64xf32, #tpu.memory_space<vmem>>, vector<1x16xf32>,
        %get3A_279 = vector.shape_cast %get3A_278 : vector<1x16xf32> to vector<16xf32>
        %mul3A_280 = arith.constant 8.000000e+00 : f32
        %mul3A_281 = vector.broadcast %mul3A_280 : f32 to vector<16xf32>
        %mul3A_282 = arith.mulf %get3A_279, %mul3A_281 : vector<16xf32>
        %add3A_283 = arith.constant 1 : i32
        %add3A_284 = arith.addi %mul3A_179, %add3A_283 : i32
        %swap3A_285 = arith.index_cast %add3A_284 : i32 to index
        %swap3A_286 = arith.constant 32 : index
        %swap3A_287 = tpu.vector_load %arg7[%swap3A_285, %swap3A_286] {strides = array<i32>} : memref<128x128xf32, #tpu.memory_space<vmem>>, vector<1x16xf32>,
        %swap3A_288 = vector.shape_cast %swap3A_287 : vector<1x16xf32> to vector<16xf32>
        %swap3A_289 = vector.shape_cast %mul3A_282 : vector<16xf32> to vector<1x16xf32>
        tpu.vector_store %arg7[%swap3A_285, %swap3A_286], %swap3A_289 {strides = array<i32>} : memref<128x128xf32, #tpu.memory_space<vmem>>, vector<1x16xf32>,
        %add3A_290 = arith.constant 1 : i32
        %add3A_291 = arith.addi %mul3A_179, %add3A_290 : i32
        %get3A_292 = arith.index_cast %add3A_291 : i32 to index
        %get3A_293 = arith.constant 48 : index
        %get3A_294 = tpu.vector_load %arg5[%get3A_292, %get3A_293] {strides = array<i32>} : memref<128x64xf32, #tpu.memory_space<vmem>>, vector<1x16xf32>,
        %get3A_295 = vector.shape_cast %get3A_294 : vector<1x16xf32> to vector<16xf32>
        %mul3A_296 = arith.constant 8.000000e+00 : f32
        %mul3A_297 = vector.broadcast %mul3A_296 : f32 to vector<16xf32>
        %mul3A_298 = arith.mulf %get3A_295, %mul3A_297 : vector<16xf32>
        %add3A_299 = arith.constant 1 : i32
        %add3A_300 = arith.addi %mul3A_179, %add3A_299 : i32
        %swap3A_301 = arith.index_cast %add3A_300 : i32 to index
        %swap3A_302 = arith.constant 48 : index
        %swap3A_303 = tpu.vector_load %arg7[%swap3A_301, %swap3A_302] {strides = array<i32>} : memref<128x128xf32, #tpu.memory_space<vmem>>, vector<1x16xf32>,
        %swap3A_304 = vector.shape_cast %swap3A_303 : vector<1x16xf32> to vector<16xf32>
        %swap3A_305 = vector.shape_cast %mul3A_298 : vector<16xf32> to vector<1x16xf32>
        tpu.vector_store %arg7[%swap3A_301, %swap3A_302], %swap3A_305 {strides = array<i32>} : memref<128x128xf32, #tpu.memory_space<vmem>>, vector<1x16xf32>,
        %add3A_306 = arith.constant 2 : i32
        %add3A_307 = arith.addi %mul3A_179, %add3A_306 : i32
        %get3A_308 = arith.index_cast %add3A_307 : i32 to index
        %get3A_309 = arith.constant 0 : index
        %get3A_310 = tpu.vector_load %arg5[%get3A_308, %get3A_309] {strides = array<i32>} : memref<128x64xf32, #tpu.memory_space<vmem>>, vector<1x16xf32>,
        %get3A_311 = vector.shape_cast %get3A_310 : vector<1x16xf32> to vector<16xf32>
        %mul3A_312 = arith.constant 8.000000e+00 : f32
        %mul3A_313 = vector.broadcast %mul3A_312 : f32 to vector<16xf32>
        %mul3A_314 = arith.mulf %get3A_311, %mul3A_313 : vector<16xf32>
        %add3A_315 = arith.constant 2 : i32
        %add3A_316 = arith.addi %mul3A_179, %add3A_315 : i32
        %swap3A_317 = arith.index_cast %add3A_316 : i32 to index
        %swap3A_318 = arith.constant 0 : index
        %swap3A_319 = tpu.vector_load %arg7[%swap3A_317, %swap3A_318] {strides = array<i32>} : memref<128x128xf32, #tpu.memory_space<vmem>>, vector<1x16xf32>,
        %swap3A_320 = vector.shape_cast %swap3A_319 : vector<1x16xf32> to vector<16xf32>
        %swap3A_321 = vector.shape_cast %mul3A_314 : vector<16xf32> to vector<1x16xf32>
        tpu.vector_store %arg7[%swap3A_317, %swap3A_318], %swap3A_321 {strides = array<i32>} : memref<128x128xf32, #tpu.memory_space<vmem>>, vector<1x16xf32>,
        %add3A_322 = arith.constant 2 : i32
        %add3A_323 = arith.addi %mul3A_179, %add3A_322 : i32
        %get3A_324 = arith.index_cast %add3A_323 : i32 to index
        %get3A_325 = arith.constant 16 : index
        %get3A_326 = tpu.vector_load %arg5[%get3A_324, %get3A_325] {strides = array<i32>} : memref<128x64xf32, #tpu.memory_space<vmem>>, vector<1x16xf32>,
        %get3A_327 = vector.shape_cast %get3A_326 : vector<1x16xf32> to vector<16xf32>
        %mul3A_328 = arith.constant 8.000000e+00 : f32
        %mul3A_329 = vector.broadcast %mul3A_328 : f32 to vector<16xf32>
        %mul3A_330 = arith.mulf %get3A_327, %mul3A_329 : vector<16xf32>
        %add3A_331 = arith.constant 2 : i32
        %add3A_332 = arith.addi %mul3A_179, %add3A_331 : i32
        %swap3A_333 = arith.index_cast %add3A_332 : i32 to index
        %swap3A_334 = arith.constant 16 : index
        %swap3A_335 = tpu.vector_load %arg7[%swap3A_333, %swap3A_334] {strides = array<i32>} : memref<128x128xf32, #tpu.memory_space<vmem>>, vector<1x16xf32>,
        %swap3A_336 = vector.shape_cast %swap3A_335 : vector<1x16xf32> to vector<16xf32>
        %swap3A_337 = vector.shape_cast %mul3A_330 : vector<16xf32> to vector<1x16xf32>
        tpu.vector_store %arg7[%swap3A_333, %swap3A_334], %swap3A_337 {strides = array<i32>} : memref<128x128xf32, #tpu.memory_space<vmem>>, vector<1x16xf32>,
        %add3A_338 = arith.constant 2 : i32
        %add3A_339 = arith.addi %mul3A_179, %add3A_338 : i32
        %get3A_340 = arith.index_cast %add3A_339 : i32 to index
        %get3A_341 = arith.constant 32 : index
        %get3A_342 = tpu.vector_load %arg5[%get3A_340, %get3A_341] {strides = array<i32>} : memref<128x64xf32, #tpu.memory_space<vmem>>, vector<1x16xf32>,
        %get3A_343 = vector.shape_cast %get3A_342 : vector<1x16xf32> to vector<16xf32>
        %mul3A_344 = arith.constant 8.000000e+00 : f32
        %mul3A_345 = vector.broadcast %mul3A_344 : f32 to vector<16xf32>
        %mul3A_346 = arith.mulf %get3A_343, %mul3A_345 : vector<16xf32>
        %add3A_347 = arith.constant 2 : i32
        %add3A_348 = arith.addi %mul3A_179, %add3A_347 : i32
        %swap3A_349 = arith.index_cast %add3A_348 : i32 to index
        %swap3A_350 = arith.constant 32 : index
        %swap3A_351 = tpu.vector_load %arg7[%swap3A_349, %swap3A_350] {strides = array<i32>} : memref<128x128xf32, #tpu.memory_space<vmem>>, vector<1x16xf32>,
        %swap3A_352 = vector.shape_cast %swap3A_351 : vector<1x16xf32> to vector<16xf32>
        %swap3A_353 = vector.shape_cast %mul3A_346 : vector<16xf32> to vector<1x16xf32>
        tpu.vector_store %arg7[%swap3A_349, %swap3A_350], %swap3A_353 {strides = array<i32>} : memref<128x128xf32, #tpu.memory_space<vmem>>, vector<1x16xf32>,
        %add3A_354 = arith.constant 2 : i32
        %add3A_355 = arith.addi %mul3A_179, %add3A_354 : i32
        %get3A_356 = arith.index_cast %add3A_355 : i32 to index
        %get3A_357 = arith.constant 48 : index
        %get3A_358 = tpu.vector_load %arg5[%get3A_356, %get3A_357] {strides = array<i32>} : memref<128x64xf32, #tpu.memory_space<vmem>>, vector<1x16xf32>,
        %get3A_359 = vector.shape_cast %get3A_358 : vector<1x16xf32> to vector<16xf32>
        %mul3A_360 = arith.constant 8.000000e+00 : f32
        %mul3A_361 = vector.broadcast %mul3A_360 : f32 to vector<16xf32>
        %mul3A_362 = arith.mulf %get3A_359, %mul3A_361 : vector<16xf32>
        %add3A_363 = arith.constant 2 : i32
        %add3A_364 = arith.addi %mul3A_179, %add3A_363 : i32
        %swap3A_365 = arith.index_cast %add3A_364 : i32 to index
        %swap3A_366 = arith.constant 48 : index
        %swap3A_367 = tpu.vector_load %arg7[%swap3A_365, %swap3A_366] {strides = array<i32>} : memref<128x128xf32, #tpu.memory_space<vmem>>, vector<1x16xf32>,
        %swap3A_368 = vector.shape_cast %swap3A_367 : vector<1x16xf32> to vector<16xf32>
        %swap3A_369 = vector.shape_cast %mul3A_362 : vector<16xf32> to vector<1x16xf32>
        tpu.vector_store %arg7[%swap3A_365, %swap3A_366], %swap3A_369 {strides = array<i32>} : memref<128x128xf32, #tpu.memory_space<vmem>>, vector<1x16xf32>,
        %add3A_370 = arith.constant 3 : i32
        %add3A_371 = arith.addi %mul3A_179, %add3A_370 : i32
        %get3A_372 = arith.index_cast %add3A_371 : i32 to index
        %get3A_373 = arith.constant 0 : index
        %get3A_374 = tpu.vector_load %arg5[%get3A_372, %get3A_373] {strides = array<i32>} : memref<128x64xf32, #tpu.memory_space<vmem>>, vector<1x16xf32>,
        %get3A_375 = vector.shape_cast %get3A_374 : vector<1x16xf32> to vector<16xf32>
        %mul3A_376 = arith.constant 8.000000e+00 : f32
        %mul3A_377 = vector.broadcast %mul3A_376 : f32 to vector<16xf32>
        %mul3A_378 = arith.mulf %get3A_375, %mul3A_377 : vector<16xf32>
        %add3A_379 = arith.constant 3 : i32
        %add3A_380 = arith.addi %mul3A_179, %add3A_379 : i32
        %swap3A_381 = arith.index_cast %add3A_380 : i32 to index
        %swap3A_382 = arith.constant 0 : index
        %swap3A_383 = tpu.vector_load %arg7[%swap3A_381, %swap3A_382] {strides = array<i32>} : memref<128x128xf32, #tpu.memory_space<vmem>>, vector<1x16xf32>,
        %swap3A_384 = vector.shape_cast %swap3A_383 : vector<1x16xf32> to vector<16xf32>
        %swap3A_385 = vector.shape_cast %mul3A_378 : vector<16xf32> to vector<1x16xf32>
        tpu.vector_store %arg7[%swap3A_381, %swap3A_382], %swap3A_385 {strides = array<i32>} : memref<128x128xf32, #tpu.memory_space<vmem>>, vector<1x16xf32>,
        %add3A_386 = arith.constant 3 : i32
        %add3A_387 = arith.addi %mul3A_179, %add3A_386 : i32
        %get3A_388 = arith.index_cast %add3A_387 : i32 to index
        %get3A_389 = arith.constant 16 : index
        %get3A_390 = tpu.vector_load %arg5[%get3A_388, %get3A_389] {strides = array<i32>} : memref<128x64xf32, #tpu.memory_space<vmem>>, vector<1x16xf32>,
        %get3A_391 = vector.shape_cast %get3A_390 : vector<1x16xf32> to vector<16xf32>
        %mul3A_392 = arith.constant 8.000000e+00 : f32
        %mul3A_393 = vector.broadcast %mul3A_392 : f32 to vector<16xf32>
        %mul3A_394 = arith.mulf %get3A_391, %mul3A_393 : vector<16xf32>
        %add3A_395 = arith.constant 3 : i32
        %add3A_396 = arith.addi %mul3A_179, %add3A_395 : i32
        %swap3A_397 = arith.index_cast %add3A_396 : i32 to index
        %swap3A_398 = arith.constant 16 : index
        %swap3A_399 = tpu.vector_load %arg7[%swap3A_397, %swap3A_398] {strides = array<i32>} : memref<128x128xf32, #tpu.memory_space<vmem>>, vector<1x16xf32>,
        %swap3A_400 = vector.shape_cast %swap3A_399 : vector<1x16xf32> to vector<16xf32>
        %swap3A_401 = vector.shape_cast %mul3A_394 : vector<16xf32> to vector<1x16xf32>
        tpu.vector_store %arg7[%swap3A_397, %swap3A_398], %swap3A_401 {strides = array<i32>} : memref<128x128xf32, #tpu.memory_space<vmem>>, vector<1x16xf32>,
        %add3A_402 = arith.constant 3 : i32
        %add3A_403 = arith.addi %mul3A_179, %add3A_402 : i32
        %get3A_404 = arith.index_cast %add3A_403 : i32 to index
        %get3A_405 = arith.constant 32 : index
        %get3A_406 = tpu.vector_load %arg5[%get3A_404, %get3A_405] {strides = array<i32>} : memref<128x64xf32, #tpu.memory_space<vmem>>, vector<1x16xf32>,
        %get3A_407 = vector.shape_cast %get3A_406 : vector<1x16xf32> to vector<16xf32>
        %mul3A_408 = arith.constant 8.000000e+00 : f32
        %mul3A_409 = vector.broadcast %mul3A_408 : f32 to vector<16xf32>
        %mul3A_410 = arith.mulf %get3A_407, %mul3A_409 : vector<16xf32>
        %add3A_411 = arith.constant 3 : i32
        %add3A_412 = arith.addi %mul3A_179, %add3A_411 : i32
        %swap3A_413 = arith.index_cast %add3A_412 : i32 to index
        %swap3A_414 = arith.constant 32 : index
        %swap3A_415 = tpu.vector_load %arg7[%swap3A_413, %swap3A_414] {strides = array<i32>} : memref<128x128xf32, #tpu.memory_space<vmem>>, vector<1x16xf32>,
        %swap3A_416 = vector.shape_cast %swap3A_415 : vector<1x16xf32> to vector<16xf32>
        %swap3A_417 = vector.shape_cast %mul3A_410 : vector<16xf32> to vector<1x16xf32>
        tpu.vector_store %arg7[%swap3A_413, %swap3A_414], %swap3A_417 {strides = array<i32>} : memref<128x128xf32, #tpu.memory_space<vmem>>, vector<1x16xf32>,
        %add3A_418 = arith.constant 3 : i32
        %add3A_419 = arith.addi %mul3A_179, %add3A_418 : i32
        %get3A_420 = arith.index_cast %add3A_419 : i32 to index
        %get3A_421 = arith.constant 48 : index
        %get3A_422 = tpu.vector_load %arg5[%get3A_420, %get3A_421] {strides = array<i32>} : memref<128x64xf32, #tpu.memory_space<vmem>>, vector<1x16xf32>,
        %get3A_423 = vector.shape_cast %get3A_422 : vector<1x16xf32> to vector<16xf32>
        %mul3A_424 = arith.constant 8.000000e+00 : f32
        %mul3A_425 = vector.broadcast %mul3A_424 : f32 to vector<16xf32>
        %mul3A_426 = arith.mulf %get3A_423, %mul3A_425 : vector<16xf32>
        %add3A_427 = arith.constant 3 : i32
        %add3A_428 = arith.addi %mul3A_179, %add3A_427 : i32
        %swap3A_429 = arith.index_cast %add3A_428 : i32 to index
        %swap3A_430 = arith.constant 48 : index
        %swap3A_431 = tpu.vector_load %arg7[%swap3A_429, %swap3A_430] {strides = array<i32>} : memref<128x128xf32, #tpu.memory_space<vmem>>, vector<1x16xf32>,
        %swap3A_432 = vector.shape_cast %swap3A_431 : vector<1x16xf32> to vector<16xf32>
        %swap3A_433 = vector.shape_cast %mul3A_426 : vector<16xf32> to vector<1x16xf32>
        tpu.vector_store %arg7[%swap3A_429, %swap3A_430], %swap3A_433 {strides = array<i32>} : memref<128x128xf32, #tpu.memory_space<vmem>>, vector<1x16xf32>,
      }
      %scan3A_161 = arith.constant 32 : i32
      %add3A_162 = arith.constant 2 : i32
      %add3A_163 = arith.addi %add3A_141, %add3A_162 : i32
      %lt3A_164 = arith.cmpi slt, %add3A_163, %add3A_20 : i32
      %convert_element_type3A_165 = arith.extui %lt3A_164 : i1 to i32
      %cond3A_166 = arith.constant 0 : i32
      %cond3A_167 = arith.cmpi ne, %convert_element_type3A_165, %cond3A_166 : i32
      scf.if %cond3A_167 {
        %add3A_177 = arith.constant 2 : i32
        %add3A_178 = arith.addi %add3A_141, %add3A_177 : i32
        %mul3A_179 = arith.constant 32 : i32
        %mul3A_180 = arith.muli %mul3A_179, %add3A_178 : i32
        %add3A_181 = arith.addi %add3A, %mul3A_180 : i32
        %mul3A_182 = arith.constant 128 : i32
        %mul3A_183 = arith.muli %add3A_181, %mul3A_182 : i32
        %dma_start3A_184 = arith.constant 0 : i32
        %dma_start3A_185 = tpu.memref_slice %arg2[%mul3A_183, %dma_start3A_184] : memref<1000000x64xf32, #tpu.memory_space<hbm>> -> memref<128x64xf32, #tpu.memory_space<hbm>>
        %dma_start3A_186 = arith.constant 0 : i32
        %dma_start3A_187 = tpu.memref_slice %arg2[%mul3A_183, %dma_start3A_186] : memref<1000000x64xf32, #tpu.memory_space<hbm>> -> memref<128x64xf32, #tpu.memory_space<hbm>>
        tpu.enqueue_dma source(%dma_start3A_187 : memref<128x64xf32, #tpu.memory_space<hbm>>) target(%arg5 : memref<128x64xf32, #tpu.memory_space<vmem>>) target_semaphore(%arg9 : memref<!tpu.dma_semaphore, #tpu.memory_space<semaphore_mem>>)
      } else {
      }
      %mul3A_168 = arith.constant 32 : i32
      %mul3A_169 = arith.muli %mul3A_168, %add3A_141 : i32
      %add3A_170 = arith.addi %add3A, %mul3A_169 : i32
      %mul3A_171 = arith.constant 128 : i32
      %mul3A_172 = arith.muli %add3A_170, %mul3A_171 : i32
      %dma_start3A_173 = arith.constant 0 : i32
      %dma_start3A_174 = tpu.memref_slice %arg3[%mul3A_172, %dma_start3A_173] : memref<1000000x128xf32, #tpu.memory_space<hbm>> -> memref<128x128xf32, #tpu.memory_space<hbm>>
      %dma_start3A_175 = arith.constant 0 : i32
      %dma_start3A_176 = tpu.memref_slice %arg3[%mul3A_172, %dma_start3A_175] : memref<1000000x128xf32, #tpu.memory_space<hbm>> -> memref<128x128xf32, #tpu.memory_space<hbm>>
      tpu.enqueue_dma source(%arg7 : memref<128x128xf32, #tpu.memory_space<vmem>>) target(%dma_start3A_176 : memref<128x128xf32, #tpu.memory_space<hbm>>) target_semaphore(%arg11 : memref<!tpu.dma_semaphore, #tpu.memory_space<semaphore_mem>>)
    }
    %while3A_68 = arith.constant 1 : i32
    scf.for %while3A_102 = %while3A_66 to %while3A_62 step %while3A_68  : i32 {
      %mul3A_103 = arith.constant 2 : i32
      %mul3A_104 = arith.muli %mul3A_103, %while3A_102 : i32
      %mul3A_105 = arith.constant 32 : i32
      %mul3A_106 = arith.muli %mul3A_105, %mul3A_104 : i32
      %add3A_107 = arith.addi %add3A, %mul3A_106 : i32
      %mul3A_108 = arith.constant 128 : i32
      %mul3A_109 = arith.muli %add3A_107, %mul3A_108 : i32
      %dma_wait3A_110 = arith.constant 0 : i32
      %dma_wait3A_111 = tpu.memref_slice %arg2[%mul3A_109, %dma_wait3A_110] : memref<1000000x64xf32, #tpu.memory_space<hbm>> -> memref<128x64xf32, #tpu.memory_space<hbm>>
      %dma_wait3A_112 = arith.constant 0 : i32
      %dma_wait3A_113 = tpu.memref_slice %arg2[%mul3A_109, %dma_wait3A_112] : memref<1000000x64xf32, #tpu.memory_space<hbm>> -> memref<128x64xf32, #tpu.memory_space<hbm>>
      tpu.wait_dma2 semaphore(%arg8 : memref<!tpu.dma_semaphore, #tpu.memory_space<semaphore_mem>>) src(%dma_wait3A_113 : memref<128x64xf32, #tpu.memory_space<hbm>>) dst(%arg4 : memref<128x64xf32, #tpu.memory_space<vmem>>)
      %ge3A = arith.constant 2 : i32
      %ge3A_114 = arith.cmpi sge, %mul3A_104, %ge3A : i32
      %convert_element_type3A_115 = arith.extui %ge3A_114 : i1 to i32
      %cond3A_116 = arith.constant 0 : i32
      %cond3A_117 = arith.cmpi ne, %convert_element_type3A_115, %cond3A_116 : i32
      scf.if %cond3A_117 {
        %dma_wait3A_177 = arith.constant 0 : i32
        %dma_wait3A_178 = arith.constant 0 : i32
        %dma_wait3A_179 = tpu.memref_slice %arg3[%dma_wait3A_177, %dma_wait3A_178] : memref<1000000x128xf32, #tpu.memory_space<hbm>> -> memref<128x128xf32, #tpu.memory_space<hbm>>
        %dma_wait3A_180 = arith.constant 0 : i32
        %dma_wait3A_181 = arith.constant 0 : i32
        %dma_wait3A_182 = tpu.memref_slice %arg3[%dma_wait3A_180, %dma_wait3A_181] : memref<1000000x128xf32, #tpu.memory_space<hbm>> -> memref<128x128xf32, #tpu.memory_space<hbm>>
        tpu.wait_dma2 semaphore(%arg10 : memref<!tpu.dma_semaphore, #tpu.memory_space<semaphore_mem>>) src(%arg6 : memref<128x128xf32, #tpu.memory_space<vmem>>) dst(%dma_wait3A_182 : memref<128x128xf32, #tpu.memory_space<hbm>>)
      } else {
      }
      %scan3A = arith.constant 0 : i32
      %scan3A_118 = arith.constant 0 : i32
      %scan3A_119 = arith.constant 32 : i32
      %scan3A_120 = arith.addi %scan3A_118, %scan3A_119 : i32
      %scan3A_121 = arith.constant 1 : i32
      scf.for %scan3A_177 = %scan3A_118 to %scan3A_120 step %scan3A_121  : i32 {
        %mul3A_178 = arith.constant 4 : i32
        %mul3A_179 = arith.muli %scan3A_177, %mul3A_178 : i32
        %add3A_180 = arith.constant 0 : i32
        %add3A_181 = arith.addi %mul3A_179, %add3A_180 : i32
        %get3A = arith.index_cast %add3A_181 : i32 to index
        %get3A_182 = arith.constant 0 : index
        %get3A_183 = tpu.vector_load %arg4[%get3A, %get3A_182] {strides = array<i32>} : memref<128x64xf32, #tpu.memory_space<vmem>>, vector<1x16xf32>,
        %get3A_184 = vector.shape_cast %get3A_183 : vector<1x16xf32> to vector<16xf32>
        %mul3A_185 = arith.constant 8.000000e+00 : f32
        %mul3A_186 = vector.broadcast %mul3A_185 : f32 to vector<16xf32>
        %mul3A_187 = arith.mulf %get3A_184, %mul3A_186 : vector<16xf32>
        %add3A_188 = arith.constant 0 : i32
        %add3A_189 = arith.addi %mul3A_179, %add3A_188 : i32
        %swap3A = arith.index_cast %add3A_189 : i32 to index
        %swap3A_190 = arith.constant 0 : index
        %swap3A_191 = tpu.vector_load %arg6[%swap3A, %swap3A_190] {strides = array<i32>} : memref<128x128xf32, #tpu.memory_space<vmem>>, vector<1x16xf32>,
        %swap3A_192 = vector.shape_cast %swap3A_191 : vector<1x16xf32> to vector<16xf32>
        %swap3A_193 = vector.shape_cast %mul3A_187 : vector<16xf32> to vector<1x16xf32>
        tpu.vector_store %arg6[%swap3A, %swap3A_190], %swap3A_193 {strides = array<i32>} : memref<128x128xf32, #tpu.memory_space<vmem>>, vector<1x16xf32>,
        %add3A_194 = arith.constant 0 : i32
        %add3A_195 = arith.addi %mul3A_179, %add3A_194 : i32
        %get3A_196 = arith.index_cast %add3A_195 : i32 to index
        %get3A_197 = arith.constant 16 : index
        %get3A_198 = tpu.vector_load %arg4[%get3A_196, %get3A_197] {strides = array<i32>} : memref<128x64xf32, #tpu.memory_space<vmem>>, vector<1x16xf32>,
        %get3A_199 = vector.shape_cast %get3A_198 : vector<1x16xf32> to vector<16xf32>
        %mul3A_200 = arith.constant 8.000000e+00 : f32
        %mul3A_201 = vector.broadcast %mul3A_200 : f32 to vector<16xf32>
        %mul3A_202 = arith.mulf %get3A_199, %mul3A_201 : vector<16xf32>
        %add3A_203 = arith.constant 0 : i32
        %add3A_204 = arith.addi %mul3A_179, %add3A_203 : i32
        %swap3A_205 = arith.index_cast %add3A_204 : i32 to index
        %swap3A_206 = arith.constant 16 : index
        %swap3A_207 = tpu.vector_load %arg6[%swap3A_205, %swap3A_206] {strides = array<i32>} : memref<128x128xf32, #tpu.memory_space<vmem>>, vector<1x16xf32>,
        %swap3A_208 = vector.shape_cast %swap3A_207 : vector<1x16xf32> to vector<16xf32>
        %swap3A_209 = vector.shape_cast %mul3A_202 : vector<16xf32> to vector<1x16xf32>
        tpu.vector_store %arg6[%swap3A_205, %swap3A_206], %swap3A_209 {strides = array<i32>} : memref<128x128xf32, #tpu.memory_space<vmem>>, vector<1x16xf32>,
        %add3A_210 = arith.constant 0 : i32
        %add3A_211 = arith.addi %mul3A_179, %add3A_210 : i32
        %get3A_212 = arith.index_cast %add3A_211 : i32 to index
        %get3A_213 = arith.constant 32 : index
        %get3A_214 = tpu.vector_load %arg4[%get3A_212, %get3A_213] {strides = array<i32>} : memref<128x64xf32, #tpu.memory_space<vmem>>, vector<1x16xf32>,
        %get3A_215 = vector.shape_cast %get3A_214 : vector<1x16xf32> to vector<16xf32>
        %mul3A_216 = arith.constant 8.000000e+00 : f32
        %mul3A_217 = vector.broadcast %mul3A_216 : f32 to vector<16xf32>
        %mul3A_218 = arith.mulf %get3A_215, %mul3A_217 : vector<16xf32>
        %add3A_219 = arith.constant 0 : i32
        %add3A_220 = arith.addi %mul3A_179, %add3A_219 : i32
        %swap3A_221 = arith.index_cast %add3A_220 : i32 to index
        %swap3A_222 = arith.constant 32 : index
        %swap3A_223 = tpu.vector_load %arg6[%swap3A_221, %swap3A_222] {strides = array<i32>} : memref<128x128xf32, #tpu.memory_space<vmem>>, vector<1x16xf32>,
        %swap3A_224 = vector.shape_cast %swap3A_223 : vector<1x16xf32> to vector<16xf32>
        %swap3A_225 = vector.shape_cast %mul3A_218 : vector<16xf32> to vector<1x16xf32>
        tpu.vector_store %arg6[%swap3A_221, %swap3A_222], %swap3A_225 {strides = array<i32>} : memref<128x128xf32, #tpu.memory_space<vmem>>, vector<1x16xf32>,
        %add3A_226 = arith.constant 0 : i32
        %add3A_227 = arith.addi %mul3A_179, %add3A_226 : i32
        %get3A_228 = arith.index_cast %add3A_227 : i32 to index
        %get3A_229 = arith.constant 48 : index
        %get3A_230 = tpu.vector_load %arg4[%get3A_228, %get3A_229] {strides = array<i32>} : memref<128x64xf32, #tpu.memory_space<vmem>>, vector<1x16xf32>,
        %get3A_231 = vector.shape_cast %get3A_230 : vector<1x16xf32> to vector<16xf32>
        %mul3A_232 = arith.constant 8.000000e+00 : f32
        %mul3A_233 = vector.broadcast %mul3A_232 : f32 to vector<16xf32>
        %mul3A_234 = arith.mulf %get3A_231, %mul3A_233 : vector<16xf32>
        %add3A_235 = arith.constant 0 : i32
        %add3A_236 = arith.addi %mul3A_179, %add3A_235 : i32
        %swap3A_237 = arith.index_cast %add3A_236 : i32 to index
        %swap3A_238 = arith.constant 48 : index
        %swap3A_239 = tpu.vector_load %arg6[%swap3A_237, %swap3A_238] {strides = array<i32>} : memref<128x128xf32, #tpu.memory_space<vmem>>, vector<1x16xf32>,
        %swap3A_240 = vector.shape_cast %swap3A_239 : vector<1x16xf32> to vector<16xf32>
        %swap3A_241 = vector.shape_cast %mul3A_234 : vector<16xf32> to vector<1x16xf32>
        tpu.vector_store %arg6[%swap3A_237, %swap3A_238], %swap3A_241 {strides = array<i32>} : memref<128x128xf32, #tpu.memory_space<vmem>>, vector<1x16xf32>,
        %add3A_242 = arith.constant 1 : i32
        %add3A_243 = arith.addi %mul3A_179, %add3A_242 : i32
        %get3A_244 = arith.index_cast %add3A_243 : i32 to index
        %get3A_245 = arith.constant 0 : index
        %get3A_246 = tpu.vector_load %arg4[%get3A_244, %get3A_245] {strides = array<i32>} : memref<128x64xf32, #tpu.memory_space<vmem>>, vector<1x16xf32>,
        %get3A_247 = vector.shape_cast %get3A_246 : vector<1x16xf32> to vector<16xf32>
        %mul3A_248 = arith.constant 8.000000e+00 : f32
        %mul3A_249 = vector.broadcast %mul3A_248 : f32 to vector<16xf32>
        %mul3A_250 = arith.mulf %get3A_247, %mul3A_249 : vector<16xf32>
        %add3A_251 = arith.constant 1 : i32
        %add3A_252 = arith.addi %mul3A_179, %add3A_251 : i32
        %swap3A_253 = arith.index_cast %add3A_252 : i32 to index
        %swap3A_254 = arith.constant 0 : index
        %swap3A_255 = tpu.vector_load %arg6[%swap3A_253, %swap3A_254] {strides = array<i32>} : memref<128x128xf32, #tpu.memory_space<vmem>>, vector<1x16xf32>,
        %swap3A_256 = vector.shape_cast %swap3A_255 : vector<1x16xf32> to vector<16xf32>
        %swap3A_257 = vector.shape_cast %mul3A_250 : vector<16xf32> to vector<1x16xf32>
        tpu.vector_store %arg6[%swap3A_253, %swap3A_254], %swap3A_257 {strides = array<i32>} : memref<128x128xf32, #tpu.memory_space<vmem>>, vector<1x16xf32>,
        %add3A_258 = arith.constant 1 : i32
        %add3A_259 = arith.addi %mul3A_179, %add3A_258 : i32
        %get3A_260 = arith.index_cast %add3A_259 : i32 to index
        %get3A_261 = arith.constant 16 : index
        %get3A_262 = tpu.vector_load %arg4[%get3A_260, %get3A_261] {strides = array<i32>} : memref<128x64xf32, #tpu.memory_space<vmem>>, vector<1x16xf32>,
        %get3A_263 = vector.shape_cast %get3A_262 : vector<1x16xf32> to vector<16xf32>
        %mul3A_264 = arith.constant 8.000000e+00 : f32
        %mul3A_265 = vector.broadcast %mul3A_264 : f32 to vector<16xf32>
        %mul3A_266 = arith.mulf %get3A_263, %mul3A_265 : vector<16xf32>
        %add3A_267 = arith.constant 1 : i32
        %add3A_268 = arith.addi %mul3A_179, %add3A_267 : i32
        %swap3A_269 = arith.index_cast %add3A_268 : i32 to index
        %swap3A_270 = arith.constant 16 : index
        %swap3A_271 = tpu.vector_load %arg6[%swap3A_269, %swap3A_270] {strides = array<i32>} : memref<128x128xf32, #tpu.memory_space<vmem>>, vector<1x16xf32>,
        %swap3A_272 = vector.shape_cast %swap3A_271 : vector<1x16xf32> to vector<16xf32>
        %swap3A_273 = vector.shape_cast %mul3A_266 : vector<16xf32> to vector<1x16xf32>
        tpu.vector_store %arg6[%swap3A_269, %swap3A_270], %swap3A_273 {strides = array<i32>} : memref<128x128xf32, #tpu.memory_space<vmem>>, vector<1x16xf32>,
        %add3A_274 = arith.constant 1 : i32
        %add3A_275 = arith.addi %mul3A_179, %add3A_274 : i32
        %get3A_276 = arith.index_cast %add3A_275 : i32 to index
        %get3A_277 = arith.constant 32 : index
        %get3A_278 = tpu.vector_load %arg4[%get3A_276, %get3A_277] {strides = array<i32>} : memref<128x64xf32, #tpu.memory_space<vmem>>, vector<1x16xf32>,
        %get3A_279 = vector.shape_cast %get3A_278 : vector<1x16xf32> to vector<16xf32>
        %mul3A_280 = arith.constant 8.000000e+00 : f32
        %mul3A_281 = vector.broadcast %mul3A_280 : f32 to vector<16xf32>
        %mul3A_282 = arith.mulf %get3A_279, %mul3A_281 : vector<16xf32>
        %add3A_283 = arith.constant 1 : i32
        %add3A_284 = arith.addi %mul3A_179, %add3A_283 : i32
        %swap3A_285 = arith.index_cast %add3A_284 : i32 to index
        %swap3A_286 = arith.constant 32 : index
        %swap3A_287 = tpu.vector_load %arg6[%swap3A_285, %swap3A_286] {strides = array<i32>} : memref<128x128xf32, #tpu.memory_space<vmem>>, vector<1x16xf32>,
        %swap3A_288 = vector.shape_cast %swap3A_287 : vector<1x16xf32> to vector<16xf32>
        %swap3A_289 = vector.shape_cast %mul3A_282 : vector<16xf32> to vector<1x16xf32>
        tpu.vector_store %arg6[%swap3A_285, %swap3A_286], %swap3A_289 {strides = array<i32>} : memref<128x128xf32, #tpu.memory_space<vmem>>, vector<1x16xf32>,
        %add3A_290 = arith.constant 1 : i32
        %add3A_291 = arith.addi %mul3A_179, %add3A_290 : i32
        %get3A_292 = arith.index_cast %add3A_291 : i32 to index
        %get3A_293 = arith.constant 48 : index
        %get3A_294 = tpu.vector_load %arg4[%get3A_292, %get3A_293] {strides = array<i32>} : memref<128x64xf32, #tpu.memory_space<vmem>>, vector<1x16xf32>,
        %get3A_295 = vector.shape_cast %get3A_294 : vector<1x16xf32> to vector<16xf32>
        %mul3A_296 = arith.constant 8.000000e+00 : f32
        %mul3A_297 = vector.broadcast %mul3A_296 : f32 to vector<16xf32>
        %mul3A_298 = arith.mulf %get3A_295, %mul3A_297 : vector<16xf32>
        %add3A_299 = arith.constant 1 : i32
        %add3A_300 = arith.addi %mul3A_179, %add3A_299 : i32
        %swap3A_301 = arith.index_cast %add3A_300 : i32 to index
        %swap3A_302 = arith.constant 48 : index
        %swap3A_303 = tpu.vector_load %arg6[%swap3A_301, %swap3A_302] {strides = array<i32>} : memref<128x128xf32, #tpu.memory_space<vmem>>, vector<1x16xf32>,
        %swap3A_304 = vector.shape_cast %swap3A_303 : vector<1x16xf32> to vector<16xf32>
        %swap3A_305 = vector.shape_cast %mul3A_298 : vector<16xf32> to vector<1x16xf32>
        tpu.vector_store %arg6[%swap3A_301, %swap3A_302], %swap3A_305 {strides = array<i32>} : memref<128x128xf32, #tpu.memory_space<vmem>>, vector<1x16xf32>,
        %add3A_306 = arith.constant 2 : i32
        %add3A_307 = arith.addi %mul3A_179, %add3A_306 : i32
        %get3A_308 = arith.index_cast %add3A_307 : i32 to index
        %get3A_309 = arith.constant 0 : index
        %get3A_310 = tpu.vector_load %arg4[%get3A_308, %get3A_309] {strides = array<i32>} : memref<128x64xf32, #tpu.memory_space<vmem>>, vector<1x16xf32>,
        %get3A_311 = vector.shape_cast %get3A_310 : vector<1x16xf32> to vector<16xf32>
        %mul3A_312 = arith.constant 8.000000e+00 : f32
        %mul3A_313 = vector.broadcast %mul3A_312 : f32 to vector<16xf32>
        %mul3A_314 = arith.mulf %get3A_311, %mul3A_313 : vector<16xf32>
        %add3A_315 = arith.constant 2 : i32
        %add3A_316 = arith.addi %mul3A_179, %add3A_315 : i32
        %swap3A_317 = arith.index_cast %add3A_316 : i32 to index
        %swap3A_318 = arith.constant 0 : index
        %swap3A_319 = tpu.vector_load %arg6[%swap3A_317, %swap3A_318] {strides = array<i32>} : memref<128x128xf32, #tpu.memory_space<vmem>>, vector<1x16xf32>,
        %swap3A_320 = vector.shape_cast %swap3A_319 : vector<1x16xf32> to vector<16xf32>
        %swap3A_321 = vector.shape_cast %mul3A_314 : vector<16xf32> to vector<1x16xf32>
        tpu.vector_store %arg6[%swap3A_317, %swap3A_318], %swap3A_321 {strides = array<i32>} : memref<128x128xf32, #tpu.memory_space<vmem>>, vector<1x16xf32>,
        %add3A_322 = arith.constant 2 : i32
        %add3A_323 = arith.addi %mul3A_179, %add3A_322 : i32
        %get3A_324 = arith.index_cast %add3A_323 : i32 to index
        %get3A_325 = arith.constant 16 : index
        %get3A_326 = tpu.vector_load %arg4[%get3A_324, %get3A_325] {strides = array<i32>} : memref<128x64xf32, #tpu.memory_space<vmem>>, vector<1x16xf32>,
        %get3A_327 = vector.shape_cast %get3A_326 : vector<1x16xf32> to vector<16xf32>
        %mul3A_328 = arith.constant 8.000000e+00 : f32
        %mul3A_329 = vector.broadcast %mul3A_328 : f32 to vector<16xf32>
        %mul3A_330 = arith.mulf %get3A_327, %mul3A_329 : vector<16xf32>
        %add3A_331 = arith.constant 2 : i32
        %add3A_332 = arith.addi %mul3A_179, %add3A_331 : i32
        %swap3A_333 = arith.index_cast %add3A_332 : i32 to index
        %swap3A_334 = arith.constant 16 : index
        %swap3A_335 = tpu.vector_load %arg6[%swap3A_333, %swap3A_334] {strides = array<i32>} : memref<128x128xf32, #tpu.memory_space<vmem>>, vector<1x16xf32>,
        %swap3A_336 = vector.shape_cast %swap3A_335 : vector<1x16xf32> to vector<16xf32>
        %swap3A_337 = vector.shape_cast %mul3A_330 : vector<16xf32> to vector<1x16xf32>
        tpu.vector_store %arg6[%swap3A_333, %swap3A_334], %swap3A_337 {strides = array<i32>} : memref<128x128xf32, #tpu.memory_space<vmem>>, vector<1x16xf32>,
        %add3A_338 = arith.constant 2 : i32
        %add3A_339 = arith.addi %mul3A_179, %add3A_338 : i32
        %get3A_340 = arith.index_cast %add3A_339 : i32 to index
        %get3A_341 = arith.constant 32 : index
        %get3A_342 = tpu.vector_load %arg4[%get3A_340, %get3A_341] {strides = array<i32>} : memref<128x64xf32, #tpu.memory_space<vmem>>, vector<1x16xf32>,
        %get3A_343 = vector.shape_cast %get3A_342 : vector<1x16xf32> to vector<16xf32>
        %mul3A_344 = arith.constant 8.000000e+00 : f32
        %mul3A_345 = vector.broadcast %mul3A_344 : f32 to vector<16xf32>
        %mul3A_346 = arith.mulf %get3A_343, %mul3A_345 : vector<16xf32>
        %add3A_347 = arith.constant 2 : i32
        %add3A_348 = arith.addi %mul3A_179, %add3A_347 : i32
        %swap3A_349 = arith.index_cast %add3A_348 : i32 to index
        %swap3A_350 = arith.constant 32 : index
        %swap3A_351 = tpu.vector_load %arg6[%swap3A_349, %swap3A_350] {strides = array<i32>} : memref<128x128xf32, #tpu.memory_space<vmem>>, vector<1x16xf32>,
        %swap3A_352 = vector.shape_cast %swap3A_351 : vector<1x16xf32> to vector<16xf32>
        %swap3A_353 = vector.shape_cast %mul3A_346 : vector<16xf32> to vector<1x16xf32>
        tpu.vector_store %arg6[%swap3A_349, %swap3A_350], %swap3A_353 {strides = array<i32>} : memref<128x128xf32, #tpu.memory_space<vmem>>, vector<1x16xf32>,
        %add3A_354 = arith.constant 2 : i32
        %add3A_355 = arith.addi %mul3A_179, %add3A_354 : i32
        %get3A_356 = arith.index_cast %add3A_355 : i32 to index
        %get3A_357 = arith.constant 48 : index
        %get3A_358 = tpu.vector_load %arg4[%get3A_356, %get3A_357] {strides = array<i32>} : memref<128x64xf32, #tpu.memory_space<vmem>>, vector<1x16xf32>,
        %get3A_359 = vector.shape_cast %get3A_358 : vector<1x16xf32> to vector<16xf32>
        %mul3A_360 = arith.constant 8.000000e+00 : f32
        %mul3A_361 = vector.broadcast %mul3A_360 : f32 to vector<16xf32>
        %mul3A_362 = arith.mulf %get3A_359, %mul3A_361 : vector<16xf32>
        %add3A_363 = arith.constant 2 : i32
        %add3A_364 = arith.addi %mul3A_179, %add3A_363 : i32
        %swap3A_365 = arith.index_cast %add3A_364 : i32 to index
        %swap3A_366 = arith.constant 48 : index
        %swap3A_367 = tpu.vector_load %arg6[%swap3A_365, %swap3A_366] {strides = array<i32>} : memref<128x128xf32, #tpu.memory_space<vmem>>, vector<1x16xf32>,
        %swap3A_368 = vector.shape_cast %swap3A_367 : vector<1x16xf32> to vector<16xf32>
        %swap3A_369 = vector.shape_cast %mul3A_362 : vector<16xf32> to vector<1x16xf32>
        tpu.vector_store %arg6[%swap3A_365, %swap3A_366], %swap3A_369 {strides = array<i32>} : memref<128x128xf32, #tpu.memory_space<vmem>>, vector<1x16xf32>,
        %add3A_370 = arith.constant 3 : i32
        %add3A_371 = arith.addi %mul3A_179, %add3A_370 : i32
        %get3A_372 = arith.index_cast %add3A_371 : i32 to index
        %get3A_373 = arith.constant 0 : index
        %get3A_374 = tpu.vector_load %arg4[%get3A_372, %get3A_373] {strides = array<i32>} : memref<128x64xf32, #tpu.memory_space<vmem>>, vector<1x16xf32>,
        %get3A_375 = vector.shape_cast %get3A_374 : vector<1x16xf32> to vector<16xf32>
        %mul3A_376 = arith.constant 8.000000e+00 : f32
        %mul3A_377 = vector.broadcast %mul3A_376 : f32 to vector<16xf32>
        %mul3A_378 = arith.mulf %get3A_375, %mul3A_377 : vector<16xf32>
        %add3A_379 = arith.constant 3 : i32
        %add3A_380 = arith.addi %mul3A_179, %add3A_379 : i32
        %swap3A_381 = arith.index_cast %add3A_380 : i32 to index
        %swap3A_382 = arith.constant 0 : index
        %swap3A_383 = tpu.vector_load %arg6[%swap3A_381, %swap3A_382] {strides = array<i32>} : memref<128x128xf32, #tpu.memory_space<vmem>>, vector<1x16xf32>,
        %swap3A_384 = vector.shape_cast %swap3A_383 : vector<1x16xf32> to vector<16xf32>
        %swap3A_385 = vector.shape_cast %mul3A_378 : vector<16xf32> to vector<1x16xf32>
        tpu.vector_store %arg6[%swap3A_381, %swap3A_382], %swap3A_385 {strides = array<i32>} : memref<128x128xf32, #tpu.memory_space<vmem>>, vector<1x16xf32>,
        %add3A_386 = arith.constant 3 : i32
        %add3A_387 = arith.addi %mul3A_179, %add3A_386 : i32
        %get3A_388 = arith.index_cast %add3A_387 : i32 to index
        %get3A_389 = arith.constant 16 : index
        %get3A_390 = tpu.vector_load %arg4[%get3A_388, %get3A_389] {strides = array<i32>} : memref<128x64xf32, #tpu.memory_space<vmem>>, vector<1x16xf32>,
        %get3A_391 = vector.shape_cast %get3A_390 : vector<1x16xf32> to vector<16xf32>
        %mul3A_392 = arith.constant 8.000000e+00 : f32
        %mul3A_393 = vector.broadcast %mul3A_392 : f32 to vector<16xf32>
        %mul3A_394 = arith.mulf %get3A_391, %mul3A_393 : vector<16xf32>
        %add3A_395 = arith.constant 3 : i32
        %add3A_396 = arith.addi %mul3A_179, %add3A_395 : i32
        %swap3A_397 = arith.index_cast %add3A_396 : i32 to index
        %swap3A_398 = arith.constant 16 : index
        %swap3A_399 = tpu.vector_load %arg6[%swap3A_397, %swap3A_398] {strides = array<i32>} : memref<128x128xf32, #tpu.memory_space<vmem>>, vector<1x16xf32>,
        %swap3A_400 = vector.shape_cast %swap3A_399 : vector<1x16xf32> to vector<16xf32>
        %swap3A_401 = vector.shape_cast %mul3A_394 : vector<16xf32> to vector<1x16xf32>
        tpu.vector_store %arg6[%swap3A_397, %swap3A_398], %swap3A_401 {strides = array<i32>} : memref<128x128xf32, #tpu.memory_space<vmem>>, vector<1x16xf32>,
        %add3A_402 = arith.constant 3 : i32
        %add3A_403 = arith.addi %mul3A_179, %add3A_402 : i32
        %get3A_404 = arith.index_cast %add3A_403 : i32 to index
        %get3A_405 = arith.constant 32 : index
        %get3A_406 = tpu.vector_load %arg4[%get3A_404, %get3A_405] {strides = array<i32>} : memref<128x64xf32, #tpu.memory_space<vmem>>, vector<1x16xf32>,
        %get3A_407 = vector.shape_cast %get3A_406 : vector<1x16xf32> to vector<16xf32>
        %mul3A_408 = arith.constant 8.000000e+00 : f32
        %mul3A_409 = vector.broadcast %mul3A_408 : f32 to vector<16xf32>
        %mul3A_410 = arith.mulf %get3A_407, %mul3A_409 : vector<16xf32>
        %add3A_411 = arith.constant 3 : i32
        %add3A_412 = arith.addi %mul3A_179, %add3A_411 : i32
        %swap3A_413 = arith.index_cast %add3A_412 : i32 to index
        %swap3A_414 = arith.constant 32 : index
        %swap3A_415 = tpu.vector_load %arg6[%swap3A_413, %swap3A_414] {strides = array<i32>} : memref<128x128xf32, #tpu.memory_space<vmem>>, vector<1x16xf32>,
        %swap3A_416 = vector.shape_cast %swap3A_415 : vector<1x16xf32> to vector<16xf32>
        %swap3A_417 = vector.shape_cast %mul3A_410 : vector<16xf32> to vector<1x16xf32>
        tpu.vector_store %arg6[%swap3A_413, %swap3A_414], %swap3A_417 {strides = array<i32>} : memref<128x128xf32, #tpu.memory_space<vmem>>, vector<1x16xf32>,
        %add3A_418 = arith.constant 3 : i32
        %add3A_419 = arith.addi %mul3A_179, %add3A_418 : i32
        %get3A_420 = arith.index_cast %add3A_419 : i32 to index
        %get3A_421 = arith.constant 48 : index
        %get3A_422 = tpu.vector_load %arg4[%get3A_420, %get3A_421] {strides = array<i32>} : memref<128x64xf32, #tpu.memory_space<vmem>>, vector<1x16xf32>,
        %get3A_423 = vector.shape_cast %get3A_422 : vector<1x16xf32> to vector<16xf32>
        %mul3A_424 = arith.constant 8.000000e+00 : f32
        %mul3A_425 = vector.broadcast %mul3A_424 : f32 to vector<16xf32>
        %mul3A_426 = arith.mulf %get3A_423, %mul3A_425 : vector<16xf32>
        %add3A_427 = arith.constant 3 : i32
        %add3A_428 = arith.addi %mul3A_179, %add3A_427 : i32
        %swap3A_429 = arith.index_cast %add3A_428 : i32 to index
        %swap3A_430 = arith.constant 48 : index
        %swap3A_431 = tpu.vector_load %arg6[%swap3A_429, %swap3A_430] {strides = array<i32>} : memref<128x128xf32, #tpu.memory_space<vmem>>, vector<1x16xf32>,
        %swap3A_432 = vector.shape_cast %swap3A_431 : vector<1x16xf32> to vector<16xf32>
        %swap3A_433 = vector.shape_cast %mul3A_426 : vector<16xf32> to vector<1x16xf32>
        tpu.vector_store %arg6[%swap3A_429, %swap3A_430], %swap3A_433 {strides = array<i32>} : memref<128x128xf32, #tpu.memory_space<vmem>>, vector<1x16xf32>,
      }
      %scan3A_122 = arith.constant 32 : i32
      %add3A_123 = arith.constant 2 : i32
      %add3A_124 = arith.addi %mul3A_104, %add3A_123 : i32
      %lt3A_125 = arith.cmpi slt, %add3A_124, %add3A_20 : i32
      %convert_element_type3A_126 = arith.extui %lt3A_125 : i1 to i32
      %cond3A_127 = arith.constant 0 : i32
      %cond3A_128 = arith.cmpi ne, %convert_element_type3A_126, %cond3A_127 : i32
      scf.if %cond3A_128 {
        %add3A_177 = arith.constant 2 : i32
        %add3A_178 = arith.addi %mul3A_104, %add3A_177 : i32
        %mul3A_179 = arith.constant 32 : i32
        %mul3A_180 = arith.muli %mul3A_179, %add3A_178 : i32
        %add3A_181 = arith.addi %add3A, %mul3A_180 : i32
        %mul3A_182 = arith.constant 128 : i32
        %mul3A_183 = arith.muli %add3A_181, %mul3A_182 : i32
        %dma_start3A_184 = arith.constant 0 : i32
        %dma_start3A_185 = tpu.memref_slice %arg2[%mul3A_183, %dma_start3A_184] : memref<1000000x64xf32, #tpu.memory_space<hbm>> -> memref<128x64xf32, #tpu.memory_space<hbm>>
        %dma_start3A_186 = arith.constant 0 : i32
        %dma_start3A_187 = tpu.memref_slice %arg2[%mul3A_183, %dma_start3A_186] : memref<1000000x64xf32, #tpu.memory_space<hbm>> -> memref<128x64xf32, #tpu.memory_space<hbm>>
        tpu.enqueue_dma source(%dma_start3A_187 : memref<128x64xf32, #tpu.memory_space<hbm>>) target(%arg4 : memref<128x64xf32, #tpu.memory_space<vmem>>) target_semaphore(%arg8 : memref<!tpu.dma_semaphore, #tpu.memory_space<semaphore_mem>>)
      } else {
      }
      %mul3A_129 = arith.constant 32 : i32
      %mul3A_130 = arith.muli %mul3A_129, %mul3A_104 : i32
      %add3A_131 = arith.addi %add3A, %mul3A_130 : i32
      %mul3A_132 = arith.constant 128 : i32
      %mul3A_133 = arith.muli %add3A_131, %mul3A_132 : i32
      %dma_start3A_134 = arith.constant 0 : i32
      %dma_start3A_135 = tpu.memref_slice %arg3[%mul3A_133, %dma_start3A_134] : memref<1000000x128xf32, #tpu.memory_space<hbm>> -> memref<128x128xf32, #tpu.memory_space<hbm>>
      %dma_start3A_136 = arith.constant 0 : i32
      %dma_start3A_137 = tpu.memref_slice %arg3[%mul3A_133, %dma_start3A_136] : memref<1000000x128xf32, #tpu.memory_space<hbm>> -> memref<128x128xf32, #tpu.memory_space<hbm>>
      tpu.enqueue_dma source(%arg6 : memref<128x128xf32, #tpu.memory_space<vmem>>) target(%dma_start3A_137 : memref<128x128xf32, #tpu.memory_space<hbm>>) target_semaphore(%arg10 : memref<!tpu.dma_semaphore, #tpu.memory_space<semaphore_mem>>)
      %mul3A_138 = arith.constant 2 : i32
      %mul3A_139 = arith.muli %mul3A_138, %while3A_102 : i32
      %add3A_140 = arith.constant 1 : i32
      %add3A_141 = arith.addi %mul3A_139, %add3A_140 : i32
      %mul3A_142 = arith.constant 32 : i32
      %mul3A_143 = arith.muli %mul3A_142, %add3A_141 : i32
      %add3A_144 = arith.addi %add3A, %mul3A_143 : i32
      %mul3A_145 = arith.constant 128 : i32
      %mul3A_146 = arith.muli %add3A_144, %mul3A_145 : i32
      %dma_wait3A_147 = arith.constant 0 : i32
      %dma_wait3A_148 = tpu.memref_slice %arg2[%mul3A_146, %dma_wait3A_147] : memref<1000000x64xf32, #tpu.memory_space<hbm>> -> memref<128x64xf32, #tpu.memory_space<hbm>>
      %dma_wait3A_149 = arith.constant 0 : i32
      %dma_wait3A_150 = tpu.memref_slice %arg2[%mul3A_146, %dma_wait3A_149] : memref<1000000x64xf32, #tpu.memory_space<hbm>> -> memref<128x64xf32, #tpu.memory_space<hbm>>
      tpu.wait_dma2 semaphore(%arg9 : memref<!tpu.dma_semaphore, #tpu.memory_space<semaphore_mem>>) src(%dma_wait3A_150 : memref<128x64xf32, #tpu.memory_space<hbm>>) dst(%arg5 : memref<128x64xf32, #tpu.memory_space<vmem>>)
      %ge3A_151 = arith.constant 2 : i32
      %ge3A_152 = arith.cmpi sge, %add3A_141, %ge3A_151 : i32
      %convert_element_type3A_153 = arith.extui %ge3A_152 : i1 to i32
      %cond3A_154 = arith.constant 0 : i32
      %cond3A_155 = arith.cmpi ne, %convert_element_type3A_153, %cond3A_154 : i32
      scf.if %cond3A_155 {
        %dma_wait3A_177 = arith.constant 0 : i32
        %dma_wait3A_178 = arith.constant 0 : i32
        %dma_wait3A_179 = tpu.memref_slice %arg3[%dma_wait3A_177, %dma_wait3A_178] : memref<1000000x128xf32, #tpu.memory_space<hbm>> -> memref<128x128xf32, #tpu.memory_space<hbm>>
        %dma_wait3A_180 = arith.constant 0 : i32
        %dma_wait3A_181 = arith.constant 0 : i32
        %dma_wait3A_182 = tpu.memref_slice %arg3[%dma_wait3A_180, %dma_wait3A_181] : memref<1000000x128xf32, #tpu.memory_space<hbm>> -> memref<128x128xf32, #tpu.memory_space<hbm>>
        tpu.wait_dma2 semaphore(%arg11 : memref<!tpu.dma_semaphore, #tpu.memory_space<semaphore_mem>>) src(%arg7 : memref<128x128xf32, #tpu.memory_space<vmem>>) dst(%dma_wait3A_182 : memref<128x128xf32, #tpu.memory_space<hbm>>)
      } else {
      }
      %scan3A_156 = arith.constant 0 : i32
      %scan3A_157 = arith.constant 0 : i32
      %scan3A_158 = arith.constant 32 : i32
      %scan3A_159 = arith.addi %scan3A_157, %scan3A_158 : i32
      %scan3A_160 = arith.constant 1 : i32
      scf.for %scan3A_177 = %scan3A_157 to %scan3A_159 step %scan3A_160  : i32 {
        %mul3A_178 = arith.constant 4 : i32
        %mul3A_179 = arith.muli %scan3A_177, %mul3A_178 : i32
        %add3A_180 = arith.constant 0 : i32
        %add3A_181 = arith.addi %mul3A_179, %add3A_180 : i32
        %get3A = arith.index_cast %add3A_181 : i32 to index
        %get3A_182 = arith.constant 0 : index
        %get3A_183 = tpu.vector_load %arg5[%get3A, %get3A_182] {strides = array<i32>} : memref<128x64xf32, #tpu.memory_space<vmem>>, vector<1x16xf32>,
        %get3A_184 = vector.shape_cast %get3A_183 : vector<1x16xf32> to vector<16xf32>
        %mul3A_185 = arith.constant 8.000000e+00 : f32
        %mul3A_186 = vector.broadcast %mul3A_185 : f32 to vector<16xf32>
        %mul3A_187 = arith.mulf %get3A_184, %mul3A_186 : vector<16xf32>
        %add3A_188 = arith.constant 0 : i32
        %add3A_189 = arith.addi %mul3A_179, %add3A_188 : i32
        %swap3A = arith.index_cast %add3A_189 : i32 to index
        %swap3A_190 = arith.constant 0 : index
        %swap3A_191 = tpu.vector_load %arg7[%swap3A, %swap3A_190] {strides = array<i32>} : memref<128x128xf32, #tpu.memory_space<vmem>>, vector<1x16xf32>,
        %swap3A_192 = vector.shape_cast %swap3A_191 : vector<1x16xf32> to vector<16xf32>
        %swap3A_193 = vector.shape_cast %mul3A_187 : vector<16xf32> to vector<1x16xf32>
        tpu.vector_store %arg7[%swap3A, %swap3A_190], %swap3A_193 {strides = array<i32>} : memref<128x128xf32, #tpu.memory_space<vmem>>, vector<1x16xf32>,
        %add3A_194 = arith.constant 0 : i32
        %add3A_195 = arith.addi %mul3A_179, %add3A_194 : i32
        %get3A_196 = arith.index_cast %add3A_195 : i32 to index
        %get3A_197 = arith.constant 16 : index
        %get3A_198 = tpu.vector_load %arg5[%get3A_196, %get3A_197] {strides = array<i32>} : memref<128x64xf32, #tpu.memory_space<vmem>>, vector<1x16xf32>,
        %get3A_199 = vector.shape_cast %get3A_198 : vector<1x16xf32> to vector<16xf32>
        %mul3A_200 = arith.constant 8.000000e+00 : f32
        %mul3A_201 = vector.broadcast %mul3A_200 : f32 to vector<16xf32>
        %mul3A_202 = arith.mulf %get3A_199, %mul3A_201 : vector<16xf32>
        %add3A_203 = arith.constant 0 : i32
        %add3A_204 = arith.addi %mul3A_179, %add3A_203 : i32
        %swap3A_205 = arith.index_cast %add3A_204 : i32 to index
        %swap3A_206 = arith.constant 16 : index
        %swap3A_207 = tpu.vector_load %arg7[%swap3A_205, %swap3A_206] {strides = array<i32>} : memref<128x128xf32, #tpu.memory_space<vmem>>, vector<1x16xf32>,
        %swap3A_208 = vector.shape_cast %swap3A_207 : vector<1x16xf32> to vector<16xf32>
        %swap3A_209 = vector.shape_cast %mul3A_202 : vector<16xf32> to vector<1x16xf32>
        tpu.vector_store %arg7[%swap3A_205, %swap3A_206], %swap3A_209 {strides = array<i32>} : memref<128x128xf32, #tpu.memory_space<vmem>>, vector<1x16xf32>,
        %add3A_210 = arith.constant 0 : i32
        %add3A_211 = arith.addi %mul3A_179, %add3A_210 : i32
        %get3A_212 = arith.index_cast %add3A_211 : i32 to index
        %get3A_213 = arith.constant 32 : index
        %get3A_214 = tpu.vector_load %arg5[%get3A_212, %get3A_213] {strides = array<i32>} : memref<128x64xf32, #tpu.memory_space<vmem>>, vector<1x16xf32>,
        %get3A_215 = vector.shape_cast %get3A_214 : vector<1x16xf32> to vector<16xf32>
        %mul3A_216 = arith.constant 8.000000e+00 : f32
        %mul3A_217 = vector.broadcast %mul3A_216 : f32 to vector<16xf32>
        %mul3A_218 = arith.mulf %get3A_215, %mul3A_217 : vector<16xf32>
        %add3A_219 = arith.constant 0 : i32
        %add3A_220 = arith.addi %mul3A_179, %add3A_219 : i32
        %swap3A_221 = arith.index_cast %add3A_220 : i32 to index
        %swap3A_222 = arith.constant 32 : index
        %swap3A_223 = tpu.vector_load %arg7[%swap3A_221, %swap3A_222] {strides = array<i32>} : memref<128x128xf32, #tpu.memory_space<vmem>>, vector<1x16xf32>,
        %swap3A_224 = vector.shape_cast %swap3A_223 : vector<1x16xf32> to vector<16xf32>
        %swap3A_225 = vector.shape_cast %mul3A_218 : vector<16xf32> to vector<1x16xf32>
        tpu.vector_store %arg7[%swap3A_221, %swap3A_222], %swap3A_225 {strides = array<i32>} : memref<128x128xf32, #tpu.memory_space<vmem>>, vector<1x16xf32>,
        %add3A_226 = arith.constant 0 : i32
        %add3A_227 = arith.addi %mul3A_179, %add3A_226 : i32
        %get3A_228 = arith.index_cast %add3A_227 : i32 to index
        %get3A_229 = arith.constant 48 : index
        %get3A_230 = tpu.vector_load %arg5[%get3A_228, %get3A_229] {strides = array<i32>} : memref<128x64xf32, #tpu.memory_space<vmem>>, vector<1x16xf32>,
        %get3A_231 = vector.shape_cast %get3A_230 : vector<1x16xf32> to vector<16xf32>
        %mul3A_232 = arith.constant 8.000000e+00 : f32
        %mul3A_233 = vector.broadcast %mul3A_232 : f32 to vector<16xf32>
        %mul3A_234 = arith.mulf %get3A_231, %mul3A_233 : vector<16xf32>
        %add3A_235 = arith.constant 0 : i32
        %add3A_236 = arith.addi %mul3A_179, %add3A_235 : i32
        %swap3A_237 = arith.index_cast %add3A_236 : i32 to index
        %swap3A_238 = arith.constant 48 : index
        %swap3A_239 = tpu.vector_load %arg7[%swap3A_237, %swap3A_238] {strides = array<i32>} : memref<128x128xf32, #tpu.memory_space<vmem>>, vector<1x16xf32>,
        %swap3A_240 = vector.shape_cast %swap3A_239 : vector<1x16xf32> to vector<16xf32>
        %swap3A_241 = vector.shape_cast %mul3A_234 : vector<16xf32> to vector<1x16xf32>
        tpu.vector_store %arg7[%swap3A_237, %swap3A_238], %swap3A_241 {strides = array<i32>} : memref<128x128xf32, #tpu.memory_space<vmem>>, vector<1x16xf32>,
        %add3A_242 = arith.constant 1 : i32
        %add3A_243 = arith.addi %mul3A_179, %add3A_242 : i32
        %get3A_244 = arith.index_cast %add3A_243 : i32 to index
        %get3A_245 = arith.constant 0 : index
        %get3A_246 = tpu.vector_load %arg5[%get3A_244, %get3A_245] {strides = array<i32>} : memref<128x64xf32, #tpu.memory_space<vmem>>, vector<1x16xf32>,
        %get3A_247 = vector.shape_cast %get3A_246 : vector<1x16xf32> to vector<16xf32>
        %mul3A_248 = arith.constant 8.000000e+00 : f32
        %mul3A_249 = vector.broadcast %mul3A_248 : f32 to vector<16xf32>
        %mul3A_250 = arith.mulf %get3A_247, %mul3A_249 : vector<16xf32>
        %add3A_251 = arith.constant 1 : i32
        %add3A_252 = arith.addi %mul3A_179, %add3A_251 : i32
        %swap3A_253 = arith.index_cast %add3A_252 : i32 to index
        %swap3A_254 = arith.constant 0 : index
        %swap3A_255 = tpu.vector_load %arg7[%swap3A_253, %swap3A_254] {strides = array<i32>} : memref<128x128xf32, #tpu.memory_space<vmem>>, vector<1x16xf32>,
        %swap3A_256 = vector.shape_cast %swap3A_255 : vector<1x16xf32> to vector<16xf32>
        %swap3A_257 = vector.shape_cast %mul3A_250 : vector<16xf32> to vector<1x16xf32>
        tpu.vector_store %arg7[%swap3A_253, %swap3A_254], %swap3A_257 {strides = array<i32>} : memref<128x128xf32, #tpu.memory_space<vmem>>, vector<1x16xf32>,
        %add3A_258 = arith.constant 1 : i32
        %add3A_259 = arith.addi %mul3A_179, %add3A_258 : i32
        %get3A_260 = arith.index_cast %add3A_259 : i32 to index
        %get3A_261 = arith.constant 16 : index
        %get3A_262 = tpu.vector_load %arg5[%get3A_260, %get3A_261] {strides = array<i32>} : memref<128x64xf32, #tpu.memory_space<vmem>>, vector<1x16xf32>,
        %get3A_263 = vector.shape_cast %get3A_262 : vector<1x16xf32> to vector<16xf32>
        %mul3A_264 = arith.constant 8.000000e+00 : f32
        %mul3A_265 = vector.broadcast %mul3A_264 : f32 to vector<16xf32>
        %mul3A_266 = arith.mulf %get3A_263, %mul3A_265 : vector<16xf32>
        %add3A_267 = arith.constant 1 : i32
        %add3A_268 = arith.addi %mul3A_179, %add3A_267 : i32
        %swap3A_269 = arith.index_cast %add3A_268 : i32 to index
        %swap3A_270 = arith.constant 16 : index
        %swap3A_271 = tpu.vector_load %arg7[%swap3A_269, %swap3A_270] {strides = array<i32>} : memref<128x128xf32, #tpu.memory_space<vmem>>, vector<1x16xf32>,
        %swap3A_272 = vector.shape_cast %swap3A_271 : vector<1x16xf32> to vector<16xf32>
        %swap3A_273 = vector.shape_cast %mul3A_266 : vector<16xf32> to vector<1x16xf32>
        tpu.vector_store %arg7[%swap3A_269, %swap3A_270], %swap3A_273 {strides = array<i32>} : memref<128x128xf32, #tpu.memory_space<vmem>>, vector<1x16xf32>,
        %add3A_274 = arith.constant 1 : i32
        %add3A_275 = arith.addi %mul3A_179, %add3A_274 : i32
        %get3A_276 = arith.index_cast %add3A_275 : i32 to index
        %get3A_277 = arith.constant 32 : index
        %get3A_278 = tpu.vector_load %arg5[%get3A_276, %get3A_277] {strides = array<i32>} : memref<128x64xf32, #tpu.memory_space<vmem>>, vector<1x16xf32>,
        %get3A_279 = vector.shape_cast %get3A_278 : vector<1x16xf32> to vector<16xf32>
        %mul3A_280 = arith.constant 8.000000e+00 : f32
        %mul3A_281 = vector.broadcast %mul3A_280 : f32 to vector<16xf32>
        %mul3A_282 = arith.mulf %get3A_279, %mul3A_281 : vector<16xf32>
        %add3A_283 = arith.constant 1 : i32
        %add3A_284 = arith.addi %mul3A_179, %add3A_283 : i32
        %swap3A_285 = arith.index_cast %add3A_284 : i32 to index
        %swap3A_286 = arith.constant 32 : index
        %swap3A_287 = tpu.vector_load %arg7[%swap3A_285, %swap3A_286] {strides = array<i32>} : memref<128x128xf32, #tpu.memory_space<vmem>>, vector<1x16xf32>,
        %swap3A_288 = vector.shape_cast %swap3A_287 : vector<1x16xf32> to vector<16xf32>
        %swap3A_289 = vector.shape_cast %mul3A_282 : vector<16xf32> to vector<1x16xf32>
        tpu.vector_store %arg7[%swap3A_285, %swap3A_286], %swap3A_289 {strides = array<i32>} : memref<128x128xf32, #tpu.memory_space<vmem>>, vector<1x16xf32>,
        %add3A_290 = arith.constant 1 : i32
        %add3A_291 = arith.addi %mul3A_179, %add3A_290 : i32
        %get3A_292 = arith.index_cast %add3A_291 : i32 to index
        %get3A_293 = arith.constant 48 : index
        %get3A_294 = tpu.vector_load %arg5[%get3A_292, %get3A_293] {strides = array<i32>} : memref<128x64xf32, #tpu.memory_space<vmem>>, vector<1x16xf32>,
        %get3A_295 = vector.shape_cast %get3A_294 : vector<1x16xf32> to vector<16xf32>
        %mul3A_296 = arith.constant 8.000000e+00 : f32
        %mul3A_297 = vector.broadcast %mul3A_296 : f32 to vector<16xf32>
        %mul3A_298 = arith.mulf %get3A_295, %mul3A_297 : vector<16xf32>
        %add3A_299 = arith.constant 1 : i32
        %add3A_300 = arith.addi %mul3A_179, %add3A_299 : i32
        %swap3A_301 = arith.index_cast %add3A_300 : i32 to index
        %swap3A_302 = arith.constant 48 : index
        %swap3A_303 = tpu.vector_load %arg7[%swap3A_301, %swap3A_302] {strides = array<i32>} : memref<128x128xf32, #tpu.memory_space<vmem>>, vector<1x16xf32>,
        %swap3A_304 = vector.shape_cast %swap3A_303 : vector<1x16xf32> to vector<16xf32>
        %swap3A_305 = vector.shape_cast %mul3A_298 : vector<16xf32> to vector<1x16xf32>
        tpu.vector_store %arg7[%swap3A_301, %swap3A_302], %swap3A_305 {strides = array<i32>} : memref<128x128xf32, #tpu.memory_space<vmem>>, vector<1x16xf32>,
        %add3A_306 = arith.constant 2 : i32
        %add3A_307 = arith.addi %mul3A_179, %add3A_306 : i32
        %get3A_308 = arith.index_cast %add3A_307 : i32 to index
        %get3A_309 = arith.constant 0 : index
        %get3A_310 = tpu.vector_load %arg5[%get3A_308, %get3A_309] {strides = array<i32>} : memref<128x64xf32, #tpu.memory_space<vmem>>, vector<1x16xf32>,
        %get3A_311 = vector.shape_cast %get3A_310 : vector<1x16xf32> to vector<16xf32>
        %mul3A_312 = arith.constant 8.000000e+00 : f32
        %mul3A_313 = vector.broadcast %mul3A_312 : f32 to vector<16xf32>
        %mul3A_314 = arith.mulf %get3A_311, %mul3A_313 : vector<16xf32>
        %add3A_315 = arith.constant 2 : i32
        %add3A_316 = arith.addi %mul3A_179, %add3A_315 : i32
        %swap3A_317 = arith.index_cast %add3A_316 : i32 to index
        %swap3A_318 = arith.constant 0 : index
        %swap3A_319 = tpu.vector_load %arg7[%swap3A_317, %swap3A_318] {strides = array<i32>} : memref<128x128xf32, #tpu.memory_space<vmem>>, vector<1x16xf32>,
        %swap3A_320 = vector.shape_cast %swap3A_319 : vector<1x16xf32> to vector<16xf32>
        %swap3A_321 = vector.shape_cast %mul3A_314 : vector<16xf32> to vector<1x16xf32>
        tpu.vector_store %arg7[%swap3A_317, %swap3A_318], %swap3A_321 {strides = array<i32>} : memref<128x128xf32, #tpu.memory_space<vmem>>, vector<1x16xf32>,
        %add3A_322 = arith.constant 2 : i32
        %add3A_323 = arith.addi %mul3A_179, %add3A_322 : i32
        %get3A_324 = arith.index_cast %add3A_323 : i32 to index
        %get3A_325 = arith.constant 16 : index
        %get3A_326 = tpu.vector_load %arg5[%get3A_324, %get3A_325] {strides = array<i32>} : memref<128x64xf32, #tpu.memory_space<vmem>>, vector<1x16xf32>,
        %get3A_327 = vector.shape_cast %get3A_326 : vector<1x16xf32> to vector<16xf32>
        %mul3A_328 = arith.constant 8.000000e+00 : f32
        %mul3A_329 = vector.broadcast %mul3A_328 : f32 to vector<16xf32>
        %mul3A_330 = arith.mulf %get3A_327, %mul3A_329 : vector<16xf32>
        %add3A_331 = arith.constant 2 : i32
        %add3A_332 = arith.addi %mul3A_179, %add3A_331 : i32
        %swap3A_333 = arith.index_cast %add3A_332 : i32 to index
        %swap3A_334 = arith.constant 16 : index
        %swap3A_335 = tpu.vector_load %arg7[%swap3A_333, %swap3A_334] {strides = array<i32>} : memref<128x128xf32, #tpu.memory_space<vmem>>, vector<1x16xf32>,
        %swap3A_336 = vector.shape_cast %swap3A_335 : vector<1x16xf32> to vector<16xf32>
        %swap3A_337 = vector.shape_cast %mul3A_330 : vector<16xf32> to vector<1x16xf32>
        tpu.vector_store %arg7[%swap3A_333, %swap3A_334], %swap3A_337 {strides = array<i32>} : memref<128x128xf32, #tpu.memory_space<vmem>>, vector<1x16xf32>,
        %add3A_338 = arith.constant 2 : i32
        %add3A_339 = arith.addi %mul3A_179, %add3A_338 : i32
        %get3A_340 = arith.index_cast %add3A_339 : i32 to index
        %get3A_341 = arith.constant 32 : index
        %get3A_342 = tpu.vector_load %arg5[%get3A_340, %get3A_341] {strides = array<i32>} : memref<128x64xf32, #tpu.memory_space<vmem>>, vector<1x16xf32>,
        %get3A_343 = vector.shape_cast %get3A_342 : vector<1x16xf32> to vector<16xf32>
        %mul3A_344 = arith.constant 8.000000e+00 : f32
        %mul3A_345 = vector.broadcast %mul3A_344 : f32 to vector<16xf32>
        %mul3A_346 = arith.mulf %get3A_343, %mul3A_345 : vector<16xf32>
        %add3A_347 = arith.constant 2 : i32
        %add3A_348 = arith.addi %mul3A_179, %add3A_347 : i32
        %swap3A_349 = arith.index_cast %add3A_348 : i32 to index
        %swap3A_350 = arith.constant 32 : index
        %swap3A_351 = tpu.vector_load %arg7[%swap3A_349, %swap3A_350] {strides = array<i32>} : memref<128x128xf32, #tpu.memory_space<vmem>>, vector<1x16xf32>,
        %swap3A_352 = vector.shape_cast %swap3A_351 : vector<1x16xf32> to vector<16xf32>
        %swap3A_353 = vector.shape_cast %mul3A_346 : vector<16xf32> to vector<1x16xf32>
        tpu.vector_store %arg7[%swap3A_349, %swap3A_350], %swap3A_353 {strides = array<i32>} : memref<128x128xf32, #tpu.memory_space<vmem>>, vector<1x16xf32>,
        %add3A_354 = arith.constant 2 : i32
        %add3A_355 = arith.addi %mul3A_179, %add3A_354 : i32
        %get3A_356 = arith.index_cast %add3A_355 : i32 to index
        %get3A_357 = arith.constant 48 : index
        %get3A_358 = tpu.vector_load %arg5[%get3A_356, %get3A_357] {strides = array<i32>} : memref<128x64xf32, #tpu.memory_space<vmem>>, vector<1x16xf32>,
        %get3A_359 = vector.shape_cast %get3A_358 : vector<1x16xf32> to vector<16xf32>
        %mul3A_360 = arith.constant 8.000000e+00 : f32
        %mul3A_361 = vector.broadcast %mul3A_360 : f32 to vector<16xf32>
        %mul3A_362 = arith.mulf %get3A_359, %mul3A_361 : vector<16xf32>
        %add3A_363 = arith.constant 2 : i32
        %add3A_364 = arith.addi %mul3A_179, %add3A_363 : i32
        %swap3A_365 = arith.index_cast %add3A_364 : i32 to index
        %swap3A_366 = arith.constant 48 : index
        %swap3A_367 = tpu.vector_load %arg7[%swap3A_365, %swap3A_366] {strides = array<i32>} : memref<128x128xf32, #tpu.memory_space<vmem>>, vector<1x16xf32>,
        %swap3A_368 = vector.shape_cast %swap3A_367 : vector<1x16xf32> to vector<16xf32>
        %swap3A_369 = vector.shape_cast %mul3A_362 : vector<16xf32> to vector<1x16xf32>
        tpu.vector_store %arg7[%swap3A_365, %swap3A_366], %swap3A_369 {strides = array<i32>} : memref<128x128xf32, #tpu.memory_space<vmem>>, vector<1x16xf32>,
        %add3A_370 = arith.constant 3 : i32
        %add3A_371 = arith.addi %mul3A_179, %add3A_370 : i32
        %get3A_372 = arith.index_cast %add3A_371 : i32 to index
        %get3A_373 = arith.constant 0 : index
        %get3A_374 = tpu.vector_load %arg5[%get3A_372, %get3A_373] {strides = array<i32>} : memref<128x64xf32, #tpu.memory_space<vmem>>, vector<1x16xf32>,
        %get3A_375 = vector.shape_cast %get3A_374 : vector<1x16xf32> to vector<16xf32>
        %mul3A_376 = arith.constant 8.000000e+00 : f32
        %mul3A_377 = vector.broadcast %mul3A_376 : f32 to vector<16xf32>
        %mul3A_378 = arith.mulf %get3A_375, %mul3A_377 : vector<16xf32>
        %add3A_379 = arith.constant 3 : i32
        %add3A_380 = arith.addi %mul3A_179, %add3A_379 : i32
        %swap3A_381 = arith.index_cast %add3A_380 : i32 to index
        %swap3A_382 = arith.constant 0 : index
        %swap3A_383 = tpu.vector_load %arg7[%swap3A_381, %swap3A_382] {strides = array<i32>} : memref<128x128xf32, #tpu.memory_space<vmem>>, vector<1x16xf32>,
        %swap3A_384 = vector.shape_cast %swap3A_383 : vector<1x16xf32> to vector<16xf32>
        %swap3A_385 = vector.shape_cast %mul3A_378 : vector<16xf32> to vector<1x16xf32>
        tpu.vector_store %arg7[%swap3A_381, %swap3A_382], %swap3A_385 {strides = array<i32>} : memref<128x128xf32, #tpu.memory_space<vmem>>, vector<1x16xf32>,
        %add3A_386 = arith.constant 3 : i32
        %add3A_387 = arith.addi %mul3A_179, %add3A_386 : i32
        %get3A_388 = arith.index_cast %add3A_387 : i32 to index
        %get3A_389 = arith.constant 16 : index
        %get3A_390 = tpu.vector_load %arg5[%get3A_388, %get3A_389] {strides = array<i32>} : memref<128x64xf32, #tpu.memory_space<vmem>>, vector<1x16xf32>,
        %get3A_391 = vector.shape_cast %get3A_390 : vector<1x16xf32> to vector<16xf32>
        %mul3A_392 = arith.constant 8.000000e+00 : f32
        %mul3A_393 = vector.broadcast %mul3A_392 : f32 to vector<16xf32>
        %mul3A_394 = arith.mulf %get3A_391, %mul3A_393 : vector<16xf32>
        %add3A_395 = arith.constant 3 : i32
        %add3A_396 = arith.addi %mul3A_179, %add3A_395 : i32
        %swap3A_397 = arith.index_cast %add3A_396 : i32 to index
        %swap3A_398 = arith.constant 16 : index
        %swap3A_399 = tpu.vector_load %arg7[%swap3A_397, %swap3A_398] {strides = array<i32>} : memref<128x128xf32, #tpu.memory_space<vmem>>, vector<1x16xf32>,
        %swap3A_400 = vector.shape_cast %swap3A_399 : vector<1x16xf32> to vector<16xf32>
        %swap3A_401 = vector.shape_cast %mul3A_394 : vector<16xf32> to vector<1x16xf32>
        tpu.vector_store %arg7[%swap3A_397, %swap3A_398], %swap3A_401 {strides = array<i32>} : memref<128x128xf32, #tpu.memory_space<vmem>>, vector<1x16xf32>,
        %add3A_402 = arith.constant 3 : i32
        %add3A_403 = arith.addi %mul3A_179, %add3A_402 : i32
        %get3A_404 = arith.index_cast %add3A_403 : i32 to index
        %get3A_405 = arith.constant 32 : index
        %get3A_406 = tpu.vector_load %arg5[%get3A_404, %get3A_405] {strides = array<i32>} : memref<128x64xf32, #tpu.memory_space<vmem>>, vector<1x16xf32>,
        %get3A_407 = vector.shape_cast %get3A_406 : vector<1x16xf32> to vector<16xf32>
        %mul3A_408 = arith.constant 8.000000e+00 : f32
        %mul3A_409 = vector.broadcast %mul3A_408 : f32 to vector<16xf32>
        %mul3A_410 = arith.mulf %get3A_407, %mul3A_409 : vector<16xf32>
        %add3A_411 = arith.constant 3 : i32
        %add3A_412 = arith.addi %mul3A_179, %add3A_411 : i32
        %swap3A_413 = arith.index_cast %add3A_412 : i32 to index
        %swap3A_414 = arith.constant 32 : index
        %swap3A_415 = tpu.vector_load %arg7[%swap3A_413, %swap3A_414] {strides = array<i32>} : memref<128x128xf32, #tpu.memory_space<vmem>>, vector<1x16xf32>,
        %swap3A_416 = vector.shape_cast %swap3A_415 : vector<1x16xf32> to vector<16xf32>
        %swap3A_417 = vector.shape_cast %mul3A_410 : vector<16xf32> to vector<1x16xf32>
        tpu.vector_store %arg7[%swap3A_413, %swap3A_414], %swap3A_417 {strides = array<i32>} : memref<128x128xf32, #tpu.memory_space<vmem>>, vector<1x16xf32>,
        %add3A_418 = arith.constant 3 : i32
        %add3A_419 = arith.addi %mul3A_179, %add3A_418 : i32
        %get3A_420 = arith.index_cast %add3A_419 : i32 to index
        %get3A_421 = arith.constant 48 : index
        %get3A_422 = tpu.vector_load %arg5[%get3A_420, %get3A_421] {strides = array<i32>} : memref<128x64xf32, #tpu.memory_space<vmem>>, vector<1x16xf32>,
        %get3A_423 = vector.shape_cast %get3A_422 : vector<1x16xf32> to vector<16xf32>
        %mul3A_424 = arith.constant 8.000000e+00 : f32
        %mul3A_425 = vector.broadcast %mul3A_424 : f32 to vector<16xf32>
        %mul3A_426 = arith.mulf %get3A_423, %mul3A_425 : vector<16xf32>
        %add3A_427 = arith.constant 3 : i32
        %add3A_428 = arith.addi %mul3A_179, %add3A_427 : i32
        %swap3A_429 = arith.index_cast %add3A_428 : i32 to index
        %swap3A_430 = arith.constant 48 : index
        %swap3A_431 = tpu.vector_load %arg7[%swap3A_429, %swap3A_430] {strides = array<i32>} : memref<128x128xf32, #tpu.memory_space<vmem>>, vector<1x16xf32>,
        %swap3A_432 = vector.shape_cast %swap3A_431 : vector<1x16xf32> to vector<16xf32>
        %swap3A_433 = vector.shape_cast %mul3A_426 : vector<16xf32> to vector<1x16xf32>
        tpu.vector_store %arg7[%swap3A_429, %swap3A_430], %swap3A_433 {strides = array<i32>} : memref<128x128xf32, #tpu.memory_space<vmem>>, vector<1x16xf32>,
      }
      %scan3A_161 = arith.constant 32 : i32
      %add3A_162 = arith.constant 2 : i32
      %add3A_163 = arith.addi %add3A_141, %add3A_162 : i32
      %lt3A_164 = arith.cmpi slt, %add3A_163, %add3A_20 : i32
      %convert_element_type3A_165 = arith.extui %lt3A_164 : i1 to i32
      %cond3A_166 = arith.constant 0 : i32
      %cond3A_167 = arith.cmpi ne, %convert_element_type3A_165, %cond3A_166 : i32
      scf.if %cond3A_167 {
        %add3A_177 = arith.constant 2 : i32
        %add3A_178 = arith.addi %add3A_141, %add3A_177 : i32
        %mul3A_179 = arith.constant 32 : i32
        %mul3A_180 = arith.muli %mul3A_179, %add3A_178 : i32
        %add3A_181 = arith.addi %add3A, %mul3A_180 : i32
        %mul3A_182 = arith.constant 128 : i32
        %mul3A_183 = arith.muli %add3A_181, %mul3A_182 : i32
        %dma_start3A_184 = arith.constant 0 : i32
        %dma_start3A_185 = tpu.memref_slice %arg2[%mul3A_183, %dma_start3A_184] : memref<1000000x64xf32, #tpu.memory_space<hbm>> -> memref<128x64xf32, #tpu.memory_space<hbm>>
        %dma_start3A_186 = arith.constant 0 : i32
        %dma_start3A_187 = tpu.memref_slice %arg2[%mul3A_183, %dma_start3A_186] : memref<1000000x64xf32, #tpu.memory_space<hbm>> -> memref<128x64xf32, #tpu.memory_space<hbm>>
        tpu.enqueue_dma source(%dma_start3A_187 : memref<128x64xf32, #tpu.memory_space<hbm>>) target(%arg5 : memref<128x64xf32, #tpu.memory_space<vmem>>) target_semaphore(%arg9 : memref<!tpu.dma_semaphore, #tpu.memory_space<semaphore_mem>>)
      } else {
      }
      %mul3A_168 = arith.constant 32 : i32
      %mul3A_169 = arith.muli %mul3A_168, %add3A_141 : i32
      %add3A_170 = arith.addi %add3A, %mul3A_169 : i32
      %mul3A_171 = arith.constant 128 : i32
      %mul3A_172 = arith.muli %add3A_170, %mul3A_171 : i32
      %dma_start3A_173 = arith.constant 0 : i32
      %dma_start3A_174 = tpu.memref_slice %arg3[%mul3A_172, %dma_start3A_173] : memref<1000000x128xf32, #tpu.memory_space<hbm>> -> memref<128x128xf32, #tpu.memory_space<hbm>>
      %dma_start3A_175 = arith.constant 0 : i32
      %dma_start3A_176 = tpu.memref_slice %arg3[%mul3A_172, %dma_start3A_175] : memref<1000000x128xf32, #tpu.memory_space<hbm>> -> memref<128x128xf32, #tpu.memory_space<hbm>>
      tpu.enqueue_dma source(%arg7 : memref<128x128xf32, #tpu.memory_space<vmem>>) target(%dma_start3A_176 : memref<128x128xf32, #tpu.memory_space<hbm>>) target_semaphore(%arg11 : memref<!tpu.dma_semaphore, #tpu.memory_space<semaphore_mem>>)
    }
    %jit3A_69 = arith.constant 2 : i32
    %eq3A = arith.constant 0 : i32
    %eq3A_70 = arith.cmpi eq, %jit3A_69, %eq3A : i32
    %jit3A_71 = arith.constant 1 : i32
    %select_n3A_72 = arith.select %eq3A_70, %jit3A_71, %jit3A_69 : i32
    %rem3A_73 = arith.remsi %add3A_20, %select_n3A_72 : i32
    %ne3A_74 = arith.constant 0 : i32
    %ne3A_75 = arith.cmpi ne, %rem3A_73, %ne3A_74 : i32
    %lt3A = arith.constant 0 : i32
    %lt3A_76 = arith.cmpi slt, %rem3A_73, %lt3A : i32
    %lt3A_77 = arith.constant 0 : i32
    %lt3A_78 = arith.cmpi slt, %select_n3A_72, %lt3A_77 : i32
    %ne3A_79 = arith.xori %lt3A_76, %lt3A_78 : i1
    %and3A_80 = arith.andi %ne3A_79, %ne3A_75 : i1
    %add3A_81 = arith.addi %rem3A_73, %select_n3A_72 : i32
    %select_n3A_82 = arith.select %and3A_80, %add3A_81, %rem3A_73 : i32
    %eq3A_83 = arith.constant 1 : i32
    %eq3A_84 = arith.cmpi eq, %select_n3A_82, %eq3A_83 : i32
    %convert_element_type3A = arith.extui %eq3A_84 : i1 to i32
    %cond3A = arith.constant 0 : i32
    %cond3A_85 = arith.cmpi ne, %convert_element_type3A, %cond3A : i32
    scf.if %cond3A_85 {
      %sub3A_102 = arith.constant 1 : i32
      %sub3A_103 = arith.subi %add3A_20, %sub3A_102 : i32
      %mul3A_104 = arith.constant 32 : i32
      %mul3A_105 = arith.muli %mul3A_104, %sub3A_103 : i32
      %add3A_106 = arith.addi %add3A, %mul3A_105 : i32
      %mul3A_107 = arith.constant 128 : i32
      %mul3A_108 = arith.muli %add3A_106, %mul3A_107 : i32
      %dma_wait3A_109 = arith.constant 0 : i32
      %dma_wait3A_110 = tpu.memref_slice %arg2[%mul3A_108, %dma_wait3A_109] : memref<1000000x64xf32, #tpu.memory_space<hbm>> -> memref<128x64xf32, #tpu.memory_space<hbm>>
      %dma_wait3A_111 = arith.constant 0 : i32
      %dma_wait3A_112 = tpu.memref_slice %arg2[%mul3A_108, %dma_wait3A_111] : memref<1000000x64xf32, #tpu.memory_space<hbm>> -> memref<128x64xf32, #tpu.memory_space<hbm>>
      tpu.wait_dma2 semaphore(%arg8 : memref<!tpu.dma_semaphore, #tpu.memory_space<semaphore_mem>>) src(%dma_wait3A_112 : memref<128x64xf32, #tpu.memory_space<hbm>>) dst(%arg4 : memref<128x64xf32, #tpu.memory_space<vmem>>)
      %ge3A = arith.constant 2 : i32
      %ge3A_113 = arith.cmpi sge, %sub3A_103, %ge3A : i32
      %convert_element_type3A_114 = arith.extui %ge3A_113 : i1 to i32
      %cond3A_115 = arith.constant 0 : i32
      %cond3A_116 = arith.cmpi ne, %convert_element_type3A_114, %cond3A_115 : i32
      scf.if %cond3A_116 {
        %dma_wait3A_137 = arith.constant 0 : i32
        %dma_wait3A_138 = arith.constant 0 : i32
        %dma_wait3A_139 = tpu.memref_slice %arg3[%dma_wait3A_137, %dma_wait3A_138] : memref<1000000x128xf32, #tpu.memory_space<hbm>> -> memref<128x128xf32, #tpu.memory_space<hbm>>
        %dma_wait3A_140 = arith.constant 0 : i32
        %dma_wait3A_141 = arith.constant 0 : i32
        %dma_wait3A_142 = tpu.memref_slice %arg3[%dma_wait3A_140, %dma_wait3A_141] : memref<1000000x128xf32, #tpu.memory_space<hbm>> -> memref<128x128xf32, #tpu.memory_space<hbm>>
        tpu.wait_dma2 semaphore(%arg10 : memref<!tpu.dma_semaphore, #tpu.memory_space<semaphore_mem>>) src(%arg6 : memref<128x128xf32, #tpu.memory_space<vmem>>) dst(%dma_wait3A_142 : memref<128x128xf32, #tpu.memory_space<hbm>>)
      } else {
      }
      %scan3A = arith.constant 0 : i32
      %scan3A_117 = arith.constant 0 : i32
      %scan3A_118 = arith.constant 32 : i32
      %scan3A_119 = arith.addi %scan3A_117, %scan3A_118 : i32
      %scan3A_120 = arith.constant 1 : i32
      scf.for %scan3A_137 = %scan3A_117 to %scan3A_119 step %scan3A_120  : i32 {
        %mul3A_138 = arith.constant 4 : i32
        %mul3A_139 = arith.muli %scan3A_137, %mul3A_138 : i32
        %add3A_140 = arith.constant 0 : i32
        %add3A_141 = arith.addi %mul3A_139, %add3A_140 : i32
        %get3A = arith.index_cast %add3A_141 : i32 to index
        %get3A_142 = arith.constant 0 : index
        %get3A_143 = tpu.vector_load %arg4[%get3A, %get3A_142] {strides = array<i32>} : memref<128x64xf32, #tpu.memory_space<vmem>>, vector<1x16xf32>,
        %get3A_144 = vector.shape_cast %get3A_143 : vector<1x16xf32> to vector<16xf32>
        %mul3A_145 = arith.constant 8.000000e+00 : f32
        %mul3A_146 = vector.broadcast %mul3A_145 : f32 to vector<16xf32>
        %mul3A_147 = arith.mulf %get3A_144, %mul3A_146 : vector<16xf32>
        %add3A_148 = arith.constant 0 : i32
        %add3A_149 = arith.addi %mul3A_139, %add3A_148 : i32
        %swap3A = arith.index_cast %add3A_149 : i32 to index
        %swap3A_150 = arith.constant 0 : index
        %swap3A_151 = tpu.vector_load %arg6[%swap3A, %swap3A_150] {strides = array<i32>} : memref<128x128xf32, #tpu.memory_space<vmem>>, vector<1x16xf32>,
        %swap3A_152 = vector.shape_cast %swap3A_151 : vector<1x16xf32> to vector<16xf32>
        %swap3A_153 = vector.shape_cast %mul3A_147 : vector<16xf32> to vector<1x16xf32>
        tpu.vector_store %arg6[%swap3A, %swap3A_150], %swap3A_153 {strides = array<i32>} : memref<128x128xf32, #tpu.memory_space<vmem>>, vector<1x16xf32>,
        %add3A_154 = arith.constant 0 : i32
        %add3A_155 = arith.addi %mul3A_139, %add3A_154 : i32
        %get3A_156 = arith.index_cast %add3A_155 : i32 to index
        %get3A_157 = arith.constant 16 : index
        %get3A_158 = tpu.vector_load %arg4[%get3A_156, %get3A_157] {strides = array<i32>} : memref<128x64xf32, #tpu.memory_space<vmem>>, vector<1x16xf32>,
        %get3A_159 = vector.shape_cast %get3A_158 : vector<1x16xf32> to vector<16xf32>
        %mul3A_160 = arith.constant 8.000000e+00 : f32
        %mul3A_161 = vector.broadcast %mul3A_160 : f32 to vector<16xf32>
        %mul3A_162 = arith.mulf %get3A_159, %mul3A_161 : vector<16xf32>
        %add3A_163 = arith.constant 0 : i32
        %add3A_164 = arith.addi %mul3A_139, %add3A_163 : i32
        %swap3A_165 = arith.index_cast %add3A_164 : i32 to index
        %swap3A_166 = arith.constant 16 : index
        %swap3A_167 = tpu.vector_load %arg6[%swap3A_165, %swap3A_166] {strides = array<i32>} : memref<128x128xf32, #tpu.memory_space<vmem>>, vector<1x16xf32>,
        %swap3A_168 = vector.shape_cast %swap3A_167 : vector<1x16xf32> to vector<16xf32>
        %swap3A_169 = vector.shape_cast %mul3A_162 : vector<16xf32> to vector<1x16xf32>
        tpu.vector_store %arg6[%swap3A_165, %swap3A_166], %swap3A_169 {strides = array<i32>} : memref<128x128xf32, #tpu.memory_space<vmem>>, vector<1x16xf32>,
        %add3A_170 = arith.constant 0 : i32
        %add3A_171 = arith.addi %mul3A_139, %add3A_170 : i32
        %get3A_172 = arith.index_cast %add3A_171 : i32 to index
        %get3A_173 = arith.constant 32 : index
        %get3A_174 = tpu.vector_load %arg4[%get3A_172, %get3A_173] {strides = array<i32>} : memref<128x64xf32, #tpu.memory_space<vmem>>, vector<1x16xf32>,
        %get3A_175 = vector.shape_cast %get3A_174 : vector<1x16xf32> to vector<16xf32>
        %mul3A_176 = arith.constant 8.000000e+00 : f32
        %mul3A_177 = vector.broadcast %mul3A_176 : f32 to vector<16xf32>
        %mul3A_178 = arith.mulf %get3A_175, %mul3A_177 : vector<16xf32>
        %add3A_179 = arith.constant 0 : i32
        %add3A_180 = arith.addi %mul3A_139, %add3A_179 : i32
        %swap3A_181 = arith.index_cast %add3A_180 : i32 to index
        %swap3A_182 = arith.constant 32 : index
        %swap3A_183 = tpu.vector_load %arg6[%swap3A_181, %swap3A_182] {strides = array<i32>} : memref<128x128xf32, #tpu.memory_space<vmem>>, vector<1x16xf32>,
        %swap3A_184 = vector.shape_cast %swap3A_183 : vector<1x16xf32> to vector<16xf32>
        %swap3A_185 = vector.shape_cast %mul3A_178 : vector<16xf32> to vector<1x16xf32>
        tpu.vector_store %arg6[%swap3A_181, %swap3A_182], %swap3A_185 {strides = array<i32>} : memref<128x128xf32, #tpu.memory_space<vmem>>, vector<1x16xf32>,
        %add3A_186 = arith.constant 0 : i32
        %add3A_187 = arith.addi %mul3A_139, %add3A_186 : i32
        %get3A_188 = arith.index_cast %add3A_187 : i32 to index
        %get3A_189 = arith.constant 48 : index
        %get3A_190 = tpu.vector_load %arg4[%get3A_188, %get3A_189] {strides = array<i32>} : memref<128x64xf32, #tpu.memory_space<vmem>>, vector<1x16xf32>,
        %get3A_191 = vector.shape_cast %get3A_190 : vector<1x16xf32> to vector<16xf32>
        %mul3A_192 = arith.constant 8.000000e+00 : f32
        %mul3A_193 = vector.broadcast %mul3A_192 : f32 to vector<16xf32>
        %mul3A_194 = arith.mulf %get3A_191, %mul3A_193 : vector<16xf32>
        %add3A_195 = arith.constant 0 : i32
        %add3A_196 = arith.addi %mul3A_139, %add3A_195 : i32
        %swap3A_197 = arith.index_cast %add3A_196 : i32 to index
        %swap3A_198 = arith.constant 48 : index
        %swap3A_199 = tpu.vector_load %arg6[%swap3A_197, %swap3A_198] {strides = array<i32>} : memref<128x128xf32, #tpu.memory_space<vmem>>, vector<1x16xf32>,
        %swap3A_200 = vector.shape_cast %swap3A_199 : vector<1x16xf32> to vector<16xf32>
        %swap3A_201 = vector.shape_cast %mul3A_194 : vector<16xf32> to vector<1x16xf32>
        tpu.vector_store %arg6[%swap3A_197, %swap3A_198], %swap3A_201 {strides = array<i32>} : memref<128x128xf32, #tpu.memory_space<vmem>>, vector<1x16xf32>,
        %add3A_202 = arith.constant 1 : i32
        %add3A_203 = arith.addi %mul3A_139, %add3A_202 : i32
        %get3A_204 = arith.index_cast %add3A_203 : i32 to index
        %get3A_205 = arith.constant 0 : index
        %get3A_206 = tpu.vector_load %arg4[%get3A_204, %get3A_205] {strides = array<i32>} : memref<128x64xf32, #tpu.memory_space<vmem>>, vector<1x16xf32>,
        %get3A_207 = vector.shape_cast %get3A_206 : vector<1x16xf32> to vector<16xf32>
        %mul3A_208 = arith.constant 8.000000e+00 : f32
        %mul3A_209 = vector.broadcast %mul3A_208 : f32 to vector<16xf32>
        %mul3A_210 = arith.mulf %get3A_207, %mul3A_209 : vector<16xf32>
        %add3A_211 = arith.constant 1 : i32
        %add3A_212 = arith.addi %mul3A_139, %add3A_211 : i32
        %swap3A_213 = arith.index_cast %add3A_212 : i32 to index
        %swap3A_214 = arith.constant 0 : index
        %swap3A_215 = tpu.vector_load %arg6[%swap3A_213, %swap3A_214] {strides = array<i32>} : memref<128x128xf32, #tpu.memory_space<vmem>>, vector<1x16xf32>,
        %swap3A_216 = vector.shape_cast %swap3A_215 : vector<1x16xf32> to vector<16xf32>
        %swap3A_217 = vector.shape_cast %mul3A_210 : vector<16xf32> to vector<1x16xf32>
        tpu.vector_store %arg6[%swap3A_213, %swap3A_214], %swap3A_217 {strides = array<i32>} : memref<128x128xf32, #tpu.memory_space<vmem>>, vector<1x16xf32>,
        %add3A_218 = arith.constant 1 : i32
        %add3A_219 = arith.addi %mul3A_139, %add3A_218 : i32
        %get3A_220 = arith.index_cast %add3A_219 : i32 to index
        %get3A_221 = arith.constant 16 : index
        %get3A_222 = tpu.vector_load %arg4[%get3A_220, %get3A_221] {strides = array<i32>} : memref<128x64xf32, #tpu.memory_space<vmem>>, vector<1x16xf32>,
        %get3A_223 = vector.shape_cast %get3A_222 : vector<1x16xf32> to vector<16xf32>
        %mul3A_224 = arith.constant 8.000000e+00 : f32
        %mul3A_225 = vector.broadcast %mul3A_224 : f32 to vector<16xf32>
        %mul3A_226 = arith.mulf %get3A_223, %mul3A_225 : vector<16xf32>
        %add3A_227 = arith.constant 1 : i32
        %add3A_228 = arith.addi %mul3A_139, %add3A_227 : i32
        %swap3A_229 = arith.index_cast %add3A_228 : i32 to index
        %swap3A_230 = arith.constant 16 : index
        %swap3A_231 = tpu.vector_load %arg6[%swap3A_229, %swap3A_230] {strides = array<i32>} : memref<128x128xf32, #tpu.memory_space<vmem>>, vector<1x16xf32>,
        %swap3A_232 = vector.shape_cast %swap3A_231 : vector<1x16xf32> to vector<16xf32>
        %swap3A_233 = vector.shape_cast %mul3A_226 : vector<16xf32> to vector<1x16xf32>
        tpu.vector_store %arg6[%swap3A_229, %swap3A_230], %swap3A_233 {strides = array<i32>} : memref<128x128xf32, #tpu.memory_space<vmem>>, vector<1x16xf32>,
        %add3A_234 = arith.constant 1 : i32
        %add3A_235 = arith.addi %mul3A_139, %add3A_234 : i32
        %get3A_236 = arith.index_cast %add3A_235 : i32 to index
        %get3A_237 = arith.constant 32 : index
        %get3A_238 = tpu.vector_load %arg4[%get3A_236, %get3A_237] {strides = array<i32>} : memref<128x64xf32, #tpu.memory_space<vmem>>, vector<1x16xf32>,
        %get3A_239 = vector.shape_cast %get3A_238 : vector<1x16xf32> to vector<16xf32>
        %mul3A_240 = arith.constant 8.000000e+00 : f32
        %mul3A_241 = vector.broadcast %mul3A_240 : f32 to vector<16xf32>
        %mul3A_242 = arith.mulf %get3A_239, %mul3A_241 : vector<16xf32>
        %add3A_243 = arith.constant 1 : i32
        %add3A_244 = arith.addi %mul3A_139, %add3A_243 : i32
        %swap3A_245 = arith.index_cast %add3A_244 : i32 to index
        %swap3A_246 = arith.constant 32 : index
        %swap3A_247 = tpu.vector_load %arg6[%swap3A_245, %swap3A_246] {strides = array<i32>} : memref<128x128xf32, #tpu.memory_space<vmem>>, vector<1x16xf32>,
        %swap3A_248 = vector.shape_cast %swap3A_247 : vector<1x16xf32> to vector<16xf32>
        %swap3A_249 = vector.shape_cast %mul3A_242 : vector<16xf32> to vector<1x16xf32>
        tpu.vector_store %arg6[%swap3A_245, %swap3A_246], %swap3A_249 {strides = array<i32>} : memref<128x128xf32, #tpu.memory_space<vmem>>, vector<1x16xf32>,
        %add3A_250 = arith.constant 1 : i32
        %add3A_251 = arith.addi %mul3A_139, %add3A_250 : i32
        %get3A_252 = arith.index_cast %add3A_251 : i32 to index
        %get3A_253 = arith.constant 48 : index
        %get3A_254 = tpu.vector_load %arg4[%get3A_252, %get3A_253] {strides = array<i32>} : memref<128x64xf32, #tpu.memory_space<vmem>>, vector<1x16xf32>,
        %get3A_255 = vector.shape_cast %get3A_254 : vector<1x16xf32> to vector<16xf32>
        %mul3A_256 = arith.constant 8.000000e+00 : f32
        %mul3A_257 = vector.broadcast %mul3A_256 : f32 to vector<16xf32>
        %mul3A_258 = arith.mulf %get3A_255, %mul3A_257 : vector<16xf32>
        %add3A_259 = arith.constant 1 : i32
        %add3A_260 = arith.addi %mul3A_139, %add3A_259 : i32
        %swap3A_261 = arith.index_cast %add3A_260 : i32 to index
        %swap3A_262 = arith.constant 48 : index
        %swap3A_263 = tpu.vector_load %arg6[%swap3A_261, %swap3A_262] {strides = array<i32>} : memref<128x128xf32, #tpu.memory_space<vmem>>, vector<1x16xf32>,
        %swap3A_264 = vector.shape_cast %swap3A_263 : vector<1x16xf32> to vector<16xf32>
        %swap3A_265 = vector.shape_cast %mul3A_258 : vector<16xf32> to vector<1x16xf32>
        tpu.vector_store %arg6[%swap3A_261, %swap3A_262], %swap3A_265 {strides = array<i32>} : memref<128x128xf32, #tpu.memory_space<vmem>>, vector<1x16xf32>,
        %add3A_266 = arith.constant 2 : i32
        %add3A_267 = arith.addi %mul3A_139, %add3A_266 : i32
        %get3A_268 = arith.index_cast %add3A_267 : i32 to index
        %get3A_269 = arith.constant 0 : index
        %get3A_270 = tpu.vector_load %arg4[%get3A_268, %get3A_269] {strides = array<i32>} : memref<128x64xf32, #tpu.memory_space<vmem>>, vector<1x16xf32>,
        %get3A_271 = vector.shape_cast %get3A_270 : vector<1x16xf32> to vector<16xf32>
        %mul3A_272 = arith.constant 8.000000e+00 : f32
        %mul3A_273 = vector.broadcast %mul3A_272 : f32 to vector<16xf32>
        %mul3A_274 = arith.mulf %get3A_271, %mul3A_273 : vector<16xf32>
        %add3A_275 = arith.constant 2 : i32
        %add3A_276 = arith.addi %mul3A_139, %add3A_275 : i32
        %swap3A_277 = arith.index_cast %add3A_276 : i32 to index
        %swap3A_278 = arith.constant 0 : index
        %swap3A_279 = tpu.vector_load %arg6[%swap3A_277, %swap3A_278] {strides = array<i32>} : memref<128x128xf32, #tpu.memory_space<vmem>>, vector<1x16xf32>,
        %swap3A_280 = vector.shape_cast %swap3A_279 : vector<1x16xf32> to vector<16xf32>
        %swap3A_281 = vector.shape_cast %mul3A_274 : vector<16xf32> to vector<1x16xf32>
        tpu.vector_store %arg6[%swap3A_277, %swap3A_278], %swap3A_281 {strides = array<i32>} : memref<128x128xf32, #tpu.memory_space<vmem>>, vector<1x16xf32>,
        %add3A_282 = arith.constant 2 : i32
        %add3A_283 = arith.addi %mul3A_139, %add3A_282 : i32
        %get3A_284 = arith.index_cast %add3A_283 : i32 to index
        %get3A_285 = arith.constant 16 : index
        %get3A_286 = tpu.vector_load %arg4[%get3A_284, %get3A_285] {strides = array<i32>} : memref<128x64xf32, #tpu.memory_space<vmem>>, vector<1x16xf32>,
        %get3A_287 = vector.shape_cast %get3A_286 : vector<1x16xf32> to vector<16xf32>
        %mul3A_288 = arith.constant 8.000000e+00 : f32
        %mul3A_289 = vector.broadcast %mul3A_288 : f32 to vector<16xf32>
        %mul3A_290 = arith.mulf %get3A_287, %mul3A_289 : vector<16xf32>
        %add3A_291 = arith.constant 2 : i32
        %add3A_292 = arith.addi %mul3A_139, %add3A_291 : i32
        %swap3A_293 = arith.index_cast %add3A_292 : i32 to index
        %swap3A_294 = arith.constant 16 : index
        %swap3A_295 = tpu.vector_load %arg6[%swap3A_293, %swap3A_294] {strides = array<i32>} : memref<128x128xf32, #tpu.memory_space<vmem>>, vector<1x16xf32>,
        %swap3A_296 = vector.shape_cast %swap3A_295 : vector<1x16xf32> to vector<16xf32>
        %swap3A_297 = vector.shape_cast %mul3A_290 : vector<16xf32> to vector<1x16xf32>
        tpu.vector_store %arg6[%swap3A_293, %swap3A_294], %swap3A_297 {strides = array<i32>} : memref<128x128xf32, #tpu.memory_space<vmem>>, vector<1x16xf32>,
        %add3A_298 = arith.constant 2 : i32
        %add3A_299 = arith.addi %mul3A_139, %add3A_298 : i32
        %get3A_300 = arith.index_cast %add3A_299 : i32 to index
        %get3A_301 = arith.constant 32 : index
        %get3A_302 = tpu.vector_load %arg4[%get3A_300, %get3A_301] {strides = array<i32>} : memref<128x64xf32, #tpu.memory_space<vmem>>, vector<1x16xf32>,
        %get3A_303 = vector.shape_cast %get3A_302 : vector<1x16xf32> to vector<16xf32>
        %mul3A_304 = arith.constant 8.000000e+00 : f32
        %mul3A_305 = vector.broadcast %mul3A_304 : f32 to vector<16xf32>
        %mul3A_306 = arith.mulf %get3A_303, %mul3A_305 : vector<16xf32>
        %add3A_307 = arith.constant 2 : i32
        %add3A_308 = arith.addi %mul3A_139, %add3A_307 : i32
        %swap3A_309 = arith.index_cast %add3A_308 : i32 to index
        %swap3A_310 = arith.constant 32 : index
        %swap3A_311 = tpu.vector_load %arg6[%swap3A_309, %swap3A_310] {strides = array<i32>} : memref<128x128xf32, #tpu.memory_space<vmem>>, vector<1x16xf32>,
        %swap3A_312 = vector.shape_cast %swap3A_311 : vector<1x16xf32> to vector<16xf32>
        %swap3A_313 = vector.shape_cast %mul3A_306 : vector<16xf32> to vector<1x16xf32>
        tpu.vector_store %arg6[%swap3A_309, %swap3A_310], %swap3A_313 {strides = array<i32>} : memref<128x128xf32, #tpu.memory_space<vmem>>, vector<1x16xf32>,
        %add3A_314 = arith.constant 2 : i32
        %add3A_315 = arith.addi %mul3A_139, %add3A_314 : i32
        %get3A_316 = arith.index_cast %add3A_315 : i32 to index
        %get3A_317 = arith.constant 48 : index
        %get3A_318 = tpu.vector_load %arg4[%get3A_316, %get3A_317] {strides = array<i32>} : memref<128x64xf32, #tpu.memory_space<vmem>>, vector<1x16xf32>,
        %get3A_319 = vector.shape_cast %get3A_318 : vector<1x16xf32> to vector<16xf32>
        %mul3A_320 = arith.constant 8.000000e+00 : f32
        %mul3A_321 = vector.broadcast %mul3A_320 : f32 to vector<16xf32>
        %mul3A_322 = arith.mulf %get3A_319, %mul3A_321 : vector<16xf32>
        %add3A_323 = arith.constant 2 : i32
        %add3A_324 = arith.addi %mul3A_139, %add3A_323 : i32
        %swap3A_325 = arith.index_cast %add3A_324 : i32 to index
        %swap3A_326 = arith.constant 48 : index
        %swap3A_327 = tpu.vector_load %arg6[%swap3A_325, %swap3A_326] {strides = array<i32>} : memref<128x128xf32, #tpu.memory_space<vmem>>, vector<1x16xf32>,
        %swap3A_328 = vector.shape_cast %swap3A_327 : vector<1x16xf32> to vector<16xf32>
        %swap3A_329 = vector.shape_cast %mul3A_322 : vector<16xf32> to vector<1x16xf32>
        tpu.vector_store %arg6[%swap3A_325, %swap3A_326], %swap3A_329 {strides = array<i32>} : memref<128x128xf32, #tpu.memory_space<vmem>>, vector<1x16xf32>,
        %add3A_330 = arith.constant 3 : i32
        %add3A_331 = arith.addi %mul3A_139, %add3A_330 : i32
        %get3A_332 = arith.index_cast %add3A_331 : i32 to index
        %get3A_333 = arith.constant 0 : index
        %get3A_334 = tpu.vector_load %arg4[%get3A_332, %get3A_333] {strides = array<i32>} : memref<128x64xf32, #tpu.memory_space<vmem>>, vector<1x16xf32>,
        %get3A_335 = vector.shape_cast %get3A_334 : vector<1x16xf32> to vector<16xf32>
        %mul3A_336 = arith.constant 8.000000e+00 : f32
        %mul3A_337 = vector.broadcast %mul3A_336 : f32 to vector<16xf32>
        %mul3A_338 = arith.mulf %get3A_335, %mul3A_337 : vector<16xf32>
        %add3A_339 = arith.constant 3 : i32
        %add3A_340 = arith.addi %mul3A_139, %add3A_339 : i32
        %swap3A_341 = arith.index_cast %add3A_340 : i32 to index
        %swap3A_342 = arith.constant 0 : index
        %swap3A_343 = tpu.vector_load %arg6[%swap3A_341, %swap3A_342] {strides = array<i32>} : memref<128x128xf32, #tpu.memory_space<vmem>>, vector<1x16xf32>,
        %swap3A_344 = vector.shape_cast %swap3A_343 : vector<1x16xf32> to vector<16xf32>
        %swap3A_345 = vector.shape_cast %mul3A_338 : vector<16xf32> to vector<1x16xf32>
        tpu.vector_store %arg6[%swap3A_341, %swap3A_342], %swap3A_345 {strides = array<i32>} : memref<128x128xf32, #tpu.memory_space<vmem>>, vector<1x16xf32>,
        %add3A_346 = arith.constant 3 : i32
        %add3A_347 = arith.addi %mul3A_139, %add3A_346 : i32
        %get3A_348 = arith.index_cast %add3A_347 : i32 to index
        %get3A_349 = arith.constant 16 : index
        %get3A_350 = tpu.vector_load %arg4[%get3A_348, %get3A_349] {strides = array<i32>} : memref<128x64xf32, #tpu.memory_space<vmem>>, vector<1x16xf32>,
        %get3A_351 = vector.shape_cast %get3A_350 : vector<1x16xf32> to vector<16xf32>
        %mul3A_352 = arith.constant 8.000000e+00 : f32
        %mul3A_353 = vector.broadcast %mul3A_352 : f32 to vector<16xf32>
        %mul3A_354 = arith.mulf %get3A_351, %mul3A_353 : vector<16xf32>
        %add3A_355 = arith.constant 3 : i32
        %add3A_356 = arith.addi %mul3A_139, %add3A_355 : i32
        %swap3A_357 = arith.index_cast %add3A_356 : i32 to index
        %swap3A_358 = arith.constant 16 : index
        %swap3A_359 = tpu.vector_load %arg6[%swap3A_357, %swap3A_358] {strides = array<i32>} : memref<128x128xf32, #tpu.memory_space<vmem>>, vector<1x16xf32>,
        %swap3A_360 = vector.shape_cast %swap3A_359 : vector<1x16xf32> to vector<16xf32>
        %swap3A_361 = vector.shape_cast %mul3A_354 : vector<16xf32> to vector<1x16xf32>
        tpu.vector_store %arg6[%swap3A_357, %swap3A_358], %swap3A_361 {strides = array<i32>} : memref<128x128xf32, #tpu.memory_space<vmem>>, vector<1x16xf32>,
        %add3A_362 = arith.constant 3 : i32
        %add3A_363 = arith.addi %mul3A_139, %add3A_362 : i32
        %get3A_364 = arith.index_cast %add3A_363 : i32 to index
        %get3A_365 = arith.constant 32 : index
        %get3A_366 = tpu.vector_load %arg4[%get3A_364, %get3A_365] {strides = array<i32>} : memref<128x64xf32, #tpu.memory_space<vmem>>, vector<1x16xf32>,
        %get3A_367 = vector.shape_cast %get3A_366 : vector<1x16xf32> to vector<16xf32>
        %mul3A_368 = arith.constant 8.000000e+00 : f32
        %mul3A_369 = vector.broadcast %mul3A_368 : f32 to vector<16xf32>
        %mul3A_370 = arith.mulf %get3A_367, %mul3A_369 : vector<16xf32>
        %add3A_371 = arith.constant 3 : i32
        %add3A_372 = arith.addi %mul3A_139, %add3A_371 : i32
        %swap3A_373 = arith.index_cast %add3A_372 : i32 to index
        %swap3A_374 = arith.constant 32 : index
        %swap3A_375 = tpu.vector_load %arg6[%swap3A_373, %swap3A_374] {strides = array<i32>} : memref<128x128xf32, #tpu.memory_space<vmem>>, vector<1x16xf32>,
        %swap3A_376 = vector.shape_cast %swap3A_375 : vector<1x16xf32> to vector<16xf32>
        %swap3A_377 = vector.shape_cast %mul3A_370 : vector<16xf32> to vector<1x16xf32>
        tpu.vector_store %arg6[%swap3A_373, %swap3A_374], %swap3A_377 {strides = array<i32>} : memref<128x128xf32, #tpu.memory_space<vmem>>, vector<1x16xf32>,
        %add3A_378 = arith.constant 3 : i32
        %add3A_379 = arith.addi %mul3A_139, %add3A_378 : i32
        %get3A_380 = arith.index_cast %add3A_379 : i32 to index
        %get3A_381 = arith.constant 48 : index
        %get3A_382 = tpu.vector_load %arg4[%get3A_380, %get3A_381] {strides = array<i32>} : memref<128x64xf32, #tpu.memory_space<vmem>>, vector<1x16xf32>,
        %get3A_383 = vector.shape_cast %get3A_382 : vector<1x16xf32> to vector<16xf32>
        %mul3A_384 = arith.constant 8.000000e+00 : f32
        %mul3A_385 = vector.broadcast %mul3A_384 : f32 to vector<16xf32>
        %mul3A_386 = arith.mulf %get3A_383, %mul3A_385 : vector<16xf32>
        %add3A_387 = arith.constant 3 : i32
        %add3A_388 = arith.addi %mul3A_139, %add3A_387 : i32
        %swap3A_389 = arith.index_cast %add3A_388 : i32 to index
        %swap3A_390 = arith.constant 48 : index
        %swap3A_391 = tpu.vector_load %arg6[%swap3A_389, %swap3A_390] {strides = array<i32>} : memref<128x128xf32, #tpu.memory_space<vmem>>, vector<1x16xf32>,
        %swap3A_392 = vector.shape_cast %swap3A_391 : vector<1x16xf32> to vector<16xf32>
        %swap3A_393 = vector.shape_cast %mul3A_386 : vector<16xf32> to vector<1x16xf32>
        tpu.vector_store %arg6[%swap3A_389, %swap3A_390], %swap3A_393 {strides = array<i32>} : memref<128x128xf32, #tpu.memory_space<vmem>>, vector<1x16xf32>,
      }
      %scan3A_121 = arith.constant 32 : i32
      %add3A_122 = arith.constant 2 : i32
      %add3A_123 = arith.addi %sub3A_103, %add3A_122 : i32
      %lt3A_124 = arith.cmpi slt, %add3A_123, %add3A_20 : i32
      %convert_element_type3A_125 = arith.extui %lt3A_124 : i1 to i32
      %cond3A_126 = arith.constant 0 : i32
      %cond3A_127 = arith.cmpi ne, %convert_element_type3A_125, %cond3A_126 : i32
      scf.if %cond3A_127 {
        %add3A_137 = arith.constant 2 : i32
        %add3A_138 = arith.addi %sub3A_103, %add3A_137 : i32
        %mul3A_139 = arith.constant 32 : i32
        %mul3A_140 = arith.muli %mul3A_139, %add3A_138 : i32
        %add3A_141 = arith.addi %add3A, %mul3A_140 : i32
        %mul3A_142 = arith.constant 128 : i32
        %mul3A_143 = arith.muli %add3A_141, %mul3A_142 : i32
        %dma_start3A_144 = arith.constant 0 : i32
        %dma_start3A_145 = tpu.memref_slice %arg2[%mul3A_143, %dma_start3A_144] : memref<1000000x64xf32, #tpu.memory_space<hbm>> -> memref<128x64xf32, #tpu.memory_space<hbm>>
        %dma_start3A_146 = arith.constant 0 : i32
        %dma_start3A_147 = tpu.memref_slice %arg2[%mul3A_143, %dma_start3A_146] : memref<1000000x64xf32, #tpu.memory_space<hbm>> -> memref<128x64xf32, #tpu.memory_space<hbm>>
        tpu.enqueue_dma source(%dma_start3A_147 : memref<128x64xf32, #tpu.memory_space<hbm>>) target(%arg4 : memref<128x64xf32, #tpu.memory_space<vmem>>) target_semaphore(%arg8 : memref<!tpu.dma_semaphore, #tpu.memory_space<semaphore_mem>>)
      } else {
      }
      %mul3A_128 = arith.constant 32 : i32
      %mul3A_129 = arith.muli %mul3A_128, %sub3A_103 : i32
      %add3A_130 = arith.addi %add3A, %mul3A_129 : i32
      %mul3A_131 = arith.constant 128 : i32
      %mul3A_132 = arith.muli %add3A_130, %mul3A_131 : i32
      %dma_start3A_133 = arith.constant 0 : i32
      %dma_start3A_134 = tpu.memref_slice %arg3[%mul3A_132, %dma_start3A_133] : memref<1000000x128xf32, #tpu.memory_space<hbm>> -> memref<128x128xf32, #tpu.memory_space<hbm>>
      %dma_start3A_135 = arith.constant 0 : i32
      %dma_start3A_136 = tpu.memref_slice %arg3[%mul3A_132, %dma_start3A_135] : memref<1000000x128xf32, #tpu.memory_space<hbm>> -> memref<128x128xf32, #tpu.memory_space<hbm>>
      tpu.enqueue_dma source(%arg6 : memref<128x128xf32, #tpu.memory_space<vmem>>) target(%dma_start3A_136 : memref<128x128xf32, #tpu.memory_space<hbm>>) target_semaphore(%arg10 : memref<!tpu.dma_semaphore, #tpu.memory_space<semaphore_mem>>)
    } else {
    }
    %dma_wait3A = arith.constant 0 : i32
    %dma_wait3A_86 = arith.constant 0 : i32
    %dma_wait3A_87 = tpu.memref_slice %arg3[%dma_wait3A, %dma_wait3A_86] : memref<1000000x128xf32, #tpu.memory_space<hbm>> -> memref<128x128xf32, #tpu.memory_space<hbm>>
    %dma_wait3A_88 = arith.constant 0 : i32
    %dma_wait3A_89 = arith.constant 0 : i32
    %dma_wait3A_90 = tpu.memref_slice %arg3[%dma_wait3A_88, %dma_wait3A_89] : memref<1000000x128xf32, #tpu.memory_space<hbm>> -> memref<128x128xf32, #tpu.memory_space<hbm>>
    tpu.wait_dma2 semaphore(%arg10 : memref<!tpu.dma_semaphore, #tpu.memory_space<semaphore_mem>>) src(%arg6 : memref<128x128xf32, #tpu.memory_space<vmem>>) dst(%dma_wait3A_90 : memref<128x128xf32, #tpu.memory_space<hbm>>)
    %dma_wait3A_91 = arith.constant 0 : i32
    %dma_wait3A_92 = arith.constant 0 : i32
    %dma_wait3A_93 = tpu.memref_slice %arg3[%dma_wait3A_91, %dma_wait3A_92] : memref<1000000x128xf32, #tpu.memory_space<hbm>> -> memref<128x128xf32, #tpu.memory_space<hbm>>
    %dma_wait3A_94 = arith.constant 0 : i32
    %dma_wait3A_95 = arith.constant 0 : i32
    %dma_wait3A_96 = tpu.memref_slice %arg3[%dma_wait3A_94, %dma_wait3A_95] : memref<1000000x128xf32, #tpu.memory_space<hbm>> -> memref<128x128xf32, #tpu.memory_space<hbm>>
    tpu.wait_dma2 semaphore(%arg11 : memref<!tpu.dma_semaphore, #tpu.memory_space<semaphore_mem>>) src(%arg7 : memref<128x128xf32, #tpu.memory_space<vmem>>) dst(%dma_wait3A_96 : memref<128x128xf32, #tpu.memory_space<hbm>>)
    %eq3A_97 = arith.constant 4 : i32
    %eq3A_98 = arith.cmpi eq, %add3A, %eq3A_97 : i32
    %convert_element_type3A_99 = arith.extui %eq3A_98 : i1 to i32
    %cond3A_100 = arith.constant 0 : i32
    %cond3A_101 = arith.cmpi ne, %convert_element_type3A_99, %cond3A_100 : i32
    scf.if %cond3A_101 {
      %dma_start3A_102 = arith.constant 0 : i32
      %dma_start3A_103 = arith.constant 0 : i32
      %dma_start3A_104 = tpu.memref_slice %arg4[%dma_start3A_102, %dma_start3A_103] : memref<128x64xf32, #tpu.memory_space<vmem>> -> memref<64x64xf32, #tpu.memory_space<vmem>>
      %dma_start3A_105 = arith.constant 999936 : i32
      %dma_start3A_106 = arith.constant 0 : i32
      %dma_start3A_107 = tpu.memref_slice %arg2[%dma_start3A_105, %dma_start3A_106] : memref<1000000x64xf32, #tpu.memory_space<hbm>> -> memref<64x64xf32, #tpu.memory_space<hbm>>
      %dma_start3A_108 = arith.constant 0 : i32
      %dma_start3A_109 = arith.constant 0 : i32
      %dma_start3A_110 = tpu.memref_slice %arg4[%dma_start3A_108, %dma_start3A_109] : memref<128x64xf32, #tpu.memory_space<vmem>> -> memref<64x64xf32, #tpu.memory_space<vmem>>
      %dma_start3A_111 = arith.constant 999936 : i32
      %dma_start3A_112 = arith.constant 0 : i32
      %dma_start3A_113 = tpu.memref_slice %arg2[%dma_start3A_111, %dma_start3A_112] : memref<1000000x64xf32, #tpu.memory_space<hbm>> -> memref<64x64xf32, #tpu.memory_space<hbm>>
      tpu.enqueue_dma source(%dma_start3A_113 : memref<64x64xf32, #tpu.memory_space<hbm>>) target(%dma_start3A_110 : memref<64x64xf32, #tpu.memory_space<vmem>>) target_semaphore(%arg8 : memref<!tpu.dma_semaphore, #tpu.memory_space<semaphore_mem>>)
      %dma_wait3A_114 = arith.constant 0 : i32
      %dma_wait3A_115 = arith.constant 0 : i32
      %dma_wait3A_116 = tpu.memref_slice %arg4[%dma_wait3A_114, %dma_wait3A_115] : memref<128x64xf32, #tpu.memory_space<vmem>> -> memref<64x64xf32, #tpu.memory_space<vmem>>
      %dma_wait3A_117 = arith.constant 999936 : i32
      %dma_wait3A_118 = arith.constant 0 : i32
      %dma_wait3A_119 = tpu.memref_slice %arg2[%dma_wait3A_117, %dma_wait3A_118] : memref<1000000x64xf32, #tpu.memory_space<hbm>> -> memref<64x64xf32, #tpu.memory_space<hbm>>
      %dma_wait3A_120 = arith.constant 0 : i32
      %dma_wait3A_121 = arith.constant 0 : i32
      %dma_wait3A_122 = tpu.memref_slice %arg4[%dma_wait3A_120, %dma_wait3A_121] : memref<128x64xf32, #tpu.memory_space<vmem>> -> memref<64x64xf32, #tpu.memory_space<vmem>>
      %dma_wait3A_123 = arith.constant 999936 : i32
      %dma_wait3A_124 = arith.constant 0 : i32
      %dma_wait3A_125 = tpu.memref_slice %arg2[%dma_wait3A_123, %dma_wait3A_124] : memref<1000000x64xf32, #tpu.memory_space<hbm>> -> memref<64x64xf32, #tpu.memory_space<hbm>>
      tpu.wait_dma2 semaphore(%arg8 : memref<!tpu.dma_semaphore, #tpu.memory_space<semaphore_mem>>) src(%dma_wait3A_125 : memref<64x64xf32, #tpu.memory_space<hbm>>) dst(%dma_wait3A_122 : memref<64x64xf32, #tpu.memory_space<vmem>>)
      %scan3A = arith.constant 0 : i32
      %scan3A_126 = arith.constant 0 : i32
      %scan3A_127 = arith.constant 16 : i32
      %scan3A_128 = arith.addi %scan3A_126, %scan3A_127 : i32
      %scan3A_129 = arith.constant 1 : i32
      scf.for %scan3A_155 = %scan3A_126 to %scan3A_128 step %scan3A_129  : i32 {
        %mul3A_156 = arith.constant 4 : i32
        %mul3A_157 = arith.muli %scan3A_155, %mul3A_156 : i32
        %add3A_158 = arith.constant 0 : i32
        %add3A_159 = arith.addi %mul3A_157, %add3A_158 : i32
        %get3A = arith.index_cast %add3A_159 : i32 to index
        %get3A_160 = arith.constant 0 : index
        %get3A_161 = tpu.vector_load %arg4[%get3A, %get3A_160] {strides = array<i32>} : memref<128x64xf32, #tpu.memory_space<vmem>>, vector<1x16xf32>,
        %get3A_162 = vector.shape_cast %get3A_161 : vector<1x16xf32> to vector<16xf32>
        %mul3A_163 = arith.constant 8.000000e+00 : f32
        %mul3A_164 = vector.broadcast %mul3A_163 : f32 to vector<16xf32>
        %mul3A_165 = arith.mulf %get3A_162, %mul3A_164 : vector<16xf32>
        %add3A_166 = arith.constant 0 : i32
        %add3A_167 = arith.addi %mul3A_157, %add3A_166 : i32
        %swap3A = arith.index_cast %add3A_167 : i32 to index
        %swap3A_168 = arith.constant 0 : index
        %swap3A_169 = tpu.vector_load %arg6[%swap3A, %swap3A_168] {strides = array<i32>} : memref<128x128xf32, #tpu.memory_space<vmem>>, vector<1x16xf32>,
        %swap3A_170 = vector.shape_cast %swap3A_169 : vector<1x16xf32> to vector<16xf32>
        %swap3A_171 = vector.shape_cast %mul3A_165 : vector<16xf32> to vector<1x16xf32>
        tpu.vector_store %arg6[%swap3A, %swap3A_168], %swap3A_171 {strides = array<i32>} : memref<128x128xf32, #tpu.memory_space<vmem>>, vector<1x16xf32>,
        %add3A_172 = arith.constant 0 : i32
        %add3A_173 = arith.addi %mul3A_157, %add3A_172 : i32
        %get3A_174 = arith.index_cast %add3A_173 : i32 to index
        %get3A_175 = arith.constant 16 : index
        %get3A_176 = tpu.vector_load %arg4[%get3A_174, %get3A_175] {strides = array<i32>} : memref<128x64xf32, #tpu.memory_space<vmem>>, vector<1x16xf32>,
        %get3A_177 = vector.shape_cast %get3A_176 : vector<1x16xf32> to vector<16xf32>
        %mul3A_178 = arith.constant 8.000000e+00 : f32
        %mul3A_179 = vector.broadcast %mul3A_178 : f32 to vector<16xf32>
        %mul3A_180 = arith.mulf %get3A_177, %mul3A_179 : vector<16xf32>
        %add3A_181 = arith.constant 0 : i32
        %add3A_182 = arith.addi %mul3A_157, %add3A_181 : i32
        %swap3A_183 = arith.index_cast %add3A_182 : i32 to index
        %swap3A_184 = arith.constant 16 : index
        %swap3A_185 = tpu.vector_load %arg6[%swap3A_183, %swap3A_184] {strides = array<i32>} : memref<128x128xf32, #tpu.memory_space<vmem>>, vector<1x16xf32>,
        %swap3A_186 = vector.shape_cast %swap3A_185 : vector<1x16xf32> to vector<16xf32>
        %swap3A_187 = vector.shape_cast %mul3A_180 : vector<16xf32> to vector<1x16xf32>
        tpu.vector_store %arg6[%swap3A_183, %swap3A_184], %swap3A_187 {strides = array<i32>} : memref<128x128xf32, #tpu.memory_space<vmem>>, vector<1x16xf32>,
        %add3A_188 = arith.constant 0 : i32
        %add3A_189 = arith.addi %mul3A_157, %add3A_188 : i32
        %get3A_190 = arith.index_cast %add3A_189 : i32 to index
        %get3A_191 = arith.constant 32 : index
        %get3A_192 = tpu.vector_load %arg4[%get3A_190, %get3A_191] {strides = array<i32>} : memref<128x64xf32, #tpu.memory_space<vmem>>, vector<1x16xf32>,
        %get3A_193 = vector.shape_cast %get3A_192 : vector<1x16xf32> to vector<16xf32>
        %mul3A_194 = arith.constant 8.000000e+00 : f32
        %mul3A_195 = vector.broadcast %mul3A_194 : f32 to vector<16xf32>
        %mul3A_196 = arith.mulf %get3A_193, %mul3A_195 : vector<16xf32>
        %add3A_197 = arith.constant 0 : i32
        %add3A_198 = arith.addi %mul3A_157, %add3A_197 : i32
        %swap3A_199 = arith.index_cast %add3A_198 : i32 to index
        %swap3A_200 = arith.constant 32 : index
        %swap3A_201 = tpu.vector_load %arg6[%swap3A_199, %swap3A_200] {strides = array<i32>} : memref<128x128xf32, #tpu.memory_space<vmem>>, vector<1x16xf32>,
        %swap3A_202 = vector.shape_cast %swap3A_201 : vector<1x16xf32> to vector<16xf32>
        %swap3A_203 = vector.shape_cast %mul3A_196 : vector<16xf32> to vector<1x16xf32>
        tpu.vector_store %arg6[%swap3A_199, %swap3A_200], %swap3A_203 {strides = array<i32>} : memref<128x128xf32, #tpu.memory_space<vmem>>, vector<1x16xf32>,
        %add3A_204 = arith.constant 0 : i32
        %add3A_205 = arith.addi %mul3A_157, %add3A_204 : i32
        %get3A_206 = arith.index_cast %add3A_205 : i32 to index
        %get3A_207 = arith.constant 48 : index
        %get3A_208 = tpu.vector_load %arg4[%get3A_206, %get3A_207] {strides = array<i32>} : memref<128x64xf32, #tpu.memory_space<vmem>>, vector<1x16xf32>,
        %get3A_209 = vector.shape_cast %get3A_208 : vector<1x16xf32> to vector<16xf32>
        %mul3A_210 = arith.constant 8.000000e+00 : f32
        %mul3A_211 = vector.broadcast %mul3A_210 : f32 to vector<16xf32>
        %mul3A_212 = arith.mulf %get3A_209, %mul3A_211 : vector<16xf32>
        %add3A_213 = arith.constant 0 : i32
        %add3A_214 = arith.addi %mul3A_157, %add3A_213 : i32
        %swap3A_215 = arith.index_cast %add3A_214 : i32 to index
        %swap3A_216 = arith.constant 48 : index
        %swap3A_217 = tpu.vector_load %arg6[%swap3A_215, %swap3A_216] {strides = array<i32>} : memref<128x128xf32, #tpu.memory_space<vmem>>, vector<1x16xf32>,
        %swap3A_218 = vector.shape_cast %swap3A_217 : vector<1x16xf32> to vector<16xf32>
        %swap3A_219 = vector.shape_cast %mul3A_212 : vector<16xf32> to vector<1x16xf32>
        tpu.vector_store %arg6[%swap3A_215, %swap3A_216], %swap3A_219 {strides = array<i32>} : memref<128x128xf32, #tpu.memory_space<vmem>>, vector<1x16xf32>,
        %add3A_220 = arith.constant 1 : i32
        %add3A_221 = arith.addi %mul3A_157, %add3A_220 : i32
        %get3A_222 = arith.index_cast %add3A_221 : i32 to index
        %get3A_223 = arith.constant 0 : index
        %get3A_224 = tpu.vector_load %arg4[%get3A_222, %get3A_223] {strides = array<i32>} : memref<128x64xf32, #tpu.memory_space<vmem>>, vector<1x16xf32>,
        %get3A_225 = vector.shape_cast %get3A_224 : vector<1x16xf32> to vector<16xf32>
        %mul3A_226 = arith.constant 8.000000e+00 : f32
        %mul3A_227 = vector.broadcast %mul3A_226 : f32 to vector<16xf32>
        %mul3A_228 = arith.mulf %get3A_225, %mul3A_227 : vector<16xf32>
        %add3A_229 = arith.constant 1 : i32
        %add3A_230 = arith.addi %mul3A_157, %add3A_229 : i32
        %swap3A_231 = arith.index_cast %add3A_230 : i32 to index
        %swap3A_232 = arith.constant 0 : index
        %swap3A_233 = tpu.vector_load %arg6[%swap3A_231, %swap3A_232] {strides = array<i32>} : memref<128x128xf32, #tpu.memory_space<vmem>>, vector<1x16xf32>,
        %swap3A_234 = vector.shape_cast %swap3A_233 : vector<1x16xf32> to vector<16xf32>
        %swap3A_235 = vector.shape_cast %mul3A_228 : vector<16xf32> to vector<1x16xf32>
        tpu.vector_store %arg6[%swap3A_231, %swap3A_232], %swap3A_235 {strides = array<i32>} : memref<128x128xf32, #tpu.memory_space<vmem>>, vector<1x16xf32>,
        %add3A_236 = arith.constant 1 : i32
        %add3A_237 = arith.addi %mul3A_157, %add3A_236 : i32
        %get3A_238 = arith.index_cast %add3A_237 : i32 to index
        %get3A_239 = arith.constant 16 : index
        %get3A_240 = tpu.vector_load %arg4[%get3A_238, %get3A_239] {strides = array<i32>} : memref<128x64xf32, #tpu.memory_space<vmem>>, vector<1x16xf32>,
        %get3A_241 = vector.shape_cast %get3A_240 : vector<1x16xf32> to vector<16xf32>
        %mul3A_242 = arith.constant 8.000000e+00 : f32
        %mul3A_243 = vector.broadcast %mul3A_242 : f32 to vector<16xf32>
        %mul3A_244 = arith.mulf %get3A_241, %mul3A_243 : vector<16xf32>
        %add3A_245 = arith.constant 1 : i32
        %add3A_246 = arith.addi %mul3A_157, %add3A_245 : i32
        %swap3A_247 = arith.index_cast %add3A_246 : i32 to index
        %swap3A_248 = arith.constant 16 : index
        %swap3A_249 = tpu.vector_load %arg6[%swap3A_247, %swap3A_248] {strides = array<i32>} : memref<128x128xf32, #tpu.memory_space<vmem>>, vector<1x16xf32>,
        %swap3A_250 = vector.shape_cast %swap3A_249 : vector<1x16xf32> to vector<16xf32>
        %swap3A_251 = vector.shape_cast %mul3A_244 : vector<16xf32> to vector<1x16xf32>
        tpu.vector_store %arg6[%swap3A_247, %swap3A_248], %swap3A_251 {strides = array<i32>} : memref<128x128xf32, #tpu.memory_space<vmem>>, vector<1x16xf32>,
        %add3A_252 = arith.constant 1 : i32
        %add3A_253 = arith.addi %mul3A_157, %add3A_252 : i32
        %get3A_254 = arith.index_cast %add3A_253 : i32 to index
        %get3A_255 = arith.constant 32 : index
        %get3A_256 = tpu.vector_load %arg4[%get3A_254, %get3A_255] {strides = array<i32>} : memref<128x64xf32, #tpu.memory_space<vmem>>, vector<1x16xf32>,
        %get3A_257 = vector.shape_cast %get3A_256 : vector<1x16xf32> to vector<16xf32>
        %mul3A_258 = arith.constant 8.000000e+00 : f32
        %mul3A_259 = vector.broadcast %mul3A_258 : f32 to vector<16xf32>
        %mul3A_260 = arith.mulf %get3A_257, %mul3A_259 : vector<16xf32>
        %add3A_261 = arith.constant 1 : i32
        %add3A_262 = arith.addi %mul3A_157, %add3A_261 : i32
        %swap3A_263 = arith.index_cast %add3A_262 : i32 to index
        %swap3A_264 = arith.constant 32 : index
        %swap3A_265 = tpu.vector_load %arg6[%swap3A_263, %swap3A_264] {strides = array<i32>} : memref<128x128xf32, #tpu.memory_space<vmem>>, vector<1x16xf32>,
        %swap3A_266 = vector.shape_cast %swap3A_265 : vector<1x16xf32> to vector<16xf32>
        %swap3A_267 = vector.shape_cast %mul3A_260 : vector<16xf32> to vector<1x16xf32>
        tpu.vector_store %arg6[%swap3A_263, %swap3A_264], %swap3A_267 {strides = array<i32>} : memref<128x128xf32, #tpu.memory_space<vmem>>, vector<1x16xf32>,
        %add3A_268 = arith.constant 1 : i32
        %add3A_269 = arith.addi %mul3A_157, %add3A_268 : i32
        %get3A_270 = arith.index_cast %add3A_269 : i32 to index
        %get3A_271 = arith.constant 48 : index
        %get3A_272 = tpu.vector_load %arg4[%get3A_270, %get3A_271] {strides = array<i32>} : memref<128x64xf32, #tpu.memory_space<vmem>>, vector<1x16xf32>,
        %get3A_273 = vector.shape_cast %get3A_272 : vector<1x16xf32> to vector<16xf32>
        %mul3A_274 = arith.constant 8.000000e+00 : f32
        %mul3A_275 = vector.broadcast %mul3A_274 : f32 to vector<16xf32>
        %mul3A_276 = arith.mulf %get3A_273, %mul3A_275 : vector<16xf32>
        %add3A_277 = arith.constant 1 : i32
        %add3A_278 = arith.addi %mul3A_157, %add3A_277 : i32
        %swap3A_279 = arith.index_cast %add3A_278 : i32 to index
        %swap3A_280 = arith.constant 48 : index
        %swap3A_281 = tpu.vector_load %arg6[%swap3A_279, %swap3A_280] {strides = array<i32>} : memref<128x128xf32, #tpu.memory_space<vmem>>, vector<1x16xf32>,
        %swap3A_282 = vector.shape_cast %swap3A_281 : vector<1x16xf32> to vector<16xf32>
        %swap3A_283 = vector.shape_cast %mul3A_276 : vector<16xf32> to vector<1x16xf32>
        tpu.vector_store %arg6[%swap3A_279, %swap3A_280], %swap3A_283 {strides = array<i32>} : memref<128x128xf32, #tpu.memory_space<vmem>>, vector<1x16xf32>,
        %add3A_284 = arith.constant 2 : i32
        %add3A_285 = arith.addi %mul3A_157, %add3A_284 : i32
        %get3A_286 = arith.index_cast %add3A_285 : i32 to index
        %get3A_287 = arith.constant 0 : index
        %get3A_288 = tpu.vector_load %arg4[%get3A_286, %get3A_287] {strides = array<i32>} : memref<128x64xf32, #tpu.memory_space<vmem>>, vector<1x16xf32>,
        %get3A_289 = vector.shape_cast %get3A_288 : vector<1x16xf32> to vector<16xf32>
        %mul3A_290 = arith.constant 8.000000e+00 : f32
        %mul3A_291 = vector.broadcast %mul3A_290 : f32 to vector<16xf32>
        %mul3A_292 = arith.mulf %get3A_289, %mul3A_291 : vector<16xf32>
        %add3A_293 = arith.constant 2 : i32
        %add3A_294 = arith.addi %mul3A_157, %add3A_293 : i32
        %swap3A_295 = arith.index_cast %add3A_294 : i32 to index
        %swap3A_296 = arith.constant 0 : index
        %swap3A_297 = tpu.vector_load %arg6[%swap3A_295, %swap3A_296] {strides = array<i32>} : memref<128x128xf32, #tpu.memory_space<vmem>>, vector<1x16xf32>,
        %swap3A_298 = vector.shape_cast %swap3A_297 : vector<1x16xf32> to vector<16xf32>
        %swap3A_299 = vector.shape_cast %mul3A_292 : vector<16xf32> to vector<1x16xf32>
        tpu.vector_store %arg6[%swap3A_295, %swap3A_296], %swap3A_299 {strides = array<i32>} : memref<128x128xf32, #tpu.memory_space<vmem>>, vector<1x16xf32>,
        %add3A_300 = arith.constant 2 : i32
        %add3A_301 = arith.addi %mul3A_157, %add3A_300 : i32
        %get3A_302 = arith.index_cast %add3A_301 : i32 to index
        %get3A_303 = arith.constant 16 : index
        %get3A_304 = tpu.vector_load %arg4[%get3A_302, %get3A_303] {strides = array<i32>} : memref<128x64xf32, #tpu.memory_space<vmem>>, vector<1x16xf32>,
        %get3A_305 = vector.shape_cast %get3A_304 : vector<1x16xf32> to vector<16xf32>
        %mul3A_306 = arith.constant 8.000000e+00 : f32
        %mul3A_307 = vector.broadcast %mul3A_306 : f32 to vector<16xf32>
        %mul3A_308 = arith.mulf %get3A_305, %mul3A_307 : vector<16xf32>
        %add3A_309 = arith.constant 2 : i32
        %add3A_310 = arith.addi %mul3A_157, %add3A_309 : i32
        %swap3A_311 = arith.index_cast %add3A_310 : i32 to index
        %swap3A_312 = arith.constant 16 : index
        %swap3A_313 = tpu.vector_load %arg6[%swap3A_311, %swap3A_312] {strides = array<i32>} : memref<128x128xf32, #tpu.memory_space<vmem>>, vector<1x16xf32>,
        %swap3A_314 = vector.shape_cast %swap3A_313 : vector<1x16xf32> to vector<16xf32>
        %swap3A_315 = vector.shape_cast %mul3A_308 : vector<16xf32> to vector<1x16xf32>
        tpu.vector_store %arg6[%swap3A_311, %swap3A_312], %swap3A_315 {strides = array<i32>} : memref<128x128xf32, #tpu.memory_space<vmem>>, vector<1x16xf32>,
        %add3A_316 = arith.constant 2 : i32
        %add3A_317 = arith.addi %mul3A_157, %add3A_316 : i32
        %get3A_318 = arith.index_cast %add3A_317 : i32 to index
        %get3A_319 = arith.constant 32 : index
        %get3A_320 = tpu.vector_load %arg4[%get3A_318, %get3A_319] {strides = array<i32>} : memref<128x64xf32, #tpu.memory_space<vmem>>, vector<1x16xf32>,
        %get3A_321 = vector.shape_cast %get3A_320 : vector<1x16xf32> to vector<16xf32>
        %mul3A_322 = arith.constant 8.000000e+00 : f32
        %mul3A_323 = vector.broadcast %mul3A_322 : f32 to vector<16xf32>
        %mul3A_324 = arith.mulf %get3A_321, %mul3A_323 : vector<16xf32>
        %add3A_325 = arith.constant 2 : i32
        %add3A_326 = arith.addi %mul3A_157, %add3A_325 : i32
        %swap3A_327 = arith.index_cast %add3A_326 : i32 to index
        %swap3A_328 = arith.constant 32 : index
        %swap3A_329 = tpu.vector_load %arg6[%swap3A_327, %swap3A_328] {strides = array<i32>} : memref<128x128xf32, #tpu.memory_space<vmem>>, vector<1x16xf32>,
        %swap3A_330 = vector.shape_cast %swap3A_329 : vector<1x16xf32> to vector<16xf32>
        %swap3A_331 = vector.shape_cast %mul3A_324 : vector<16xf32> to vector<1x16xf32>
        tpu.vector_store %arg6[%swap3A_327, %swap3A_328], %swap3A_331 {strides = array<i32>} : memref<128x128xf32, #tpu.memory_space<vmem>>, vector<1x16xf32>,
        %add3A_332 = arith.constant 2 : i32
        %add3A_333 = arith.addi %mul3A_157, %add3A_332 : i32
        %get3A_334 = arith.index_cast %add3A_333 : i32 to index
        %get3A_335 = arith.constant 48 : index
        %get3A_336 = tpu.vector_load %arg4[%get3A_334, %get3A_335] {strides = array<i32>} : memref<128x64xf32, #tpu.memory_space<vmem>>, vector<1x16xf32>,
        %get3A_337 = vector.shape_cast %get3A_336 : vector<1x16xf32> to vector<16xf32>
        %mul3A_338 = arith.constant 8.000000e+00 : f32
        %mul3A_339 = vector.broadcast %mul3A_338 : f32 to vector<16xf32>
        %mul3A_340 = arith.mulf %get3A_337, %mul3A_339 : vector<16xf32>
        %add3A_341 = arith.constant 2 : i32
        %add3A_342 = arith.addi %mul3A_157, %add3A_341 : i32
        %swap3A_343 = arith.index_cast %add3A_342 : i32 to index
        %swap3A_344 = arith.constant 48 : index
        %swap3A_345 = tpu.vector_load %arg6[%swap3A_343, %swap3A_344] {strides = array<i32>} : memref<128x128xf32, #tpu.memory_space<vmem>>, vector<1x16xf32>,
        %swap3A_346 = vector.shape_cast %swap3A_345 : vector<1x16xf32> to vector<16xf32>
        %swap3A_347 = vector.shape_cast %mul3A_340 : vector<16xf32> to vector<1x16xf32>
        tpu.vector_store %arg6[%swap3A_343, %swap3A_344], %swap3A_347 {strides = array<i32>} : memref<128x128xf32, #tpu.memory_space<vmem>>, vector<1x16xf32>,
        %add3A_348 = arith.constant 3 : i32
        %add3A_349 = arith.addi %mul3A_157, %add3A_348 : i32
        %get3A_350 = arith.index_cast %add3A_349 : i32 to index
        %get3A_351 = arith.constant 0 : index
        %get3A_352 = tpu.vector_load %arg4[%get3A_350, %get3A_351] {strides = array<i32>} : memref<128x64xf32, #tpu.memory_space<vmem>>, vector<1x16xf32>,
        %get3A_353 = vector.shape_cast %get3A_352 : vector<1x16xf32> to vector<16xf32>
        %mul3A_354 = arith.constant 8.000000e+00 : f32
        %mul3A_355 = vector.broadcast %mul3A_354 : f32 to vector<16xf32>
        %mul3A_356 = arith.mulf %get3A_353, %mul3A_355 : vector<16xf32>
        %add3A_357 = arith.constant 3 : i32
        %add3A_358 = arith.addi %mul3A_157, %add3A_357 : i32
        %swap3A_359 = arith.index_cast %add3A_358 : i32 to index
        %swap3A_360 = arith.constant 0 : index
        %swap3A_361 = tpu.vector_load %arg6[%swap3A_359, %swap3A_360] {strides = array<i32>} : memref<128x128xf32, #tpu.memory_space<vmem>>, vector<1x16xf32>,
        %swap3A_362 = vector.shape_cast %swap3A_361 : vector<1x16xf32> to vector<16xf32>
        %swap3A_363 = vector.shape_cast %mul3A_356 : vector<16xf32> to vector<1x16xf32>
        tpu.vector_store %arg6[%swap3A_359, %swap3A_360], %swap3A_363 {strides = array<i32>} : memref<128x128xf32, #tpu.memory_space<vmem>>, vector<1x16xf32>,
        %add3A_364 = arith.constant 3 : i32
        %add3A_365 = arith.addi %mul3A_157, %add3A_364 : i32
        %get3A_366 = arith.index_cast %add3A_365 : i32 to index
        %get3A_367 = arith.constant 16 : index
        %get3A_368 = tpu.vector_load %arg4[%get3A_366, %get3A_367] {strides = array<i32>} : memref<128x64xf32, #tpu.memory_space<vmem>>, vector<1x16xf32>,
        %get3A_369 = vector.shape_cast %get3A_368 : vector<1x16xf32> to vector<16xf32>
        %mul3A_370 = arith.constant 8.000000e+00 : f32
        %mul3A_371 = vector.broadcast %mul3A_370 : f32 to vector<16xf32>
        %mul3A_372 = arith.mulf %get3A_369, %mul3A_371 : vector<16xf32>
        %add3A_373 = arith.constant 3 : i32
        %add3A_374 = arith.addi %mul3A_157, %add3A_373 : i32
        %swap3A_375 = arith.index_cast %add3A_374 : i32 to index
        %swap3A_376 = arith.constant 16 : index
        %swap3A_377 = tpu.vector_load %arg6[%swap3A_375, %swap3A_376] {strides = array<i32>} : memref<128x128xf32, #tpu.memory_space<vmem>>, vector<1x16xf32>,
        %swap3A_378 = vector.shape_cast %swap3A_377 : vector<1x16xf32> to vector<16xf32>
        %swap3A_379 = vector.shape_cast %mul3A_372 : vector<16xf32> to vector<1x16xf32>
        tpu.vector_store %arg6[%swap3A_375, %swap3A_376], %swap3A_379 {strides = array<i32>} : memref<128x128xf32, #tpu.memory_space<vmem>>, vector<1x16xf32>,
        %add3A_380 = arith.constant 3 : i32
        %add3A_381 = arith.addi %mul3A_157, %add3A_380 : i32
        %get3A_382 = arith.index_cast %add3A_381 : i32 to index
        %get3A_383 = arith.constant 32 : index
        %get3A_384 = tpu.vector_load %arg4[%get3A_382, %get3A_383] {strides = array<i32>} : memref<128x64xf32, #tpu.memory_space<vmem>>, vector<1x16xf32>,
        %get3A_385 = vector.shape_cast %get3A_384 : vector<1x16xf32> to vector<16xf32>
        %mul3A_386 = arith.constant 8.000000e+00 : f32
        %mul3A_387 = vector.broadcast %mul3A_386 : f32 to vector<16xf32>
        %mul3A_388 = arith.mulf %get3A_385, %mul3A_387 : vector<16xf32>
        %add3A_389 = arith.constant 3 : i32
        %add3A_390 = arith.addi %mul3A_157, %add3A_389 : i32
        %swap3A_391 = arith.index_cast %add3A_390 : i32 to index
        %swap3A_392 = arith.constant 32 : index
        %swap3A_393 = tpu.vector_load %arg6[%swap3A_391, %swap3A_392] {strides = array<i32>} : memref<128x128xf32, #tpu.memory_space<vmem>>, vector<1x16xf32>,
        %swap3A_394 = vector.shape_cast %swap3A_393 : vector<1x16xf32> to vector<16xf32>
        %swap3A_395 = vector.shape_cast %mul3A_388 : vector<16xf32> to vector<1x16xf32>
        tpu.vector_store %arg6[%swap3A_391, %swap3A_392], %swap3A_395 {strides = array<i32>} : memref<128x128xf32, #tpu.memory_space<vmem>>, vector<1x16xf32>,
        %add3A_396 = arith.constant 3 : i32
        %add3A_397 = arith.addi %mul3A_157, %add3A_396 : i32
        %get3A_398 = arith.index_cast %add3A_397 : i32 to index
        %get3A_399 = arith.constant 48 : index
        %get3A_400 = tpu.vector_load %arg4[%get3A_398, %get3A_399] {strides = array<i32>} : memref<128x64xf32, #tpu.memory_space<vmem>>, vector<1x16xf32>,
        %get3A_401 = vector.shape_cast %get3A_400 : vector<1x16xf32> to vector<16xf32>
        %mul3A_402 = arith.constant 8.000000e+00 : f32
        %mul3A_403 = vector.broadcast %mul3A_402 : f32 to vector<16xf32>
        %mul3A_404 = arith.mulf %get3A_401, %mul3A_403 : vector<16xf32>
        %add3A_405 = arith.constant 3 : i32
        %add3A_406 = arith.addi %mul3A_157, %add3A_405 : i32
        %swap3A_407 = arith.index_cast %add3A_406 : i32 to index
        %swap3A_408 = arith.constant 48 : index
        %swap3A_409 = tpu.vector_load %arg6[%swap3A_407, %swap3A_408] {strides = array<i32>} : memref<128x128xf32, #tpu.memory_space<vmem>>, vector<1x16xf32>,
        %swap3A_410 = vector.shape_cast %swap3A_409 : vector<1x16xf32> to vector<16xf32>
        %swap3A_411 = vector.shape_cast %mul3A_404 : vector<16xf32> to vector<1x16xf32>
        tpu.vector_store %arg6[%swap3A_407, %swap3A_408], %swap3A_411 {strides = array<i32>} : memref<128x128xf32, #tpu.memory_space<vmem>>, vector<1x16xf32>,
      }
      %scan3A_130 = arith.constant 16 : i32
      %dma_start3A_131 = arith.constant 0 : i32
      %dma_start3A_132 = arith.constant 0 : i32
      %dma_start3A_133 = tpu.memref_slice %arg6[%dma_start3A_131, %dma_start3A_132] : memref<128x128xf32, #tpu.memory_space<vmem>> -> memref<64x128xf32, #tpu.memory_space<vmem>>
      %dma_start3A_134 = arith.constant 999936 : i32
      %dma_start3A_135 = arith.constant 0 : i32
      %dma_start3A_136 = tpu.memref_slice %arg3[%dma_start3A_134, %dma_start3A_135] : memref<1000000x128xf32, #tpu.memory_space<hbm>> -> memref<64x128xf32, #tpu.memory_space<hbm>>
      %dma_start3A_137 = arith.constant 999936 : i32
      %dma_start3A_138 = arith.constant 0 : i32
      %dma_start3A_139 = tpu.memref_slice %arg3[%dma_start3A_137, %dma_start3A_138] : memref<1000000x128xf32, #tpu.memory_space<hbm>> -> memref<64x128xf32, #tpu.memory_space<hbm>>
      %dma_start3A_140 = arith.constant 0 : i32
      %dma_start3A_141 = arith.constant 0 : i32
      %dma_start3A_142 = tpu.memref_slice %arg6[%dma_start3A_140, %dma_start3A_141] : memref<128x128xf32, #tpu.memory_space<vmem>> -> memref<64x128xf32, #tpu.memory_space<vmem>>
      tpu.enqueue_dma source(%dma_start3A_142 : memref<64x128xf32, #tpu.memory_space<vmem>>) target(%dma_start3A_139 : memref<64x128xf32, #tpu.memory_space<hbm>>) target_semaphore(%arg10 : memref<!tpu.dma_semaphore, #tpu.memory_space<semaphore_mem>>)
      %dma_wait3A_143 = arith.constant 0 : i32
      %dma_wait3A_144 = arith.constant 0 : i32
      %dma_wait3A_145 = tpu.memref_slice %arg6[%dma_wait3A_143, %dma_wait3A_144] : memref<128x128xf32, #tpu.memory_space<vmem>> -> memref<64x128xf32, #tpu.memory_space<vmem>>
      %dma_wait3A_146 = arith.constant 999936 : i32
      %dma_wait3A_147 = arith.constant 0 : i32
      %dma_wait3A_148 = tpu.memref_slice %arg3[%dma_wait3A_146, %dma_wait3A_147] : memref<1000000x128xf32, #tpu.memory_space<hbm>> -> memref<64x128xf32, #tpu.memory_space<hbm>>
      %dma_wait3A_149 = arith.constant 999936 : i32
      %dma_wait3A_150 = arith.constant 0 : i32
      %dma_wait3A_151 = tpu.memref_slice %arg3[%dma_wait3A_149, %dma_wait3A_150] : memref<1000000x128xf32, #tpu.memory_space<hbm>> -> memref<64x128xf32, #tpu.memory_space<hbm>>
      %dma_wait3A_152 = arith.constant 0 : i32
      %dma_wait3A_153 = arith.constant 0 : i32
      %dma_wait3A_154 = tpu.memref_slice %arg6[%dma_wait3A_152, %dma_wait3A_153] : memref<128x128xf32, #tpu.memory_space<vmem>> -> memref<64x128xf32, #tpu.memory_space<vmem>>
      tpu.wait_dma2 semaphore(%arg10 : memref<!tpu.dma_semaphore, #tpu.memory_space<semaphore_mem>>) src(%dma_wait3A_154 : memref<64x128xf32, #tpu.memory_space<vmem>>) dst(%dma_wait3A_151 : memref<64x128xf32, #tpu.memory_space<hbm>>)
    } else {
    }
    return
  }
}

#map = affine_map<(d0, d1) -> (0, 0, 0)>
#map1 = affine_map<(d0, d1) -> (0, 0)>
module attributes {stable_mosaic.version = 14 : i64} {
  func.func @_gather(%arg0: i32, %arg1: i32, %arg2: memref<32x200x128xi32, #tpu.memory_space<hbm>>, %arg3: memref<1000000x128xf32, #tpu.memory_space<hbm>>, %arg4: memref<819200x64xf32, #tpu.memory_space<hbm>>, %arg5: memref<128xi32, #tpu.memory_space<vmem>>, %arg6: memref<128xi32, #tpu.memory_space<vmem>>, %arg7: memref<128xi32, #tpu.memory_space<vmem>>, %arg8: memref<128xi32, #tpu.memory_space<vmem>>, %arg9: memref<128x128xf32, #tpu.memory_space<vmem>>, %arg10: memref<128x128xf32, #tpu.memory_space<vmem>>, %arg11: memref<128x64xf32, #tpu.memory_space<vmem>>, %arg12: memref<128x64xf32, #tpu.memory_space<vmem>>, %arg13: memref<!tpu.dma_semaphore, #tpu.memory_space<semaphore_mem>>, %arg14: memref<!tpu.dma_semaphore, #tpu.memory_space<semaphore_mem>>, %arg15: memref<!tpu.dma_semaphore, #tpu.memory_space<semaphore_mem>>, %arg16: memref<!tpu.dma_semaphore, #tpu.memory_space<semaphore_mem>>, %arg17: memref<!tpu.dma_semaphore, #tpu.memory_space<semaphore_mem>>, %arg18: memref<!tpu.dma_semaphore, #tpu.memory_space<semaphore_mem>>, %arg19: memref<!tpu.dma_semaphore, #tpu.memory_space<semaphore_mem>>, %arg20: memref<!tpu.dma_semaphore, #tpu.memory_space<semaphore_mem>>) attributes {dimension_semantics = [#tpu.dimension_semantics<core_parallel>, #tpu.dimension_semantics<subcore_parallel>], iteration_bounds = array<i64: 2, 16>, scalar_prefetch = 0 : i64, scratch_operands = 16 : i64, tpu.core_type = #tpu.core_type<sc_vector_subcore>, window_params = [{transform_indices = #map}, {transform_indices = #map1}, {transform_indices = #map1}]} {
    %mul3A = arith.constant 2 : i32
    %mul3A_0 = arith.muli %arg1, %mul3A : i32
    %add3A = arith.addi %mul3A_0, %arg0 : i32
    %mul3A_1 = arith.constant 25600 : i32
    %mul3A_2 = arith.muli %add3A, %mul3A_1 : i32
    %dma_start3A = arith.constant 0 : i32
    %dma_start3A_3 = arith.constant 0 : i32
    %dma_start3A_4 = tpu.memref_slice %arg2[%add3A, %dma_start3A, %dma_start3A_3] : memref<32x200x128xi32, #tpu.memory_space<hbm>> -> memref<1x1x128xi32, #tpu.memory_space<hbm>>
    %dma_start3A_5 = tpu.memref_squeeze %dma_start3A_4 : memref<1x1x128xi32, #tpu.memory_space<hbm>> -> memref<128xi32, #tpu.memory_space<hbm>>
    %dma_start3A_6 = arith.constant 0 : i32
    %dma_start3A_7 = tpu.memref_slice %arg2[%add3A, %dma_start3A, %dma_start3A_6] : memref<32x200x128xi32, #tpu.memory_space<hbm>> -> memref<1x1x128xi32, #tpu.memory_space<hbm>>
    %dma_start3A_8 = tpu.memref_squeeze %dma_start3A_7 : memref<1x1x128xi32, #tpu.memory_space<hbm>> -> memref<128xi32, #tpu.memory_space<hbm>>
    tpu.enqueue_dma source(%dma_start3A_8 : memref<128xi32, #tpu.memory_space<hbm>>) target(%arg5 : memref<128xi32, #tpu.memory_space<vmem>>) target_semaphore(%arg13 : memref<!tpu.dma_semaphore, #tpu.memory_space<semaphore_mem>>)
    %dma_start3A_9 = arith.constant 1 : i32
    %dma_start3A_10 = arith.constant 0 : i32
    %dma_start3A_11 = tpu.memref_slice %arg2[%add3A, %dma_start3A_9, %dma_start3A_10] : memref<32x200x128xi32, #tpu.memory_space<hbm>> -> memref<1x1x128xi32, #tpu.memory_space<hbm>>
    %dma_start3A_12 = tpu.memref_squeeze %dma_start3A_11 : memref<1x1x128xi32, #tpu.memory_space<hbm>> -> memref<128xi32, #tpu.memory_space<hbm>>
    %dma_start3A_13 = arith.constant 0 : i32
    %dma_start3A_14 = tpu.memref_slice %arg2[%add3A, %dma_start3A_9, %dma_start3A_13] : memref<32x200x128xi32, #tpu.memory_space<hbm>> -> memref<1x1x128xi32, #tpu.memory_space<hbm>>
    %dma_start3A_15 = tpu.memref_squeeze %dma_start3A_14 : memref<1x1x128xi32, #tpu.memory_space<hbm>> -> memref<128xi32, #tpu.memory_space<hbm>>
    tpu.enqueue_dma source(%dma_start3A_15 : memref<128xi32, #tpu.memory_space<hbm>>) target(%arg6 : memref<128xi32, #tpu.memory_space<vmem>>) target_semaphore(%arg14 : memref<!tpu.dma_semaphore, #tpu.memory_space<semaphore_mem>>)
    %dma_start3A_16 = arith.constant 2 : i32
    %dma_start3A_17 = arith.constant 0 : i32
    %dma_start3A_18 = tpu.memref_slice %arg2[%add3A, %dma_start3A_16, %dma_start3A_17] : memref<32x200x128xi32, #tpu.memory_space<hbm>> -> memref<1x1x128xi32, #tpu.memory_space<hbm>>
    %dma_start3A_19 = tpu.memref_squeeze %dma_start3A_18 : memref<1x1x128xi32, #tpu.memory_space<hbm>> -> memref<128xi32, #tpu.memory_space<hbm>>
    %dma_start3A_20 = arith.constant 0 : i32
    %dma_start3A_21 = tpu.memref_slice %arg2[%add3A, %dma_start3A_16, %dma_start3A_20] : memref<32x200x128xi32, #tpu.memory_space<hbm>> -> memref<1x1x128xi32, #tpu.memory_space<hbm>>
    %dma_start3A_22 = tpu.memref_squeeze %dma_start3A_21 : memref<1x1x128xi32, #tpu.memory_space<hbm>> -> memref<128xi32, #tpu.memory_space<hbm>>
    tpu.enqueue_dma source(%dma_start3A_22 : memref<128xi32, #tpu.memory_space<hbm>>) target(%arg7 : memref<128xi32, #tpu.memory_space<vmem>>) target_semaphore(%arg15 : memref<!tpu.dma_semaphore, #tpu.memory_space<semaphore_mem>>)
    %dma_start3A_23 = arith.constant 3 : i32
    %dma_start3A_24 = arith.constant 0 : i32
    %dma_start3A_25 = tpu.memref_slice %arg2[%add3A, %dma_start3A_23, %dma_start3A_24] : memref<32x200x128xi32, #tpu.memory_space<hbm>> -> memref<1x1x128xi32, #tpu.memory_space<hbm>>
    %dma_start3A_26 = tpu.memref_squeeze %dma_start3A_25 : memref<1x1x128xi32, #tpu.memory_space<hbm>> -> memref<128xi32, #tpu.memory_space<hbm>>
    %dma_start3A_27 = arith.constant 0 : i32
    %dma_start3A_28 = tpu.memref_slice %arg2[%add3A, %dma_start3A_23, %dma_start3A_27] : memref<32x200x128xi32, #tpu.memory_space<hbm>> -> memref<1x1x128xi32, #tpu.memory_space<hbm>>
    %dma_start3A_29 = tpu.memref_squeeze %dma_start3A_28 : memref<1x1x128xi32, #tpu.memory_space<hbm>> -> memref<128xi32, #tpu.memory_space<hbm>>
    tpu.enqueue_dma source(%dma_start3A_29 : memref<128xi32, #tpu.memory_space<hbm>>) target(%arg8 : memref<128xi32, #tpu.memory_space<vmem>>) target_semaphore(%arg16 : memref<!tpu.dma_semaphore, #tpu.memory_space<semaphore_mem>>)
    %dma_wait3A = arith.constant 0 : i32
    %dma_wait3A_30 = arith.constant 0 : i32
    %dma_wait3A_31 = tpu.memref_slice %arg2[%add3A, %dma_wait3A, %dma_wait3A_30] : memref<32x200x128xi32, #tpu.memory_space<hbm>> -> memref<1x1x128xi32, #tpu.memory_space<hbm>>
    %dma_wait3A_32 = tpu.memref_squeeze %dma_wait3A_31 : memref<1x1x128xi32, #tpu.memory_space<hbm>> -> memref<128xi32, #tpu.memory_space<hbm>>
    %dma_wait3A_33 = arith.constant 0 : i32
    %dma_wait3A_34 = tpu.memref_slice %arg2[%add3A, %dma_wait3A, %dma_wait3A_33] : memref<32x200x128xi32, #tpu.memory_space<hbm>> -> memref<1x1x128xi32, #tpu.memory_space<hbm>>
    %dma_wait3A_35 = tpu.memref_squeeze %dma_wait3A_34 : memref<1x1x128xi32, #tpu.memory_space<hbm>> -> memref<128xi32, #tpu.memory_space<hbm>>
    tpu.wait_dma2 semaphore(%arg13 : memref<!tpu.dma_semaphore, #tpu.memory_space<semaphore_mem>>) src(%dma_wait3A_35 : memref<128xi32, #tpu.memory_space<hbm>>) dst(%arg5 : memref<128xi32, #tpu.memory_space<vmem>>)
    %dma_start3A_36 = arith.constant 0 : i32
    %dma_start3A_37 = arith.constant 0 : i32
    %dma_start3A_38 = tpu.memref_slice %arg3[%dma_start3A_36, %dma_start3A_37] : memref<1000000x128xf32, #tpu.memory_space<hbm>> -> memref<1000000x128xf32, #tpu.memory_space<hbm>>
    tpu.enqueue_indirect_dma source(%dma_start3A_38 : memref<1000000x128xf32, #tpu.memory_space<hbm>>) target(%arg9 : memref<128x128xf32, #tpu.memory_space<vmem>>) offsets(%arg5 : memref<128xi32, #tpu.memory_space<vmem>>) semaphore(%arg17 : memref<!tpu.dma_semaphore, #tpu.memory_space<semaphore_mem>>)
    %dma_wait3A_39 = arith.constant 1 : i32
    %dma_wait3A_40 = arith.constant 0 : i32
    %dma_wait3A_41 = tpu.memref_slice %arg2[%add3A, %dma_wait3A_39, %dma_wait3A_40] : memref<32x200x128xi32, #tpu.memory_space<hbm>> -> memref<1x1x128xi32, #tpu.memory_space<hbm>>
    %dma_wait3A_42 = tpu.memref_squeeze %dma_wait3A_41 : memref<1x1x128xi32, #tpu.memory_space<hbm>> -> memref<128xi32, #tpu.memory_space<hbm>>
    %dma_wait3A_43 = arith.constant 0 : i32
    %dma_wait3A_44 = tpu.memref_slice %arg2[%add3A, %dma_wait3A_39, %dma_wait3A_43] : memref<32x200x128xi32, #tpu.memory_space<hbm>> -> memref<1x1x128xi32, #tpu.memory_space<hbm>>
    %dma_wait3A_45 = tpu.memref_squeeze %dma_wait3A_44 : memref<1x1x128xi32, #tpu.memory_space<hbm>> -> memref<128xi32, #tpu.memory_space<hbm>>
    tpu.wait_dma2 semaphore(%arg14 : memref<!tpu.dma_semaphore, #tpu.memory_space<semaphore_mem>>) src(%dma_wait3A_45 : memref<128xi32, #tpu.memory_space<hbm>>) dst(%arg6 : memref<128xi32, #tpu.memory_space<vmem>>)
    %dma_start3A_46 = arith.constant 0 : i32
    %dma_start3A_47 = arith.constant 0 : i32
    %dma_start3A_48 = tpu.memref_slice %arg3[%dma_start3A_46, %dma_start3A_47] : memref<1000000x128xf32, #tpu.memory_space<hbm>> -> memref<1000000x128xf32, #tpu.memory_space<hbm>>
    tpu.enqueue_indirect_dma source(%dma_start3A_48 : memref<1000000x128xf32, #tpu.memory_space<hbm>>) target(%arg10 : memref<128x128xf32, #tpu.memory_space<vmem>>) offsets(%arg6 : memref<128xi32, #tpu.memory_space<vmem>>) semaphore(%arg18 : memref<!tpu.dma_semaphore, #tpu.memory_space<semaphore_mem>>)
    %scan3A = arith.constant 0 : i32
    %scan3A_49 = arith.constant 0 : i32
    %scan3A_50 = arith.constant 50 : i32
    %scan3A_51 = arith.addi %scan3A_49, %scan3A_50 : i32
    %scan3A_52 = arith.constant 1 : i32
    scf.for %scan3A_66 = %scan3A_49 to %scan3A_51 step %scan3A_52  : i32 {
      %mul3A_67 = arith.constant 4 : i32
      %mul3A_68 = arith.muli %mul3A_67, %scan3A_66 : i32
      %add3A_69 = arith.constant 0 : i32
      %add3A_70 = arith.addi %mul3A_68, %add3A_69 : i32
      %dma_wait3A_71 = arith.constant 0 : i32
      %dma_wait3A_72 = arith.constant 0 : i32
      %dma_wait3A_73 = tpu.memref_slice %arg3[%dma_wait3A_71, %dma_wait3A_72] : memref<1000000x128xf32, #tpu.memory_space<hbm>> -> memref<1000000x128xf32, #tpu.memory_space<hbm>>
      tpu.wait_indirect_dma semaphore(%arg17 : memref<!tpu.dma_semaphore, #tpu.memory_space<semaphore_mem>>) src(%dma_wait3A_73 : memref<1000000x128xf32, #tpu.memory_space<hbm>>) dst(%arg9 : memref<128x128xf32, #tpu.memory_space<vmem>>)
      %add3A_74 = arith.constant 4 : i32
      %add3A_75 = arith.addi %add3A_70, %add3A_74 : i32
      %lt3A = arith.constant 200 : i32
      %lt3A_76 = arith.cmpi slt, %add3A_75, %lt3A : i32
      %convert_element_type3A = arith.extui %lt3A_76 : i1 to i32
      %cond3A = arith.constant 0 : i32
      %cond3A_77 = arith.cmpi ne, %convert_element_type3A, %cond3A : i32
      scf.if %cond3A_77 {
        %add3A_219 = arith.constant 4 : i32
        %add3A_220 = arith.addi %add3A_70, %add3A_219 : i32
        %dma_start3A_221 = arith.constant 0 : i32
        %dma_start3A_222 = tpu.memref_slice %arg2[%add3A, %add3A_220, %dma_start3A_221] : memref<32x200x128xi32, #tpu.memory_space<hbm>> -> memref<1x1x128xi32, #tpu.memory_space<hbm>>
        %dma_start3A_223 = tpu.memref_squeeze %dma_start3A_222 : memref<1x1x128xi32, #tpu.memory_space<hbm>> -> memref<128xi32, #tpu.memory_space<hbm>>
        %dma_start3A_224 = arith.constant 0 : i32
        %dma_start3A_225 = tpu.memref_slice %arg2[%add3A, %add3A_220, %dma_start3A_224] : memref<32x200x128xi32, #tpu.memory_space<hbm>> -> memref<1x1x128xi32, #tpu.memory_space<hbm>>
        %dma_start3A_226 = tpu.memref_squeeze %dma_start3A_225 : memref<1x1x128xi32, #tpu.memory_space<hbm>> -> memref<128xi32, #tpu.memory_space<hbm>>
        tpu.enqueue_dma source(%dma_start3A_226 : memref<128xi32, #tpu.memory_space<hbm>>) target(%arg5 : memref<128xi32, #tpu.memory_space<vmem>>) target_semaphore(%arg13 : memref<!tpu.dma_semaphore, #tpu.memory_space<semaphore_mem>>)
      } else {
      }
      %ge3A = arith.constant 2 : i32
      %ge3A_78 = arith.cmpi sge, %add3A_70, %ge3A : i32
      %convert_element_type3A_79 = arith.extui %ge3A_78 : i1 to i32
      %cond3A_80 = arith.constant 0 : i32
      %cond3A_81 = arith.cmpi ne, %convert_element_type3A_79, %cond3A_80 : i32
      scf.if %cond3A_81 {
        %sub3A = arith.constant 2 : i32
        %sub3A_219 = arith.subi %add3A_70, %sub3A : i32
        %mul3A_220 = arith.constant 128 : i32
        %mul3A_221 = arith.muli %sub3A_219, %mul3A_220 : i32
        %add3A_222 = arith.addi %mul3A_2, %mul3A_221 : i32
        %dma_wait3A_223 = arith.constant 0 : i32
        %dma_wait3A_224 = tpu.memref_slice %arg4[%add3A_222, %dma_wait3A_223] : memref<819200x64xf32, #tpu.memory_space<hbm>> -> memref<128x64xf32, #tpu.memory_space<hbm>>
        %dma_wait3A_225 = arith.constant 0 : i32
        %dma_wait3A_226 = tpu.memref_slice %arg4[%add3A_222, %dma_wait3A_225] : memref<819200x64xf32, #tpu.memory_space<hbm>> -> memref<128x64xf32, #tpu.memory_space<hbm>>
        tpu.wait_dma2 semaphore(%arg19 : memref<!tpu.dma_semaphore, #tpu.memory_space<semaphore_mem>>) src(%arg11 : memref<128x64xf32, #tpu.memory_space<vmem>>) dst(%dma_wait3A_226 : memref<128x64xf32, #tpu.memory_space<hbm>>)
      } else {
      }
      %scan3A_82 = arith.constant 0 : i32
      %scan3A_83 = arith.constant 0 : i32
      %scan3A_84 = arith.constant 32 : i32
      %scan3A_85 = arith.addi %scan3A_83, %scan3A_84 : i32
      %scan3A_86 = arith.constant 1 : i32
      scf.for %scan3A_219 = %scan3A_83 to %scan3A_85 step %scan3A_86  : i32 {
        %mul3A_220 = arith.constant 4 : i32
        %mul3A_221 = arith.muli %scan3A_219, %mul3A_220 : i32
        %add3A_222 = arith.constant 0 : i32
        %add3A_223 = arith.addi %mul3A_221, %add3A_222 : i32
        %get3A = arith.index_cast %add3A_223 : i32 to index
        %get3A_224 = arith.constant 0 : index
        %get3A_225 = tpu.vector_load %arg9[%get3A, %get3A_224] {strides = array<i32>} : memref<128x128xf32, #tpu.memory_space<vmem>>, vector<1x16xf32>,
        %get3A_226 = vector.shape_cast %get3A_225 : vector<1x16xf32> to vector<16xf32>
        %mul3A_227 = arith.constant 1.000000e+00 : f32
        %mul3A_228 = vector.broadcast %mul3A_227 : f32 to vector<16xf32>
        %mul3A_229 = arith.mulf %get3A_226, %mul3A_228 : vector<16xf32>
        %add3A_230 = arith.constant 0 : i32
        %add3A_231 = arith.addi %mul3A_221, %add3A_230 : i32
        %swap3A = arith.index_cast %add3A_231 : i32 to index
        %swap3A_232 = arith.constant 0 : index
        %swap3A_233 = tpu.vector_load %arg11[%swap3A, %swap3A_232] {strides = array<i32>} : memref<128x64xf32, #tpu.memory_space<vmem>>, vector<1x16xf32>,
        %swap3A_234 = vector.shape_cast %swap3A_233 : vector<1x16xf32> to vector<16xf32>
        %swap3A_235 = vector.shape_cast %mul3A_229 : vector<16xf32> to vector<1x16xf32>
        tpu.vector_store %arg11[%swap3A, %swap3A_232], %swap3A_235 {strides = array<i32>} : memref<128x64xf32, #tpu.memory_space<vmem>>, vector<1x16xf32>,
        %add3A_236 = arith.constant 0 : i32
        %add3A_237 = arith.addi %mul3A_221, %add3A_236 : i32
        %get3A_238 = arith.index_cast %add3A_237 : i32 to index
        %get3A_239 = arith.constant 16 : index
        %get3A_240 = tpu.vector_load %arg9[%get3A_238, %get3A_239] {strides = array<i32>} : memref<128x128xf32, #tpu.memory_space<vmem>>, vector<1x16xf32>,
        %get3A_241 = vector.shape_cast %get3A_240 : vector<1x16xf32> to vector<16xf32>
        %mul3A_242 = arith.constant 1.000000e+00 : f32
        %mul3A_243 = vector.broadcast %mul3A_242 : f32 to vector<16xf32>
        %mul3A_244 = arith.mulf %get3A_241, %mul3A_243 : vector<16xf32>
        %add3A_245 = arith.constant 0 : i32
        %add3A_246 = arith.addi %mul3A_221, %add3A_245 : i32
        %swap3A_247 = arith.index_cast %add3A_246 : i32 to index
        %swap3A_248 = arith.constant 16 : index
        %swap3A_249 = tpu.vector_load %arg11[%swap3A_247, %swap3A_248] {strides = array<i32>} : memref<128x64xf32, #tpu.memory_space<vmem>>, vector<1x16xf32>,
        %swap3A_250 = vector.shape_cast %swap3A_249 : vector<1x16xf32> to vector<16xf32>
        %swap3A_251 = vector.shape_cast %mul3A_244 : vector<16xf32> to vector<1x16xf32>
        tpu.vector_store %arg11[%swap3A_247, %swap3A_248], %swap3A_251 {strides = array<i32>} : memref<128x64xf32, #tpu.memory_space<vmem>>, vector<1x16xf32>,
        %add3A_252 = arith.constant 0 : i32
        %add3A_253 = arith.addi %mul3A_221, %add3A_252 : i32
        %get3A_254 = arith.index_cast %add3A_253 : i32 to index
        %get3A_255 = arith.constant 32 : index
        %get3A_256 = tpu.vector_load %arg9[%get3A_254, %get3A_255] {strides = array<i32>} : memref<128x128xf32, #tpu.memory_space<vmem>>, vector<1x16xf32>,
        %get3A_257 = vector.shape_cast %get3A_256 : vector<1x16xf32> to vector<16xf32>
        %mul3A_258 = arith.constant 1.000000e+00 : f32
        %mul3A_259 = vector.broadcast %mul3A_258 : f32 to vector<16xf32>
        %mul3A_260 = arith.mulf %get3A_257, %mul3A_259 : vector<16xf32>
        %add3A_261 = arith.constant 0 : i32
        %add3A_262 = arith.addi %mul3A_221, %add3A_261 : i32
        %swap3A_263 = arith.index_cast %add3A_262 : i32 to index
        %swap3A_264 = arith.constant 32 : index
        %swap3A_265 = tpu.vector_load %arg11[%swap3A_263, %swap3A_264] {strides = array<i32>} : memref<128x64xf32, #tpu.memory_space<vmem>>, vector<1x16xf32>,
        %swap3A_266 = vector.shape_cast %swap3A_265 : vector<1x16xf32> to vector<16xf32>
        %swap3A_267 = vector.shape_cast %mul3A_260 : vector<16xf32> to vector<1x16xf32>
        tpu.vector_store %arg11[%swap3A_263, %swap3A_264], %swap3A_267 {strides = array<i32>} : memref<128x64xf32, #tpu.memory_space<vmem>>, vector<1x16xf32>,
        %add3A_268 = arith.constant 0 : i32
        %add3A_269 = arith.addi %mul3A_221, %add3A_268 : i32
        %get3A_270 = arith.index_cast %add3A_269 : i32 to index
        %get3A_271 = arith.constant 48 : index
        %get3A_272 = tpu.vector_load %arg9[%get3A_270, %get3A_271] {strides = array<i32>} : memref<128x128xf32, #tpu.memory_space<vmem>>, vector<1x16xf32>,
        %get3A_273 = vector.shape_cast %get3A_272 : vector<1x16xf32> to vector<16xf32>
        %mul3A_274 = arith.constant 1.000000e+00 : f32
        %mul3A_275 = vector.broadcast %mul3A_274 : f32 to vector<16xf32>
        %mul3A_276 = arith.mulf %get3A_273, %mul3A_275 : vector<16xf32>
        %add3A_277 = arith.constant 0 : i32
        %add3A_278 = arith.addi %mul3A_221, %add3A_277 : i32
        %swap3A_279 = arith.index_cast %add3A_278 : i32 to index
        %swap3A_280 = arith.constant 48 : index
        %swap3A_281 = tpu.vector_load %arg11[%swap3A_279, %swap3A_280] {strides = array<i32>} : memref<128x64xf32, #tpu.memory_space<vmem>>, vector<1x16xf32>,
        %swap3A_282 = vector.shape_cast %swap3A_281 : vector<1x16xf32> to vector<16xf32>
        %swap3A_283 = vector.shape_cast %mul3A_276 : vector<16xf32> to vector<1x16xf32>
        tpu.vector_store %arg11[%swap3A_279, %swap3A_280], %swap3A_283 {strides = array<i32>} : memref<128x64xf32, #tpu.memory_space<vmem>>, vector<1x16xf32>,
        %add3A_284 = arith.constant 1 : i32
        %add3A_285 = arith.addi %mul3A_221, %add3A_284 : i32
        %get3A_286 = arith.index_cast %add3A_285 : i32 to index
        %get3A_287 = arith.constant 0 : index
        %get3A_288 = tpu.vector_load %arg9[%get3A_286, %get3A_287] {strides = array<i32>} : memref<128x128xf32, #tpu.memory_space<vmem>>, vector<1x16xf32>,
        %get3A_289 = vector.shape_cast %get3A_288 : vector<1x16xf32> to vector<16xf32>
        %mul3A_290 = arith.constant 1.000000e+00 : f32
        %mul3A_291 = vector.broadcast %mul3A_290 : f32 to vector<16xf32>
        %mul3A_292 = arith.mulf %get3A_289, %mul3A_291 : vector<16xf32>
        %add3A_293 = arith.constant 1 : i32
        %add3A_294 = arith.addi %mul3A_221, %add3A_293 : i32
        %swap3A_295 = arith.index_cast %add3A_294 : i32 to index
        %swap3A_296 = arith.constant 0 : index
        %swap3A_297 = tpu.vector_load %arg11[%swap3A_295, %swap3A_296] {strides = array<i32>} : memref<128x64xf32, #tpu.memory_space<vmem>>, vector<1x16xf32>,
        %swap3A_298 = vector.shape_cast %swap3A_297 : vector<1x16xf32> to vector<16xf32>
        %swap3A_299 = vector.shape_cast %mul3A_292 : vector<16xf32> to vector<1x16xf32>
        tpu.vector_store %arg11[%swap3A_295, %swap3A_296], %swap3A_299 {strides = array<i32>} : memref<128x64xf32, #tpu.memory_space<vmem>>, vector<1x16xf32>,
        %add3A_300 = arith.constant 1 : i32
        %add3A_301 = arith.addi %mul3A_221, %add3A_300 : i32
        %get3A_302 = arith.index_cast %add3A_301 : i32 to index
        %get3A_303 = arith.constant 16 : index
        %get3A_304 = tpu.vector_load %arg9[%get3A_302, %get3A_303] {strides = array<i32>} : memref<128x128xf32, #tpu.memory_space<vmem>>, vector<1x16xf32>,
        %get3A_305 = vector.shape_cast %get3A_304 : vector<1x16xf32> to vector<16xf32>
        %mul3A_306 = arith.constant 1.000000e+00 : f32
        %mul3A_307 = vector.broadcast %mul3A_306 : f32 to vector<16xf32>
        %mul3A_308 = arith.mulf %get3A_305, %mul3A_307 : vector<16xf32>
        %add3A_309 = arith.constant 1 : i32
        %add3A_310 = arith.addi %mul3A_221, %add3A_309 : i32
        %swap3A_311 = arith.index_cast %add3A_310 : i32 to index
        %swap3A_312 = arith.constant 16 : index
        %swap3A_313 = tpu.vector_load %arg11[%swap3A_311, %swap3A_312] {strides = array<i32>} : memref<128x64xf32, #tpu.memory_space<vmem>>, vector<1x16xf32>,
        %swap3A_314 = vector.shape_cast %swap3A_313 : vector<1x16xf32> to vector<16xf32>
        %swap3A_315 = vector.shape_cast %mul3A_308 : vector<16xf32> to vector<1x16xf32>
        tpu.vector_store %arg11[%swap3A_311, %swap3A_312], %swap3A_315 {strides = array<i32>} : memref<128x64xf32, #tpu.memory_space<vmem>>, vector<1x16xf32>,
        %add3A_316 = arith.constant 1 : i32
        %add3A_317 = arith.addi %mul3A_221, %add3A_316 : i32
        %get3A_318 = arith.index_cast %add3A_317 : i32 to index
        %get3A_319 = arith.constant 32 : index
        %get3A_320 = tpu.vector_load %arg9[%get3A_318, %get3A_319] {strides = array<i32>} : memref<128x128xf32, #tpu.memory_space<vmem>>, vector<1x16xf32>,
        %get3A_321 = vector.shape_cast %get3A_320 : vector<1x16xf32> to vector<16xf32>
        %mul3A_322 = arith.constant 1.000000e+00 : f32
        %mul3A_323 = vector.broadcast %mul3A_322 : f32 to vector<16xf32>
        %mul3A_324 = arith.mulf %get3A_321, %mul3A_323 : vector<16xf32>
        %add3A_325 = arith.constant 1 : i32
        %add3A_326 = arith.addi %mul3A_221, %add3A_325 : i32
        %swap3A_327 = arith.index_cast %add3A_326 : i32 to index
        %swap3A_328 = arith.constant 32 : index
        %swap3A_329 = tpu.vector_load %arg11[%swap3A_327, %swap3A_328] {strides = array<i32>} : memref<128x64xf32, #tpu.memory_space<vmem>>, vector<1x16xf32>,
        %swap3A_330 = vector.shape_cast %swap3A_329 : vector<1x16xf32> to vector<16xf32>
        %swap3A_331 = vector.shape_cast %mul3A_324 : vector<16xf32> to vector<1x16xf32>
        tpu.vector_store %arg11[%swap3A_327, %swap3A_328], %swap3A_331 {strides = array<i32>} : memref<128x64xf32, #tpu.memory_space<vmem>>, vector<1x16xf32>,
        %add3A_332 = arith.constant 1 : i32
        %add3A_333 = arith.addi %mul3A_221, %add3A_332 : i32
        %get3A_334 = arith.index_cast %add3A_333 : i32 to index
        %get3A_335 = arith.constant 48 : index
        %get3A_336 = tpu.vector_load %arg9[%get3A_334, %get3A_335] {strides = array<i32>} : memref<128x128xf32, #tpu.memory_space<vmem>>, vector<1x16xf32>,
        %get3A_337 = vector.shape_cast %get3A_336 : vector<1x16xf32> to vector<16xf32>
        %mul3A_338 = arith.constant 1.000000e+00 : f32
        %mul3A_339 = vector.broadcast %mul3A_338 : f32 to vector<16xf32>
        %mul3A_340 = arith.mulf %get3A_337, %mul3A_339 : vector<16xf32>
        %add3A_341 = arith.constant 1 : i32
        %add3A_342 = arith.addi %mul3A_221, %add3A_341 : i32
        %swap3A_343 = arith.index_cast %add3A_342 : i32 to index
        %swap3A_344 = arith.constant 48 : index
        %swap3A_345 = tpu.vector_load %arg11[%swap3A_343, %swap3A_344] {strides = array<i32>} : memref<128x64xf32, #tpu.memory_space<vmem>>, vector<1x16xf32>,
        %swap3A_346 = vector.shape_cast %swap3A_345 : vector<1x16xf32> to vector<16xf32>
        %swap3A_347 = vector.shape_cast %mul3A_340 : vector<16xf32> to vector<1x16xf32>
        tpu.vector_store %arg11[%swap3A_343, %swap3A_344], %swap3A_347 {strides = array<i32>} : memref<128x64xf32, #tpu.memory_space<vmem>>, vector<1x16xf32>,
        %add3A_348 = arith.constant 2 : i32
        %add3A_349 = arith.addi %mul3A_221, %add3A_348 : i32
        %get3A_350 = arith.index_cast %add3A_349 : i32 to index
        %get3A_351 = arith.constant 0 : index
        %get3A_352 = tpu.vector_load %arg9[%get3A_350, %get3A_351] {strides = array<i32>} : memref<128x128xf32, #tpu.memory_space<vmem>>, vector<1x16xf32>,
        %get3A_353 = vector.shape_cast %get3A_352 : vector<1x16xf32> to vector<16xf32>
        %mul3A_354 = arith.constant 1.000000e+00 : f32
        %mul3A_355 = vector.broadcast %mul3A_354 : f32 to vector<16xf32>
        %mul3A_356 = arith.mulf %get3A_353, %mul3A_355 : vector<16xf32>
        %add3A_357 = arith.constant 2 : i32
        %add3A_358 = arith.addi %mul3A_221, %add3A_357 : i32
        %swap3A_359 = arith.index_cast %add3A_358 : i32 to index
        %swap3A_360 = arith.constant 0 : index
        %swap3A_361 = tpu.vector_load %arg11[%swap3A_359, %swap3A_360] {strides = array<i32>} : memref<128x64xf32, #tpu.memory_space<vmem>>, vector<1x16xf32>,
        %swap3A_362 = vector.shape_cast %swap3A_361 : vector<1x16xf32> to vector<16xf32>
        %swap3A_363 = vector.shape_cast %mul3A_356 : vector<16xf32> to vector<1x16xf32>
        tpu.vector_store %arg11[%swap3A_359, %swap3A_360], %swap3A_363 {strides = array<i32>} : memref<128x64xf32, #tpu.memory_space<vmem>>, vector<1x16xf32>,
        %add3A_364 = arith.constant 2 : i32
        %add3A_365 = arith.addi %mul3A_221, %add3A_364 : i32
        %get3A_366 = arith.index_cast %add3A_365 : i32 to index
        %get3A_367 = arith.constant 16 : index
        %get3A_368 = tpu.vector_load %arg9[%get3A_366, %get3A_367] {strides = array<i32>} : memref<128x128xf32, #tpu.memory_space<vmem>>, vector<1x16xf32>,
        %get3A_369 = vector.shape_cast %get3A_368 : vector<1x16xf32> to vector<16xf32>
        %mul3A_370 = arith.constant 1.000000e+00 : f32
        %mul3A_371 = vector.broadcast %mul3A_370 : f32 to vector<16xf32>
        %mul3A_372 = arith.mulf %get3A_369, %mul3A_371 : vector<16xf32>
        %add3A_373 = arith.constant 2 : i32
        %add3A_374 = arith.addi %mul3A_221, %add3A_373 : i32
        %swap3A_375 = arith.index_cast %add3A_374 : i32 to index
        %swap3A_376 = arith.constant 16 : index
        %swap3A_377 = tpu.vector_load %arg11[%swap3A_375, %swap3A_376] {strides = array<i32>} : memref<128x64xf32, #tpu.memory_space<vmem>>, vector<1x16xf32>,
        %swap3A_378 = vector.shape_cast %swap3A_377 : vector<1x16xf32> to vector<16xf32>
        %swap3A_379 = vector.shape_cast %mul3A_372 : vector<16xf32> to vector<1x16xf32>
        tpu.vector_store %arg11[%swap3A_375, %swap3A_376], %swap3A_379 {strides = array<i32>} : memref<128x64xf32, #tpu.memory_space<vmem>>, vector<1x16xf32>,
        %add3A_380 = arith.constant 2 : i32
        %add3A_381 = arith.addi %mul3A_221, %add3A_380 : i32
        %get3A_382 = arith.index_cast %add3A_381 : i32 to index
        %get3A_383 = arith.constant 32 : index
        %get3A_384 = tpu.vector_load %arg9[%get3A_382, %get3A_383] {strides = array<i32>} : memref<128x128xf32, #tpu.memory_space<vmem>>, vector<1x16xf32>,
        %get3A_385 = vector.shape_cast %get3A_384 : vector<1x16xf32> to vector<16xf32>
        %mul3A_386 = arith.constant 1.000000e+00 : f32
        %mul3A_387 = vector.broadcast %mul3A_386 : f32 to vector<16xf32>
        %mul3A_388 = arith.mulf %get3A_385, %mul3A_387 : vector<16xf32>
        %add3A_389 = arith.constant 2 : i32
        %add3A_390 = arith.addi %mul3A_221, %add3A_389 : i32
        %swap3A_391 = arith.index_cast %add3A_390 : i32 to index
        %swap3A_392 = arith.constant 32 : index
        %swap3A_393 = tpu.vector_load %arg11[%swap3A_391, %swap3A_392] {strides = array<i32>} : memref<128x64xf32, #tpu.memory_space<vmem>>, vector<1x16xf32>,
        %swap3A_394 = vector.shape_cast %swap3A_393 : vector<1x16xf32> to vector<16xf32>
        %swap3A_395 = vector.shape_cast %mul3A_388 : vector<16xf32> to vector<1x16xf32>
        tpu.vector_store %arg11[%swap3A_391, %swap3A_392], %swap3A_395 {strides = array<i32>} : memref<128x64xf32, #tpu.memory_space<vmem>>, vector<1x16xf32>,
        %add3A_396 = arith.constant 2 : i32
        %add3A_397 = arith.addi %mul3A_221, %add3A_396 : i32
        %get3A_398 = arith.index_cast %add3A_397 : i32 to index
        %get3A_399 = arith.constant 48 : index
        %get3A_400 = tpu.vector_load %arg9[%get3A_398, %get3A_399] {strides = array<i32>} : memref<128x128xf32, #tpu.memory_space<vmem>>, vector<1x16xf32>,
        %get3A_401 = vector.shape_cast %get3A_400 : vector<1x16xf32> to vector<16xf32>
        %mul3A_402 = arith.constant 1.000000e+00 : f32
        %mul3A_403 = vector.broadcast %mul3A_402 : f32 to vector<16xf32>
        %mul3A_404 = arith.mulf %get3A_401, %mul3A_403 : vector<16xf32>
        %add3A_405 = arith.constant 2 : i32
        %add3A_406 = arith.addi %mul3A_221, %add3A_405 : i32
        %swap3A_407 = arith.index_cast %add3A_406 : i32 to index
        %swap3A_408 = arith.constant 48 : index
        %swap3A_409 = tpu.vector_load %arg11[%swap3A_407, %swap3A_408] {strides = array<i32>} : memref<128x64xf32, #tpu.memory_space<vmem>>, vector<1x16xf32>,
        %swap3A_410 = vector.shape_cast %swap3A_409 : vector<1x16xf32> to vector<16xf32>
        %swap3A_411 = vector.shape_cast %mul3A_404 : vector<16xf32> to vector<1x16xf32>
        tpu.vector_store %arg11[%swap3A_407, %swap3A_408], %swap3A_411 {strides = array<i32>} : memref<128x64xf32, #tpu.memory_space<vmem>>, vector<1x16xf32>,
        %add3A_412 = arith.constant 3 : i32
        %add3A_413 = arith.addi %mul3A_221, %add3A_412 : i32
        %get3A_414 = arith.index_cast %add3A_413 : i32 to index
        %get3A_415 = arith.constant 0 : index
        %get3A_416 = tpu.vector_load %arg9[%get3A_414, %get3A_415] {strides = array<i32>} : memref<128x128xf32, #tpu.memory_space<vmem>>, vector<1x16xf32>,
        %get3A_417 = vector.shape_cast %get3A_416 : vector<1x16xf32> to vector<16xf32>
        %mul3A_418 = arith.constant 1.000000e+00 : f32
        %mul3A_419 = vector.broadcast %mul3A_418 : f32 to vector<16xf32>
        %mul3A_420 = arith.mulf %get3A_417, %mul3A_419 : vector<16xf32>
        %add3A_421 = arith.constant 3 : i32
        %add3A_422 = arith.addi %mul3A_221, %add3A_421 : i32
        %swap3A_423 = arith.index_cast %add3A_422 : i32 to index
        %swap3A_424 = arith.constant 0 : index
        %swap3A_425 = tpu.vector_load %arg11[%swap3A_423, %swap3A_424] {strides = array<i32>} : memref<128x64xf32, #tpu.memory_space<vmem>>, vector<1x16xf32>,
        %swap3A_426 = vector.shape_cast %swap3A_425 : vector<1x16xf32> to vector<16xf32>
        %swap3A_427 = vector.shape_cast %mul3A_420 : vector<16xf32> to vector<1x16xf32>
        tpu.vector_store %arg11[%swap3A_423, %swap3A_424], %swap3A_427 {strides = array<i32>} : memref<128x64xf32, #tpu.memory_space<vmem>>, vector<1x16xf32>,
        %add3A_428 = arith.constant 3 : i32
        %add3A_429 = arith.addi %mul3A_221, %add3A_428 : i32
        %get3A_430 = arith.index_cast %add3A_429 : i32 to index
        %get3A_431 = arith.constant 16 : index
        %get3A_432 = tpu.vector_load %arg9[%get3A_430, %get3A_431] {strides = array<i32>} : memref<128x128xf32, #tpu.memory_space<vmem>>, vector<1x16xf32>,
        %get3A_433 = vector.shape_cast %get3A_432 : vector<1x16xf32> to vector<16xf32>
        %mul3A_434 = arith.constant 1.000000e+00 : f32
        %mul3A_435 = vector.broadcast %mul3A_434 : f32 to vector<16xf32>
        %mul3A_436 = arith.mulf %get3A_433, %mul3A_435 : vector<16xf32>
        %add3A_437 = arith.constant 3 : i32
        %add3A_438 = arith.addi %mul3A_221, %add3A_437 : i32
        %swap3A_439 = arith.index_cast %add3A_438 : i32 to index
        %swap3A_440 = arith.constant 16 : index
        %swap3A_441 = tpu.vector_load %arg11[%swap3A_439, %swap3A_440] {strides = array<i32>} : memref<128x64xf32, #tpu.memory_space<vmem>>, vector<1x16xf32>,
        %swap3A_442 = vector.shape_cast %swap3A_441 : vector<1x16xf32> to vector<16xf32>
        %swap3A_443 = vector.shape_cast %mul3A_436 : vector<16xf32> to vector<1x16xf32>
        tpu.vector_store %arg11[%swap3A_439, %swap3A_440], %swap3A_443 {strides = array<i32>} : memref<128x64xf32, #tpu.memory_space<vmem>>, vector<1x16xf32>,
        %add3A_444 = arith.constant 3 : i32
        %add3A_445 = arith.addi %mul3A_221, %add3A_444 : i32
        %get3A_446 = arith.index_cast %add3A_445 : i32 to index
        %get3A_447 = arith.constant 32 : index
        %get3A_448 = tpu.vector_load %arg9[%get3A_446, %get3A_447] {strides = array<i32>} : memref<128x128xf32, #tpu.memory_space<vmem>>, vector<1x16xf32>,
        %get3A_449 = vector.shape_cast %get3A_448 : vector<1x16xf32> to vector<16xf32>
        %mul3A_450 = arith.constant 1.000000e+00 : f32
        %mul3A_451 = vector.broadcast %mul3A_450 : f32 to vector<16xf32>
        %mul3A_452 = arith.mulf %get3A_449, %mul3A_451 : vector<16xf32>
        %add3A_453 = arith.constant 3 : i32
        %add3A_454 = arith.addi %mul3A_221, %add3A_453 : i32
        %swap3A_455 = arith.index_cast %add3A_454 : i32 to index
        %swap3A_456 = arith.constant 32 : index
        %swap3A_457 = tpu.vector_load %arg11[%swap3A_455, %swap3A_456] {strides = array<i32>} : memref<128x64xf32, #tpu.memory_space<vmem>>, vector<1x16xf32>,
        %swap3A_458 = vector.shape_cast %swap3A_457 : vector<1x16xf32> to vector<16xf32>
        %swap3A_459 = vector.shape_cast %mul3A_452 : vector<16xf32> to vector<1x16xf32>
        tpu.vector_store %arg11[%swap3A_455, %swap3A_456], %swap3A_459 {strides = array<i32>} : memref<128x64xf32, #tpu.memory_space<vmem>>, vector<1x16xf32>,
        %add3A_460 = arith.constant 3 : i32
        %add3A_461 = arith.addi %mul3A_221, %add3A_460 : i32
        %get3A_462 = arith.index_cast %add3A_461 : i32 to index
        %get3A_463 = arith.constant 48 : index
        %get3A_464 = tpu.vector_load %arg9[%get3A_462, %get3A_463] {strides = array<i32>} : memref<128x128xf32, #tpu.memory_space<vmem>>, vector<1x16xf32>,
        %get3A_465 = vector.shape_cast %get3A_464 : vector<1x16xf32> to vector<16xf32>
        %mul3A_466 = arith.constant 1.000000e+00 : f32
        %mul3A_467 = vector.broadcast %mul3A_466 : f32 to vector<16xf32>
        %mul3A_468 = arith.mulf %get3A_465, %mul3A_467 : vector<16xf32>
        %add3A_469 = arith.constant 3 : i32
        %add3A_470 = arith.addi %mul3A_221, %add3A_469 : i32
        %swap3A_471 = arith.index_cast %add3A_470 : i32 to index
        %swap3A_472 = arith.constant 48 : index
        %swap3A_473 = tpu.vector_load %arg11[%swap3A_471, %swap3A_472] {strides = array<i32>} : memref<128x64xf32, #tpu.memory_space<vmem>>, vector<1x16xf32>,
        %swap3A_474 = vector.shape_cast %swap3A_473 : vector<1x16xf32> to vector<16xf32>
        %swap3A_475 = vector.shape_cast %mul3A_468 : vector<16xf32> to vector<1x16xf32>
        tpu.vector_store %arg11[%swap3A_471, %swap3A_472], %swap3A_475 {strides = array<i32>} : memref<128x64xf32, #tpu.memory_space<vmem>>, vector<1x16xf32>,
      }
      %scan3A_87 = arith.constant 32 : i32
      %mul3A_88 = arith.constant 128 : i32
      %mul3A_89 = arith.muli %add3A_70, %mul3A_88 : i32
      %add3A_90 = arith.addi %mul3A_2, %mul3A_89 : i32
      %dma_start3A_91 = arith.constant 0 : i32
      %dma_start3A_92 = tpu.memref_slice %arg4[%add3A_90, %dma_start3A_91] : memref<819200x64xf32, #tpu.memory_space<hbm>> -> memref<128x64xf32, #tpu.memory_space<hbm>>
      %dma_start3A_93 = arith.constant 0 : i32
      %dma_start3A_94 = tpu.memref_slice %arg4[%add3A_90, %dma_start3A_93] : memref<819200x64xf32, #tpu.memory_space<hbm>> -> memref<128x64xf32, #tpu.memory_space<hbm>>
      tpu.enqueue_dma source(%arg11 : memref<128x64xf32, #tpu.memory_space<vmem>>) target(%dma_start3A_94 : memref<128x64xf32, #tpu.memory_space<hbm>>) target_semaphore(%arg19 : memref<!tpu.dma_semaphore, #tpu.memory_space<semaphore_mem>>)
      %add3A_95 = arith.constant 2 : i32
      %add3A_96 = arith.addi %add3A_70, %add3A_95 : i32
      %lt3A_97 = arith.constant 200 : i32
      %lt3A_98 = arith.cmpi slt, %add3A_96, %lt3A_97 : i32
      %convert_element_type3A_99 = arith.extui %lt3A_98 : i1 to i32
      %cond3A_100 = arith.constant 0 : i32
      %cond3A_101 = arith.cmpi ne, %convert_element_type3A_99, %cond3A_100 : i32
      scf.if %cond3A_101 {
        %add3A_219 = arith.constant 2 : i32
        %add3A_220 = arith.addi %add3A_70, %add3A_219 : i32
        %dma_wait3A_221 = arith.constant 0 : i32
        %dma_wait3A_222 = tpu.memref_slice %arg2[%add3A, %add3A_220, %dma_wait3A_221] : memref<32x200x128xi32, #tpu.memory_space<hbm>> -> memref<1x1x128xi32, #tpu.memory_space<hbm>>
        %dma_wait3A_223 = tpu.memref_squeeze %dma_wait3A_222 : memref<1x1x128xi32, #tpu.memory_space<hbm>> -> memref<128xi32, #tpu.memory_space<hbm>>
        %dma_wait3A_224 = arith.constant 0 : i32
        %dma_wait3A_225 = tpu.memref_slice %arg2[%add3A, %add3A_220, %dma_wait3A_224] : memref<32x200x128xi32, #tpu.memory_space<hbm>> -> memref<1x1x128xi32, #tpu.memory_space<hbm>>
        %dma_wait3A_226 = tpu.memref_squeeze %dma_wait3A_225 : memref<1x1x128xi32, #tpu.memory_space<hbm>> -> memref<128xi32, #tpu.memory_space<hbm>>
        tpu.wait_dma2 semaphore(%arg15 : memref<!tpu.dma_semaphore, #tpu.memory_space<semaphore_mem>>) src(%dma_wait3A_226 : memref<128xi32, #tpu.memory_space<hbm>>) dst(%arg7 : memref<128xi32, #tpu.memory_space<vmem>>)
        %dma_start3A_227 = arith.constant 0 : i32
        %dma_start3A_228 = arith.constant 0 : i32
        %dma_start3A_229 = tpu.memref_slice %arg3[%dma_start3A_227, %dma_start3A_228] : memref<1000000x128xf32, #tpu.memory_space<hbm>> -> memref<1000000x128xf32, #tpu.memory_space<hbm>>
        tpu.enqueue_indirect_dma source(%dma_start3A_229 : memref<1000000x128xf32, #tpu.memory_space<hbm>>) target(%arg9 : memref<128x128xf32, #tpu.memory_space<vmem>>) offsets(%arg7 : memref<128xi32, #tpu.memory_space<vmem>>) semaphore(%arg17 : memref<!tpu.dma_semaphore, #tpu.memory_space<semaphore_mem>>)
      } else {
      }
      %mul3A_102 = arith.constant 4 : i32
      %mul3A_103 = arith.muli %mul3A_102, %scan3A_66 : i32
      %add3A_104 = arith.constant 1 : i32
      %add3A_105 = arith.addi %mul3A_103, %add3A_104 : i32
      %dma_wait3A_106 = arith.constant 0 : i32
      %dma_wait3A_107 = arith.constant 0 : i32
      %dma_wait3A_108 = tpu.memref_slice %arg3[%dma_wait3A_106, %dma_wait3A_107] : memref<1000000x128xf32, #tpu.memory_space<hbm>> -> memref<1000000x128xf32, #tpu.memory_space<hbm>>
      tpu.wait_indirect_dma semaphore(%arg18 : memref<!tpu.dma_semaphore, #tpu.memory_space<semaphore_mem>>) src(%dma_wait3A_108 : memref<1000000x128xf32, #tpu.memory_space<hbm>>) dst(%arg10 : memref<128x128xf32, #tpu.memory_space<vmem>>)
      %add3A_109 = arith.constant 4 : i32
      %add3A_110 = arith.addi %add3A_105, %add3A_109 : i32
      %lt3A_111 = arith.constant 200 : i32
      %lt3A_112 = arith.cmpi slt, %add3A_110, %lt3A_111 : i32
      %convert_element_type3A_113 = arith.extui %lt3A_112 : i1 to i32
      %cond3A_114 = arith.constant 0 : i32
      %cond3A_115 = arith.cmpi ne, %convert_element_type3A_113, %cond3A_114 : i32
      scf.if %cond3A_115 {
        %add3A_219 = arith.constant 4 : i32
        %add3A_220 = arith.addi %add3A_105, %add3A_219 : i32
        %dma_start3A_221 = arith.constant 0 : i32
        %dma_start3A_222 = tpu.memref_slice %arg2[%add3A, %add3A_220, %dma_start3A_221] : memref<32x200x128xi32, #tpu.memory_space<hbm>> -> memref<1x1x128xi32, #tpu.memory_space<hbm>>
        %dma_start3A_223 = tpu.memref_squeeze %dma_start3A_222 : memref<1x1x128xi32, #tpu.memory_space<hbm>> -> memref<128xi32, #tpu.memory_space<hbm>>
        %dma_start3A_224 = arith.constant 0 : i32
        %dma_start3A_225 = tpu.memref_slice %arg2[%add3A, %add3A_220, %dma_start3A_224] : memref<32x200x128xi32, #tpu.memory_space<hbm>> -> memref<1x1x128xi32, #tpu.memory_space<hbm>>
        %dma_start3A_226 = tpu.memref_squeeze %dma_start3A_225 : memref<1x1x128xi32, #tpu.memory_space<hbm>> -> memref<128xi32, #tpu.memory_space<hbm>>
        tpu.enqueue_dma source(%dma_start3A_226 : memref<128xi32, #tpu.memory_space<hbm>>) target(%arg6 : memref<128xi32, #tpu.memory_space<vmem>>) target_semaphore(%arg14 : memref<!tpu.dma_semaphore, #tpu.memory_space<semaphore_mem>>)
      } else {
      }
      %ge3A_116 = arith.constant 2 : i32
      %ge3A_117 = arith.cmpi sge, %add3A_105, %ge3A_116 : i32
      %convert_element_type3A_118 = arith.extui %ge3A_117 : i1 to i32
      %cond3A_119 = arith.constant 0 : i32
      %cond3A_120 = arith.cmpi ne, %convert_element_type3A_118, %cond3A_119 : i32
      scf.if %cond3A_120 {
        %sub3A = arith.constant 2 : i32
        %sub3A_219 = arith.subi %add3A_105, %sub3A : i32
        %mul3A_220 = arith.constant 128 : i32
        %mul3A_221 = arith.muli %sub3A_219, %mul3A_220 : i32
        %add3A_222 = arith.addi %mul3A_2, %mul3A_221 : i32
        %dma_wait3A_223 = arith.constant 0 : i32
        %dma_wait3A_224 = tpu.memref_slice %arg4[%add3A_222, %dma_wait3A_223] : memref<819200x64xf32, #tpu.memory_space<hbm>> -> memref<128x64xf32, #tpu.memory_space<hbm>>
        %dma_wait3A_225 = arith.constant 0 : i32
        %dma_wait3A_226 = tpu.memref_slice %arg4[%add3A_222, %dma_wait3A_225] : memref<819200x64xf32, #tpu.memory_space<hbm>> -> memref<128x64xf32, #tpu.memory_space<hbm>>
        tpu.wait_dma2 semaphore(%arg20 : memref<!tpu.dma_semaphore, #tpu.memory_space<semaphore_mem>>) src(%arg12 : memref<128x64xf32, #tpu.memory_space<vmem>>) dst(%dma_wait3A_226 : memref<128x64xf32, #tpu.memory_space<hbm>>)
      } else {
      }
      %scan3A_121 = arith.constant 0 : i32
      %scan3A_122 = arith.constant 0 : i32
      %scan3A_123 = arith.constant 32 : i32
      %scan3A_124 = arith.addi %scan3A_122, %scan3A_123 : i32
      %scan3A_125 = arith.constant 1 : i32
      scf.for %scan3A_219 = %scan3A_122 to %scan3A_124 step %scan3A_125  : i32 {
        %mul3A_220 = arith.constant 4 : i32
        %mul3A_221 = arith.muli %scan3A_219, %mul3A_220 : i32
        %add3A_222 = arith.constant 0 : i32
        %add3A_223 = arith.addi %mul3A_221, %add3A_222 : i32
        %get3A = arith.index_cast %add3A_223 : i32 to index
        %get3A_224 = arith.constant 0 : index
        %get3A_225 = tpu.vector_load %arg10[%get3A, %get3A_224] {strides = array<i32>} : memref<128x128xf32, #tpu.memory_space<vmem>>, vector<1x16xf32>,
        %get3A_226 = vector.shape_cast %get3A_225 : vector<1x16xf32> to vector<16xf32>
        %mul3A_227 = arith.constant 1.000000e+00 : f32
        %mul3A_228 = vector.broadcast %mul3A_227 : f32 to vector<16xf32>
        %mul3A_229 = arith.mulf %get3A_226, %mul3A_228 : vector<16xf32>
        %add3A_230 = arith.constant 0 : i32
        %add3A_231 = arith.addi %mul3A_221, %add3A_230 : i32
        %swap3A = arith.index_cast %add3A_231 : i32 to index
        %swap3A_232 = arith.constant 0 : index
        %swap3A_233 = tpu.vector_load %arg12[%swap3A, %swap3A_232] {strides = array<i32>} : memref<128x64xf32, #tpu.memory_space<vmem>>, vector<1x16xf32>,
        %swap3A_234 = vector.shape_cast %swap3A_233 : vector<1x16xf32> to vector<16xf32>
        %swap3A_235 = vector.shape_cast %mul3A_229 : vector<16xf32> to vector<1x16xf32>
        tpu.vector_store %arg12[%swap3A, %swap3A_232], %swap3A_235 {strides = array<i32>} : memref<128x64xf32, #tpu.memory_space<vmem>>, vector<1x16xf32>,
        %add3A_236 = arith.constant 0 : i32
        %add3A_237 = arith.addi %mul3A_221, %add3A_236 : i32
        %get3A_238 = arith.index_cast %add3A_237 : i32 to index
        %get3A_239 = arith.constant 16 : index
        %get3A_240 = tpu.vector_load %arg10[%get3A_238, %get3A_239] {strides = array<i32>} : memref<128x128xf32, #tpu.memory_space<vmem>>, vector<1x16xf32>,
        %get3A_241 = vector.shape_cast %get3A_240 : vector<1x16xf32> to vector<16xf32>
        %mul3A_242 = arith.constant 1.000000e+00 : f32
        %mul3A_243 = vector.broadcast %mul3A_242 : f32 to vector<16xf32>
        %mul3A_244 = arith.mulf %get3A_241, %mul3A_243 : vector<16xf32>
        %add3A_245 = arith.constant 0 : i32
        %add3A_246 = arith.addi %mul3A_221, %add3A_245 : i32
        %swap3A_247 = arith.index_cast %add3A_246 : i32 to index
        %swap3A_248 = arith.constant 16 : index
        %swap3A_249 = tpu.vector_load %arg12[%swap3A_247, %swap3A_248] {strides = array<i32>} : memref<128x64xf32, #tpu.memory_space<vmem>>, vector<1x16xf32>,
        %swap3A_250 = vector.shape_cast %swap3A_249 : vector<1x16xf32> to vector<16xf32>
        %swap3A_251 = vector.shape_cast %mul3A_244 : vector<16xf32> to vector<1x16xf32>
        tpu.vector_store %arg12[%swap3A_247, %swap3A_248], %swap3A_251 {strides = array<i32>} : memref<128x64xf32, #tpu.memory_space<vmem>>, vector<1x16xf32>,
        %add3A_252 = arith.constant 0 : i32
        %add3A_253 = arith.addi %mul3A_221, %add3A_252 : i32
        %get3A_254 = arith.index_cast %add3A_253 : i32 to index
        %get3A_255 = arith.constant 32 : index
        %get3A_256 = tpu.vector_load %arg10[%get3A_254, %get3A_255] {strides = array<i32>} : memref<128x128xf32, #tpu.memory_space<vmem>>, vector<1x16xf32>,
        %get3A_257 = vector.shape_cast %get3A_256 : vector<1x16xf32> to vector<16xf32>
        %mul3A_258 = arith.constant 1.000000e+00 : f32
        %mul3A_259 = vector.broadcast %mul3A_258 : f32 to vector<16xf32>
        %mul3A_260 = arith.mulf %get3A_257, %mul3A_259 : vector<16xf32>
        %add3A_261 = arith.constant 0 : i32
        %add3A_262 = arith.addi %mul3A_221, %add3A_261 : i32
        %swap3A_263 = arith.index_cast %add3A_262 : i32 to index
        %swap3A_264 = arith.constant 32 : index
        %swap3A_265 = tpu.vector_load %arg12[%swap3A_263, %swap3A_264] {strides = array<i32>} : memref<128x64xf32, #tpu.memory_space<vmem>>, vector<1x16xf32>,
        %swap3A_266 = vector.shape_cast %swap3A_265 : vector<1x16xf32> to vector<16xf32>
        %swap3A_267 = vector.shape_cast %mul3A_260 : vector<16xf32> to vector<1x16xf32>
        tpu.vector_store %arg12[%swap3A_263, %swap3A_264], %swap3A_267 {strides = array<i32>} : memref<128x64xf32, #tpu.memory_space<vmem>>, vector<1x16xf32>,
        %add3A_268 = arith.constant 0 : i32
        %add3A_269 = arith.addi %mul3A_221, %add3A_268 : i32
        %get3A_270 = arith.index_cast %add3A_269 : i32 to index
        %get3A_271 = arith.constant 48 : index
        %get3A_272 = tpu.vector_load %arg10[%get3A_270, %get3A_271] {strides = array<i32>} : memref<128x128xf32, #tpu.memory_space<vmem>>, vector<1x16xf32>,
        %get3A_273 = vector.shape_cast %get3A_272 : vector<1x16xf32> to vector<16xf32>
        %mul3A_274 = arith.constant 1.000000e+00 : f32
        %mul3A_275 = vector.broadcast %mul3A_274 : f32 to vector<16xf32>
        %mul3A_276 = arith.mulf %get3A_273, %mul3A_275 : vector<16xf32>
        %add3A_277 = arith.constant 0 : i32
        %add3A_278 = arith.addi %mul3A_221, %add3A_277 : i32
        %swap3A_279 = arith.index_cast %add3A_278 : i32 to index
        %swap3A_280 = arith.constant 48 : index
        %swap3A_281 = tpu.vector_load %arg12[%swap3A_279, %swap3A_280] {strides = array<i32>} : memref<128x64xf32, #tpu.memory_space<vmem>>, vector<1x16xf32>,
        %swap3A_282 = vector.shape_cast %swap3A_281 : vector<1x16xf32> to vector<16xf32>
        %swap3A_283 = vector.shape_cast %mul3A_276 : vector<16xf32> to vector<1x16xf32>
        tpu.vector_store %arg12[%swap3A_279, %swap3A_280], %swap3A_283 {strides = array<i32>} : memref<128x64xf32, #tpu.memory_space<vmem>>, vector<1x16xf32>,
        %add3A_284 = arith.constant 1 : i32
        %add3A_285 = arith.addi %mul3A_221, %add3A_284 : i32
        %get3A_286 = arith.index_cast %add3A_285 : i32 to index
        %get3A_287 = arith.constant 0 : index
        %get3A_288 = tpu.vector_load %arg10[%get3A_286, %get3A_287] {strides = array<i32>} : memref<128x128xf32, #tpu.memory_space<vmem>>, vector<1x16xf32>,
        %get3A_289 = vector.shape_cast %get3A_288 : vector<1x16xf32> to vector<16xf32>
        %mul3A_290 = arith.constant 1.000000e+00 : f32
        %mul3A_291 = vector.broadcast %mul3A_290 : f32 to vector<16xf32>
        %mul3A_292 = arith.mulf %get3A_289, %mul3A_291 : vector<16xf32>
        %add3A_293 = arith.constant 1 : i32
        %add3A_294 = arith.addi %mul3A_221, %add3A_293 : i32
        %swap3A_295 = arith.index_cast %add3A_294 : i32 to index
        %swap3A_296 = arith.constant 0 : index
        %swap3A_297 = tpu.vector_load %arg12[%swap3A_295, %swap3A_296] {strides = array<i32>} : memref<128x64xf32, #tpu.memory_space<vmem>>, vector<1x16xf32>,
        %swap3A_298 = vector.shape_cast %swap3A_297 : vector<1x16xf32> to vector<16xf32>
        %swap3A_299 = vector.shape_cast %mul3A_292 : vector<16xf32> to vector<1x16xf32>
        tpu.vector_store %arg12[%swap3A_295, %swap3A_296], %swap3A_299 {strides = array<i32>} : memref<128x64xf32, #tpu.memory_space<vmem>>, vector<1x16xf32>,
        %add3A_300 = arith.constant 1 : i32
        %add3A_301 = arith.addi %mul3A_221, %add3A_300 : i32
        %get3A_302 = arith.index_cast %add3A_301 : i32 to index
        %get3A_303 = arith.constant 16 : index
        %get3A_304 = tpu.vector_load %arg10[%get3A_302, %get3A_303] {strides = array<i32>} : memref<128x128xf32, #tpu.memory_space<vmem>>, vector<1x16xf32>,
        %get3A_305 = vector.shape_cast %get3A_304 : vector<1x16xf32> to vector<16xf32>
        %mul3A_306 = arith.constant 1.000000e+00 : f32
        %mul3A_307 = vector.broadcast %mul3A_306 : f32 to vector<16xf32>
        %mul3A_308 = arith.mulf %get3A_305, %mul3A_307 : vector<16xf32>
        %add3A_309 = arith.constant 1 : i32
        %add3A_310 = arith.addi %mul3A_221, %add3A_309 : i32
        %swap3A_311 = arith.index_cast %add3A_310 : i32 to index
        %swap3A_312 = arith.constant 16 : index
        %swap3A_313 = tpu.vector_load %arg12[%swap3A_311, %swap3A_312] {strides = array<i32>} : memref<128x64xf32, #tpu.memory_space<vmem>>, vector<1x16xf32>,
        %swap3A_314 = vector.shape_cast %swap3A_313 : vector<1x16xf32> to vector<16xf32>
        %swap3A_315 = vector.shape_cast %mul3A_308 : vector<16xf32> to vector<1x16xf32>
        tpu.vector_store %arg12[%swap3A_311, %swap3A_312], %swap3A_315 {strides = array<i32>} : memref<128x64xf32, #tpu.memory_space<vmem>>, vector<1x16xf32>,
        %add3A_316 = arith.constant 1 : i32
        %add3A_317 = arith.addi %mul3A_221, %add3A_316 : i32
        %get3A_318 = arith.index_cast %add3A_317 : i32 to index
        %get3A_319 = arith.constant 32 : index
        %get3A_320 = tpu.vector_load %arg10[%get3A_318, %get3A_319] {strides = array<i32>} : memref<128x128xf32, #tpu.memory_space<vmem>>, vector<1x16xf32>,
        %get3A_321 = vector.shape_cast %get3A_320 : vector<1x16xf32> to vector<16xf32>
        %mul3A_322 = arith.constant 1.000000e+00 : f32
        %mul3A_323 = vector.broadcast %mul3A_322 : f32 to vector<16xf32>
        %mul3A_324 = arith.mulf %get3A_321, %mul3A_323 : vector<16xf32>
        %add3A_325 = arith.constant 1 : i32
        %add3A_326 = arith.addi %mul3A_221, %add3A_325 : i32
        %swap3A_327 = arith.index_cast %add3A_326 : i32 to index
        %swap3A_328 = arith.constant 32 : index
        %swap3A_329 = tpu.vector_load %arg12[%swap3A_327, %swap3A_328] {strides = array<i32>} : memref<128x64xf32, #tpu.memory_space<vmem>>, vector<1x16xf32>,
        %swap3A_330 = vector.shape_cast %swap3A_329 : vector<1x16xf32> to vector<16xf32>
        %swap3A_331 = vector.shape_cast %mul3A_324 : vector<16xf32> to vector<1x16xf32>
        tpu.vector_store %arg12[%swap3A_327, %swap3A_328], %swap3A_331 {strides = array<i32>} : memref<128x64xf32, #tpu.memory_space<vmem>>, vector<1x16xf32>,
        %add3A_332 = arith.constant 1 : i32
        %add3A_333 = arith.addi %mul3A_221, %add3A_332 : i32
        %get3A_334 = arith.index_cast %add3A_333 : i32 to index
        %get3A_335 = arith.constant 48 : index
        %get3A_336 = tpu.vector_load %arg10[%get3A_334, %get3A_335] {strides = array<i32>} : memref<128x128xf32, #tpu.memory_space<vmem>>, vector<1x16xf32>,
        %get3A_337 = vector.shape_cast %get3A_336 : vector<1x16xf32> to vector<16xf32>
        %mul3A_338 = arith.constant 1.000000e+00 : f32
        %mul3A_339 = vector.broadcast %mul3A_338 : f32 to vector<16xf32>
        %mul3A_340 = arith.mulf %get3A_337, %mul3A_339 : vector<16xf32>
        %add3A_341 = arith.constant 1 : i32
        %add3A_342 = arith.addi %mul3A_221, %add3A_341 : i32
        %swap3A_343 = arith.index_cast %add3A_342 : i32 to index
        %swap3A_344 = arith.constant 48 : index
        %swap3A_345 = tpu.vector_load %arg12[%swap3A_343, %swap3A_344] {strides = array<i32>} : memref<128x64xf32, #tpu.memory_space<vmem>>, vector<1x16xf32>,
        %swap3A_346 = vector.shape_cast %swap3A_345 : vector<1x16xf32> to vector<16xf32>
        %swap3A_347 = vector.shape_cast %mul3A_340 : vector<16xf32> to vector<1x16xf32>
        tpu.vector_store %arg12[%swap3A_343, %swap3A_344], %swap3A_347 {strides = array<i32>} : memref<128x64xf32, #tpu.memory_space<vmem>>, vector<1x16xf32>,
        %add3A_348 = arith.constant 2 : i32
        %add3A_349 = arith.addi %mul3A_221, %add3A_348 : i32
        %get3A_350 = arith.index_cast %add3A_349 : i32 to index
        %get3A_351 = arith.constant 0 : index
        %get3A_352 = tpu.vector_load %arg10[%get3A_350, %get3A_351] {strides = array<i32>} : memref<128x128xf32, #tpu.memory_space<vmem>>, vector<1x16xf32>,
        %get3A_353 = vector.shape_cast %get3A_352 : vector<1x16xf32> to vector<16xf32>
        %mul3A_354 = arith.constant 1.000000e+00 : f32
        %mul3A_355 = vector.broadcast %mul3A_354 : f32 to vector<16xf32>
        %mul3A_356 = arith.mulf %get3A_353, %mul3A_355 : vector<16xf32>
        %add3A_357 = arith.constant 2 : i32
        %add3A_358 = arith.addi %mul3A_221, %add3A_357 : i32
        %swap3A_359 = arith.index_cast %add3A_358 : i32 to index
        %swap3A_360 = arith.constant 0 : index
        %swap3A_361 = tpu.vector_load %arg12[%swap3A_359, %swap3A_360] {strides = array<i32>} : memref<128x64xf32, #tpu.memory_space<vmem>>, vector<1x16xf32>,
        %swap3A_362 = vector.shape_cast %swap3A_361 : vector<1x16xf32> to vector<16xf32>
        %swap3A_363 = vector.shape_cast %mul3A_356 : vector<16xf32> to vector<1x16xf32>
        tpu.vector_store %arg12[%swap3A_359, %swap3A_360], %swap3A_363 {strides = array<i32>} : memref<128x64xf32, #tpu.memory_space<vmem>>, vector<1x16xf32>,
        %add3A_364 = arith.constant 2 : i32
        %add3A_365 = arith.addi %mul3A_221, %add3A_364 : i32
        %get3A_366 = arith.index_cast %add3A_365 : i32 to index
        %get3A_367 = arith.constant 16 : index
        %get3A_368 = tpu.vector_load %arg10[%get3A_366, %get3A_367] {strides = array<i32>} : memref<128x128xf32, #tpu.memory_space<vmem>>, vector<1x16xf32>,
        %get3A_369 = vector.shape_cast %get3A_368 : vector<1x16xf32> to vector<16xf32>
        %mul3A_370 = arith.constant 1.000000e+00 : f32
        %mul3A_371 = vector.broadcast %mul3A_370 : f32 to vector<16xf32>
        %mul3A_372 = arith.mulf %get3A_369, %mul3A_371 : vector<16xf32>
        %add3A_373 = arith.constant 2 : i32
        %add3A_374 = arith.addi %mul3A_221, %add3A_373 : i32
        %swap3A_375 = arith.index_cast %add3A_374 : i32 to index
        %swap3A_376 = arith.constant 16 : index
        %swap3A_377 = tpu.vector_load %arg12[%swap3A_375, %swap3A_376] {strides = array<i32>} : memref<128x64xf32, #tpu.memory_space<vmem>>, vector<1x16xf32>,
        %swap3A_378 = vector.shape_cast %swap3A_377 : vector<1x16xf32> to vector<16xf32>
        %swap3A_379 = vector.shape_cast %mul3A_372 : vector<16xf32> to vector<1x16xf32>
        tpu.vector_store %arg12[%swap3A_375, %swap3A_376], %swap3A_379 {strides = array<i32>} : memref<128x64xf32, #tpu.memory_space<vmem>>, vector<1x16xf32>,
        %add3A_380 = arith.constant 2 : i32
        %add3A_381 = arith.addi %mul3A_221, %add3A_380 : i32
        %get3A_382 = arith.index_cast %add3A_381 : i32 to index
        %get3A_383 = arith.constant 32 : index
        %get3A_384 = tpu.vector_load %arg10[%get3A_382, %get3A_383] {strides = array<i32>} : memref<128x128xf32, #tpu.memory_space<vmem>>, vector<1x16xf32>,
        %get3A_385 = vector.shape_cast %get3A_384 : vector<1x16xf32> to vector<16xf32>
        %mul3A_386 = arith.constant 1.000000e+00 : f32
        %mul3A_387 = vector.broadcast %mul3A_386 : f32 to vector<16xf32>
        %mul3A_388 = arith.mulf %get3A_385, %mul3A_387 : vector<16xf32>
        %add3A_389 = arith.constant 2 : i32
        %add3A_390 = arith.addi %mul3A_221, %add3A_389 : i32
        %swap3A_391 = arith.index_cast %add3A_390 : i32 to index
        %swap3A_392 = arith.constant 32 : index
        %swap3A_393 = tpu.vector_load %arg12[%swap3A_391, %swap3A_392] {strides = array<i32>} : memref<128x64xf32, #tpu.memory_space<vmem>>, vector<1x16xf32>,
        %swap3A_394 = vector.shape_cast %swap3A_393 : vector<1x16xf32> to vector<16xf32>
        %swap3A_395 = vector.shape_cast %mul3A_388 : vector<16xf32> to vector<1x16xf32>
        tpu.vector_store %arg12[%swap3A_391, %swap3A_392], %swap3A_395 {strides = array<i32>} : memref<128x64xf32, #tpu.memory_space<vmem>>, vector<1x16xf32>,
        %add3A_396 = arith.constant 2 : i32
        %add3A_397 = arith.addi %mul3A_221, %add3A_396 : i32
        %get3A_398 = arith.index_cast %add3A_397 : i32 to index
        %get3A_399 = arith.constant 48 : index
        %get3A_400 = tpu.vector_load %arg10[%get3A_398, %get3A_399] {strides = array<i32>} : memref<128x128xf32, #tpu.memory_space<vmem>>, vector<1x16xf32>,
        %get3A_401 = vector.shape_cast %get3A_400 : vector<1x16xf32> to vector<16xf32>
        %mul3A_402 = arith.constant 1.000000e+00 : f32
        %mul3A_403 = vector.broadcast %mul3A_402 : f32 to vector<16xf32>
        %mul3A_404 = arith.mulf %get3A_401, %mul3A_403 : vector<16xf32>
        %add3A_405 = arith.constant 2 : i32
        %add3A_406 = arith.addi %mul3A_221, %add3A_405 : i32
        %swap3A_407 = arith.index_cast %add3A_406 : i32 to index
        %swap3A_408 = arith.constant 48 : index
        %swap3A_409 = tpu.vector_load %arg12[%swap3A_407, %swap3A_408] {strides = array<i32>} : memref<128x64xf32, #tpu.memory_space<vmem>>, vector<1x16xf32>,
        %swap3A_410 = vector.shape_cast %swap3A_409 : vector<1x16xf32> to vector<16xf32>
        %swap3A_411 = vector.shape_cast %mul3A_404 : vector<16xf32> to vector<1x16xf32>
        tpu.vector_store %arg12[%swap3A_407, %swap3A_408], %swap3A_411 {strides = array<i32>} : memref<128x64xf32, #tpu.memory_space<vmem>>, vector<1x16xf32>,
        %add3A_412 = arith.constant 3 : i32
        %add3A_413 = arith.addi %mul3A_221, %add3A_412 : i32
        %get3A_414 = arith.index_cast %add3A_413 : i32 to index
        %get3A_415 = arith.constant 0 : index
        %get3A_416 = tpu.vector_load %arg10[%get3A_414, %get3A_415] {strides = array<i32>} : memref<128x128xf32, #tpu.memory_space<vmem>>, vector<1x16xf32>,
        %get3A_417 = vector.shape_cast %get3A_416 : vector<1x16xf32> to vector<16xf32>
        %mul3A_418 = arith.constant 1.000000e+00 : f32
        %mul3A_419 = vector.broadcast %mul3A_418 : f32 to vector<16xf32>
        %mul3A_420 = arith.mulf %get3A_417, %mul3A_419 : vector<16xf32>
        %add3A_421 = arith.constant 3 : i32
        %add3A_422 = arith.addi %mul3A_221, %add3A_421 : i32
        %swap3A_423 = arith.index_cast %add3A_422 : i32 to index
        %swap3A_424 = arith.constant 0 : index
        %swap3A_425 = tpu.vector_load %arg12[%swap3A_423, %swap3A_424] {strides = array<i32>} : memref<128x64xf32, #tpu.memory_space<vmem>>, vector<1x16xf32>,
        %swap3A_426 = vector.shape_cast %swap3A_425 : vector<1x16xf32> to vector<16xf32>
        %swap3A_427 = vector.shape_cast %mul3A_420 : vector<16xf32> to vector<1x16xf32>
        tpu.vector_store %arg12[%swap3A_423, %swap3A_424], %swap3A_427 {strides = array<i32>} : memref<128x64xf32, #tpu.memory_space<vmem>>, vector<1x16xf32>,
        %add3A_428 = arith.constant 3 : i32
        %add3A_429 = arith.addi %mul3A_221, %add3A_428 : i32
        %get3A_430 = arith.index_cast %add3A_429 : i32 to index
        %get3A_431 = arith.constant 16 : index
        %get3A_432 = tpu.vector_load %arg10[%get3A_430, %get3A_431] {strides = array<i32>} : memref<128x128xf32, #tpu.memory_space<vmem>>, vector<1x16xf32>,
        %get3A_433 = vector.shape_cast %get3A_432 : vector<1x16xf32> to vector<16xf32>
        %mul3A_434 = arith.constant 1.000000e+00 : f32
        %mul3A_435 = vector.broadcast %mul3A_434 : f32 to vector<16xf32>
        %mul3A_436 = arith.mulf %get3A_433, %mul3A_435 : vector<16xf32>
        %add3A_437 = arith.constant 3 : i32
        %add3A_438 = arith.addi %mul3A_221, %add3A_437 : i32
        %swap3A_439 = arith.index_cast %add3A_438 : i32 to index
        %swap3A_440 = arith.constant 16 : index
        %swap3A_441 = tpu.vector_load %arg12[%swap3A_439, %swap3A_440] {strides = array<i32>} : memref<128x64xf32, #tpu.memory_space<vmem>>, vector<1x16xf32>,
        %swap3A_442 = vector.shape_cast %swap3A_441 : vector<1x16xf32> to vector<16xf32>
        %swap3A_443 = vector.shape_cast %mul3A_436 : vector<16xf32> to vector<1x16xf32>
        tpu.vector_store %arg12[%swap3A_439, %swap3A_440], %swap3A_443 {strides = array<i32>} : memref<128x64xf32, #tpu.memory_space<vmem>>, vector<1x16xf32>,
        %add3A_444 = arith.constant 3 : i32
        %add3A_445 = arith.addi %mul3A_221, %add3A_444 : i32
        %get3A_446 = arith.index_cast %add3A_445 : i32 to index
        %get3A_447 = arith.constant 32 : index
        %get3A_448 = tpu.vector_load %arg10[%get3A_446, %get3A_447] {strides = array<i32>} : memref<128x128xf32, #tpu.memory_space<vmem>>, vector<1x16xf32>,
        %get3A_449 = vector.shape_cast %get3A_448 : vector<1x16xf32> to vector<16xf32>
        %mul3A_450 = arith.constant 1.000000e+00 : f32
        %mul3A_451 = vector.broadcast %mul3A_450 : f32 to vector<16xf32>
        %mul3A_452 = arith.mulf %get3A_449, %mul3A_451 : vector<16xf32>
        %add3A_453 = arith.constant 3 : i32
        %add3A_454 = arith.addi %mul3A_221, %add3A_453 : i32
        %swap3A_455 = arith.index_cast %add3A_454 : i32 to index
        %swap3A_456 = arith.constant 32 : index
        %swap3A_457 = tpu.vector_load %arg12[%swap3A_455, %swap3A_456] {strides = array<i32>} : memref<128x64xf32, #tpu.memory_space<vmem>>, vector<1x16xf32>,
        %swap3A_458 = vector.shape_cast %swap3A_457 : vector<1x16xf32> to vector<16xf32>
        %swap3A_459 = vector.shape_cast %mul3A_452 : vector<16xf32> to vector<1x16xf32>
        tpu.vector_store %arg12[%swap3A_455, %swap3A_456], %swap3A_459 {strides = array<i32>} : memref<128x64xf32, #tpu.memory_space<vmem>>, vector<1x16xf32>,
        %add3A_460 = arith.constant 3 : i32
        %add3A_461 = arith.addi %mul3A_221, %add3A_460 : i32
        %get3A_462 = arith.index_cast %add3A_461 : i32 to index
        %get3A_463 = arith.constant 48 : index
        %get3A_464 = tpu.vector_load %arg10[%get3A_462, %get3A_463] {strides = array<i32>} : memref<128x128xf32, #tpu.memory_space<vmem>>, vector<1x16xf32>,
        %get3A_465 = vector.shape_cast %get3A_464 : vector<1x16xf32> to vector<16xf32>
        %mul3A_466 = arith.constant 1.000000e+00 : f32
        %mul3A_467 = vector.broadcast %mul3A_466 : f32 to vector<16xf32>
        %mul3A_468 = arith.mulf %get3A_465, %mul3A_467 : vector<16xf32>
        %add3A_469 = arith.constant 3 : i32
        %add3A_470 = arith.addi %mul3A_221, %add3A_469 : i32
        %swap3A_471 = arith.index_cast %add3A_470 : i32 to index
        %swap3A_472 = arith.constant 48 : index
        %swap3A_473 = tpu.vector_load %arg12[%swap3A_471, %swap3A_472] {strides = array<i32>} : memref<128x64xf32, #tpu.memory_space<vmem>>, vector<1x16xf32>,
        %swap3A_474 = vector.shape_cast %swap3A_473 : vector<1x16xf32> to vector<16xf32>
        %swap3A_475 = vector.shape_cast %mul3A_468 : vector<16xf32> to vector<1x16xf32>
        tpu.vector_store %arg12[%swap3A_471, %swap3A_472], %swap3A_475 {strides = array<i32>} : memref<128x64xf32, #tpu.memory_space<vmem>>, vector<1x16xf32>,
      }
      %scan3A_126 = arith.constant 32 : i32
      %mul3A_127 = arith.constant 128 : i32
      %mul3A_128 = arith.muli %add3A_105, %mul3A_127 : i32
      %add3A_129 = arith.addi %mul3A_2, %mul3A_128 : i32
      %dma_start3A_130 = arith.constant 0 : i32
      %dma_start3A_131 = tpu.memref_slice %arg4[%add3A_129, %dma_start3A_130] : memref<819200x64xf32, #tpu.memory_space<hbm>> -> memref<128x64xf32, #tpu.memory_space<hbm>>
      %dma_start3A_132 = arith.constant 0 : i32
      %dma_start3A_133 = tpu.memref_slice %arg4[%add3A_129, %dma_start3A_132] : memref<819200x64xf32, #tpu.memory_space<hbm>> -> memref<128x64xf32, #tpu.memory_space<hbm>>
      tpu.enqueue_dma source(%arg12 : memref<128x64xf32, #tpu.memory_space<vmem>>) target(%dma_start3A_133 : memref<128x64xf32, #tpu.memory_space<hbm>>) target_semaphore(%arg20 : memref<!tpu.dma_semaphore, #tpu.memory_space<semaphore_mem>>)
      %add3A_134 = arith.constant 2 : i32
      %add3A_135 = arith.addi %add3A_105, %add3A_134 : i32
      %lt3A_136 = arith.constant 200 : i32
      %lt3A_137 = arith.cmpi slt, %add3A_135, %lt3A_136 : i32
      %convert_element_type3A_138 = arith.extui %lt3A_137 : i1 to i32
      %cond3A_139 = arith.constant 0 : i32
      %cond3A_140 = arith.cmpi ne, %convert_element_type3A_138, %cond3A_139 : i32
      scf.if %cond3A_140 {
        %add3A_219 = arith.constant 2 : i32
        %add3A_220 = arith.addi %add3A_105, %add3A_219 : i32
        %dma_wait3A_221 = arith.constant 0 : i32
        %dma_wait3A_222 = tpu.memref_slice %arg2[%add3A, %add3A_220, %dma_wait3A_221] : memref<32x200x128xi32, #tpu.memory_space<hbm>> -> memref<1x1x128xi32, #tpu.memory_space<hbm>>
        %dma_wait3A_223 = tpu.memref_squeeze %dma_wait3A_222 : memref<1x1x128xi32, #tpu.memory_space<hbm>> -> memref<128xi32, #tpu.memory_space<hbm>>
        %dma_wait3A_224 = arith.constant 0 : i32
        %dma_wait3A_225 = tpu.memref_slice %arg2[%add3A, %add3A_220, %dma_wait3A_224] : memref<32x200x128xi32, #tpu.memory_space<hbm>> -> memref<1x1x128xi32, #tpu.memory_space<hbm>>
        %dma_wait3A_226 = tpu.memref_squeeze %dma_wait3A_225 : memref<1x1x128xi32, #tpu.memory_space<hbm>> -> memref<128xi32, #tpu.memory_space<hbm>>
        tpu.wait_dma2 semaphore(%arg16 : memref<!tpu.dma_semaphore, #tpu.memory_space<semaphore_mem>>) src(%dma_wait3A_226 : memref<128xi32, #tpu.memory_space<hbm>>) dst(%arg8 : memref<128xi32, #tpu.memory_space<vmem>>)
        %dma_start3A_227 = arith.constant 0 : i32
        %dma_start3A_228 = arith.constant 0 : i32
        %dma_start3A_229 = tpu.memref_slice %arg3[%dma_start3A_227, %dma_start3A_228] : memref<1000000x128xf32, #tpu.memory_space<hbm>> -> memref<1000000x128xf32, #tpu.memory_space<hbm>>
        tpu.enqueue_indirect_dma source(%dma_start3A_229 : memref<1000000x128xf32, #tpu.memory_space<hbm>>) target(%arg10 : memref<128x128xf32, #tpu.memory_space<vmem>>) offsets(%arg8 : memref<128xi32, #tpu.memory_space<vmem>>) semaphore(%arg18 : memref<!tpu.dma_semaphore, #tpu.memory_space<semaphore_mem>>)
      } else {
      }
      %mul3A_141 = arith.constant 4 : i32
      %mul3A_142 = arith.muli %mul3A_141, %scan3A_66 : i32
      %add3A_143 = arith.constant 2 : i32
      %add3A_144 = arith.addi %mul3A_142, %add3A_143 : i32
      %dma_wait3A_145 = arith.constant 0 : i32
      %dma_wait3A_146 = arith.constant 0 : i32
      %dma_wait3A_147 = tpu.memref_slice %arg3[%dma_wait3A_145, %dma_wait3A_146] : memref<1000000x128xf32, #tpu.memory_space<hbm>> -> memref<1000000x128xf32, #tpu.memory_space<hbm>>
      tpu.wait_indirect_dma semaphore(%arg17 : memref<!tpu.dma_semaphore, #tpu.memory_space<semaphore_mem>>) src(%dma_wait3A_147 : memref<1000000x128xf32, #tpu.memory_space<hbm>>) dst(%arg9 : memref<128x128xf32, #tpu.memory_space<vmem>>)
      %add3A_148 = arith.constant 4 : i32
      %add3A_149 = arith.addi %add3A_144, %add3A_148 : i32
      %lt3A_150 = arith.constant 200 : i32
      %lt3A_151 = arith.cmpi slt, %add3A_149, %lt3A_150 : i32
      %convert_element_type3A_152 = arith.extui %lt3A_151 : i1 to i32
      %cond3A_153 = arith.constant 0 : i32
      %cond3A_154 = arith.cmpi ne, %convert_element_type3A_152, %cond3A_153 : i32
      scf.if %cond3A_154 {
        %add3A_219 = arith.constant 4 : i32
        %add3A_220 = arith.addi %add3A_144, %add3A_219 : i32
        %dma_start3A_221 = arith.constant 0 : i32
        %dma_start3A_222 = tpu.memref_slice %arg2[%add3A, %add3A_220, %dma_start3A_221] : memref<32x200x128xi32, #tpu.memory_space<hbm>> -> memref<1x1x128xi32, #tpu.memory_space<hbm>>
        %dma_start3A_223 = tpu.memref_squeeze %dma_start3A_222 : memref<1x1x128xi32, #tpu.memory_space<hbm>> -> memref<128xi32, #tpu.memory_space<hbm>>
        %dma_start3A_224 = arith.constant 0 : i32
        %dma_start3A_225 = tpu.memref_slice %arg2[%add3A, %add3A_220, %dma_start3A_224] : memref<32x200x128xi32, #tpu.memory_space<hbm>> -> memref<1x1x128xi32, #tpu.memory_space<hbm>>
        %dma_start3A_226 = tpu.memref_squeeze %dma_start3A_225 : memref<1x1x128xi32, #tpu.memory_space<hbm>> -> memref<128xi32, #tpu.memory_space<hbm>>
        tpu.enqueue_dma source(%dma_start3A_226 : memref<128xi32, #tpu.memory_space<hbm>>) target(%arg7 : memref<128xi32, #tpu.memory_space<vmem>>) target_semaphore(%arg15 : memref<!tpu.dma_semaphore, #tpu.memory_space<semaphore_mem>>)
      } else {
      }
      %ge3A_155 = arith.constant 2 : i32
      %ge3A_156 = arith.cmpi sge, %add3A_144, %ge3A_155 : i32
      %convert_element_type3A_157 = arith.extui %ge3A_156 : i1 to i32
      %cond3A_158 = arith.constant 0 : i32
      %cond3A_159 = arith.cmpi ne, %convert_element_type3A_157, %cond3A_158 : i32
      scf.if %cond3A_159 {
        %sub3A = arith.constant 2 : i32
        %sub3A_219 = arith.subi %add3A_144, %sub3A : i32
        %mul3A_220 = arith.constant 128 : i32
        %mul3A_221 = arith.muli %sub3A_219, %mul3A_220 : i32
        %add3A_222 = arith.addi %mul3A_2, %mul3A_221 : i32
        %dma_wait3A_223 = arith.constant 0 : i32
        %dma_wait3A_224 = tpu.memref_slice %arg4[%add3A_222, %dma_wait3A_223] : memref<819200x64xf32, #tpu.memory_space<hbm>> -> memref<128x64xf32, #tpu.memory_space<hbm>>
        %dma_wait3A_225 = arith.constant 0 : i32
        %dma_wait3A_226 = tpu.memref_slice %arg4[%add3A_222, %dma_wait3A_225] : memref<819200x64xf32, #tpu.memory_space<hbm>> -> memref<128x64xf32, #tpu.memory_space<hbm>>
        tpu.wait_dma2 semaphore(%arg19 : memref<!tpu.dma_semaphore, #tpu.memory_space<semaphore_mem>>) src(%arg11 : memref<128x64xf32, #tpu.memory_space<vmem>>) dst(%dma_wait3A_226 : memref<128x64xf32, #tpu.memory_space<hbm>>)
      } else {
      }
      %scan3A_160 = arith.constant 0 : i32
      %scan3A_161 = arith.constant 0 : i32
      %scan3A_162 = arith.constant 32 : i32
      %scan3A_163 = arith.addi %scan3A_161, %scan3A_162 : i32
      %scan3A_164 = arith.constant 1 : i32
      scf.for %scan3A_219 = %scan3A_161 to %scan3A_163 step %scan3A_164  : i32 {
        %mul3A_220 = arith.constant 4 : i32
        %mul3A_221 = arith.muli %scan3A_219, %mul3A_220 : i32
        %add3A_222 = arith.constant 0 : i32
        %add3A_223 = arith.addi %mul3A_221, %add3A_222 : i32
        %get3A = arith.index_cast %add3A_223 : i32 to index
        %get3A_224 = arith.constant 0 : index
        %get3A_225 = tpu.vector_load %arg9[%get3A, %get3A_224] {strides = array<i32>} : memref<128x128xf32, #tpu.memory_space<vmem>>, vector<1x16xf32>,
        %get3A_226 = vector.shape_cast %get3A_225 : vector<1x16xf32> to vector<16xf32>
        %mul3A_227 = arith.constant 1.000000e+00 : f32
        %mul3A_228 = vector.broadcast %mul3A_227 : f32 to vector<16xf32>
        %mul3A_229 = arith.mulf %get3A_226, %mul3A_228 : vector<16xf32>
        %add3A_230 = arith.constant 0 : i32
        %add3A_231 = arith.addi %mul3A_221, %add3A_230 : i32
        %swap3A = arith.index_cast %add3A_231 : i32 to index
        %swap3A_232 = arith.constant 0 : index
        %swap3A_233 = tpu.vector_load %arg11[%swap3A, %swap3A_232] {strides = array<i32>} : memref<128x64xf32, #tpu.memory_space<vmem>>, vector<1x16xf32>,
        %swap3A_234 = vector.shape_cast %swap3A_233 : vector<1x16xf32> to vector<16xf32>
        %swap3A_235 = vector.shape_cast %mul3A_229 : vector<16xf32> to vector<1x16xf32>
        tpu.vector_store %arg11[%swap3A, %swap3A_232], %swap3A_235 {strides = array<i32>} : memref<128x64xf32, #tpu.memory_space<vmem>>, vector<1x16xf32>,
        %add3A_236 = arith.constant 0 : i32
        %add3A_237 = arith.addi %mul3A_221, %add3A_236 : i32
        %get3A_238 = arith.index_cast %add3A_237 : i32 to index
        %get3A_239 = arith.constant 16 : index
        %get3A_240 = tpu.vector_load %arg9[%get3A_238, %get3A_239] {strides = array<i32>} : memref<128x128xf32, #tpu.memory_space<vmem>>, vector<1x16xf32>,
        %get3A_241 = vector.shape_cast %get3A_240 : vector<1x16xf32> to vector<16xf32>
        %mul3A_242 = arith.constant 1.000000e+00 : f32
        %mul3A_243 = vector.broadcast %mul3A_242 : f32 to vector<16xf32>
        %mul3A_244 = arith.mulf %get3A_241, %mul3A_243 : vector<16xf32>
        %add3A_245 = arith.constant 0 : i32
        %add3A_246 = arith.addi %mul3A_221, %add3A_245 : i32
        %swap3A_247 = arith.index_cast %add3A_246 : i32 to index
        %swap3A_248 = arith.constant 16 : index
        %swap3A_249 = tpu.vector_load %arg11[%swap3A_247, %swap3A_248] {strides = array<i32>} : memref<128x64xf32, #tpu.memory_space<vmem>>, vector<1x16xf32>,
        %swap3A_250 = vector.shape_cast %swap3A_249 : vector<1x16xf32> to vector<16xf32>
        %swap3A_251 = vector.shape_cast %mul3A_244 : vector<16xf32> to vector<1x16xf32>
        tpu.vector_store %arg11[%swap3A_247, %swap3A_248], %swap3A_251 {strides = array<i32>} : memref<128x64xf32, #tpu.memory_space<vmem>>, vector<1x16xf32>,
        %add3A_252 = arith.constant 0 : i32
        %add3A_253 = arith.addi %mul3A_221, %add3A_252 : i32
        %get3A_254 = arith.index_cast %add3A_253 : i32 to index
        %get3A_255 = arith.constant 32 : index
        %get3A_256 = tpu.vector_load %arg9[%get3A_254, %get3A_255] {strides = array<i32>} : memref<128x128xf32, #tpu.memory_space<vmem>>, vector<1x16xf32>,
        %get3A_257 = vector.shape_cast %get3A_256 : vector<1x16xf32> to vector<16xf32>
        %mul3A_258 = arith.constant 1.000000e+00 : f32
        %mul3A_259 = vector.broadcast %mul3A_258 : f32 to vector<16xf32>
        %mul3A_260 = arith.mulf %get3A_257, %mul3A_259 : vector<16xf32>
        %add3A_261 = arith.constant 0 : i32
        %add3A_262 = arith.addi %mul3A_221, %add3A_261 : i32
        %swap3A_263 = arith.index_cast %add3A_262 : i32 to index
        %swap3A_264 = arith.constant 32 : index
        %swap3A_265 = tpu.vector_load %arg11[%swap3A_263, %swap3A_264] {strides = array<i32>} : memref<128x64xf32, #tpu.memory_space<vmem>>, vector<1x16xf32>,
        %swap3A_266 = vector.shape_cast %swap3A_265 : vector<1x16xf32> to vector<16xf32>
        %swap3A_267 = vector.shape_cast %mul3A_260 : vector<16xf32> to vector<1x16xf32>
        tpu.vector_store %arg11[%swap3A_263, %swap3A_264], %swap3A_267 {strides = array<i32>} : memref<128x64xf32, #tpu.memory_space<vmem>>, vector<1x16xf32>,
        %add3A_268 = arith.constant 0 : i32
        %add3A_269 = arith.addi %mul3A_221, %add3A_268 : i32
        %get3A_270 = arith.index_cast %add3A_269 : i32 to index
        %get3A_271 = arith.constant 48 : index
        %get3A_272 = tpu.vector_load %arg9[%get3A_270, %get3A_271] {strides = array<i32>} : memref<128x128xf32, #tpu.memory_space<vmem>>, vector<1x16xf32>,
        %get3A_273 = vector.shape_cast %get3A_272 : vector<1x16xf32> to vector<16xf32>
        %mul3A_274 = arith.constant 1.000000e+00 : f32
        %mul3A_275 = vector.broadcast %mul3A_274 : f32 to vector<16xf32>
        %mul3A_276 = arith.mulf %get3A_273, %mul3A_275 : vector<16xf32>
        %add3A_277 = arith.constant 0 : i32
        %add3A_278 = arith.addi %mul3A_221, %add3A_277 : i32
        %swap3A_279 = arith.index_cast %add3A_278 : i32 to index
        %swap3A_280 = arith.constant 48 : index
        %swap3A_281 = tpu.vector_load %arg11[%swap3A_279, %swap3A_280] {strides = array<i32>} : memref<128x64xf32, #tpu.memory_space<vmem>>, vector<1x16xf32>,
        %swap3A_282 = vector.shape_cast %swap3A_281 : vector<1x16xf32> to vector<16xf32>
        %swap3A_283 = vector.shape_cast %mul3A_276 : vector<16xf32> to vector<1x16xf32>
        tpu.vector_store %arg11[%swap3A_279, %swap3A_280], %swap3A_283 {strides = array<i32>} : memref<128x64xf32, #tpu.memory_space<vmem>>, vector<1x16xf32>,
        %add3A_284 = arith.constant 1 : i32
        %add3A_285 = arith.addi %mul3A_221, %add3A_284 : i32
        %get3A_286 = arith.index_cast %add3A_285 : i32 to index
        %get3A_287 = arith.constant 0 : index
        %get3A_288 = tpu.vector_load %arg9[%get3A_286, %get3A_287] {strides = array<i32>} : memref<128x128xf32, #tpu.memory_space<vmem>>, vector<1x16xf32>,
        %get3A_289 = vector.shape_cast %get3A_288 : vector<1x16xf32> to vector<16xf32>
        %mul3A_290 = arith.constant 1.000000e+00 : f32
        %mul3A_291 = vector.broadcast %mul3A_290 : f32 to vector<16xf32>
        %mul3A_292 = arith.mulf %get3A_289, %mul3A_291 : vector<16xf32>
        %add3A_293 = arith.constant 1 : i32
        %add3A_294 = arith.addi %mul3A_221, %add3A_293 : i32
        %swap3A_295 = arith.index_cast %add3A_294 : i32 to index
        %swap3A_296 = arith.constant 0 : index
        %swap3A_297 = tpu.vector_load %arg11[%swap3A_295, %swap3A_296] {strides = array<i32>} : memref<128x64xf32, #tpu.memory_space<vmem>>, vector<1x16xf32>,
        %swap3A_298 = vector.shape_cast %swap3A_297 : vector<1x16xf32> to vector<16xf32>
        %swap3A_299 = vector.shape_cast %mul3A_292 : vector<16xf32> to vector<1x16xf32>
        tpu.vector_store %arg11[%swap3A_295, %swap3A_296], %swap3A_299 {strides = array<i32>} : memref<128x64xf32, #tpu.memory_space<vmem>>, vector<1x16xf32>,
        %add3A_300 = arith.constant 1 : i32
        %add3A_301 = arith.addi %mul3A_221, %add3A_300 : i32
        %get3A_302 = arith.index_cast %add3A_301 : i32 to index
        %get3A_303 = arith.constant 16 : index
        %get3A_304 = tpu.vector_load %arg9[%get3A_302, %get3A_303] {strides = array<i32>} : memref<128x128xf32, #tpu.memory_space<vmem>>, vector<1x16xf32>,
        %get3A_305 = vector.shape_cast %get3A_304 : vector<1x16xf32> to vector<16xf32>
        %mul3A_306 = arith.constant 1.000000e+00 : f32
        %mul3A_307 = vector.broadcast %mul3A_306 : f32 to vector<16xf32>
        %mul3A_308 = arith.mulf %get3A_305, %mul3A_307 : vector<16xf32>
        %add3A_309 = arith.constant 1 : i32
        %add3A_310 = arith.addi %mul3A_221, %add3A_309 : i32
        %swap3A_311 = arith.index_cast %add3A_310 : i32 to index
        %swap3A_312 = arith.constant 16 : index
        %swap3A_313 = tpu.vector_load %arg11[%swap3A_311, %swap3A_312] {strides = array<i32>} : memref<128x64xf32, #tpu.memory_space<vmem>>, vector<1x16xf32>,
        %swap3A_314 = vector.shape_cast %swap3A_313 : vector<1x16xf32> to vector<16xf32>
        %swap3A_315 = vector.shape_cast %mul3A_308 : vector<16xf32> to vector<1x16xf32>
        tpu.vector_store %arg11[%swap3A_311, %swap3A_312], %swap3A_315 {strides = array<i32>} : memref<128x64xf32, #tpu.memory_space<vmem>>, vector<1x16xf32>,
        %add3A_316 = arith.constant 1 : i32
        %add3A_317 = arith.addi %mul3A_221, %add3A_316 : i32
        %get3A_318 = arith.index_cast %add3A_317 : i32 to index
        %get3A_319 = arith.constant 32 : index
        %get3A_320 = tpu.vector_load %arg9[%get3A_318, %get3A_319] {strides = array<i32>} : memref<128x128xf32, #tpu.memory_space<vmem>>, vector<1x16xf32>,
        %get3A_321 = vector.shape_cast %get3A_320 : vector<1x16xf32> to vector<16xf32>
        %mul3A_322 = arith.constant 1.000000e+00 : f32
        %mul3A_323 = vector.broadcast %mul3A_322 : f32 to vector<16xf32>
        %mul3A_324 = arith.mulf %get3A_321, %mul3A_323 : vector<16xf32>
        %add3A_325 = arith.constant 1 : i32
        %add3A_326 = arith.addi %mul3A_221, %add3A_325 : i32
        %swap3A_327 = arith.index_cast %add3A_326 : i32 to index
        %swap3A_328 = arith.constant 32 : index
        %swap3A_329 = tpu.vector_load %arg11[%swap3A_327, %swap3A_328] {strides = array<i32>} : memref<128x64xf32, #tpu.memory_space<vmem>>, vector<1x16xf32>,
        %swap3A_330 = vector.shape_cast %swap3A_329 : vector<1x16xf32> to vector<16xf32>
        %swap3A_331 = vector.shape_cast %mul3A_324 : vector<16xf32> to vector<1x16xf32>
        tpu.vector_store %arg11[%swap3A_327, %swap3A_328], %swap3A_331 {strides = array<i32>} : memref<128x64xf32, #tpu.memory_space<vmem>>, vector<1x16xf32>,
        %add3A_332 = arith.constant 1 : i32
        %add3A_333 = arith.addi %mul3A_221, %add3A_332 : i32
        %get3A_334 = arith.index_cast %add3A_333 : i32 to index
        %get3A_335 = arith.constant 48 : index
        %get3A_336 = tpu.vector_load %arg9[%get3A_334, %get3A_335] {strides = array<i32>} : memref<128x128xf32, #tpu.memory_space<vmem>>, vector<1x16xf32>,
        %get3A_337 = vector.shape_cast %get3A_336 : vector<1x16xf32> to vector<16xf32>
        %mul3A_338 = arith.constant 1.000000e+00 : f32
        %mul3A_339 = vector.broadcast %mul3A_338 : f32 to vector<16xf32>
        %mul3A_340 = arith.mulf %get3A_337, %mul3A_339 : vector<16xf32>
        %add3A_341 = arith.constant 1 : i32
        %add3A_342 = arith.addi %mul3A_221, %add3A_341 : i32
        %swap3A_343 = arith.index_cast %add3A_342 : i32 to index
        %swap3A_344 = arith.constant 48 : index
        %swap3A_345 = tpu.vector_load %arg11[%swap3A_343, %swap3A_344] {strides = array<i32>} : memref<128x64xf32, #tpu.memory_space<vmem>>, vector<1x16xf32>,
        %swap3A_346 = vector.shape_cast %swap3A_345 : vector<1x16xf32> to vector<16xf32>
        %swap3A_347 = vector.shape_cast %mul3A_340 : vector<16xf32> to vector<1x16xf32>
        tpu.vector_store %arg11[%swap3A_343, %swap3A_344], %swap3A_347 {strides = array<i32>} : memref<128x64xf32, #tpu.memory_space<vmem>>, vector<1x16xf32>,
        %add3A_348 = arith.constant 2 : i32
        %add3A_349 = arith.addi %mul3A_221, %add3A_348 : i32
        %get3A_350 = arith.index_cast %add3A_349 : i32 to index
        %get3A_351 = arith.constant 0 : index
        %get3A_352 = tpu.vector_load %arg9[%get3A_350, %get3A_351] {strides = array<i32>} : memref<128x128xf32, #tpu.memory_space<vmem>>, vector<1x16xf32>,
        %get3A_353 = vector.shape_cast %get3A_352 : vector<1x16xf32> to vector<16xf32>
        %mul3A_354 = arith.constant 1.000000e+00 : f32
        %mul3A_355 = vector.broadcast %mul3A_354 : f32 to vector<16xf32>
        %mul3A_356 = arith.mulf %get3A_353, %mul3A_355 : vector<16xf32>
        %add3A_357 = arith.constant 2 : i32
        %add3A_358 = arith.addi %mul3A_221, %add3A_357 : i32
        %swap3A_359 = arith.index_cast %add3A_358 : i32 to index
        %swap3A_360 = arith.constant 0 : index
        %swap3A_361 = tpu.vector_load %arg11[%swap3A_359, %swap3A_360] {strides = array<i32>} : memref<128x64xf32, #tpu.memory_space<vmem>>, vector<1x16xf32>,
        %swap3A_362 = vector.shape_cast %swap3A_361 : vector<1x16xf32> to vector<16xf32>
        %swap3A_363 = vector.shape_cast %mul3A_356 : vector<16xf32> to vector<1x16xf32>
        tpu.vector_store %arg11[%swap3A_359, %swap3A_360], %swap3A_363 {strides = array<i32>} : memref<128x64xf32, #tpu.memory_space<vmem>>, vector<1x16xf32>,
        %add3A_364 = arith.constant 2 : i32
        %add3A_365 = arith.addi %mul3A_221, %add3A_364 : i32
        %get3A_366 = arith.index_cast %add3A_365 : i32 to index
        %get3A_367 = arith.constant 16 : index
        %get3A_368 = tpu.vector_load %arg9[%get3A_366, %get3A_367] {strides = array<i32>} : memref<128x128xf32, #tpu.memory_space<vmem>>, vector<1x16xf32>,
        %get3A_369 = vector.shape_cast %get3A_368 : vector<1x16xf32> to vector<16xf32>
        %mul3A_370 = arith.constant 1.000000e+00 : f32
        %mul3A_371 = vector.broadcast %mul3A_370 : f32 to vector<16xf32>
        %mul3A_372 = arith.mulf %get3A_369, %mul3A_371 : vector<16xf32>
        %add3A_373 = arith.constant 2 : i32
        %add3A_374 = arith.addi %mul3A_221, %add3A_373 : i32
        %swap3A_375 = arith.index_cast %add3A_374 : i32 to index
        %swap3A_376 = arith.constant 16 : index
        %swap3A_377 = tpu.vector_load %arg11[%swap3A_375, %swap3A_376] {strides = array<i32>} : memref<128x64xf32, #tpu.memory_space<vmem>>, vector<1x16xf32>,
        %swap3A_378 = vector.shape_cast %swap3A_377 : vector<1x16xf32> to vector<16xf32>
        %swap3A_379 = vector.shape_cast %mul3A_372 : vector<16xf32> to vector<1x16xf32>
        tpu.vector_store %arg11[%swap3A_375, %swap3A_376], %swap3A_379 {strides = array<i32>} : memref<128x64xf32, #tpu.memory_space<vmem>>, vector<1x16xf32>,
        %add3A_380 = arith.constant 2 : i32
        %add3A_381 = arith.addi %mul3A_221, %add3A_380 : i32
        %get3A_382 = arith.index_cast %add3A_381 : i32 to index
        %get3A_383 = arith.constant 32 : index
        %get3A_384 = tpu.vector_load %arg9[%get3A_382, %get3A_383] {strides = array<i32>} : memref<128x128xf32, #tpu.memory_space<vmem>>, vector<1x16xf32>,
        %get3A_385 = vector.shape_cast %get3A_384 : vector<1x16xf32> to vector<16xf32>
        %mul3A_386 = arith.constant 1.000000e+00 : f32
        %mul3A_387 = vector.broadcast %mul3A_386 : f32 to vector<16xf32>
        %mul3A_388 = arith.mulf %get3A_385, %mul3A_387 : vector<16xf32>
        %add3A_389 = arith.constant 2 : i32
        %add3A_390 = arith.addi %mul3A_221, %add3A_389 : i32
        %swap3A_391 = arith.index_cast %add3A_390 : i32 to index
        %swap3A_392 = arith.constant 32 : index
        %swap3A_393 = tpu.vector_load %arg11[%swap3A_391, %swap3A_392] {strides = array<i32>} : memref<128x64xf32, #tpu.memory_space<vmem>>, vector<1x16xf32>,
        %swap3A_394 = vector.shape_cast %swap3A_393 : vector<1x16xf32> to vector<16xf32>
        %swap3A_395 = vector.shape_cast %mul3A_388 : vector<16xf32> to vector<1x16xf32>
        tpu.vector_store %arg11[%swap3A_391, %swap3A_392], %swap3A_395 {strides = array<i32>} : memref<128x64xf32, #tpu.memory_space<vmem>>, vector<1x16xf32>,
        %add3A_396 = arith.constant 2 : i32
        %add3A_397 = arith.addi %mul3A_221, %add3A_396 : i32
        %get3A_398 = arith.index_cast %add3A_397 : i32 to index
        %get3A_399 = arith.constant 48 : index
        %get3A_400 = tpu.vector_load %arg9[%get3A_398, %get3A_399] {strides = array<i32>} : memref<128x128xf32, #tpu.memory_space<vmem>>, vector<1x16xf32>,
        %get3A_401 = vector.shape_cast %get3A_400 : vector<1x16xf32> to vector<16xf32>
        %mul3A_402 = arith.constant 1.000000e+00 : f32
        %mul3A_403 = vector.broadcast %mul3A_402 : f32 to vector<16xf32>
        %mul3A_404 = arith.mulf %get3A_401, %mul3A_403 : vector<16xf32>
        %add3A_405 = arith.constant 2 : i32
        %add3A_406 = arith.addi %mul3A_221, %add3A_405 : i32
        %swap3A_407 = arith.index_cast %add3A_406 : i32 to index
        %swap3A_408 = arith.constant 48 : index
        %swap3A_409 = tpu.vector_load %arg11[%swap3A_407, %swap3A_408] {strides = array<i32>} : memref<128x64xf32, #tpu.memory_space<vmem>>, vector<1x16xf32>,
        %swap3A_410 = vector.shape_cast %swap3A_409 : vector<1x16xf32> to vector<16xf32>
        %swap3A_411 = vector.shape_cast %mul3A_404 : vector<16xf32> to vector<1x16xf32>
        tpu.vector_store %arg11[%swap3A_407, %swap3A_408], %swap3A_411 {strides = array<i32>} : memref<128x64xf32, #tpu.memory_space<vmem>>, vector<1x16xf32>,
        %add3A_412 = arith.constant 3 : i32
        %add3A_413 = arith.addi %mul3A_221, %add3A_412 : i32
        %get3A_414 = arith.index_cast %add3A_413 : i32 to index
        %get3A_415 = arith.constant 0 : index
        %get3A_416 = tpu.vector_load %arg9[%get3A_414, %get3A_415] {strides = array<i32>} : memref<128x128xf32, #tpu.memory_space<vmem>>, vector<1x16xf32>,
        %get3A_417 = vector.shape_cast %get3A_416 : vector<1x16xf32> to vector<16xf32>
        %mul3A_418 = arith.constant 1.000000e+00 : f32
        %mul3A_419 = vector.broadcast %mul3A_418 : f32 to vector<16xf32>
        %mul3A_420 = arith.mulf %get3A_417, %mul3A_419 : vector<16xf32>
        %add3A_421 = arith.constant 3 : i32
        %add3A_422 = arith.addi %mul3A_221, %add3A_421 : i32
        %swap3A_423 = arith.index_cast %add3A_422 : i32 to index
        %swap3A_424 = arith.constant 0 : index
        %swap3A_425 = tpu.vector_load %arg11[%swap3A_423, %swap3A_424] {strides = array<i32>} : memref<128x64xf32, #tpu.memory_space<vmem>>, vector<1x16xf32>,
        %swap3A_426 = vector.shape_cast %swap3A_425 : vector<1x16xf32> to vector<16xf32>
        %swap3A_427 = vector.shape_cast %mul3A_420 : vector<16xf32> to vector<1x16xf32>
        tpu.vector_store %arg11[%swap3A_423, %swap3A_424], %swap3A_427 {strides = array<i32>} : memref<128x64xf32, #tpu.memory_space<vmem>>, vector<1x16xf32>,
        %add3A_428 = arith.constant 3 : i32
        %add3A_429 = arith.addi %mul3A_221, %add3A_428 : i32
        %get3A_430 = arith.index_cast %add3A_429 : i32 to index
        %get3A_431 = arith.constant 16 : index
        %get3A_432 = tpu.vector_load %arg9[%get3A_430, %get3A_431] {strides = array<i32>} : memref<128x128xf32, #tpu.memory_space<vmem>>, vector<1x16xf32>,
        %get3A_433 = vector.shape_cast %get3A_432 : vector<1x16xf32> to vector<16xf32>
        %mul3A_434 = arith.constant 1.000000e+00 : f32
        %mul3A_435 = vector.broadcast %mul3A_434 : f32 to vector<16xf32>
        %mul3A_436 = arith.mulf %get3A_433, %mul3A_435 : vector<16xf32>
        %add3A_437 = arith.constant 3 : i32
        %add3A_438 = arith.addi %mul3A_221, %add3A_437 : i32
        %swap3A_439 = arith.index_cast %add3A_438 : i32 to index
        %swap3A_440 = arith.constant 16 : index
        %swap3A_441 = tpu.vector_load %arg11[%swap3A_439, %swap3A_440] {strides = array<i32>} : memref<128x64xf32, #tpu.memory_space<vmem>>, vector<1x16xf32>,
        %swap3A_442 = vector.shape_cast %swap3A_441 : vector<1x16xf32> to vector<16xf32>
        %swap3A_443 = vector.shape_cast %mul3A_436 : vector<16xf32> to vector<1x16xf32>
        tpu.vector_store %arg11[%swap3A_439, %swap3A_440], %swap3A_443 {strides = array<i32>} : memref<128x64xf32, #tpu.memory_space<vmem>>, vector<1x16xf32>,
        %add3A_444 = arith.constant 3 : i32
        %add3A_445 = arith.addi %mul3A_221, %add3A_444 : i32
        %get3A_446 = arith.index_cast %add3A_445 : i32 to index
        %get3A_447 = arith.constant 32 : index
        %get3A_448 = tpu.vector_load %arg9[%get3A_446, %get3A_447] {strides = array<i32>} : memref<128x128xf32, #tpu.memory_space<vmem>>, vector<1x16xf32>,
        %get3A_449 = vector.shape_cast %get3A_448 : vector<1x16xf32> to vector<16xf32>
        %mul3A_450 = arith.constant 1.000000e+00 : f32
        %mul3A_451 = vector.broadcast %mul3A_450 : f32 to vector<16xf32>
        %mul3A_452 = arith.mulf %get3A_449, %mul3A_451 : vector<16xf32>
        %add3A_453 = arith.constant 3 : i32
        %add3A_454 = arith.addi %mul3A_221, %add3A_453 : i32
        %swap3A_455 = arith.index_cast %add3A_454 : i32 to index
        %swap3A_456 = arith.constant 32 : index
        %swap3A_457 = tpu.vector_load %arg11[%swap3A_455, %swap3A_456] {strides = array<i32>} : memref<128x64xf32, #tpu.memory_space<vmem>>, vector<1x16xf32>,
        %swap3A_458 = vector.shape_cast %swap3A_457 : vector<1x16xf32> to vector<16xf32>
        %swap3A_459 = vector.shape_cast %mul3A_452 : vector<16xf32> to vector<1x16xf32>
        tpu.vector_store %arg11[%swap3A_455, %swap3A_456], %swap3A_459 {strides = array<i32>} : memref<128x64xf32, #tpu.memory_space<vmem>>, vector<1x16xf32>,
        %add3A_460 = arith.constant 3 : i32
        %add3A_461 = arith.addi %mul3A_221, %add3A_460 : i32
        %get3A_462 = arith.index_cast %add3A_461 : i32 to index
        %get3A_463 = arith.constant 48 : index
        %get3A_464 = tpu.vector_load %arg9[%get3A_462, %get3A_463] {strides = array<i32>} : memref<128x128xf32, #tpu.memory_space<vmem>>, vector<1x16xf32>,
        %get3A_465 = vector.shape_cast %get3A_464 : vector<1x16xf32> to vector<16xf32>
        %mul3A_466 = arith.constant 1.000000e+00 : f32
        %mul3A_467 = vector.broadcast %mul3A_466 : f32 to vector<16xf32>
        %mul3A_468 = arith.mulf %get3A_465, %mul3A_467 : vector<16xf32>
        %add3A_469 = arith.constant 3 : i32
        %add3A_470 = arith.addi %mul3A_221, %add3A_469 : i32
        %swap3A_471 = arith.index_cast %add3A_470 : i32 to index
        %swap3A_472 = arith.constant 48 : index
        %swap3A_473 = tpu.vector_load %arg11[%swap3A_471, %swap3A_472] {strides = array<i32>} : memref<128x64xf32, #tpu.memory_space<vmem>>, vector<1x16xf32>,
        %swap3A_474 = vector.shape_cast %swap3A_473 : vector<1x16xf32> to vector<16xf32>
        %swap3A_475 = vector.shape_cast %mul3A_468 : vector<16xf32> to vector<1x16xf32>
        tpu.vector_store %arg11[%swap3A_471, %swap3A_472], %swap3A_475 {strides = array<i32>} : memref<128x64xf32, #tpu.memory_space<vmem>>, vector<1x16xf32>,
      }
      %scan3A_165 = arith.constant 32 : i32
      %mul3A_166 = arith.constant 128 : i32
      %mul3A_167 = arith.muli %add3A_144, %mul3A_166 : i32
      %add3A_168 = arith.addi %mul3A_2, %mul3A_167 : i32
      %dma_start3A_169 = arith.constant 0 : i32
      %dma_start3A_170 = tpu.memref_slice %arg4[%add3A_168, %dma_start3A_169] : memref<819200x64xf32, #tpu.memory_space<hbm>> -> memref<128x64xf32, #tpu.memory_space<hbm>>
      %dma_start3A_171 = arith.constant 0 : i32
      %dma_start3A_172 = tpu.memref_slice %arg4[%add3A_168, %dma_start3A_171] : memref<819200x64xf32, #tpu.memory_space<hbm>> -> memref<128x64xf32, #tpu.memory_space<hbm>>
      tpu.enqueue_dma source(%arg11 : memref<128x64xf32, #tpu.memory_space<vmem>>) target(%dma_start3A_172 : memref<128x64xf32, #tpu.memory_space<hbm>>) target_semaphore(%arg19 : memref<!tpu.dma_semaphore, #tpu.memory_space<semaphore_mem>>)
      %add3A_173 = arith.constant 2 : i32
      %add3A_174 = arith.addi %add3A_144, %add3A_173 : i32
      %lt3A_175 = arith.constant 200 : i32
      %lt3A_176 = arith.cmpi slt, %add3A_174, %lt3A_175 : i32
      %convert_element_type3A_177 = arith.extui %lt3A_176 : i1 to i32
      %cond3A_178 = arith.constant 0 : i32
      %cond3A_179 = arith.cmpi ne, %convert_element_type3A_177, %cond3A_178 : i32
      scf.if %cond3A_179 {
        %add3A_219 = arith.constant 2 : i32
        %add3A_220 = arith.addi %add3A_144, %add3A_219 : i32
        %dma_wait3A_221 = arith.constant 0 : i32
        %dma_wait3A_222 = tpu.memref_slice %arg2[%add3A, %add3A_220, %dma_wait3A_221] : memref<32x200x128xi32, #tpu.memory_space<hbm>> -> memref<1x1x128xi32, #tpu.memory_space<hbm>>
        %dma_wait3A_223 = tpu.memref_squeeze %dma_wait3A_222 : memref<1x1x128xi32, #tpu.memory_space<hbm>> -> memref<128xi32, #tpu.memory_space<hbm>>
        %dma_wait3A_224 = arith.constant 0 : i32
        %dma_wait3A_225 = tpu.memref_slice %arg2[%add3A, %add3A_220, %dma_wait3A_224] : memref<32x200x128xi32, #tpu.memory_space<hbm>> -> memref<1x1x128xi32, #tpu.memory_space<hbm>>
        %dma_wait3A_226 = tpu.memref_squeeze %dma_wait3A_225 : memref<1x1x128xi32, #tpu.memory_space<hbm>> -> memref<128xi32, #tpu.memory_space<hbm>>
        tpu.wait_dma2 semaphore(%arg13 : memref<!tpu.dma_semaphore, #tpu.memory_space<semaphore_mem>>) src(%dma_wait3A_226 : memref<128xi32, #tpu.memory_space<hbm>>) dst(%arg5 : memref<128xi32, #tpu.memory_space<vmem>>)
        %dma_start3A_227 = arith.constant 0 : i32
        %dma_start3A_228 = arith.constant 0 : i32
        %dma_start3A_229 = tpu.memref_slice %arg3[%dma_start3A_227, %dma_start3A_228] : memref<1000000x128xf32, #tpu.memory_space<hbm>> -> memref<1000000x128xf32, #tpu.memory_space<hbm>>
        tpu.enqueue_indirect_dma source(%dma_start3A_229 : memref<1000000x128xf32, #tpu.memory_space<hbm>>) target(%arg9 : memref<128x128xf32, #tpu.memory_space<vmem>>) offsets(%arg5 : memref<128xi32, #tpu.memory_space<vmem>>) semaphore(%arg17 : memref<!tpu.dma_semaphore, #tpu.memory_space<semaphore_mem>>)
      } else {
      }
      %mul3A_180 = arith.constant 4 : i32
      %mul3A_181 = arith.muli %mul3A_180, %scan3A_66 : i32
      %add3A_182 = arith.constant 3 : i32
      %add3A_183 = arith.addi %mul3A_181, %add3A_182 : i32
      %dma_wait3A_184 = arith.constant 0 : i32
      %dma_wait3A_185 = arith.constant 0 : i32
      %dma_wait3A_186 = tpu.memref_slice %arg3[%dma_wait3A_184, %dma_wait3A_185] : memref<1000000x128xf32, #tpu.memory_space<hbm>> -> memref<1000000x128xf32, #tpu.memory_space<hbm>>
      tpu.wait_indirect_dma semaphore(%arg18 : memref<!tpu.dma_semaphore, #tpu.memory_space<semaphore_mem>>) src(%dma_wait3A_186 : memref<1000000x128xf32, #tpu.memory_space<hbm>>) dst(%arg10 : memref<128x128xf32, #tpu.memory_space<vmem>>)
      %add3A_187 = arith.constant 4 : i32
      %add3A_188 = arith.addi %add3A_183, %add3A_187 : i32
      %lt3A_189 = arith.constant 200 : i32
      %lt3A_190 = arith.cmpi slt, %add3A_188, %lt3A_189 : i32
      %convert_element_type3A_191 = arith.extui %lt3A_190 : i1 to i32
      %cond3A_192 = arith.constant 0 : i32
      %cond3A_193 = arith.cmpi ne, %convert_element_type3A_191, %cond3A_192 : i32
      scf.if %cond3A_193 {
        %add3A_219 = arith.constant 4 : i32
        %add3A_220 = arith.addi %add3A_183, %add3A_219 : i32
        %dma_start3A_221 = arith.constant 0 : i32
        %dma_start3A_222 = tpu.memref_slice %arg2[%add3A, %add3A_220, %dma_start3A_221] : memref<32x200x128xi32, #tpu.memory_space<hbm>> -> memref<1x1x128xi32, #tpu.memory_space<hbm>>
        %dma_start3A_223 = tpu.memref_squeeze %dma_start3A_222 : memref<1x1x128xi32, #tpu.memory_space<hbm>> -> memref<128xi32, #tpu.memory_space<hbm>>
        %dma_start3A_224 = arith.constant 0 : i32
        %dma_start3A_225 = tpu.memref_slice %arg2[%add3A, %add3A_220, %dma_start3A_224] : memref<32x200x128xi32, #tpu.memory_space<hbm>> -> memref<1x1x128xi32, #tpu.memory_space<hbm>>
        %dma_start3A_226 = tpu.memref_squeeze %dma_start3A_225 : memref<1x1x128xi32, #tpu.memory_space<hbm>> -> memref<128xi32, #tpu.memory_space<hbm>>
        tpu.enqueue_dma source(%dma_start3A_226 : memref<128xi32, #tpu.memory_space<hbm>>) target(%arg8 : memref<128xi32, #tpu.memory_space<vmem>>) target_semaphore(%arg16 : memref<!tpu.dma_semaphore, #tpu.memory_space<semaphore_mem>>)
      } else {
      }
      %ge3A_194 = arith.constant 2 : i32
      %ge3A_195 = arith.cmpi sge, %add3A_183, %ge3A_194 : i32
      %convert_element_type3A_196 = arith.extui %ge3A_195 : i1 to i32
      %cond3A_197 = arith.constant 0 : i32
      %cond3A_198 = arith.cmpi ne, %convert_element_type3A_196, %cond3A_197 : i32
      scf.if %cond3A_198 {
        %sub3A = arith.constant 2 : i32
        %sub3A_219 = arith.subi %add3A_183, %sub3A : i32
        %mul3A_220 = arith.constant 128 : i32
        %mul3A_221 = arith.muli %sub3A_219, %mul3A_220 : i32
        %add3A_222 = arith.addi %mul3A_2, %mul3A_221 : i32
        %dma_wait3A_223 = arith.constant 0 : i32
        %dma_wait3A_224 = tpu.memref_slice %arg4[%add3A_222, %dma_wait3A_223] : memref<819200x64xf32, #tpu.memory_space<hbm>> -> memref<128x64xf32, #tpu.memory_space<hbm>>
        %dma_wait3A_225 = arith.constant 0 : i32
        %dma_wait3A_226 = tpu.memref_slice %arg4[%add3A_222, %dma_wait3A_225] : memref<819200x64xf32, #tpu.memory_space<hbm>> -> memref<128x64xf32, #tpu.memory_space<hbm>>
        tpu.wait_dma2 semaphore(%arg20 : memref<!tpu.dma_semaphore, #tpu.memory_space<semaphore_mem>>) src(%arg12 : memref<128x64xf32, #tpu.memory_space<vmem>>) dst(%dma_wait3A_226 : memref<128x64xf32, #tpu.memory_space<hbm>>)
      } else {
      }
      %scan3A_199 = arith.constant 0 : i32
      %scan3A_200 = arith.constant 0 : i32
      %scan3A_201 = arith.constant 32 : i32
      %scan3A_202 = arith.addi %scan3A_200, %scan3A_201 : i32
      %scan3A_203 = arith.constant 1 : i32
      scf.for %scan3A_219 = %scan3A_200 to %scan3A_202 step %scan3A_203  : i32 {
        %mul3A_220 = arith.constant 4 : i32
        %mul3A_221 = arith.muli %scan3A_219, %mul3A_220 : i32
        %add3A_222 = arith.constant 0 : i32
        %add3A_223 = arith.addi %mul3A_221, %add3A_222 : i32
        %get3A = arith.index_cast %add3A_223 : i32 to index
        %get3A_224 = arith.constant 0 : index
        %get3A_225 = tpu.vector_load %arg10[%get3A, %get3A_224] {strides = array<i32>} : memref<128x128xf32, #tpu.memory_space<vmem>>, vector<1x16xf32>,
        %get3A_226 = vector.shape_cast %get3A_225 : vector<1x16xf32> to vector<16xf32>
        %mul3A_227 = arith.constant 1.000000e+00 : f32
        %mul3A_228 = vector.broadcast %mul3A_227 : f32 to vector<16xf32>
        %mul3A_229 = arith.mulf %get3A_226, %mul3A_228 : vector<16xf32>
        %add3A_230 = arith.constant 0 : i32
        %add3A_231 = arith.addi %mul3A_221, %add3A_230 : i32
        %swap3A = arith.index_cast %add3A_231 : i32 to index
        %swap3A_232 = arith.constant 0 : index
        %swap3A_233 = tpu.vector_load %arg12[%swap3A, %swap3A_232] {strides = array<i32>} : memref<128x64xf32, #tpu.memory_space<vmem>>, vector<1x16xf32>,
        %swap3A_234 = vector.shape_cast %swap3A_233 : vector<1x16xf32> to vector<16xf32>
        %swap3A_235 = vector.shape_cast %mul3A_229 : vector<16xf32> to vector<1x16xf32>
        tpu.vector_store %arg12[%swap3A, %swap3A_232], %swap3A_235 {strides = array<i32>} : memref<128x64xf32, #tpu.memory_space<vmem>>, vector<1x16xf32>,
        %add3A_236 = arith.constant 0 : i32
        %add3A_237 = arith.addi %mul3A_221, %add3A_236 : i32
        %get3A_238 = arith.index_cast %add3A_237 : i32 to index
        %get3A_239 = arith.constant 16 : index
        %get3A_240 = tpu.vector_load %arg10[%get3A_238, %get3A_239] {strides = array<i32>} : memref<128x128xf32, #tpu.memory_space<vmem>>, vector<1x16xf32>,
        %get3A_241 = vector.shape_cast %get3A_240 : vector<1x16xf32> to vector<16xf32>
        %mul3A_242 = arith.constant 1.000000e+00 : f32
        %mul3A_243 = vector.broadcast %mul3A_242 : f32 to vector<16xf32>
        %mul3A_244 = arith.mulf %get3A_241, %mul3A_243 : vector<16xf32>
        %add3A_245 = arith.constant 0 : i32
        %add3A_246 = arith.addi %mul3A_221, %add3A_245 : i32
        %swap3A_247 = arith.index_cast %add3A_246 : i32 to index
        %swap3A_248 = arith.constant 16 : index
        %swap3A_249 = tpu.vector_load %arg12[%swap3A_247, %swap3A_248] {strides = array<i32>} : memref<128x64xf32, #tpu.memory_space<vmem>>, vector<1x16xf32>,
        %swap3A_250 = vector.shape_cast %swap3A_249 : vector<1x16xf32> to vector<16xf32>
        %swap3A_251 = vector.shape_cast %mul3A_244 : vector<16xf32> to vector<1x16xf32>
        tpu.vector_store %arg12[%swap3A_247, %swap3A_248], %swap3A_251 {strides = array<i32>} : memref<128x64xf32, #tpu.memory_space<vmem>>, vector<1x16xf32>,
        %add3A_252 = arith.constant 0 : i32
        %add3A_253 = arith.addi %mul3A_221, %add3A_252 : i32
        %get3A_254 = arith.index_cast %add3A_253 : i32 to index
        %get3A_255 = arith.constant 32 : index
        %get3A_256 = tpu.vector_load %arg10[%get3A_254, %get3A_255] {strides = array<i32>} : memref<128x128xf32, #tpu.memory_space<vmem>>, vector<1x16xf32>,
        %get3A_257 = vector.shape_cast %get3A_256 : vector<1x16xf32> to vector<16xf32>
        %mul3A_258 = arith.constant 1.000000e+00 : f32
        %mul3A_259 = vector.broadcast %mul3A_258 : f32 to vector<16xf32>
        %mul3A_260 = arith.mulf %get3A_257, %mul3A_259 : vector<16xf32>
        %add3A_261 = arith.constant 0 : i32
        %add3A_262 = arith.addi %mul3A_221, %add3A_261 : i32
        %swap3A_263 = arith.index_cast %add3A_262 : i32 to index
        %swap3A_264 = arith.constant 32 : index
        %swap3A_265 = tpu.vector_load %arg12[%swap3A_263, %swap3A_264] {strides = array<i32>} : memref<128x64xf32, #tpu.memory_space<vmem>>, vector<1x16xf32>,
        %swap3A_266 = vector.shape_cast %swap3A_265 : vector<1x16xf32> to vector<16xf32>
        %swap3A_267 = vector.shape_cast %mul3A_260 : vector<16xf32> to vector<1x16xf32>
        tpu.vector_store %arg12[%swap3A_263, %swap3A_264], %swap3A_267 {strides = array<i32>} : memref<128x64xf32, #tpu.memory_space<vmem>>, vector<1x16xf32>,
        %add3A_268 = arith.constant 0 : i32
        %add3A_269 = arith.addi %mul3A_221, %add3A_268 : i32
        %get3A_270 = arith.index_cast %add3A_269 : i32 to index
        %get3A_271 = arith.constant 48 : index
        %get3A_272 = tpu.vector_load %arg10[%get3A_270, %get3A_271] {strides = array<i32>} : memref<128x128xf32, #tpu.memory_space<vmem>>, vector<1x16xf32>,
        %get3A_273 = vector.shape_cast %get3A_272 : vector<1x16xf32> to vector<16xf32>
        %mul3A_274 = arith.constant 1.000000e+00 : f32
        %mul3A_275 = vector.broadcast %mul3A_274 : f32 to vector<16xf32>
        %mul3A_276 = arith.mulf %get3A_273, %mul3A_275 : vector<16xf32>
        %add3A_277 = arith.constant 0 : i32
        %add3A_278 = arith.addi %mul3A_221, %add3A_277 : i32
        %swap3A_279 = arith.index_cast %add3A_278 : i32 to index
        %swap3A_280 = arith.constant 48 : index
        %swap3A_281 = tpu.vector_load %arg12[%swap3A_279, %swap3A_280] {strides = array<i32>} : memref<128x64xf32, #tpu.memory_space<vmem>>, vector<1x16xf32>,
        %swap3A_282 = vector.shape_cast %swap3A_281 : vector<1x16xf32> to vector<16xf32>
        %swap3A_283 = vector.shape_cast %mul3A_276 : vector<16xf32> to vector<1x16xf32>
        tpu.vector_store %arg12[%swap3A_279, %swap3A_280], %swap3A_283 {strides = array<i32>} : memref<128x64xf32, #tpu.memory_space<vmem>>, vector<1x16xf32>,
        %add3A_284 = arith.constant 1 : i32
        %add3A_285 = arith.addi %mul3A_221, %add3A_284 : i32
        %get3A_286 = arith.index_cast %add3A_285 : i32 to index
        %get3A_287 = arith.constant 0 : index
        %get3A_288 = tpu.vector_load %arg10[%get3A_286, %get3A_287] {strides = array<i32>} : memref<128x128xf32, #tpu.memory_space<vmem>>, vector<1x16xf32>,
        %get3A_289 = vector.shape_cast %get3A_288 : vector<1x16xf32> to vector<16xf32>
        %mul3A_290 = arith.constant 1.000000e+00 : f32
        %mul3A_291 = vector.broadcast %mul3A_290 : f32 to vector<16xf32>
        %mul3A_292 = arith.mulf %get3A_289, %mul3A_291 : vector<16xf32>
        %add3A_293 = arith.constant 1 : i32
        %add3A_294 = arith.addi %mul3A_221, %add3A_293 : i32
        %swap3A_295 = arith.index_cast %add3A_294 : i32 to index
        %swap3A_296 = arith.constant 0 : index
        %swap3A_297 = tpu.vector_load %arg12[%swap3A_295, %swap3A_296] {strides = array<i32>} : memref<128x64xf32, #tpu.memory_space<vmem>>, vector<1x16xf32>,
        %swap3A_298 = vector.shape_cast %swap3A_297 : vector<1x16xf32> to vector<16xf32>
        %swap3A_299 = vector.shape_cast %mul3A_292 : vector<16xf32> to vector<1x16xf32>
        tpu.vector_store %arg12[%swap3A_295, %swap3A_296], %swap3A_299 {strides = array<i32>} : memref<128x64xf32, #tpu.memory_space<vmem>>, vector<1x16xf32>,
        %add3A_300 = arith.constant 1 : i32
        %add3A_301 = arith.addi %mul3A_221, %add3A_300 : i32
        %get3A_302 = arith.index_cast %add3A_301 : i32 to index
        %get3A_303 = arith.constant 16 : index
        %get3A_304 = tpu.vector_load %arg10[%get3A_302, %get3A_303] {strides = array<i32>} : memref<128x128xf32, #tpu.memory_space<vmem>>, vector<1x16xf32>,
        %get3A_305 = vector.shape_cast %get3A_304 : vector<1x16xf32> to vector<16xf32>
        %mul3A_306 = arith.constant 1.000000e+00 : f32
        %mul3A_307 = vector.broadcast %mul3A_306 : f32 to vector<16xf32>
        %mul3A_308 = arith.mulf %get3A_305, %mul3A_307 : vector<16xf32>
        %add3A_309 = arith.constant 1 : i32
        %add3A_310 = arith.addi %mul3A_221, %add3A_309 : i32
        %swap3A_311 = arith.index_cast %add3A_310 : i32 to index
        %swap3A_312 = arith.constant 16 : index
        %swap3A_313 = tpu.vector_load %arg12[%swap3A_311, %swap3A_312] {strides = array<i32>} : memref<128x64xf32, #tpu.memory_space<vmem>>, vector<1x16xf32>,
        %swap3A_314 = vector.shape_cast %swap3A_313 : vector<1x16xf32> to vector<16xf32>
        %swap3A_315 = vector.shape_cast %mul3A_308 : vector<16xf32> to vector<1x16xf32>
        tpu.vector_store %arg12[%swap3A_311, %swap3A_312], %swap3A_315 {strides = array<i32>} : memref<128x64xf32, #tpu.memory_space<vmem>>, vector<1x16xf32>,
        %add3A_316 = arith.constant 1 : i32
        %add3A_317 = arith.addi %mul3A_221, %add3A_316 : i32
        %get3A_318 = arith.index_cast %add3A_317 : i32 to index
        %get3A_319 = arith.constant 32 : index
        %get3A_320 = tpu.vector_load %arg10[%get3A_318, %get3A_319] {strides = array<i32>} : memref<128x128xf32, #tpu.memory_space<vmem>>, vector<1x16xf32>,
        %get3A_321 = vector.shape_cast %get3A_320 : vector<1x16xf32> to vector<16xf32>
        %mul3A_322 = arith.constant 1.000000e+00 : f32
        %mul3A_323 = vector.broadcast %mul3A_322 : f32 to vector<16xf32>
        %mul3A_324 = arith.mulf %get3A_321, %mul3A_323 : vector<16xf32>
        %add3A_325 = arith.constant 1 : i32
        %add3A_326 = arith.addi %mul3A_221, %add3A_325 : i32
        %swap3A_327 = arith.index_cast %add3A_326 : i32 to index
        %swap3A_328 = arith.constant 32 : index
        %swap3A_329 = tpu.vector_load %arg12[%swap3A_327, %swap3A_328] {strides = array<i32>} : memref<128x64xf32, #tpu.memory_space<vmem>>, vector<1x16xf32>,
        %swap3A_330 = vector.shape_cast %swap3A_329 : vector<1x16xf32> to vector<16xf32>
        %swap3A_331 = vector.shape_cast %mul3A_324 : vector<16xf32> to vector<1x16xf32>
        tpu.vector_store %arg12[%swap3A_327, %swap3A_328], %swap3A_331 {strides = array<i32>} : memref<128x64xf32, #tpu.memory_space<vmem>>, vector<1x16xf32>,
        %add3A_332 = arith.constant 1 : i32
        %add3A_333 = arith.addi %mul3A_221, %add3A_332 : i32
        %get3A_334 = arith.index_cast %add3A_333 : i32 to index
        %get3A_335 = arith.constant 48 : index
        %get3A_336 = tpu.vector_load %arg10[%get3A_334, %get3A_335] {strides = array<i32>} : memref<128x128xf32, #tpu.memory_space<vmem>>, vector<1x16xf32>,
        %get3A_337 = vector.shape_cast %get3A_336 : vector<1x16xf32> to vector<16xf32>
        %mul3A_338 = arith.constant 1.000000e+00 : f32
        %mul3A_339 = vector.broadcast %mul3A_338 : f32 to vector<16xf32>
        %mul3A_340 = arith.mulf %get3A_337, %mul3A_339 : vector<16xf32>
        %add3A_341 = arith.constant 1 : i32
        %add3A_342 = arith.addi %mul3A_221, %add3A_341 : i32
        %swap3A_343 = arith.index_cast %add3A_342 : i32 to index
        %swap3A_344 = arith.constant 48 : index
        %swap3A_345 = tpu.vector_load %arg12[%swap3A_343, %swap3A_344] {strides = array<i32>} : memref<128x64xf32, #tpu.memory_space<vmem>>, vector<1x16xf32>,
        %swap3A_346 = vector.shape_cast %swap3A_345 : vector<1x16xf32> to vector<16xf32>
        %swap3A_347 = vector.shape_cast %mul3A_340 : vector<16xf32> to vector<1x16xf32>
        tpu.vector_store %arg12[%swap3A_343, %swap3A_344], %swap3A_347 {strides = array<i32>} : memref<128x64xf32, #tpu.memory_space<vmem>>, vector<1x16xf32>,
        %add3A_348 = arith.constant 2 : i32
        %add3A_349 = arith.addi %mul3A_221, %add3A_348 : i32
        %get3A_350 = arith.index_cast %add3A_349 : i32 to index
        %get3A_351 = arith.constant 0 : index
        %get3A_352 = tpu.vector_load %arg10[%get3A_350, %get3A_351] {strides = array<i32>} : memref<128x128xf32, #tpu.memory_space<vmem>>, vector<1x16xf32>,
        %get3A_353 = vector.shape_cast %get3A_352 : vector<1x16xf32> to vector<16xf32>
        %mul3A_354 = arith.constant 1.000000e+00 : f32
        %mul3A_355 = vector.broadcast %mul3A_354 : f32 to vector<16xf32>
        %mul3A_356 = arith.mulf %get3A_353, %mul3A_355 : vector<16xf32>
        %add3A_357 = arith.constant 2 : i32
        %add3A_358 = arith.addi %mul3A_221, %add3A_357 : i32
        %swap3A_359 = arith.index_cast %add3A_358 : i32 to index
        %swap3A_360 = arith.constant 0 : index
        %swap3A_361 = tpu.vector_load %arg12[%swap3A_359, %swap3A_360] {strides = array<i32>} : memref<128x64xf32, #tpu.memory_space<vmem>>, vector<1x16xf32>,
        %swap3A_362 = vector.shape_cast %swap3A_361 : vector<1x16xf32> to vector<16xf32>
        %swap3A_363 = vector.shape_cast %mul3A_356 : vector<16xf32> to vector<1x16xf32>
        tpu.vector_store %arg12[%swap3A_359, %swap3A_360], %swap3A_363 {strides = array<i32>} : memref<128x64xf32, #tpu.memory_space<vmem>>, vector<1x16xf32>,
        %add3A_364 = arith.constant 2 : i32
        %add3A_365 = arith.addi %mul3A_221, %add3A_364 : i32
        %get3A_366 = arith.index_cast %add3A_365 : i32 to index
        %get3A_367 = arith.constant 16 : index
        %get3A_368 = tpu.vector_load %arg10[%get3A_366, %get3A_367] {strides = array<i32>} : memref<128x128xf32, #tpu.memory_space<vmem>>, vector<1x16xf32>,
        %get3A_369 = vector.shape_cast %get3A_368 : vector<1x16xf32> to vector<16xf32>
        %mul3A_370 = arith.constant 1.000000e+00 : f32
        %mul3A_371 = vector.broadcast %mul3A_370 : f32 to vector<16xf32>
        %mul3A_372 = arith.mulf %get3A_369, %mul3A_371 : vector<16xf32>
        %add3A_373 = arith.constant 2 : i32
        %add3A_374 = arith.addi %mul3A_221, %add3A_373 : i32
        %swap3A_375 = arith.index_cast %add3A_374 : i32 to index
        %swap3A_376 = arith.constant 16 : index
        %swap3A_377 = tpu.vector_load %arg12[%swap3A_375, %swap3A_376] {strides = array<i32>} : memref<128x64xf32, #tpu.memory_space<vmem>>, vector<1x16xf32>,
        %swap3A_378 = vector.shape_cast %swap3A_377 : vector<1x16xf32> to vector<16xf32>
        %swap3A_379 = vector.shape_cast %mul3A_372 : vector<16xf32> to vector<1x16xf32>
        tpu.vector_store %arg12[%swap3A_375, %swap3A_376], %swap3A_379 {strides = array<i32>} : memref<128x64xf32, #tpu.memory_space<vmem>>, vector<1x16xf32>,
        %add3A_380 = arith.constant 2 : i32
        %add3A_381 = arith.addi %mul3A_221, %add3A_380 : i32
        %get3A_382 = arith.index_cast %add3A_381 : i32 to index
        %get3A_383 = arith.constant 32 : index
        %get3A_384 = tpu.vector_load %arg10[%get3A_382, %get3A_383] {strides = array<i32>} : memref<128x128xf32, #tpu.memory_space<vmem>>, vector<1x16xf32>,
        %get3A_385 = vector.shape_cast %get3A_384 : vector<1x16xf32> to vector<16xf32>
        %mul3A_386 = arith.constant 1.000000e+00 : f32
        %mul3A_387 = vector.broadcast %mul3A_386 : f32 to vector<16xf32>
        %mul3A_388 = arith.mulf %get3A_385, %mul3A_387 : vector<16xf32>
        %add3A_389 = arith.constant 2 : i32
        %add3A_390 = arith.addi %mul3A_221, %add3A_389 : i32
        %swap3A_391 = arith.index_cast %add3A_390 : i32 to index
        %swap3A_392 = arith.constant 32 : index
        %swap3A_393 = tpu.vector_load %arg12[%swap3A_391, %swap3A_392] {strides = array<i32>} : memref<128x64xf32, #tpu.memory_space<vmem>>, vector<1x16xf32>,
        %swap3A_394 = vector.shape_cast %swap3A_393 : vector<1x16xf32> to vector<16xf32>
        %swap3A_395 = vector.shape_cast %mul3A_388 : vector<16xf32> to vector<1x16xf32>
        tpu.vector_store %arg12[%swap3A_391, %swap3A_392], %swap3A_395 {strides = array<i32>} : memref<128x64xf32, #tpu.memory_space<vmem>>, vector<1x16xf32>,
        %add3A_396 = arith.constant 2 : i32
        %add3A_397 = arith.addi %mul3A_221, %add3A_396 : i32
        %get3A_398 = arith.index_cast %add3A_397 : i32 to index
        %get3A_399 = arith.constant 48 : index
        %get3A_400 = tpu.vector_load %arg10[%get3A_398, %get3A_399] {strides = array<i32>} : memref<128x128xf32, #tpu.memory_space<vmem>>, vector<1x16xf32>,
        %get3A_401 = vector.shape_cast %get3A_400 : vector<1x16xf32> to vector<16xf32>
        %mul3A_402 = arith.constant 1.000000e+00 : f32
        %mul3A_403 = vector.broadcast %mul3A_402 : f32 to vector<16xf32>
        %mul3A_404 = arith.mulf %get3A_401, %mul3A_403 : vector<16xf32>
        %add3A_405 = arith.constant 2 : i32
        %add3A_406 = arith.addi %mul3A_221, %add3A_405 : i32
        %swap3A_407 = arith.index_cast %add3A_406 : i32 to index
        %swap3A_408 = arith.constant 48 : index
        %swap3A_409 = tpu.vector_load %arg12[%swap3A_407, %swap3A_408] {strides = array<i32>} : memref<128x64xf32, #tpu.memory_space<vmem>>, vector<1x16xf32>,
        %swap3A_410 = vector.shape_cast %swap3A_409 : vector<1x16xf32> to vector<16xf32>
        %swap3A_411 = vector.shape_cast %mul3A_404 : vector<16xf32> to vector<1x16xf32>
        tpu.vector_store %arg12[%swap3A_407, %swap3A_408], %swap3A_411 {strides = array<i32>} : memref<128x64xf32, #tpu.memory_space<vmem>>, vector<1x16xf32>,
        %add3A_412 = arith.constant 3 : i32
        %add3A_413 = arith.addi %mul3A_221, %add3A_412 : i32
        %get3A_414 = arith.index_cast %add3A_413 : i32 to index
        %get3A_415 = arith.constant 0 : index
        %get3A_416 = tpu.vector_load %arg10[%get3A_414, %get3A_415] {strides = array<i32>} : memref<128x128xf32, #tpu.memory_space<vmem>>, vector<1x16xf32>,
        %get3A_417 = vector.shape_cast %get3A_416 : vector<1x16xf32> to vector<16xf32>
        %mul3A_418 = arith.constant 1.000000e+00 : f32
        %mul3A_419 = vector.broadcast %mul3A_418 : f32 to vector<16xf32>
        %mul3A_420 = arith.mulf %get3A_417, %mul3A_419 : vector<16xf32>
        %add3A_421 = arith.constant 3 : i32
        %add3A_422 = arith.addi %mul3A_221, %add3A_421 : i32
        %swap3A_423 = arith.index_cast %add3A_422 : i32 to index
        %swap3A_424 = arith.constant 0 : index
        %swap3A_425 = tpu.vector_load %arg12[%swap3A_423, %swap3A_424] {strides = array<i32>} : memref<128x64xf32, #tpu.memory_space<vmem>>, vector<1x16xf32>,
        %swap3A_426 = vector.shape_cast %swap3A_425 : vector<1x16xf32> to vector<16xf32>
        %swap3A_427 = vector.shape_cast %mul3A_420 : vector<16xf32> to vector<1x16xf32>
        tpu.vector_store %arg12[%swap3A_423, %swap3A_424], %swap3A_427 {strides = array<i32>} : memref<128x64xf32, #tpu.memory_space<vmem>>, vector<1x16xf32>,
        %add3A_428 = arith.constant 3 : i32
        %add3A_429 = arith.addi %mul3A_221, %add3A_428 : i32
        %get3A_430 = arith.index_cast %add3A_429 : i32 to index
        %get3A_431 = arith.constant 16 : index
        %get3A_432 = tpu.vector_load %arg10[%get3A_430, %get3A_431] {strides = array<i32>} : memref<128x128xf32, #tpu.memory_space<vmem>>, vector<1x16xf32>,
        %get3A_433 = vector.shape_cast %get3A_432 : vector<1x16xf32> to vector<16xf32>
        %mul3A_434 = arith.constant 1.000000e+00 : f32
        %mul3A_435 = vector.broadcast %mul3A_434 : f32 to vector<16xf32>
        %mul3A_436 = arith.mulf %get3A_433, %mul3A_435 : vector<16xf32>
        %add3A_437 = arith.constant 3 : i32
        %add3A_438 = arith.addi %mul3A_221, %add3A_437 : i32
        %swap3A_439 = arith.index_cast %add3A_438 : i32 to index
        %swap3A_440 = arith.constant 16 : index
        %swap3A_441 = tpu.vector_load %arg12[%swap3A_439, %swap3A_440] {strides = array<i32>} : memref<128x64xf32, #tpu.memory_space<vmem>>, vector<1x16xf32>,
        %swap3A_442 = vector.shape_cast %swap3A_441 : vector<1x16xf32> to vector<16xf32>
        %swap3A_443 = vector.shape_cast %mul3A_436 : vector<16xf32> to vector<1x16xf32>
        tpu.vector_store %arg12[%swap3A_439, %swap3A_440], %swap3A_443 {strides = array<i32>} : memref<128x64xf32, #tpu.memory_space<vmem>>, vector<1x16xf32>,
        %add3A_444 = arith.constant 3 : i32
        %add3A_445 = arith.addi %mul3A_221, %add3A_444 : i32
        %get3A_446 = arith.index_cast %add3A_445 : i32 to index
        %get3A_447 = arith.constant 32 : index
        %get3A_448 = tpu.vector_load %arg10[%get3A_446, %get3A_447] {strides = array<i32>} : memref<128x128xf32, #tpu.memory_space<vmem>>, vector<1x16xf32>,
        %get3A_449 = vector.shape_cast %get3A_448 : vector<1x16xf32> to vector<16xf32>
        %mul3A_450 = arith.constant 1.000000e+00 : f32
        %mul3A_451 = vector.broadcast %mul3A_450 : f32 to vector<16xf32>
        %mul3A_452 = arith.mulf %get3A_449, %mul3A_451 : vector<16xf32>
        %add3A_453 = arith.constant 3 : i32
        %add3A_454 = arith.addi %mul3A_221, %add3A_453 : i32
        %swap3A_455 = arith.index_cast %add3A_454 : i32 to index
        %swap3A_456 = arith.constant 32 : index
        %swap3A_457 = tpu.vector_load %arg12[%swap3A_455, %swap3A_456] {strides = array<i32>} : memref<128x64xf32, #tpu.memory_space<vmem>>, vector<1x16xf32>,
        %swap3A_458 = vector.shape_cast %swap3A_457 : vector<1x16xf32> to vector<16xf32>
        %swap3A_459 = vector.shape_cast %mul3A_452 : vector<16xf32> to vector<1x16xf32>
        tpu.vector_store %arg12[%swap3A_455, %swap3A_456], %swap3A_459 {strides = array<i32>} : memref<128x64xf32, #tpu.memory_space<vmem>>, vector<1x16xf32>,
        %add3A_460 = arith.constant 3 : i32
        %add3A_461 = arith.addi %mul3A_221, %add3A_460 : i32
        %get3A_462 = arith.index_cast %add3A_461 : i32 to index
        %get3A_463 = arith.constant 48 : index
        %get3A_464 = tpu.vector_load %arg10[%get3A_462, %get3A_463] {strides = array<i32>} : memref<128x128xf32, #tpu.memory_space<vmem>>, vector<1x16xf32>,
        %get3A_465 = vector.shape_cast %get3A_464 : vector<1x16xf32> to vector<16xf32>
        %mul3A_466 = arith.constant 1.000000e+00 : f32
        %mul3A_467 = vector.broadcast %mul3A_466 : f32 to vector<16xf32>
        %mul3A_468 = arith.mulf %get3A_465, %mul3A_467 : vector<16xf32>
        %add3A_469 = arith.constant 3 : i32
        %add3A_470 = arith.addi %mul3A_221, %add3A_469 : i32
        %swap3A_471 = arith.index_cast %add3A_470 : i32 to index
        %swap3A_472 = arith.constant 48 : index
        %swap3A_473 = tpu.vector_load %arg12[%swap3A_471, %swap3A_472] {strides = array<i32>} : memref<128x64xf32, #tpu.memory_space<vmem>>, vector<1x16xf32>,
        %swap3A_474 = vector.shape_cast %swap3A_473 : vector<1x16xf32> to vector<16xf32>
        %swap3A_475 = vector.shape_cast %mul3A_468 : vector<16xf32> to vector<1x16xf32>
        tpu.vector_store %arg12[%swap3A_471, %swap3A_472], %swap3A_475 {strides = array<i32>} : memref<128x64xf32, #tpu.memory_space<vmem>>, vector<1x16xf32>,
      }
      %scan3A_204 = arith.constant 32 : i32
      %mul3A_205 = arith.constant 128 : i32
      %mul3A_206 = arith.muli %add3A_183, %mul3A_205 : i32
      %add3A_207 = arith.addi %mul3A_2, %mul3A_206 : i32
      %dma_start3A_208 = arith.constant 0 : i32
      %dma_start3A_209 = tpu.memref_slice %arg4[%add3A_207, %dma_start3A_208] : memref<819200x64xf32, #tpu.memory_space<hbm>> -> memref<128x64xf32, #tpu.memory_space<hbm>>
      %dma_start3A_210 = arith.constant 0 : i32
      %dma_start3A_211 = tpu.memref_slice %arg4[%add3A_207, %dma_start3A_210] : memref<819200x64xf32, #tpu.memory_space<hbm>> -> memref<128x64xf32, #tpu.memory_space<hbm>>
      tpu.enqueue_dma source(%arg12 : memref<128x64xf32, #tpu.memory_space<vmem>>) target(%dma_start3A_211 : memref<128x64xf32, #tpu.memory_space<hbm>>) target_semaphore(%arg20 : memref<!tpu.dma_semaphore, #tpu.memory_space<semaphore_mem>>)
      %add3A_212 = arith.constant 2 : i32
      %add3A_213 = arith.addi %add3A_183, %add3A_212 : i32
      %lt3A_214 = arith.constant 200 : i32
      %lt3A_215 = arith.cmpi slt, %add3A_213, %lt3A_214 : i32
      %convert_element_type3A_216 = arith.extui %lt3A_215 : i1 to i32
      %cond3A_217 = arith.constant 0 : i32
      %cond3A_218 = arith.cmpi ne, %convert_element_type3A_216, %cond3A_217 : i32
      scf.if %cond3A_218 {
        %add3A_219 = arith.constant 2 : i32
        %add3A_220 = arith.addi %add3A_183, %add3A_219 : i32
        %dma_wait3A_221 = arith.constant 0 : i32
        %dma_wait3A_222 = tpu.memref_slice %arg2[%add3A, %add3A_220, %dma_wait3A_221] : memref<32x200x128xi32, #tpu.memory_space<hbm>> -> memref<1x1x128xi32, #tpu.memory_space<hbm>>
        %dma_wait3A_223 = tpu.memref_squeeze %dma_wait3A_222 : memref<1x1x128xi32, #tpu.memory_space<hbm>> -> memref<128xi32, #tpu.memory_space<hbm>>
        %dma_wait3A_224 = arith.constant 0 : i32
        %dma_wait3A_225 = tpu.memref_slice %arg2[%add3A, %add3A_220, %dma_wait3A_224] : memref<32x200x128xi32, #tpu.memory_space<hbm>> -> memref<1x1x128xi32, #tpu.memory_space<hbm>>
        %dma_wait3A_226 = tpu.memref_squeeze %dma_wait3A_225 : memref<1x1x128xi32, #tpu.memory_space<hbm>> -> memref<128xi32, #tpu.memory_space<hbm>>
        tpu.wait_dma2 semaphore(%arg14 : memref<!tpu.dma_semaphore, #tpu.memory_space<semaphore_mem>>) src(%dma_wait3A_226 : memref<128xi32, #tpu.memory_space<hbm>>) dst(%arg6 : memref<128xi32, #tpu.memory_space<vmem>>)
        %dma_start3A_227 = arith.constant 0 : i32
        %dma_start3A_228 = arith.constant 0 : i32
        %dma_start3A_229 = tpu.memref_slice %arg3[%dma_start3A_227, %dma_start3A_228] : memref<1000000x128xf32, #tpu.memory_space<hbm>> -> memref<1000000x128xf32, #tpu.memory_space<hbm>>
        tpu.enqueue_indirect_dma source(%dma_start3A_229 : memref<1000000x128xf32, #tpu.memory_space<hbm>>) target(%arg10 : memref<128x128xf32, #tpu.memory_space<vmem>>) offsets(%arg6 : memref<128xi32, #tpu.memory_space<vmem>>) semaphore(%arg18 : memref<!tpu.dma_semaphore, #tpu.memory_space<semaphore_mem>>)
      } else {
      }
    }
    %scan3A_53 = arith.constant 50 : i32
    %add3A_54 = arith.constant 25344 : i32
    %add3A_55 = arith.addi %mul3A_2, %add3A_54 : i32
    %dma_wait3A_56 = arith.constant 0 : i32
    %dma_wait3A_57 = tpu.memref_slice %arg4[%add3A_55, %dma_wait3A_56] : memref<819200x64xf32, #tpu.memory_space<hbm>> -> memref<128x64xf32, #tpu.memory_space<hbm>>
    %dma_wait3A_58 = arith.constant 0 : i32
    %dma_wait3A_59 = tpu.memref_slice %arg4[%add3A_55, %dma_wait3A_58] : memref<819200x64xf32, #tpu.memory_space<hbm>> -> memref<128x64xf32, #tpu.memory_space<hbm>>
    tpu.wait_dma2 semaphore(%arg19 : memref<!tpu.dma_semaphore, #tpu.memory_space<semaphore_mem>>) src(%arg11 : memref<128x64xf32, #tpu.memory_space<vmem>>) dst(%dma_wait3A_59 : memref<128x64xf32, #tpu.memory_space<hbm>>)
    %add3A_60 = arith.constant 25472 : i32
    %add3A_61 = arith.addi %mul3A_2, %add3A_60 : i32
    %dma_wait3A_62 = arith.constant 0 : i32
    %dma_wait3A_63 = tpu.memref_slice %arg4[%add3A_61, %dma_wait3A_62] : memref<819200x64xf32, #tpu.memory_space<hbm>> -> memref<128x64xf32, #tpu.memory_space<hbm>>
    %dma_wait3A_64 = arith.constant 0 : i32
    %dma_wait3A_65 = tpu.memref_slice %arg4[%add3A_61, %dma_wait3A_64] : memref<819200x64xf32, #tpu.memory_space<hbm>> -> memref<128x64xf32, #tpu.memory_space<hbm>>
    tpu.wait_dma2 semaphore(%arg20 : memref<!tpu.dma_semaphore, #tpu.memory_space<semaphore_mem>>) src(%arg12 : memref<128x64xf32, #tpu.memory_space<vmem>>) dst(%dma_wait3A_65 : memref<128x64xf32, #tpu.memory_space<hbm>>)
    return
  }
}

</mosaic_0001>

<sc_bundles>
// kernel: kernel.4.cloned.1.call-start
scs
__scs_entry_jumppad:
0x0: {  	(pc) =	sbr.rel $0x88, $3  }
0x1: {  	(tag) =	ssettag $0x0;
	lr =	simm.s32 $0x1  }
0x2: {  	[smem:$0x3F9F] =	sst lr;
	_ =	strace $0xD0000000  }
0x3: {  	_ = 	snop  }
0x4: {  	_ = 	snop  }
0x5: {  	_ = 	snop  }
0x6: {  	_ = 	snop  }
0x7: {  	_ = 	snop  }
__scs_overlays_trampoline_lowered:
0x8: {  	[smem:$0x3FAE] =	sst s0  }
0x9: {  	[smem:$0x3FAF] =	sst s1  }
0xa: {  	[smem:$0x3FB0] =	sst s2  }
0xb: {  	[smem:$0x3FB1] =	sst s3  }
0xc: {  	[smem:$0x3FB2] =	sst s4  }
0xd: {  	[smem:$0x3FB3] =	sst s5  }
0xe: {  	[smem:$0x3FB4] =	sst s6  }
0xf: {  	[smem:$0x3FB5] =	sst s7  }
0x10: {  	[smem:$0x3FB6] =	sst s8  }
0x11: {  	[smem:$0x3FB7] =	sst s9;
	s0 =	simm.s32 @!p0 $0x0  }
0x12: {  	s1 =	sld [smem:$0x3F9D];
	s0 =	simm.s32 @p0 $0x1  }
0x13: {  	[smem:$0x3FB8] =	sst s0;
	s0 =	simm.s32 @!p1 $0x0  }
0x14: {  	s2 =	sld [smem:$0x3F9C];
	s0 =	simm.s32 @p1 $0x1  }
0x15: {  	[smem:$0x3FB9] =	sst s0;
	s0 =	simm.s32 @!p2 $0x0  }
0x16: {  	s3 =	sld [smem:$0x3FDB];
	s0 =	simm.s32 @p2 $0x1  }
0x17: {  	s4 =	simm.s32 $0x1BF5;
	[smem:$0x3FBB] =	sst s0  }
0x18: {  	s0 =	sld [smem:$0x3F9E];
	_ =	swait.ge [sflag:s4], $0x0  }
0x19: {  	s7 =	sld [smem:$0x3F9F]  }
0x1a: {  	s8 =	sadd.s32 $0xFFFFE003, lr  }
0x1b: {  	s9 =	sadd.s32 $0xFFFFFEF7, lr;
	s5 =	simm.s32 $0xFFFFFFFF;
	p2 =	slt.u32 s8, $0xFFFFF086  }
0x1c: {  	p1 =	slt.u32 s9, $0xF7A;
	s5 =	simm.s32 @!p2 $0x0  }
0x1d: {  	s5 =	simm.s32 @p1 $0x1;
	p0 =	seq.s32 s7, s2  }
0x1e: {  	s7 =	smul.u32 @!p0 $0xF7A, s2;
	p2 =	seq.s32 @!p0 s5, $0x0  }
0x1f: {  	s9 =	smul.u32 $0xF7A, s1;
	s8 =	simm.s32 @!p0 $0x1BF5;
	p2 =	por !p2, p0  }
0x20: {  	[sflag:s8] =	ssyncset.s32 @!p0 $0xFFFFF086;
	s6 =	sadd.s32 @!p0 s3, s7;
	s7 =	simm.s32 @!p0 $0x108  }
0x21: {  	s3 =	sadd.s32 s3, s9;
	s6 =	sadd.s32 @!p0 $0x88, s6;
	s7 =	simm.s32 @p2 $0x1082  }
0x22: {  	[simem:s7], [sflag:s8] =	dma.local @!p0 [hbm:s6], $0xF7A  }
0x23: {  	s9 =	sor.u32 $0xD0000000, s2;
	s6 =	simm.s32 $0x108;
	_ =	swait.ge @!p0 [sflag:s8], $0x0  }
0x24: {  	s3 =	sadd.s32 $0x88, s3;
	s6 =	simm.s32 @!p1 $0x1082;
	[sflag:s4] =	ssyncset.s32 $0xFFFFF086  }
0x25: {  	[simem:s6], [sflag:s4] =	dma.local [hbm:s3], $0xF7A  }
0x26: {  	[smem:$0x3F9F] =	sst s1;
	(tag) =	ssettag s2;
	_ =	strace s9  }
0x27: {  	s1 =	sld [smem:$0x3FAF]  }
0x28: {  	s2 =	sld [smem:$0x3FB0]  }
0x29: {  	s4 =	sld [smem:$0x3FB2]  }
0x2a: {  	p0 =	seq.s32 s5, $0x0;
	s5 =	sld [smem:$0x3FB3]  }
0x2b: {  	s6 =	sld [smem:$0x3FB4]  }
0x2c: {  	s7 =	sld [smem:$0x3FB5]  }
0x2d: {  	s3 =	simm.s32 $0x108;
	s8 =	sld [smem:$0x3FB6]  }
0x2e: {  	s3 =	simm.s32 @!p0 $0x1082;
	s9 =	sld [smem:$0x3FB7]  }
0x2f: {  	lr =	sadd.s32 s0, s3;
	s0 =	sld [smem:$0x3FAE]  }
0x30: {  	s3 =	sld [smem:$0x3FB1]  }
0x31: {  	[smem:$0x3FBA] =	sst s10  }
0x32: {  	s10 =	sld [smem:$0x3FB8];
	_ =	sdelay $0x3  }
0x33: {  	p0 =	seq.s32 s10, $0x1;
	s10 =	sld [smem:$0x3FBA];
	_ =	sdelay $0x3  }
0x34: {  	[smem:$0x3FBA] =	sst s10  }
0x35: {  	s10 =	sld [smem:$0x3FB9];
	_ =	sdelay $0x3  }
0x36: {  	p1 =	seq.s32 s10, $0x1;
	s10 =	sld [smem:$0x3FBA];
	_ =	sdelay $0x3  }
0x37: {  	[smem:$0x3FBA] =	sst s10  }
0x38: {  	s10 =	sld [smem:$0x3FBB]  }
0x39: {  	_ = 	snop;
	(pc) =	sbr.ind lr, $3  }
0x3a: {  	_ = 	snop  }
0x3b: {  	_ = 	snop  }
0x3c: {  	p2 =	seq.s32 s10, $0x1;
	s10 =	sld [smem:$0x3FBA]  }
0x3d: {  	_ =	shalt  }
0x3e: {  	_ =	shalt  }
0x3f: {  	_ =	shalt  }
0x40: {  	_ =	shalt  }
0x41: {  	_ =	shalt  }
0x42: {  	_ =	shalt  }
0x43: {  	_ =	shalt  }
0x44: {  	_ =	shalt  }
0x45: {  	_ =	shalt  }
0x46: {  	_ =	shalt  }
0x47: {  	_ =	shalt  }
0x48: {  	_ =	shalt  }
0x49: {  	_ =	shalt  }
0x4a: {  	_ =	shalt  }
0x4b: {  	_ =	shalt  }
0x4c: {  	_ =	shalt  }
0x4d: {  	_ =	shalt  }
0x4e: {  	_ =	shalt  }
0x4f: {  	_ =	shalt  }
0x50: {  	_ =	shalt  }
0x51: {  	_ =	shalt  }
0x52: {  	_ =	shalt  }
0x53: {  	_ =	shalt  }
0x54: {  	_ =	shalt  }
0x55: {  	_ =	shalt  }
0x56: {  	_ =	shalt  }
0x57: {  	_ =	shalt  }
0x58: {  	_ =	shalt  }
0x59: {  	_ =	shalt  }
0x5a: {  	_ =	shalt  }
0x5b: {  	_ =	shalt  }
0x5c: {  	_ =	shalt  }
0x5d: {  	_ =	shalt  }
0x5e: {  	_ =	shalt  }
0x5f: {  	_ =	shalt  }
0x60: {  	_ =	shalt  }
0x61: {  	_ =	shalt  }
0x62: {  	_ =	shalt  }
0x63: {  	_ =	shalt  }
0x64: {  	_ =	shalt  }
0x65: {  	_ =	shalt  }
0x66: {  	_ =	shalt  }
0x67: {  	_ =	shalt  }
0x68: {  	_ =	shalt  }
0x69: {  	_ =	shalt  }
0x6a: {  	_ =	shalt  }
0x6b: {  	_ =	shalt  }
0x6c: {  	_ =	shalt  }
0x6d: {  	_ =	shalt  }
0x6e: {  	_ =	shalt  }
0x6f: {  	_ =	shalt  }
0x70: {  	_ =	shalt  }
0x71: {  	_ =	shalt  }
0x72: {  	_ =	shalt  }
0x73: {  	_ =	shalt  }
0x74: {  	_ =	shalt  }
0x75: {  	_ =	shalt  }
0x76: {  	_ =	shalt  }
0x77: {  	_ =	shalt  }
0x78: {  	_ =	shalt  }
0x79: {  	_ =	shalt  }
0x7a: {  	_ =	shalt  }
0x7b: {  	_ =	shalt  }
0x7c: {  	_ =	shalt  }
0x7d: {  	_ =	shalt  }
0x7e: {  	_ =	shalt  }
0x7f: {  	_ =	shalt  }
0x80: {  	_ =	shalt  }
0x81: {  	_ =	shalt  }
0x82: {  	_ =	shalt  }
0x83: {  	_ =	shalt  }
0x84: {  	_ =	shalt  }
0x85: {  	_ =	shalt  }
0x86: {  	_ =	shalt  }
0x87: {  	_ =	shalt  }
.Lfunc_end0:
.L_simem_size_0:
called_computation.1_lowered:
.L_overlay_start_0:
0x88: {  	s2 =	sld [smem:$0x3FD9]  }
0x89: {  	s3 =	sld [smem:$0x3FFE];
	_ =	sdelay $0x1  }
0x8a: {  	s1 =	srdreg.scid  }
0x8b: {  	s0 =	sand.u32 $0x1, s1  }
0x8c: {  	s16 =	sshll.u32 s0, $0xA;
	s2 =	sadd.s32 s3, s2  }
0x8d: {  	s2 =	sadd.s32 s2, s16  }
0x8e: {  	[smem:$0x3FC6] =	sst s2  }
0x8f: {  	_ = 	snop  }
0x90: {  	(tm) =	ssettm $0x1  }
0x91: {  	s17 =	sld [smem:$0x3FFB];
	_ =	sdelay $0x3  }
0x92: {  	_ =	strace s17  }
0x93: {  	s2 =	sld [smem:$0x3FFC];
	_ =	sdelay $0x3  }
0x94: {  	_ =	strace s2  }
0x95: {  	s2 =	sld [smem:$0x3FFD];
	_ =	sdelay $0x3  }
0x96: {  	_ =	strace s2  }
0x97: {  	_ =	strace $0x8FFFFFFF  }
0x98: {  	s18 =	sld [smem:$0x3FDB];
	_ =	sdelay $0x1  }
0x99: {  	s19 =	simm.s32 $_scs_section_size  }
0x9a: {  	s4 =	simm.s32 $_size__tile_overlayer_lowered;
	s5 =	simm.s32 $_tile_overlayer_lowered  }
0x9b: {  	s22 =	simm.s32 $0x1BFF;
	s21 =	sshll.u32 s5, $0x1;
	s2 =	sadd.s32 s19, s18  }
0x9c: {  	s6 =	simm.s32 $0x0;
	s20 =	sshll.u32 s4, $0x1;
	s4 =	sadd.s32 s21, s2  }
0x9d: {  	[timem:s6], [sflag:s22] =	dma.local [hbm:s4], s20  }
0x9e: {  	_ =	swait.ge [sflag:s22], s20  }
0x9f: {  	s3 =	ssub.s32 $0x0, s20;
	[sflag:s22] =	ssyncset.done $0x0  }
0xa0: {  	[sflag:s22] =	ssyncadd.s32 s3;
	_ =	sdelay $0x1  }
0xa1: {  	s23 =	simm.s32 $0x1B8B  }
0xa2: {  	_ =	swait.ge [sflag:s23], $0x1  }
0xa3: {  	[sflag:s23] =	ssyncset.done $0x0  }
0xa4: {  	s25 =	simm.s32 $0x1B8E;
	s24 =	sld [smem:$0x3FFE];
	[sflag:s23] =	ssyncadd.s32 $0xFFFFFFFF  }
0xa5: {  	s26 =	simm.s32 $execute0_lowered;
	[smem:$0x3FD2] =	sst s25  }
0xa6: {  	s4 =	sshll.u32 s26, $0x1;
	_ =	strace $0x80000046;
	[dreg:$0x1] =	wrdreg $0xFFFFFFFF  }
0xa7: {  	s28 =	simm.s32 $_size_execute0_lowered;
	s2 =	sadd.s32 s2, s4;
	[dreg:$0x0] =	wrdreg $0x0  }
0xa8: {  	s4 =	sshll.u32 s28, $0x1;
	[dreg:$0x2] =	wrdreg s2  }
0xa9: {  	[dreg:$0x3] =	wrdreg s4  }
0xaa: {  	[dreg:$0x4] =	wrdreg $0xC0  }
0xab: {  	_ =	task [dreg:s6], $0x5FFFF  }
0xac: {  	[dreg:$0x1] =	wrdreg $0xFFFFFFFF  }
0xad: {  	[dreg:$0x0] =	wrdreg $0x60  }
0xae: {  	[dreg:$0x2] =	wrdreg s24  }
0xaf: {  	[dreg:$0x3] =	wrdreg $0x9  }
0xb0: {  	_ =	task.clear_ibuf [dreg:s6], $0x4FFFF;
	_ =	strace $0x90000046  }
0xb1: {  	s29 =	simm.s32 $0x9;
	_ =	strace $0x80000048  }
0xb2: {  	_ =	swait.ge [sflag:s29], $0x1  }
0xb3: {  	[sflag:s29] =	ssyncadd.s32 $0xFFFFFFFF  }
0xb4: {  	_ =	strace $0x90000048  }
0xb5: {  	_ =	sfence  }
0xb6: {  	s30 =	sld [smem:$0x0];
	_ =	sdelay $0x2  }
0xb7: {  	s31 =	sshll.u32 s1, $0xD;
	s1 =	sshrl.u32 s1, $0x2  }
0xb8: {  	s3 =	sand.u32 $0x4000, s31;
	s1 =	sadd.s32 s1, s30  }
0xb9: {  	s0 =	sor.u32 s3, s0;
	s1 =	sshll.u32 s1, $0x11  }
0xba: {  	s0 =	sor.u32 s1, s0  }
0xbb: {  	s0 =	sadd.s32 $0x8F2B, s0  }
0xbc: {  	[sflag:s0] =	ssyncadd.remote.s32 $0x1  }
0xbd: {  	_ =	sfence.sel $0xFFFF  }
0xbe: {  	[dreg:$0x0] =	wrdreg $0xFFFFFFFF;
	(pc) =	sbr.abs _section_cstart, $3  }
0xbf: {  	[dreg:$0x1] =	wrdreg $0xFFFFFFFF  }
0xc0: {  	_ =	task.clear_ibuf [dreg:s6], $0x2FFFF;
	_ =	strace $0x9FFFFFFF  }
0xc1: {  	(tm) =	ssettm $0x7FFFFFFF  }
tec
execute0_lowered:
.L_overlay_start_1:
0x0: {  	(tag) =	ssettag $0x1  }
0x1: {  	s1 =	srdreg.scid  }
0x2: {  	s0 =	stileid.u32;
	s11 =	rddreg [dreg:$0x0]  }
0x3: {  	s2 =	simm.s32 $0x0;
	s14 =	simm.s32 $0x1;
	s15 =	simm.s32 $0x8000  }
0x4: {  	s16 =	simm.s32 $0x2;
	s17 =	simm.s32 $0xC000;
	s20 =	simm.s32 $0x0  }
0x5: {  	s4 =	sand.u32 $0x1, s1;
	s3 =	sshll.u32 s0, $0x1;
	s1 =	rddreg [dreg:$0x1]  }
0x6: {  	[smem:$0x7FF] =	sst s2;
	s8 =	sadd.s32 $0xF53200, s11;
	s19 =	sor.u32 s4, s3  }
0x7: {  	s5 =	ssub.s32 $0x2, s4;
	_ =	strace $0x80000047;
	s4 =	sadd.s32 $0xF43200, s11  }
0x8: {  	s3 =	sshll.u32 s19, $0xB;
	s6 =	sshrl.u32 s5, $0x1;
	s9 =	ssub.s32 $0x1E83, s19  }
0x9: {  	p1 =	sne.s32 s19, $0x4;
	s19 =	simm.s32 $0x4;
	s7 =	sadd.s32 s3, s11  }
.Ltmp0:
0xa: {  	s12 =	ssub.s32 s5, s6;
	s5 =	sshrl.u32 s9, $0x5;
	(pc) =	sbr.rel .LBB2_1-.Ltmp0, $4  }
0xb: {  	s13 =	sadd.s32 s4, s3;
	s18 =	sand.u32 $0x20, s9;
	s6 =	sadd.s32 $0xE00, s7  }
0xc: {  	s7 =	sadd.s32 $0x10E00, s7;
	s10 =	sshll.u32 s5, $0x10;
	s12 =	smax.u32 s12, $0x1  }
0xd: {  	p0 =	sne.s32 s18, $0x0;
	s9 =	sadd.s32 s10, s13;
	s10 =	sadd.s32 $0xF42E00, s11  }
0xe: {  	s18 =	simm.s32 $0x3;
	s11 =	sadd.s32 $0x1E85200, s11;
	s13 =	simm.s32 $0x4000  }
.LBB2_15:
0xf: {  	s20 =	sadd.s32 $0x1, s20  }
0x10: {  	p2 =	sne.s32 s20, s12  }
.Ltmp1:
0x11: {  	_ = 	snop;
	(pc) =	sbr.rel @!p2 .LBB2_16-.Ltmp1, $1  }
0x12: {  	_ =	sdelay $0x3  }
.LBB2_1:
0x13: {  	[tilespmem:s2], [sflag:$0x1] =	stream.linear.gather [hbm4b:s6+s2], $0x4000, $0x38;
	[tilespmem:$0x10000] =	vst v63  }
0x14: {  	s21 =	simm.s32 $0x0  }
0x15: {  	[tilespmem:s13], [sflag:$0x2] =	stream.linear.gather [hbm4b:s7+s2], $0x4000, $0x38;
	[tilespmem:$0x10000] =	vst v63  }
.LBB2_2:
0x16: {  	_ =	swait.ge [sflag:s14], $0x4000  }
0x17: {  	p2 =	seq.s32 s21, $0x0;
	[sflag:s14] =	ssyncset.done $0x0  }
0x18: {  	s22 =	simm.s32 @!p2 $0x3;
	[sflag:s14] =	ssyncadd.s32 $0xFFFFC000  }
0x19: {  	_ =	swait.ge @!p2 [sflag:s22], $0x4000  }
0x1a: {  	[sflag:s22] =	ssyncset.done @!p2 $0x0  }
0x1b: {  	s24 =	simm.s32 $0x0;
	[sflag:s22] =	ssyncadd.s32 @!p2 $0xFFFFC000  }
0x1c: {  	v0 =	vld [tilespmem:s24+$0x1B0]  }
0x1d: {  	v1 =	vld [tilespmem:s24+$0x0]  }
0x1e: {  	v2 =	vld [tilespmem:s24+$0x10]  }
0x1f: {  	v3 =	vld [tilespmem:s24+$0x20]  }
0x20: {  	v6 =	vld [tilespmem:s24+$0x90]  }
0x21: {  	v4 =	vld [tilespmem:s24+$0x30];
	v0 =	vmul.f32 $8.000000000e+00, v0  }
0x22: {  	v5 =	vld [tilespmem:s24+$0x80];
	v1 =	vmul.f32 $8.000000000e+00, v1  }
0x23: {  	v7 =	vld [tilespmem:s24+$0xA0];
	[tilespmem:s24+$0x81B0] =	vst v0;
	v0 =	vmul.f32 $8.000000000e+00, v2  }
0x24: {  	v8 =	vld [tilespmem:s24+$0xB0];
	[tilespmem:s24+$0x8000] =	vst v1;
	v1 =	vmul.f32 $8.000000000e+00, v3  }
0x25: {  	v2 =	vmul.f32 $8.000000000e+00, v6;
	[tilespmem:s24+$0x8010] =	vst v0  }
0x26: {  	v9 =	vld [tilespmem:s24+$0x100];
	v0 =	vmul.f32 $8.000000000e+00, v4;
	[tilespmem:s24+$0x8020] =	vst v1  }
0x27: {  	v4 =	vld [tilespmem:s24+$0x110];
	v1 =	vmul.f32 $8.000000000e+00, v5;
	[tilespmem:s24+$0x8090] =	vst v2  }
0x28: {  	v3 =	vmul.f32 $8.000000000e+00, v7;
	[tilespmem:s24+$0x8030] =	vst v0;
	v0 =	vld [tilespmem:s24+$0x120]  }
0x29: {  	v5 =	vmul.f32 $8.000000000e+00, v8;
	[tilespmem:s24+$0x8080] =	vst v1;
	v1 =	vld [tilespmem:s24+$0x130]  }
0x2a: {  	v2 =	vld [tilespmem:s24+$0x180];
	[tilespmem:s24+$0x80A0] =	vst v3  }
0x2b: {  	s23 =	sshll.u32 s21, $0x1;
	s31 =	sshll.u32 s21, $0x11;
	v3 =	vld [tilespmem:s24+$0x190];
	[tilespmem:s24+$0x80B0] =	vst v5;
	v5 =	vmul.f32 $8.000000000e+00, v9  }
0x2c: {  	s25 =	simm.s32 $0x200;
	s26 =	simm.s32 $0x1000;
	s22 =	sor.u32 s3, s31;
	v6 =	vmul.f32 $8.000000000e+00, v4;
	v4 =	vld [tilespmem:s24+$0x1A0]  }
.LBB2_3:
0x2d: {  	p3 =	sne.s32 s26, $0xF800;
	v7 =	vld [tilespmem:s25+$0x1B0];
	[tilespmem:s24+$0x8100] =	vst v5;
	v0 =	vmul.f32 $8.000000000e+00, v0  }
0x2e: {  	v5 =	vld [tilespmem:s25+$0x0];
	[tilespmem:s24+$0x8110] =	vst v6;
	v1 =	vmul.f32 $8.000000000e+00, v1  }
0x2f: {  	v6 =	vld [tilespmem:s25+$0x10];
	[tilespmem:s24+$0x8120] =	vst v0;
	v0 =	vmul.f32 $8.000000000e+00, v2  }
0x30: {  	v2 =	vld [tilespmem:s25+$0x20];
	[tilespmem:s24+$0x8130] =	vst v1;
	v1 =	vmul.f32 $8.000000000e+00, v3  }
0x31: {  	v3 =	vld [tilespmem:s25+$0x30];
	[tilespmem:s24+$0x8180] =	vst v0;
	v0 =	vmul.f32 $8.000000000e+00, v4  }
0x32: {  	v4 =	vld [tilespmem:s25+$0x80];
	v7 =	vmul.f32 $8.000000000e+00, v7;
	[tilespmem:s24+$0x8190] =	vst v1  }
0x33: {  	v1 =	vmul.f32 $8.000000000e+00, v5;
	v5 =	vld [tilespmem:s25+$0x90];
	[tilespmem:s24+$0x81A0] =	vst v0;
	s24 =	smov.u32 s25  }
0x34: {  	v0 =	vmul.f32 $8.000000000e+00, v6;
	v6 =	vld [tilespmem:s24+$0xA0];
	[tilespmem:s24+$0x81B0] =	vst v7  }
0x35: {  	[tilespmem:s24+$0x8000] =	vst v1;
	v1 =	vmul.f32 $8.000000000e+00, v2;
	v2 =	vld [tilespmem:s24+$0xB0]  }
0x36: {  	[tilespmem:s24+$0x8010] =	vst v0;
	v0 =	vmul.f32 $8.000000000e+00, v3;
	v3 =	vld [tilespmem:s24+$0x100]  }
0x37: {  	[tilespmem:s24+$0x8020] =	vst v1;
	v1 =	vmul.f32 $8.000000000e+00, v4;
	v4 =	vld [tilespmem:s24+$0x110]  }
.Ltmp2:
0x38: {  	[tilespmem:s24+$0x8030] =	vst v0;
	v5 =	vmul.f32 $8.000000000e+00, v5;
	v0 =	vld [tilespmem:s24+$0x120];
	(pc) =	sbr.rel @p3 .LBB2_3-.Ltmp2, $4  }
0x39: {  	[tilespmem:s24+$0x8080] =	vst v1;
	v6 =	vmul.f32 $8.000000000e+00, v6;
	v1 =	vld [tilespmem:s24+$0x130]  }
0x3a: {  	[tilespmem:s24+$0x8090] =	vst v5;
	v7 =	vmul.f32 $8.000000000e+00, v2;
	v2 =	vld [tilespmem:s24+$0x180]  }
0x3b: {  	[tilespmem:s24+$0x80A0] =	vst v6;
	v5 =	vmul.f32 $8.000000000e+00, v3;
	v3 =	vld [tilespmem:s24+$0x190]  }
0x3c: {  	s25 =	sshra.s32 s26, $0x2;
	s26 =	sadd.s32 $0x800, s26;
	[tilespmem:s24+$0x80B0] =	vst v7;
	v6 =	vmul.f32 $8.000000000e+00, v4;
	v4 =	vld [tilespmem:s24+$0x1A0]  }
0x3d: {  	v7 =	vld [tilespmem:s25+$0x1B0];
	[tilespmem:s24+$0x8100] =	vst v5;
	v0 =	vmul.f32 $8.000000000e+00, v0  }
0x3e: {  	v5 =	vld [tilespmem:s25+$0x0];
	[tilespmem:s24+$0x8110] =	vst v6;
	v1 =	vmul.f32 $8.000000000e+00, v1  }
0x3f: {  	v6 =	vld [tilespmem:s25+$0x10];
	[tilespmem:s24+$0x8120] =	vst v0;
	v2 =	vmul.f32 $8.000000000e+00, v2  }
0x40: {  	v0 =	vld [tilespmem:s25+$0x20];
	[tilespmem:s24+$0x8130] =	vst v1;
	v3 =	vmul.f32 $8.000000000e+00, v3  }
0x41: {  	v1 =	vld [tilespmem:s25+$0x30];
	[tilespmem:s24+$0x8180] =	vst v2;
	v4 =	vmul.f32 $8.000000000e+00, v4  }
0x42: {  	v2 =	vld [tilespmem:s25+$0x80];
	[tilespmem:s24+$0x8190] =	vst v3;
	v7 =	vmul.f32 $8.000000000e+00, v7  }
0x43: {  	v3 =	vld [tilespmem:s25+$0x90];
	[tilespmem:s24+$0x81A0] =	vst v4;
	v4 =	vmul.f32 $8.000000000e+00, v5  }
0x44: {  	v5 =	vld [tilespmem:s25+$0xA0];
	[tilespmem:s25+$0x81B0] =	vst v7;
	v6 =	vmul.f32 $8.000000000e+00, v6  }
0x45: {  	[tilespmem:s25+$0x8000] =	vst v4;
	v4 =	vld [tilespmem:s25+$0xB0];
	v0 =	vmul.f32 $8.000000000e+00, v0  }
0x46: {  	[tilespmem:s25+$0x8010] =	vst v6;
	v6 =	vld [tilespmem:s25+$0x100];
	v1 =	vmul.f32 $8.000000000e+00, v1  }
0x47: {  	[tilespmem:s25+$0x8020] =	vst v0;
	v0 =	vld [tilespmem:s25+$0x110];
	v2 =	vmul.f32 $8.000000000e+00, v2  }
0x48: {  	[tilespmem:s25+$0x8030] =	vst v1;
	v1 =	vld [tilespmem:s25+$0x120];
	v3 =	vmul.f32 $8.000000000e+00, v3  }
0x49: {  	[tilespmem:s25+$0x8080] =	vst v2;
	v2 =	vld [tilespmem:s25+$0x130];
	v5 =	vmul.f32 $8.000000000e+00, v5  }
0x4a: {  	[tilespmem:s25+$0x8090] =	vst v3;
	v3 =	vld [tilespmem:s25+$0x180];
	v4 =	vmul.f32 $8.000000000e+00, v4  }
0x4b: {  	[tilespmem:s25+$0x80A0] =	vst v5;
	v5 =	vld [tilespmem:s25+$0x190];
	v6 =	vmul.f32 $8.000000000e+00, v6  }
0x4c: {  	[tilespmem:s25+$0x80B0] =	vst v4;
	v0 =	vmul.f32 $8.000000000e+00, v0;
	v4 =	vld [tilespmem:s25+$0x1A0]  }
0x4d: {  	[tilespmem:s25+$0x8100] =	vst v6;
	v1 =	vmul.f32 $8.000000000e+00, v1  }
0x4e: {  	[tilespmem:s25+$0x8110] =	vst v0;
	v0 =	vmul.f32 $8.000000000e+00, v2  }
0x4f: {  	[tilespmem:s25+$0x8120] =	vst v1;
	v1 =	vmul.f32 $8.000000000e+00, v3  }
0x50: {  	s24 =	sadd.s32 $0x2, s23;
	[tilespmem:s25+$0x8130] =	vst v0;
	v0 =	vmul.f32 $8.000000000e+00, v5  }
0x51: {  	p3 =	sgt.u32 s24, s5;
	[tilespmem:s25+$0x8180] =	vst v1;
	v1 =	vmul.f32 $8.000000000e+00, v4  }
0x52: {  	s24 =	sshll.u32 @!p3 s24, $0x10;
	[tilespmem:s25+$0x8190] =	vst v0  }
0x53: {  	s24 =	sadd.s32 @!p3 s24, s6;
	[tilespmem:s25+$0x81A0] =	vst v1;
	s25 =	simm.s32 @!p3 $0x0  }
0x54: {  	[tilespmem:s25], [sflag:$0x1] =	stream.linear.gather @!p3 [hbm4b:s24+s25], $0x4000, $0x38;
	[tilespmem:$0x10000] =	vst v63  }
0x55: {  	s31 =	sadd.s32 s4, s22  }
0x56: {  	[hbm4b:s31+s2] =	stream.linear.scatter [tilespmem:s15], [sflag:$0x3], $0x4000, $0x38;
	[tilespmem:$0x10000] =	vst v63  }
0x57: {  	_ =	swait.ge [sflag:s16], $0x4000  }
0x58: {  	[sflag:s16] =	ssyncset.done $0x0  }
0x59: {  	s24 =	simm.s32 @!p2 $0x4;
	[sflag:s16] =	ssyncadd.s32 $0xFFFFC000  }
0x5a: {  	_ =	swait.ge @!p2 [sflag:s24], $0x4000  }
0x5b: {  	[sflag:s24] =	ssyncset.done @!p2 $0x0  }
0x5c: {  	[sflag:s24] =	ssyncadd.s32 @!p2 $0xFFFFC000;
	s24 =	simm.s32 $0x0  }
0x5d: {  	v0 =	vld [tilespmem:s24+$0x41B0]  }
0x5e: {  	v1 =	vld [tilespmem:s24+$0x4000]  }
0x5f: {  	v2 =	vld [tilespmem:s24+$0x4010]  }
0x60: {  	v3 =	vld [tilespmem:s24+$0x4020]  }
0x61: {  	v6 =	vld [tilespmem:s24+$0x4090]  }
0x62: {  	v4 =	vld [tilespmem:s24+$0x4030];
	v0 =	vmul.f32 $8.000000000e+00, v0  }
0x63: {  	v5 =	vld [tilespmem:s24+$0x4080];
	v1 =	vmul.f32 $8.000000000e+00, v1  }
0x64: {  	v7 =	vld [tilespmem:s24+$0x40A0];
	[tilespmem:s24+$0xC1B0] =	vst v0;
	v0 =	vmul.f32 $8.000000000e+00, v2  }
0x65: {  	v8 =	vld [tilespmem:s24+$0x40B0];
	[tilespmem:s24+$0xC000] =	vst v1;
	v1 =	vmul.f32 $8.000000000e+00, v3  }
0x66: {  	v2 =	vmul.f32 $8.000000000e+00, v6;
	[tilespmem:s24+$0xC010] =	vst v0  }
0x67: {  	v9 =	vld [tilespmem:s24+$0x4100];
	v0 =	vmul.f32 $8.000000000e+00, v4;
	[tilespmem:s24+$0xC020] =	vst v1  }
0x68: {  	v4 =	vld [tilespmem:s24+$0x4110];
	v1 =	vmul.f32 $8.000000000e+00, v5;
	[tilespmem:s24+$0xC090] =	vst v2  }
0x69: {  	v3 =	vmul.f32 $8.000000000e+00, v7;
	[tilespmem:s24+$0xC030] =	vst v0;
	v0 =	vld [tilespmem:s24+$0x4120]  }
0x6a: {  	v5 =	vmul.f32 $8.000000000e+00, v8;
	[tilespmem:s24+$0xC080] =	vst v1;
	v1 =	vld [tilespmem:s24+$0x4130]  }
0x6b: {  	v2 =	vld [tilespmem:s24+$0x4180];
	[tilespmem:s24+$0xC0A0] =	vst v3  }
0x6c: {  	v3 =	vld [tilespmem:s24+$0x4190];
	[tilespmem:s24+$0xC0B0] =	vst v5;
	v5 =	vmul.f32 $8.000000000e+00, v9  }
0x6d: {  	s26 =	simm.s32 $0x1000;
	s25 =	simm.s32 $0x200;
	v6 =	vmul.f32 $8.000000000e+00, v4;
	v4 =	vld [tilespmem:s24+$0x41A0]  }
.LBB2_5:
0x6e: {  	p2 =	sne.s32 s26, $0xF800;
	v7 =	vld [tilespmem:s25+$0x41B0];
	[tilespmem:s24+$0xC100] =	vst v5;
	v0 =	vmul.f32 $8.000000000e+00, v0  }
0x6f: {  	v5 =	vld [tilespmem:s25+$0x4000];
	[tilespmem:s24+$0xC110] =	vst v6;
	v1 =	vmul.f32 $8.000000000e+00, v1  }
0x70: {  	v6 =	vld [tilespmem:s25+$0x4010];
	[tilespmem:s24+$0xC120] =	vst v0;
	v0 =	vmul.f32 $8.000000000e+00, v2  }
0x71: {  	v2 =	vld [tilespmem:s25+$0x4020];
	[tilespmem:s24+$0xC130] =	vst v1;
	v1 =	vmul.f32 $8.000000000e+00, v3  }
0x72: {  	v3 =	vld [tilespmem:s25+$0x4030];
	[tilespmem:s24+$0xC180] =	vst v0;
	v0 =	vmul.f32 $8.000000000e+00, v4  }
0x73: {  	v4 =	vld [tilespmem:s25+$0x4080];
	v7 =	vmul.f32 $8.000000000e+00, v7;
	[tilespmem:s24+$0xC190] =	vst v1  }
0x74: {  	v1 =	vmul.f32 $8.000000000e+00, v5;
	v5 =	vld [tilespmem:s25+$0x4090];
	[tilespmem:s24+$0xC1A0] =	vst v0;
	s24 =	smov.u32 s25  }
0x75: {  	v0 =	vmul.f32 $8.000000000e+00, v6;
	v6 =	vld [tilespmem:s24+$0x40A0];
	[tilespmem:s24+$0xC1B0] =	vst v7  }
0x76: {  	[tilespmem:s24+$0xC000] =	vst v1;
	v1 =	vmul.f32 $8.000000000e+00, v2;
	v2 =	vld [tilespmem:s24+$0x40B0]  }
0x77: {  	[tilespmem:s24+$0xC010] =	vst v0;
	v0 =	vmul.f32 $8.000000000e+00, v3;
	v3 =	vld [tilespmem:s24+$0x4100]  }
0x78: {  	[tilespmem:s24+$0xC020] =	vst v1;
	v1 =	vmul.f32 $8.000000000e+00, v4;
	v4 =	vld [tilespmem:s24+$0x4110]  }
.Ltmp3:
0x79: {  	[tilespmem:s24+$0xC030] =	vst v0;
	v5 =	vmul.f32 $8.000000000e+00, v5;
	v0 =	vld [tilespmem:s24+$0x4120];
	(pc) =	sbr.rel @p2 .LBB2_5-.Ltmp3, $4  }
0x7a: {  	[tilespmem:s24+$0xC080] =	vst v1;
	v6 =	vmul.f32 $8.000000000e+00, v6;
	v1 =	vld [tilespmem:s24+$0x4130]  }
0x7b: {  	[tilespmem:s24+$0xC090] =	vst v5;
	v7 =	vmul.f32 $8.000000000e+00, v2;
	v2 =	vld [tilespmem:s24+$0x4180]  }
0x7c: {  	[tilespmem:s24+$0xC0A0] =	vst v6;
	v5 =	vmul.f32 $8.000000000e+00, v3;
	v3 =	vld [tilespmem:s24+$0x4190]  }
0x7d: {  	s25 =	sshra.s32 s26, $0x2;
	s26 =	sadd.s32 $0x800, s26;
	[tilespmem:s24+$0xC0B0] =	vst v7;
	v6 =	vmul.f32 $8.000000000e+00, v4;
	v4 =	vld [tilespmem:s24+$0x41A0]  }
0x7e: {  	v7 =	vld [tilespmem:s25+$0x41B0];
	[tilespmem:s24+$0xC100] =	vst v5;
	v0 =	vmul.f32 $8.000000000e+00, v0  }
0x7f: {  	v5 =	vld [tilespmem:s25+$0x4000];
	[tilespmem:s24+$0xC110] =	vst v6;
	v1 =	vmul.f32 $8.000000000e+00, v1  }
0x80: {  	v6 =	vld [tilespmem:s25+$0x4010];
	[tilespmem:s24+$0xC120] =	vst v0;
	v2 =	vmul.f32 $8.000000000e+00, v2  }
0x81: {  	v0 =	vld [tilespmem:s25+$0x4020];
	[tilespmem:s24+$0xC130] =	vst v1;
	v3 =	vmul.f32 $8.000000000e+00, v3  }
0x82: {  	v1 =	vld [tilespmem:s25+$0x4030];
	[tilespmem:s24+$0xC180] =	vst v2;
	v4 =	vmul.f32 $8.000000000e+00, v4  }
0x83: {  	v2 =	vld [tilespmem:s25+$0x4080];
	[tilespmem:s24+$0xC190] =	vst v3;
	v7 =	vmul.f32 $8.000000000e+00, v7  }
0x84: {  	v3 =	vld [tilespmem:s25+$0x4090];
	[tilespmem:s24+$0xC1A0] =	vst v4;
	v50 =	vmul.f32 $8.000000000e+00, v5  }
0x85: {  	v51 =	vld [tilespmem:s25+$0x40A0];
	[tilespmem:s25+$0xC1B0] =	vst v7;
	v6 =	vmul.f32 $8.000000000e+00, v6  }
0x86: {  	v52 =	vld [tilespmem:s25+$0x40B0];
	[tilespmem:s25+$0xC000] =	vst v50;
	v0 =	vmul.f32 $8.000000000e+00, v0  }
0x87: {  	v53 =	vld [tilespmem:s25+$0x4100];
	[tilespmem:s25+$0xC010] =	vst v6;
	v1 =	vmul.f32 $8.000000000e+00, v1  }
0x88: {  	v54 =	vld [tilespmem:s25+$0x4110];
	[tilespmem:s25+$0xC020] =	vst v0;
	v2 =	vmul.f32 $8.000000000e+00, v2  }
0x89: {  	v55 =	vld [tilespmem:s25+$0x4120];
	[tilespmem:s25+$0xC030] =	vst v1;
	v3 =	vmul.f32 $8.000000000e+00, v3  }
0x8a: {  	v56 =	vld [tilespmem:s25+$0x4130];
	[tilespmem:s25+$0xC080] =	vst v2;
	v5 =	vmul.f32 $8.000000000e+00, v51  }
0x8b: {  	v57 =	vld [tilespmem:s25+$0x4180];
	v4 =	vmul.f32 $8.000000000e+00, v52;
	[tilespmem:s25+$0xC090] =	vst v3  }
0x8c: {  	v58 =	vld [tilespmem:s25+$0x4190];
	v6 =	vmul.f32 $8.000000000e+00, v53;
	[tilespmem:s25+$0xC0A0] =	vst v5  }
0x8d: {  	v59 =	vld [tilespmem:s25+$0x41A0];
	v0 =	vmul.f32 $8.000000000e+00, v54;
	[tilespmem:s25+$0xC0B0] =	vst v4  }
0x8e: {  	v1 =	vmul.f32 $8.000000000e+00, v55;
	[tilespmem:s25+$0xC100] =	vst v6  }
0x8f: {  	v60 =	vmul.f32 $8.000000000e+00, v56;
	[tilespmem:s25+$0xC110] =	vst v0  }
0x90: {  	v61 =	vmul.f32 $8.000000000e+00, v57;
	[tilespmem:s25+$0xC120] =	vst v1  }
0x91: {  	s23 =	sadd.s32 $0x3, s23;
	v62 =	vmul.f32 $8.000000000e+00, v58;
	[tilespmem:s25+$0xC130] =	vst v60  }
0x92: {  	p2 =	sgt.u32 s23, s5;
	v63 =	vmul.f32 $8.000000000e+00, v59;
	[tilespmem:s25+$0xC180] =	vst v61  }
0x93: {  	s21 =	sadd.s32 $0x1, s21;
	s23 =	sshll.u32 @!p2 s23, $0x10;
	[tilespmem:s25+$0xC190] =	vst v62  }
0x94: {  	s23 =	sadd.s32 @!p2 s23, s6;
	s24 =	simm.s32 @!p2 $0x0;
	[tilespmem:s25+$0xC1A0] =	vst v63;
	s25 =	simm.s32 @!p2 $0x4000  }
0x95: {  	[tilespmem:s25], [sflag:$0x2] =	stream.linear.gather @!p2 [hbm4b:s23+s24], $0x4000, $0x38;
	[tilespmem:$0x10000] =	vst v63  }
0x96: {  	p2 =	sne.s32 s21, $0x7A  }
.Ltmp4:
0x97: {  	_ = 	snop;
	(pc) =	sbr.rel @p2 .LBB2_2-.Ltmp4, $3  }
0x98: {  	_ =	sdelay $0x1  }
0x99: {  	s22 =	sadd.s32 s22, s8  }
0x9a: {  	[hbm4b:s22+s2] =	stream.linear.scatter [tilespmem:s17], [sflag:$0x4], $0x4000, $0x38;
	[tilespmem:$0x10000] =	vst v63  }
.Ltmp5:
0x9b: {  	(pc) =	sbr.rel @p0 .LBB2_11-.Ltmp5, $1  }
0x9c: {  	_ =	sdelay $0x3  }
0x9d: {  	_ =	swait.ge [sflag:s14], $0x4000  }
0x9e: {  	[sflag:s14] =	ssyncset.done $0x0  }
0x9f: {  	[sflag:s14] =	ssyncadd.s32 $0xFFFFC000  }
0xa0: {  	_ =	swait.ge [sflag:s18], $0x4000  }
0xa1: {  	[sflag:s18] =	ssyncset.done $0x0  }
0xa2: {  	s21 =	simm.s32 $0x0;
	[sflag:s18] =	ssyncadd.s32 $0xFFFFC000  }
0xa3: {  	v0 =	vld [tilespmem:s21+$0x1B0]  }
0xa4: {  	v1 =	vld [tilespmem:s21+$0x0]  }
0xa5: {  	v2 =	vld [tilespmem:s21+$0x10]  }
0xa6: {  	v3 =	vld [tilespmem:s21+$0x20]  }
0xa7: {  	v6 =	vld [tilespmem:s21+$0x90]  }
0xa8: {  	v4 =	vld [tilespmem:s21+$0x30];
	v0 =	vmul.f32 $8.000000000e+00, v0  }
0xa9: {  	v5 =	vld [tilespmem:s21+$0x80];
	v1 =	vmul.f32 $8.000000000e+00, v1  }
0xaa: {  	v7 =	vld [tilespmem:s21+$0xA0];
	[tilespmem:s21+$0x81B0] =	vst v0;
	v0 =	vmul.f32 $8.000000000e+00, v2  }
0xab: {  	v8 =	vld [tilespmem:s21+$0xB0];
	[tilespmem:s21+$0x8000] =	vst v1;
	v1 =	vmul.f32 $8.000000000e+00, v3  }
0xac: {  	v2 =	vmul.f32 $8.000000000e+00, v6;
	[tilespmem:s21+$0x8010] =	vst v0  }
0xad: {  	v9 =	vld [tilespmem:s21+$0x100];
	v0 =	vmul.f32 $8.000000000e+00, v4;
	[tilespmem:s21+$0x8020] =	vst v1  }
0xae: {  	v4 =	vld [tilespmem:s21+$0x110];
	v1 =	vmul.f32 $8.000000000e+00, v5;
	[tilespmem:s21+$0x8090] =	vst v2  }
0xaf: {  	v3 =	vmul.f32 $8.000000000e+00, v7;
	[tilespmem:s21+$0x8030] =	vst v0;
	v0 =	vld [tilespmem:s21+$0x120]  }
0xb0: {  	v5 =	vmul.f32 $8.000000000e+00, v8;
	[tilespmem:s21+$0x8080] =	vst v1;
	v1 =	vld [tilespmem:s21+$0x130]  }
0xb1: {  	v2 =	vld [tilespmem:s21+$0x180];
	[tilespmem:s21+$0x80A0] =	vst v3  }
0xb2: {  	v3 =	vld [tilespmem:s21+$0x190];
	[tilespmem:s21+$0x80B0] =	vst v5;
	v5 =	vmul.f32 $8.000000000e+00, v9  }
0xb3: {  	s22 =	simm.s32 $0x200;
	s23 =	simm.s32 $0x1000;
	v6 =	vmul.f32 $8.000000000e+00, v4;
	v4 =	vld [tilespmem:s21+$0x1A0]  }
.LBB2_9:
0xb4: {  	p2 =	sne.s32 s23, $0xF800;
	v7 =	vld [tilespmem:s22+$0x1B0];
	[tilespmem:s21+$0x8100] =	vst v5;
	v0 =	vmul.f32 $8.000000000e+00, v0  }
0xb5: {  	v5 =	vld [tilespmem:s22+$0x0];
	[tilespmem:s21+$0x8110] =	vst v6;
	v1 =	vmul.f32 $8.000000000e+00, v1  }
0xb6: {  	v6 =	vld [tilespmem:s22+$0x10];
	[tilespmem:s21+$0x8120] =	vst v0;
	v0 =	vmul.f32 $8.000000000e+00, v2  }
0xb7: {  	v2 =	vld [tilespmem:s22+$0x20];
	[tilespmem:s21+$0x8130] =	vst v1;
	v1 =	vmul.f32 $8.000000000e+00, v3  }
0xb8: {  	v3 =	vld [tilespmem:s22+$0x30];
	[tilespmem:s21+$0x8180] =	vst v0;
	v0 =	vmul.f32 $8.000000000e+00, v4  }
0xb9: {  	v4 =	vld [tilespmem:s22+$0x80];
	v7 =	vmul.f32 $8.000000000e+00, v7;
	[tilespmem:s21+$0x8190] =	vst v1  }
0xba: {  	v1 =	vmul.f32 $8.000000000e+00, v5;
	v5 =	vld [tilespmem:s22+$0x90];
	[tilespmem:s21+$0x81A0] =	vst v0;
	s21 =	smov.u32 s22  }
0xbb: {  	v0 =	vmul.f32 $8.000000000e+00, v6;
	v6 =	vld [tilespmem:s21+$0xA0];
	[tilespmem:s21+$0x81B0] =	vst v7  }
0xbc: {  	[tilespmem:s21+$0x8000] =	vst v1;
	v1 =	vmul.f32 $8.000000000e+00, v2;
	v2 =	vld [tilespmem:s21+$0xB0]  }
0xbd: {  	[tilespmem:s21+$0x8010] =	vst v0;
	v0 =	vmul.f32 $8.000000000e+00, v3;
	v3 =	vld [tilespmem:s21+$0x100]  }
0xbe: {  	[tilespmem:s21+$0x8020] =	vst v1;
	v1 =	vmul.f32 $8.000000000e+00, v4;
	v4 =	vld [tilespmem:s21+$0x110]  }
.Ltmp6:
0xbf: {  	[tilespmem:s21+$0x8030] =	vst v0;
	v5 =	vmul.f32 $8.000000000e+00, v5;
	v0 =	vld [tilespmem:s21+$0x120];
	(pc) =	sbr.rel @p2 .LBB2_9-.Ltmp6, $4  }
0xc0: {  	[tilespmem:s21+$0x8080] =	vst v1;
	v6 =	vmul.f32 $8.000000000e+00, v6;
	v1 =	vld [tilespmem:s21+$0x130]  }
0xc1: {  	[tilespmem:s21+$0x8090] =	vst v5;
	v7 =	vmul.f32 $8.000000000e+00, v2;
	v2 =	vld [tilespmem:s21+$0x180]  }
0xc2: {  	[tilespmem:s21+$0x80A0] =	vst v6;
	v5 =	vmul.f32 $8.000000000e+00, v3;
	v3 =	vld [tilespmem:s21+$0x190]  }
0xc3: {  	s22 =	sshra.s32 s23, $0x2;
	s23 =	sadd.s32 $0x800, s23;
	[tilespmem:s21+$0x80B0] =	vst v7;
	v6 =	vmul.f32 $8.000000000e+00, v4;
	v4 =	vld [tilespmem:s21+$0x1A0]  }
0xc4: {  	v7 =	vld [tilespmem:s22+$0x1B0];
	[tilespmem:s21+$0x8100] =	vst v5;
	v0 =	vmul.f32 $8.000000000e+00, v0  }
0xc5: {  	v5 =	vld [tilespmem:s22+$0x0];
	[tilespmem:s21+$0x8110] =	vst v6;
	v1 =	vmul.f32 $8.000000000e+00, v1  }
0xc6: {  	v6 =	vld [tilespmem:s22+$0x10];
	[tilespmem:s21+$0x8120] =	vst v0;
	v2 =	vmul.f32 $8.000000000e+00, v2  }
0xc7: {  	v0 =	vld [tilespmem:s22+$0x20];
	[tilespmem:s21+$0x8130] =	vst v1;
	v3 =	vmul.f32 $8.000000000e+00, v3  }
0xc8: {  	v1 =	vld [tilespmem:s22+$0x30];
	[tilespmem:s21+$0x8180] =	vst v2;
	v4 =	vmul.f32 $8.000000000e+00, v4  }
0xc9: {  	v2 =	vld [tilespmem:s22+$0x80];
	[tilespmem:s21+$0x8190] =	vst v3;
	v7 =	vmul.f32 $8.000000000e+00, v7  }
0xca: {  	v3 =	vld [tilespmem:s22+$0x90];
	[tilespmem:s21+$0x81A0] =	vst v4;
	v50 =	vmul.f32 $8.000000000e+00, v5  }
0xcb: {  	v51 =	vld [tilespmem:s22+$0xA0];
	[tilespmem:s22+$0x81B0] =	vst v7;
	v6 =	vmul.f32 $8.000000000e+00, v6  }
0xcc: {  	v52 =	vld [tilespmem:s22+$0xB0];
	[tilespmem:s22+$0x8000] =	vst v50;
	v0 =	vmul.f32 $8.000000000e+00, v0  }
0xcd: {  	v53 =	vld [tilespmem:s22+$0x100];
	[tilespmem:s22+$0x8010] =	vst v6;
	v1 =	vmul.f32 $8.000000000e+00, v1  }
0xce: {  	v54 =	vld [tilespmem:s22+$0x110];
	[tilespmem:s22+$0x8020] =	vst v0;
	v2 =	vmul.f32 $8.000000000e+00, v2  }
0xcf: {  	v55 =	vld [tilespmem:s22+$0x120];
	[tilespmem:s22+$0x8030] =	vst v1;
	v3 =	vmul.f32 $8.000000000e+00, v3  }
0xd0: {  	v56 =	vld [tilespmem:s22+$0x130];
	[tilespmem:s22+$0x8080] =	vst v2;
	v5 =	vmul.f32 $8.000000000e+00, v51  }
0xd1: {  	v57 =	vld [tilespmem:s22+$0x180];
	v4 =	vmul.f32 $8.000000000e+00, v52;
	[tilespmem:s22+$0x8090] =	vst v3  }
0xd2: {  	v58 =	vld [tilespmem:s22+$0x190];
	v6 =	vmul.f32 $8.000000000e+00, v53;
	[tilespmem:s22+$0x80A0] =	vst v5  }
0xd3: {  	v59 =	vld [tilespmem:s22+$0x1A0];
	v0 =	vmul.f32 $8.000000000e+00, v54;
	[tilespmem:s22+$0x80B0] =	vst v4  }
0xd4: {  	v1 =	vmul.f32 $8.000000000e+00, v55;
	[tilespmem:s22+$0x8100] =	vst v6  }
0xd5: {  	v60 =	vmul.f32 $8.000000000e+00, v56;
	[tilespmem:s22+$0x8110] =	vst v0  }
0xd6: {  	v61 =	vmul.f32 $8.000000000e+00, v57;
	[tilespmem:s22+$0x8120] =	vst v1  }
0xd7: {  	v62 =	vmul.f32 $8.000000000e+00, v58;
	[tilespmem:s22+$0x8130] =	vst v60  }
0xd8: {  	v63 =	vmul.f32 $8.000000000e+00, v59;
	[tilespmem:s22+$0x8180] =	vst v61  }
0xd9: {  	[tilespmem:s22+$0x8190] =	vst v62  }
0xda: {  	[tilespmem:s22+$0x81A0] =	vst v63  }
0xdb: {  	[hbm4b:s9+s2] =	stream.linear.scatter [tilespmem:s15], [sflag:$0x3], $0x4000, $0x38;
	[tilespmem:$0x10000] =	vst v63  }
.LBB2_11:
0xdc: {  	_ =	swait.ge [sflag:s18], $0x4000  }
.Ltmp7:
0xdd: {  	[sflag:s18] =	ssyncset.done $0x0;
	(pc) =	sbr.rel @p1 .LBB2_15-.Ltmp7, $4  }
0xde: {  	[sflag:s18] =	ssyncadd.s32 $0xFFFFC000  }
0xdf: {  	_ =	swait.ge [sflag:s19], $0x4000  }
0xe0: {  	[sflag:s19] =	ssyncset.done $0x0  }
0xe1: {  	[sflag:s19] =	ssyncadd.s32 $0xFFFFC000  }
0xe2: {  	s21 =	simm.s32 $0x0  }
0xe3: {  	[tilespmem:s21], [sflag:$0x1] =	stream.linear.gather [hbm4b:s10+s21], $0x2000, $0x38;
	[tilespmem:$0x10000] =	vst v63  }
0xe4: {  	_ =	swait.ge [sflag:s14], $0x2000  }
0xe5: {  	[sflag:s14] =	ssyncset.done $0x0  }
0xe6: {  	s21 =	simm.s32 $0x0;
	[sflag:s14] =	ssyncadd.s32 $0xFFFFE000  }
0xe7: {  	v0 =	vld [tilespmem:s21+$0x1B0]  }
0xe8: {  	v1 =	vld [tilespmem:s21+$0x0]  }
0xe9: {  	v2 =	vld [tilespmem:s21+$0x10]  }
0xea: {  	v3 =	vld [tilespmem:s21+$0x20]  }
0xeb: {  	v6 =	vld [tilespmem:s21+$0x90]  }
0xec: {  	v4 =	vld [tilespmem:s21+$0x30];
	v0 =	vmul.f32 $8.000000000e+00, v0  }
0xed: {  	v5 =	vld [tilespmem:s21+$0x80];
	v1 =	vmul.f32 $8.000000000e+00, v1  }
0xee: {  	v7 =	vld [tilespmem:s21+$0xA0];
	[tilespmem:s21+$0x81B0] =	vst v0;
	v0 =	vmul.f32 $8.000000000e+00, v2  }
0xef: {  	v8 =	vld [tilespmem:s21+$0xB0];
	[tilespmem:s21+$0x8000] =	vst v1;
	v1 =	vmul.f32 $8.000000000e+00, v3  }
0xf0: {  	v2 =	vmul.f32 $8.000000000e+00, v6;
	[tilespmem:s21+$0x8010] =	vst v0  }
0xf1: {  	v9 =	vld [tilespmem:s21+$0x100];
	v0 =	vmul.f32 $8.000000000e+00, v4;
	[tilespmem:s21+$0x8020] =	vst v1  }
0xf2: {  	v4 =	vld [tilespmem:s21+$0x110];
	v1 =	vmul.f32 $8.000000000e+00, v5;
	[tilespmem:s21+$0x8090] =	vst v2  }
0xf3: {  	v3 =	vmul.f32 $8.000000000e+00, v7;
	[tilespmem:s21+$0x8030] =	vst v0;
	v0 =	vld [tilespmem:s21+$0x120]  }
0xf4: {  	v5 =	vmul.f32 $8.000000000e+00, v8;
	[tilespmem:s21+$0x8080] =	vst v1;
	v1 =	vld [tilespmem:s21+$0x130]  }
0xf5: {  	v2 =	vld [tilespmem:s21+$0x180];
	[tilespmem:s21+$0x80A0] =	vst v3  }
0xf6: {  	v3 =	vld [tilespmem:s21+$0x190];
	[tilespmem:s21+$0x80B0] =	vst v5;
	v5 =	vmul.f32 $8.000000000e+00, v9  }
0xf7: {  	s22 =	simm.s32 $0x200;
	s23 =	simm.s32 $0x1000;
	v6 =	vmul.f32 $8.000000000e+00, v4;
	v4 =	vld [tilespmem:s21+$0x1A0]  }
.LBB2_13:
0xf8: {  	p2 =	sne.s32 s23, $0x7800;
	v7 =	vld [tilespmem:s22+$0x1B0];
	[tilespmem:s21+$0x8100] =	vst v5;
	v0 =	vmul.f32 $8.000000000e+00, v0  }
0xf9: {  	v5 =	vld [tilespmem:s22+$0x0];
	[tilespmem:s21+$0x8110] =	vst v6;
	v1 =	vmul.f32 $8.000000000e+00, v1  }
0xfa: {  	v6 =	vld [tilespmem:s22+$0x10];
	[tilespmem:s21+$0x8120] =	vst v0;
	v0 =	vmul.f32 $8.000000000e+00, v2  }
0xfb: {  	v2 =	vld [tilespmem:s22+$0x20];
	[tilespmem:s21+$0x8130] =	vst v1;
	v1 =	vmul.f32 $8.000000000e+00, v3  }
0xfc: {  	v3 =	vld [tilespmem:s22+$0x30];
	[tilespmem:s21+$0x8180] =	vst v0;
	v0 =	vmul.f32 $8.000000000e+00, v4  }
0xfd: {  	v4 =	vld [tilespmem:s22+$0x80];
	v7 =	vmul.f32 $8.000000000e+00, v7;
	[tilespmem:s21+$0x8190] =	vst v1  }
0xfe: {  	v1 =	vmul.f32 $8.000000000e+00, v5;
	v5 =	vld [tilespmem:s22+$0x90];
	[tilespmem:s21+$0x81A0] =	vst v0;
	s21 =	smov.u32 s22  }
0xff: {  	v0 =	vmul.f32 $8.000000000e+00, v6;
	v6 =	vld [tilespmem:s21+$0xA0];
	[tilespmem:s21+$0x81B0] =	vst v7  }
0x100: {  	[tilespmem:s21+$0x8000] =	vst v1;
	v1 =	vmul.f32 $8.000000000e+00, v2;
	v2 =	vld [tilespmem:s21+$0xB0]  }
0x101: {  	[tilespmem:s21+$0x8010] =	vst v0;
	v0 =	vmul.f32 $8.000000000e+00, v3;
	v3 =	vld [tilespmem:s21+$0x100]  }
0x102: {  	[tilespmem:s21+$0x8020] =	vst v1;
	v1 =	vmul.f32 $8.000000000e+00, v4;
	v4 =	vld [tilespmem:s21+$0x110]  }
.Ltmp8:
0x103: {  	[tilespmem:s21+$0x8030] =	vst v0;
	v5 =	vmul.f32 $8.000000000e+00, v5;
	v0 =	vld [tilespmem:s21+$0x120];
	(pc) =	sbr.rel @p2 .LBB2_13-.Ltmp8, $4  }
0x104: {  	[tilespmem:s21+$0x8080] =	vst v1;
	v6 =	vmul.f32 $8.000000000e+00, v6;
	v1 =	vld [tilespmem:s21+$0x130]  }
0x105: {  	[tilespmem:s21+$0x8090] =	vst v5;
	v7 =	vmul.f32 $8.000000000e+00, v2;
	v2 =	vld [tilespmem:s21+$0x180]  }
0x106: {  	[tilespmem:s21+$0x80A0] =	vst v6;
	v5 =	vmul.f32 $8.000000000e+00, v3;
	v3 =	vld [tilespmem:s21+$0x190]  }
0x107: {  	s22 =	sshra.s32 s23, $0x2;
	s23 =	sadd.s32 $0x800, s23;
	[tilespmem:s21+$0x80B0] =	vst v7;
	v6 =	vmul.f32 $8.000000000e+00, v4;
	v4 =	vld [tilespmem:s21+$0x1A0]  }
0x108: {  	v7 =	vld [tilespmem:s22+$0x1B0];
	[tilespmem:s21+$0x8100] =	vst v5;
	v0 =	vmul.f32 $8.000000000e+00, v0  }
0x109: {  	v5 =	vld [tilespmem:s22+$0x0];
	[tilespmem:s21+$0x8110] =	vst v6;
	v1 =	vmul.f32 $8.000000000e+00, v1  }
0x10a: {  	v6 =	vld [tilespmem:s22+$0x10];
	[tilespmem:s21+$0x8120] =	vst v0;
	v2 =	vmul.f32 $8.000000000e+00, v2  }
0x10b: {  	v0 =	vld [tilespmem:s22+$0x20];
	[tilespmem:s21+$0x8130] =	vst v1;
	v3 =	vmul.f32 $8.000000000e+00, v3  }
0x10c: {  	v1 =	vld [tilespmem:s22+$0x30];
	[tilespmem:s21+$0x8180] =	vst v2;
	v4 =	vmul.f32 $8.000000000e+00, v4  }
0x10d: {  	v2 =	vld [tilespmem:s22+$0x80];
	[tilespmem:s21+$0x8190] =	vst v3;
	v7 =	vmul.f32 $8.000000000e+00, v7  }
0x10e: {  	v3 =	vld [tilespmem:s22+$0x90];
	[tilespmem:s21+$0x81A0] =	vst v4;
	v50 =	vmul.f32 $8.000000000e+00, v5  }
0x10f: {  	v51 =	vld [tilespmem:s22+$0xA0];
	[tilespmem:s22+$0x81B0] =	vst v7;
	v6 =	vmul.f32 $8.000000000e+00, v6  }
0x110: {  	v52 =	vld [tilespmem:s22+$0xB0];
	[tilespmem:s22+$0x8000] =	vst v50;
	v0 =	vmul.f32 $8.000000000e+00, v0  }
0x111: {  	v53 =	vld [tilespmem:s22+$0x100];
	[tilespmem:s22+$0x8010] =	vst v6;
	v1 =	vmul.f32 $8.000000000e+00, v1  }
0x112: {  	v54 =	vld [tilespmem:s22+$0x110];
	[tilespmem:s22+$0x8020] =	vst v0;
	v2 =	vmul.f32 $8.000000000e+00, v2  }
0x113: {  	v55 =	vld [tilespmem:s22+$0x120];
	[tilespmem:s22+$0x8030] =	vst v1;
	v3 =	vmul.f32 $8.000000000e+00, v3  }
0x114: {  	v56 =	vld [tilespmem:s22+$0x130];
	[tilespmem:s22+$0x8080] =	vst v2;
	v5 =	vmul.f32 $8.000000000e+00, v51  }
0x115: {  	v57 =	vld [tilespmem:s22+$0x180];
	v4 =	vmul.f32 $8.000000000e+00, v52;
	[tilespmem:s22+$0x8090] =	vst v3  }
0x116: {  	v58 =	vld [tilespmem:s22+$0x190];
	v6 =	vmul.f32 $8.000000000e+00, v53;
	[tilespmem:s22+$0x80A0] =	vst v5  }
0x117: {  	v59 =	vld [tilespmem:s22+$0x1A0];
	v0 =	vmul.f32 $8.000000000e+00, v54;
	[tilespmem:s22+$0x80B0] =	vst v4  }
0x118: {  	v1 =	vmul.f32 $8.000000000e+00, v55;
	[tilespmem:s22+$0x8100] =	vst v6  }
0x119: {  	v60 =	vmul.f32 $8.000000000e+00, v56;
	[tilespmem:s22+$0x8110] =	vst v0  }
0x11a: {  	v61 =	vmul.f32 $8.000000000e+00, v57;
	[tilespmem:s22+$0x8120] =	vst v1  }
0x11b: {  	v62 =	vmul.f32 $8.000000000e+00, v58;
	[tilespmem:s22+$0x8130] =	vst v60  }
0x11c: {  	v63 =	vmul.f32 $8.000000000e+00, v59;
	[tilespmem:s22+$0x8180] =	vst v61  }
0x11d: {  	[tilespmem:s22+$0x8190] =	vst v62  }
.Ltmp9:
0x11e: {  	[tilespmem:s22+$0x81A0] =	vst v63;
	(pc) =	sbr.rel .LBB2_15-.Ltmp9, $4  }
0x11f: {  	[hbm4b:s11+s2] =	stream.linear.scatter [tilespmem:s15], [sflag:$0x3], $0x2000, $0x38;
	[tilespmem:$0x10000] =	vst v63  }
0x120: {  	_ =	swait.ge [sflag:s18], $0x2000  }
0x121: {  	[sflag:s18] =	ssyncset.done $0x0  }
0x122: {  	[sflag:s18] =	ssyncadd.s32 $0xFFFFE000  }
.LBB2_16:
0x123: {  	_ =	sfence.sel $0x180000  }
0x124: {  	[bflag:$0x0] =	sbarrier.arrive $0xFFFF  }
0x125: {  	p0 =	sne.s32 s0, $0x0;
	_ =	strace $0x90000047  }
0x126: {  	s0 =	sadd.s32 @!p0 $0x100000, s1;
	[bflag:$0x2] =	sbarrier.arrive $0xFFFF  }
0x127: {  	[sflag:s0] =	ssyncadd.tile.s32 @!p0 $0x1;
	_ =	shalt  }
.Lfunc_end2:
_tile_overlayer_lowered:
.L_overlay_start_2:
0x128: {  	(tag) =	ssettag $0x2  }
0x129: {  	s0 =	rddreg [dreg:$0x0];
	s2 =	stileid.u32  }
0x12a: {  	s1 =	rddreg [dreg:$0x1];
	p0 =	sne.s32 s2, $0x0  }
0x12b: {  	s3 =	rddreg [dreg:$0x2];
	[bflag:$0x3] =	sbarrier.arrive $0xFFFF;
	s2 =	simm.s32 @!p0 $0x1C05  }
0x12c: {  	[timem:s3], [sflag:s2] =	dma.local @!p0 [hbm:s0], s1  }
0x12d: {  	s0 =	simm.s32 @!p0 $0x5  }
0x12e: {  	_ =	swait.ge @!p0 [sflag:s0], s1  }
0x12f: {  	s1 =	ssub.s32 @!p0 $0x0, s1;
	[sflag:s0] =	ssyncset.done @!p0 $0x0  }
0x130: {  	[sflag:s0] =	ssyncadd.s32 @!p0 s1  }
0x131: {  	[bflag:$0x3] =	sbarrier.arrive $0xFFFF  }
0x132: {  	_ =	shalt  }

// kernel: kernel.7.cloned.1.call-start
scs
__scs_entry_jumppad:
0x0: {  	(pc) =	sbr.rel $0x88, $3  }
0x1: {  	(tag) =	ssettag $0x0;
	lr =	simm.s32 $0x1  }
0x2: {  	[smem:$0x3F9F] =	sst lr;
	_ =	strace $0xD0000000  }
0x3: {  	_ = 	snop  }
0x4: {  	_ = 	snop  }
0x5: {  	_ = 	snop  }
0x6: {  	_ = 	snop  }
0x7: {  	_ = 	snop  }
__scs_overlays_trampoline_lowered:
0x8: {  	[smem:$0x3FAE] =	sst s0  }
0x9: {  	[smem:$0x3FAF] =	sst s1  }
0xa: {  	[smem:$0x3FB0] =	sst s2  }
0xb: {  	[smem:$0x3FB1] =	sst s3  }
0xc: {  	[smem:$0x3FB2] =	sst s4  }
0xd: {  	[smem:$0x3FB3] =	sst s5  }
0xe: {  	[smem:$0x3FB4] =	sst s6  }
0xf: {  	[smem:$0x3FB5] =	sst s7  }
0x10: {  	[smem:$0x3FB6] =	sst s8  }
0x11: {  	[smem:$0x3FB7] =	sst s9;
	s0 =	simm.s32 @!p0 $0x0  }
0x12: {  	s1 =	sld [smem:$0x3F9D];
	s0 =	simm.s32 @p0 $0x1  }
0x13: {  	[smem:$0x3FB8] =	sst s0;
	s0 =	simm.s32 @!p1 $0x0  }
0x14: {  	s2 =	sld [smem:$0x3F9C];
	s0 =	simm.s32 @p1 $0x1  }
0x15: {  	[smem:$0x3FB9] =	sst s0;
	s0 =	simm.s32 @!p2 $0x0  }
0x16: {  	s3 =	sld [smem:$0x3FDB];
	s0 =	simm.s32 @p2 $0x1  }
0x17: {  	s4 =	simm.s32 $0x1BF5;
	[smem:$0x3FBB] =	sst s0  }
0x18: {  	s0 =	sld [smem:$0x3F9E];
	_ =	swait.ge [sflag:s4], $0x0  }
0x19: {  	s7 =	sld [smem:$0x3F9F]  }
0x1a: {  	s8 =	sadd.s32 $0xFFFFE003, lr  }
0x1b: {  	s9 =	sadd.s32 $0xFFFFFEF7, lr;
	s5 =	simm.s32 $0xFFFFFFFF;
	p2 =	slt.u32 s8, $0xFFFFF086  }
0x1c: {  	p1 =	slt.u32 s9, $0xF7A;
	s5 =	simm.s32 @!p2 $0x0  }
0x1d: {  	s5 =	simm.s32 @p1 $0x1;
	p0 =	seq.s32 s7, s2  }
0x1e: {  	s7 =	smul.u32 @!p0 $0xF7A, s2;
	p2 =	seq.s32 @!p0 s5, $0x0  }
0x1f: {  	s9 =	smul.u32 $0xF7A, s1;
	s8 =	simm.s32 @!p0 $0x1BF5;
	p2 =	por !p2, p0  }
0x20: {  	[sflag:s8] =	ssyncset.s32 @!p0 $0xFFFFF086;
	s6 =	sadd.s32 @!p0 s3, s7;
	s7 =	simm.s32 @!p0 $0x108  }
0x21: {  	s3 =	sadd.s32 s3, s9;
	s6 =	sadd.s32 @!p0 $0x88, s6;
	s7 =	simm.s32 @p2 $0x1082  }
0x22: {  	[simem:s7], [sflag:s8] =	dma.local @!p0 [hbm:s6], $0xF7A  }
0x23: {  	s9 =	sor.u32 $0xD0000000, s2;
	s6 =	simm.s32 $0x108;
	_ =	swait.ge @!p0 [sflag:s8], $0x0  }
0x24: {  	s3 =	sadd.s32 $0x88, s3;
	s6 =	simm.s32 @!p1 $0x1082;
	[sflag:s4] =	ssyncset.s32 $0xFFFFF086  }
0x25: {  	[simem:s6], [sflag:s4] =	dma.local [hbm:s3], $0xF7A  }
0x26: {  	[smem:$0x3F9F] =	sst s1;
	(tag) =	ssettag s2;
	_ =	strace s9  }
0x27: {  	s1 =	sld [smem:$0x3FAF]  }
0x28: {  	s2 =	sld [smem:$0x3FB0]  }
0x29: {  	s4 =	sld [smem:$0x3FB2]  }
0x2a: {  	p0 =	seq.s32 s5, $0x0;
	s5 =	sld [smem:$0x3FB3]  }
0x2b: {  	s6 =	sld [smem:$0x3FB4]  }
0x2c: {  	s7 =	sld [smem:$0x3FB5]  }
0x2d: {  	s3 =	simm.s32 $0x108;
	s8 =	sld [smem:$0x3FB6]  }
0x2e: {  	s3 =	simm.s32 @!p0 $0x1082;
	s9 =	sld [smem:$0x3FB7]  }
0x2f: {  	lr =	sadd.s32 s0, s3;
	s0 =	sld [smem:$0x3FAE]  }
0x30: {  	s3 =	sld [smem:$0x3FB1]  }
0x31: {  	[smem:$0x3FBA] =	sst s10  }
0x32: {  	s10 =	sld [smem:$0x3FB8];
	_ =	sdelay $0x3  }
0x33: {  	p0 =	seq.s32 s10, $0x1;
	s10 =	sld [smem:$0x3FBA];
	_ =	sdelay $0x3  }
0x34: {  	[smem:$0x3FBA] =	sst s10  }
0x35: {  	s10 =	sld [smem:$0x3FB9];
	_ =	sdelay $0x3  }
0x36: {  	p1 =	seq.s32 s10, $0x1;
	s10 =	sld [smem:$0x3FBA];
	_ =	sdelay $0x3  }
0x37: {  	[smem:$0x3FBA] =	sst s10  }
0x38: {  	s10 =	sld [smem:$0x3FBB]  }
0x39: {  	_ = 	snop;
	(pc) =	sbr.ind lr, $3  }
0x3a: {  	_ = 	snop  }
0x3b: {  	_ = 	snop  }
0x3c: {  	p2 =	seq.s32 s10, $0x1;
	s10 =	sld [smem:$0x3FBA]  }
0x3d: {  	_ =	shalt  }
0x3e: {  	_ =	shalt  }
0x3f: {  	_ =	shalt  }
0x40: {  	_ =	shalt  }
0x41: {  	_ =	shalt  }
0x42: {  	_ =	shalt  }
0x43: {  	_ =	shalt  }
0x44: {  	_ =	shalt  }
0x45: {  	_ =	shalt  }
0x46: {  	_ =	shalt  }
0x47: {  	_ =	shalt  }
0x48: {  	_ =	shalt  }
0x49: {  	_ =	shalt  }
0x4a: {  	_ =	shalt  }
0x4b: {  	_ =	shalt  }
0x4c: {  	_ =	shalt  }
0x4d: {  	_ =	shalt  }
0x4e: {  	_ =	shalt  }
0x4f: {  	_ =	shalt  }
0x50: {  	_ =	shalt  }
0x51: {  	_ =	shalt  }
0x52: {  	_ =	shalt  }
0x53: {  	_ =	shalt  }
0x54: {  	_ =	shalt  }
0x55: {  	_ =	shalt  }
0x56: {  	_ =	shalt  }
0x57: {  	_ =	shalt  }
0x58: {  	_ =	shalt  }
0x59: {  	_ =	shalt  }
0x5a: {  	_ =	shalt  }
0x5b: {  	_ =	shalt  }
0x5c: {  	_ =	shalt  }
0x5d: {  	_ =	shalt  }
0x5e: {  	_ =	shalt  }
0x5f: {  	_ =	shalt  }
0x60: {  	_ =	shalt  }
0x61: {  	_ =	shalt  }
0x62: {  	_ =	shalt  }
0x63: {  	_ =	shalt  }
0x64: {  	_ =	shalt  }
0x65: {  	_ =	shalt  }
0x66: {  	_ =	shalt  }
0x67: {  	_ =	shalt  }
0x68: {  	_ =	shalt  }
0x69: {  	_ =	shalt  }
0x6a: {  	_ =	shalt  }
0x6b: {  	_ =	shalt  }
0x6c: {  	_ =	shalt  }
0x6d: {  	_ =	shalt  }
0x6e: {  	_ =	shalt  }
0x6f: {  	_ =	shalt  }
0x70: {  	_ =	shalt  }
0x71: {  	_ =	shalt  }
0x72: {  	_ =	shalt  }
0x73: {  	_ =	shalt  }
0x74: {  	_ =	shalt  }
0x75: {  	_ =	shalt  }
0x76: {  	_ =	shalt  }
0x77: {  	_ =	shalt  }
0x78: {  	_ =	shalt  }
0x79: {  	_ =	shalt  }
0x7a: {  	_ =	shalt  }
0x7b: {  	_ =	shalt  }
0x7c: {  	_ =	shalt  }
0x7d: {  	_ =	shalt  }
0x7e: {  	_ =	shalt  }
0x7f: {  	_ =	shalt  }
0x80: {  	_ =	shalt  }
0x81: {  	_ =	shalt  }
0x82: {  	_ =	shalt  }
0x83: {  	_ =	shalt  }
0x84: {  	_ =	shalt  }
0x85: {  	_ =	shalt  }
0x86: {  	_ =	shalt  }
0x87: {  	_ =	shalt  }
.Lfunc_end0:
.L_simem_size_0:
called_computation.2_lowered:
.L_overlay_start_0:
0x88: {  	s2 =	sld [smem:$0x3FD9]  }
0x89: {  	s3 =	sld [smem:$0x3FFE];
	_ =	sdelay $0x1  }
0x8a: {  	s1 =	srdreg.scid  }
0x8b: {  	s0 =	sand.u32 $0x1, s1  }
0x8c: {  	s17 =	sshll.u32 s0, $0xA;
	s2 =	sadd.s32 s3, s2  }
0x8d: {  	s2 =	sadd.s32 s2, s17  }
0x8e: {  	[smem:$0x3FC6] =	sst s2  }
0x8f: {  	_ = 	snop  }
0x90: {  	s2 =	sld [smem:$0x3FD0];
	(tm) =	ssettm $0x1  }
0x91: {  	s18 =	sld [smem:$0x3FFB];
	_ =	sdelay $0x3  }
0x92: {  	_ =	strace s18  }
0x93: {  	s3 =	sld [smem:$0x3FFC];
	_ =	sdelay $0x3  }
0x94: {  	_ =	strace s3  }
0x95: {  	s3 =	sld [smem:$0x3FFD];
	_ =	sdelay $0x3  }
0x96: {  	_ =	strace s3  }
0x97: {  	_ =	strace $0x8FFFFFFF  }
0x98: {  	s19 =	sld [smem:$0x3FDB];
	_ =	sdelay $0x1  }
0x99: {  	s4 =	simm.s32 $_scs_section_size  }
0x9a: {  	s5 =	simm.s32 $_size__tile_overlayer_lowered;
	s6 =	simm.s32 $_tile_overlayer_lowered  }
0x9b: {  	s22 =	simm.s32 $0x1BFF;
	s21 =	sshll.u32 s6, $0x1;
	s3 =	sadd.s32 s4, s19  }
0x9c: {  	s7 =	simm.s32 $0x0;
	s20 =	sshll.u32 s5, $0x1;
	s5 =	sadd.s32 s21, s3  }
0x9d: {  	[timem:s7], [sflag:s22] =	dma.local [hbm:s5], s20  }
0x9e: {  	_ =	swait.ge [sflag:s22], s20  }
0x9f: {  	s4 =	ssub.s32 $0x0, s20;
	[sflag:s22] =	ssyncset.done $0x0  }
0xa0: {  	[sflag:s22] =	ssyncadd.s32 s4;
	_ =	sdelay $0x1  }
0xa1: {  	s23 =	simm.s32 $0x1B8B  }
0xa2: {  	_ =	swait.ge [sflag:s23], $0x1  }
0xa3: {  	[sflag:s23] =	ssyncset.done $0x0  }
0xa4: {  	s25 =	simm.s32 $0x1B8E;
	s24 =	sld [smem:$0x3FFE];
	[sflag:s23] =	ssyncadd.s32 $0xFFFFFFFF  }
0xa5: {  	s26 =	simm.s32 $execute0_lowered;
	[smem:$0x3FD2] =	sst s25  }
0xa6: {  	s5 =	sshll.u32 s26, $0x1;
	_ =	strace $0x80000049;
	[dreg:$0x1] =	wrdreg $0xFFFFFFFF  }
0xa7: {  	s28 =	simm.s32 $_size_execute0_lowered;
	s3 =	sadd.s32 s3, s5;
	[dreg:$0x0] =	wrdreg $0x0  }
0xa8: {  	s5 =	sshll.u32 s28, $0x1;
	[dreg:$0x2] =	wrdreg s3  }
0xa9: {  	[dreg:$0x3] =	wrdreg s5  }
0xaa: {  	[dreg:$0x4] =	wrdreg $0xC0  }
0xab: {  	_ =	task [dreg:s7], $0x5FFFF  }
0xac: {  	[dreg:$0x1] =	wrdreg $0xFFFFFFFF  }
0xad: {  	[dreg:$0x0] =	wrdreg $0x60  }
0xae: {  	[dreg:$0x2] =	wrdreg s2  }
0xaf: {  	[dreg:$0x3] =	wrdreg s24  }
0xb0: {  	[dreg:$0x4] =	wrdreg $0x9  }
0xb1: {  	_ =	task.clear_ibuf [dreg:s7], $0x5FFFF;
	_ =	strace $0x90000049  }
0xb2: {  	s29 =	simm.s32 $0x9;
	_ =	strace $0x8000004B  }
0xb3: {  	_ =	swait.ge [sflag:s29], $0x1  }
0xb4: {  	[sflag:s29] =	ssyncadd.s32 $0xFFFFFFFF  }
0xb5: {  	_ =	strace $0x9000004B  }
0xb6: {  	_ =	sfence  }
0xb7: {  	s30 =	sld [smem:$0x0];
	_ =	sdelay $0x2  }
0xb8: {  	s31 =	sshll.u32 s1, $0xD;
	s1 =	sshrl.u32 s1, $0x2  }
0xb9: {  	s3 =	sand.u32 $0x4000, s31;
	s1 =	sadd.s32 s1, s30  }
0xba: {  	s0 =	sor.u32 s3, s0;
	s1 =	sshll.u32 s1, $0x11  }
0xbb: {  	s0 =	sor.u32 s1, s0  }
0xbc: {  	s0 =	sadd.s32 $0x8F2B, s0  }
0xbd: {  	[sflag:s0] =	ssyncadd.remote.s32 $0x1  }
0xbe: {  	_ =	sfence.sel $0xFFFF  }
0xbf: {  	[dreg:$0x0] =	wrdreg $0xFFFFFFFF;
	(pc) =	sbr.abs _section_cstart, $3  }
0xc0: {  	[dreg:$0x1] =	wrdreg $0xFFFFFFFF  }
0xc1: {  	_ =	task.clear_ibuf [dreg:s7], $0x2FFFF;
	_ =	strace $0x9FFFFFFF  }
0xc2: {  	(tm) =	ssettm $0x7FFFFFFF  }
0xc3: {  	_ =	shalt  }
tec
execute0_lowered:
.L_overlay_start_1:
0x0: {  	(tag) =	ssettag $0x1  }
0x1: {  	s2 =	rddreg [dreg:$0x0]  }
0x2: {  	s0 =	rddreg [dreg:$0x1]  }
0x3: {  	s1 =	srdreg.scid;
	s4 =	stileid.u32;
	s3 =	simm.s32 $0x0  }
0x4: {  	s16 =	simm.s32 $0x80;
	s17 =	simm.s32 $0x100;
	s18 =	simm.s32 $0x180  }
0x5: {  	s19 =	simm.s32 $0x1;
	s20 =	simm.s32 $0x200;
	s21 =	simm.s32 $0x2  }
0x6: {  	s28 =	simm.s32 $0xC200;
	s29 =	simm.s32 $0x4;
	s30 =	simm.s32 $0x7  }
0x7: {  	s31 =	simm.s32 $0x8;
	s1 =	sand.u32 $0x1, s1;
	s4 =	sshll.u32 s4, $0x1  }
0x8: {  	[smem:$0x7FF] =	sst s3;
	s5 =	sadd.s32 $0xF43200, s0;
	s8 =	sor.u32 s1, s4  }
0x9: {  	s6 =	sadd.s32 $0xE00, s0;
	s22 =	ssub.s32 $0x2, s1;
	s4 =	smul.u32 $0x6400, s8  }
0xa: {  	_ =	strace $0x8000004A;
	s1 =	sshrl.u32 s22, $0x1;
	s7 =	smul.u32 $0x320000, s8  }
0xb: {  	s23 =	smul.u32 $0x64000, s8;
	s0 =	ssub.s32 s22, s1;
	s22 =	simm.s32 $0x4200  }
0xc: {  	s9 =	sshrl.u32 s4, $0x3;
	s12 =	sor.u32 $0x8000, s7;
	s0 =	smax.u32 s0, $0x1  }
0xd: {  	s13 =	sor.u32 $0xC000, s7;
	s9 =	sadd.s32 s2, s9;
	[dreg:$0x7] =	wrdreg s0  }
.Ltmp0:
0xe: {  	s24 =	sadd.s32 $0x10, s9;
	[dreg:$0x3] =	wrdreg s9;
	(pc) =	sbr.rel .LBB2_1-.Ltmp0, $4  }
0xf: {  	s1 =	sadd.s32 s23, s6;
	s25 =	sadd.s32 $0x20, s9;
	[dreg:$0x4] =	wrdreg s24  }
0x10: {  	s23 =	simm.s32 $0x5;
	s26 =	sadd.s32 $0x30, s9;
	[dreg:$0x5] =	wrdreg s25  }
0x11: {  	s15 =	sadd.s32 $0x800, s1;
	s0 =	simm.s32 $0x0;
	[dreg:$0x6] =	wrdreg s26  }
0x12: {  	s24 =	simm.s32 $0x8200;
	s25 =	simm.s32 $0x3;
	s26 =	simm.s32 $0x6  }
.LBB2_15:
0x13: {  	_ =	swait.ge [sflag:s30], $0x4000  }
0x14: {  	[sflag:s30] =	ssyncset.done $0x0  }
0x15: {  	[sflag:s30] =	ssyncadd.s32 $0xFFFFC000  }
0x16: {  	_ =	swait.ge [sflag:s31], $0x4000  }
0x17: {  	s0 =	sadd.s32 $0x1, s0;
	s1 =	rddreg [dreg:$0x7]  }
0x18: {  	p0 =	sne.s32 s0, s1  }
.Ltmp1:
0x19: {  	_ = 	snop;
	(pc) =	sbr.rel @!p0 .LBB2_16-.Ltmp1, $3  }
0x1a: {  	_ =	sdelay $0x1  }
0x1b: {  	[sflag:s31] =	ssyncset.done $0x0  }
0x1c: {  	[sflag:s31] =	ssyncadd.s32 $0xFFFFC000  }
.LBB2_1:
0x1d: {  	s1 =	rddreg [dreg:$0x3]  }
0x1e: {  	[tilespmem:s3], [sflag:$0x1] =	stream.linear.gather [hbm4b:s1+s3], $0x80, $0x38;
	[tilespmem:$0x10200] =	vst v63  }
0x1f: {  	s10 =	rddreg [dreg:$0x4]  }
0x20: {  	[tilespmem:s16], [sflag:$0x2] =	stream.linear.gather [hbm4b:s10+s3], $0x80, $0x38;
	[tilespmem:$0x10200] =	vst v63  }
0x21: {  	s11 =	rddreg [dreg:$0x5]  }
0x22: {  	[tilespmem:s17], [sflag:$0x3] =	stream.linear.gather [hbm4b:s11+s3], $0x80, $0x38;
	[tilespmem:$0x10200] =	vst v63  }
0x23: {  	s14 =	rddreg [dreg:$0x6]  }
0x24: {  	[tilespmem:s18], [sflag:$0x4] =	stream.linear.gather [hbm4b:s14+s3], $0x80, $0x38;
	[tilespmem:$0x10200] =	vst v63  }
0x25: {  	_ =	swait.ge [sflag:s19], $0x80  }
0x26: {  	[sflag:s19] =	ssyncset.done $0x0  }
0x27: {  	[sflag:s19] =	ssyncadd.s32 $0xFFFFFF80  }
0x28: {  	[tilespmem:s20], [sflag:$0x5] =	stream.indirect.gather [hbm4b:s5+s16], $0x80, s3, s16, $0xb8;
	[tilespmem:$0x10200] =	vst v63  }
0x29: {  	_ =	swait.ge [sflag:s21], $0x80  }
0x2a: {  	[sflag:s21] =	ssyncset.done $0x0  }
0x2b: {  	s1 =	simm.s32 $0x0;
	[sflag:s21] =	ssyncadd.s32 $0xFFFFFF80  }
0x2c: {  	[tilespmem:s22], [sflag:$0x6] =	stream.indirect.gather [hbm4b:s5+s16], $0x80, s16, s16, $0xb8;
	[tilespmem:$0x10200] =	vst v63  }
.LBB2_2:
0x2d: {  	s9 =	sshll.u32 s1, $0x9;
	p0 =	seq.s32 s1, $0x31  }
0x2e: {  	s8 =	sadd.s32 @!p0 $0x200, s9;
	p1 =	seq.s32 @!p0 s1, $0x0  }
0x2f: {  	s10 =	sand.u32 @!p0 $0xFC00, s8;
	p1 =	por p0, !p1  }
.Ltmp2:
0x30: {  	s8 =	sand.u32 @!p0 $0x200, s8;
	s10 =	sadd.s32 @!p0 s4, s10;
	(pc) =	sbr.rel @!p1 .LBB2_3-.Ltmp2, $4  }
0x31: {  	_ =	swait.ge [sflag:s23], $0x4000;
	s8 =	sor.u32 @!p0 s8, s10  }
0x32: {  	[sflag:s23] =	ssyncset.done $0x0;
	s8 =	sshrl.u32 @!p0 s8, $0x3  }
0x33: {  	[sflag:s23] =	ssyncadd.s32 $0xFFFFC000;
	s10 =	simm.s32 @!p0 $0x0;
	s8 =	sadd.s32 @!p0 s2, s8  }
0x34: {  	[tilespmem:s10], [sflag:$0x1] =	stream.linear.gather @!p0 [hbm4b:s8+s10], $0x80, $0x38;
	[tilespmem:$0x10200] =	vst v63  }
.Ltmp3:
0x35: {  	(pc) =	sbr.rel .LBB2_5-.Ltmp3, $4  }
0x36: {  	_ = 	snop  }
0x37: {  	_ =	swait.ge [sflag:s30], $0x4000  }
0x38: {  	[sflag:s30] =	ssyncset.done $0x0  }
0x39: {  	p1 =	por $0x0, $0x0;
	[sflag:s30] =	ssyncadd.s32 $0xFFFFC000  }
.LBB2_3:
0x3a: {  	p1 =	por @!p0 $0x1, $0x1  }
.LBB2_5:
0x3b: {  	s10 =	simm.s32 $0x0  }
0x3c: {  	v0 =	vld [tilespmem:s10+$0x3B0]  }
0x3d: {  	v1 =	vld [tilespmem:s10+$0x200]  }
0x3e: {  	v2 =	vld [tilespmem:s10+$0x210]  }
0x3f: {  	v3 =	vld [tilespmem:s10+$0x220]  }
0x40: {  	v4 =	vld [tilespmem:s10+$0x230]  }
0x41: {  	v5 =	vld [tilespmem:s10+$0x280];
	[tilespmem:s10+$0x83B0] =	vst v0  }
0x42: {  	[tilespmem:s10+$0x8200] =	vst v1;
	v0 =	vld [tilespmem:s10+$0x290]  }
0x43: {  	[tilespmem:s10+$0x8210] =	vst v2;
	v1 =	vld [tilespmem:s10+$0x2A0]  }
0x44: {  	[tilespmem:s10+$0x8220] =	vst v3;
	v2 =	vld [tilespmem:s10+$0x2B0]  }
0x45: {  	[tilespmem:s10+$0x8230] =	vst v4;
	v3 =	vld [tilespmem:s10+$0x300]  }
0x46: {  	[tilespmem:s10+$0x8280] =	vst v5;
	v4 =	vld [tilespmem:s10+$0x310]  }
0x47: {  	[tilespmem:s10+$0x8290] =	vst v0;
	v0 =	vld [tilespmem:s10+$0x320]  }
0x48: {  	[tilespmem:s10+$0x82A0] =	vst v1;
	v1 =	vld [tilespmem:s10+$0x330]  }
0x49: {  	[tilespmem:s10+$0x82B0] =	vst v2;
	v2 =	vld [tilespmem:s10+$0x380]  }
0x4a: {  	[tilespmem:s10+$0x8300] =	vst v3;
	v3 =	vld [tilespmem:s10+$0x390]  }
0x4b: {  	s11 =	simm.s32 $0x200;
	s14 =	simm.s32 $0x1000;
	[tilespmem:s10+$0x8310] =	vst v4;
	v4 =	vld [tilespmem:s10+$0x3A0]  }
.LBB2_6:
0x4c: {  	p2 =	sne.s32 s14, $0xF800;
	v5 =	vld [tilespmem:s11+$0x3B0];
	[tilespmem:s10+$0x8320] =	vst v0  }
0x4d: {  	v0 =	vld [tilespmem:s11+$0x200];
	[tilespmem:s10+$0x8330] =	vst v1  }
0x4e: {  	v1 =	vld [tilespmem:s11+$0x210];
	[tilespmem:s10+$0x8380] =	vst v2  }
0x4f: {  	v2 =	vld [tilespmem:s11+$0x220];
	[tilespmem:s10+$0x8390] =	vst v3  }
0x50: {  	v3 =	vld [tilespmem:s11+$0x230];
	[tilespmem:s10+$0x83A0] =	vst v4;
	s10 =	smov.u32 s11  }
0x51: {  	v4 =	vld [tilespmem:s10+$0x280];
	[tilespmem:s10+$0x83B0] =	vst v5  }
0x52: {  	[tilespmem:s10+$0x8200] =	vst v0;
	v0 =	vld [tilespmem:s10+$0x290]  }
0x53: {  	[tilespmem:s10+$0x8210] =	vst v1;
	v1 =	vld [tilespmem:s10+$0x2A0]  }
0x54: {  	[tilespmem:s10+$0x8220] =	vst v2;
	v2 =	vld [tilespmem:s10+$0x2B0]  }
0x55: {  	[tilespmem:s10+$0x8230] =	vst v3;
	v3 =	vld [tilespmem:s10+$0x300]  }
0x56: {  	[tilespmem:s10+$0x8280] =	vst v4;
	v4 =	vld [tilespmem:s10+$0x310]  }
.Ltmp4:
0x57: {  	[tilespmem:s10+$0x8290] =	vst v0;
	v0 =	vld [tilespmem:s10+$0x320];
	(pc) =	sbr.rel @p2 .LBB2_6-.Ltmp4, $4  }
0x58: {  	[tilespmem:s10+$0x82A0] =	vst v1;
	v1 =	vld [tilespmem:s10+$0x330]  }
0x59: {  	[tilespmem:s10+$0x82B0] =	vst v2;
	v2 =	vld [tilespmem:s10+$0x380]  }
0x5a: {  	[tilespmem:s10+$0x8300] =	vst v3;
	v3 =	vld [tilespmem:s10+$0x390]  }
0x5b: {  	s11 =	sshra.s32 s14, $0x2;
	s14 =	sadd.s32 $0x800, s14;
	[tilespmem:s10+$0x8310] =	vst v4;
	v4 =	vld [tilespmem:s10+$0x3A0]  }
0x5c: {  	v5 =	vld [tilespmem:s11+$0x3B0];
	[tilespmem:s10+$0x8320] =	vst v0  }
0x5d: {  	v0 =	vld [tilespmem:s11+$0x200];
	[tilespmem:s10+$0x8330] =	vst v1  }
0x5e: {  	v1 =	vld [tilespmem:s11+$0x210];
	[tilespmem:s10+$0x8380] =	vst v2  }
0x5f: {  	v2 =	vld [tilespmem:s11+$0x220];
	[tilespmem:s10+$0x8390] =	vst v3  }
0x60: {  	v3 =	vld [tilespmem:s11+$0x230];
	[tilespmem:s10+$0x83A0] =	vst v4  }
0x61: {  	v4 =	vld [tilespmem:s11+$0x280];
	[tilespmem:s11+$0x83B0] =	vst v5  }
0x62: {  	[tilespmem:s11+$0x8200] =	vst v0;
	v0 =	vld [tilespmem:s11+$0x290]  }
0x63: {  	[tilespmem:s11+$0x8210] =	vst v1;
	v1 =	vld [tilespmem:s11+$0x2A0]  }
0x64: {  	[tilespmem:s11+$0x8220] =	vst v2;
	v2 =	vld [tilespmem:s11+$0x2B0]  }
0x65: {  	[tilespmem:s11+$0x8230] =	vst v3;
	v3 =	vld [tilespmem:s11+$0x300]  }
0x66: {  	[tilespmem:s11+$0x8280] =	vst v4;
	v4 =	vld [tilespmem:s11+$0x310]  }
0x67: {  	[tilespmem:s11+$0x8290] =	vst v0;
	v0 =	vld [tilespmem:s11+$0x320]  }
0x68: {  	[tilespmem:s11+$0x82A0] =	vst v1;
	v1 =	vld [tilespmem:s11+$0x330]  }
0x69: {  	[tilespmem:s11+$0x82B0] =	vst v2;
	v2 =	vld [tilespmem:s11+$0x380]  }
0x6a: {  	[tilespmem:s11+$0x8300] =	vst v3;
	v3 =	vld [tilespmem:s11+$0x390]  }
0x6b: {  	[tilespmem:s11+$0x8310] =	vst v4;
	v4 =	vld [tilespmem:s11+$0x3A0]  }
0x6c: {  	[tilespmem:s11+$0x8320] =	vst v0  }
0x6d: {  	s10 =	sshll.u32 s1, $0x10;
	[tilespmem:s11+$0x8330] =	vst v1  }
0x6e: {  	s8 =	sadd.s32 s7, s10;
	[tilespmem:s11+$0x8380] =	vst v2  }
0x6f: {  	s8 =	sshrl.u32 s8, $0x3;
	[tilespmem:s11+$0x8390] =	vst v3  }
0x70: {  	s8 =	sadd.s32 s6, s8;
	[tilespmem:s11+$0x83A0] =	vst v4  }
0x71: {  	[hbm4b:s8+s3] =	stream.linear.scatter [tilespmem:s24], [sflag:$0x7], $0x4000, $0x38;
	[tilespmem:$0x10200] =	vst v63  }
0x72: {  	s8 =	sadd.s32 @!p0 $0x280, s9;
	_ =	swait.ge [sflag:s25], $0x80  }
0x73: {  	s11 =	sand.u32 @!p0 $0xFC00, s8;
	[sflag:s25] =	ssyncset.done $0x0  }
0x74: {  	s8 =	sand.u32 @!p0 $0x280, s8;
	s11 =	sadd.s32 @!p0 s4, s11;
	[sflag:s25] =	ssyncadd.s32 $0xFFFFFF80  }
0x75: {  	[tilespmem:s20], [sflag:$0x5] =	stream.indirect.gather [hbm4b:s5+s16], $0x80, s17, s16, $0xb8;
	[tilespmem:$0x10200] =	vst v63  }
0x76: {  	s8 =	sor.u32 @!p0 s8, s11;
	_ =	swait.ge [sflag:s26], $0x4000  }
0x77: {  	s14 =	simm.s32 @!p0 $0x80;
	s8 =	sshrl.u32 @!p0 s8, $0x3;
	[sflag:s26] =	ssyncset.done $0x0  }
0x78: {  	s11 =	simm.s32 @!p0 $0x0;
	s8 =	sadd.s32 @!p0 s2, s8;
	[sflag:s26] =	ssyncadd.s32 $0xFFFFC000  }
0x79: {  	[tilespmem:s14], [sflag:$0x2] =	stream.linear.gather @!p0 [hbm4b:s8+s11], $0x80, $0x38;
	[tilespmem:$0x10200] =	vst v63  }
0x7a: {  	s8 =	simm.s32 @!p1 $0x8  }
0x7b: {  	_ =	swait.ge @!p1 [sflag:s8], $0x4000  }
0x7c: {  	[sflag:s8] =	ssyncset.done @!p1 $0x0  }
0x7d: {  	s11 =	simm.s32 $0x0;
	[sflag:s8] =	ssyncadd.s32 @!p1 $0xFFFFC000  }
0x7e: {  	v0 =	vld [tilespmem:s11+$0x43B0]  }
0x7f: {  	v1 =	vld [tilespmem:s11+$0x4200]  }
0x80: {  	v2 =	vld [tilespmem:s11+$0x4210]  }
0x81: {  	v3 =	vld [tilespmem:s11+$0x4220]  }
0x82: {  	v4 =	vld [tilespmem:s11+$0x4230]  }
0x83: {  	v5 =	vld [tilespmem:s11+$0x4280];
	[tilespmem:s11+$0xC3B0] =	vst v0  }
0x84: {  	[tilespmem:s11+$0xC200] =	vst v1;
	v0 =	vld [tilespmem:s11+$0x4290]  }
0x85: {  	[tilespmem:s11+$0xC210] =	vst v2;
	v1 =	vld [tilespmem:s11+$0x42A0]  }
0x86: {  	[tilespmem:s11+$0xC220] =	vst v3;
	v2 =	vld [tilespmem:s11+$0x42B0]  }
0x87: {  	[tilespmem:s11+$0xC230] =	vst v4;
	v3 =	vld [tilespmem:s11+$0x4300]  }
0x88: {  	[tilespmem:s11+$0xC280] =	vst v5;
	v4 =	vld [tilespmem:s11+$0x4310]  }
0x89: {  	[tilespmem:s11+$0xC290] =	vst v0;
	v0 =	vld [tilespmem:s11+$0x4320]  }
0x8a: {  	[tilespmem:s11+$0xC2A0] =	vst v1;
	v1 =	vld [tilespmem:s11+$0x4330]  }
0x8b: {  	[tilespmem:s11+$0xC2B0] =	vst v2;
	v2 =	vld [tilespmem:s11+$0x4380]  }
0x8c: {  	[tilespmem:s11+$0xC300] =	vst v3;
	v3 =	vld [tilespmem:s11+$0x4390]  }
0x8d: {  	s14 =	simm.s32 $0x200;
	s8 =	simm.s32 $0x1000;
	[tilespmem:s11+$0xC310] =	vst v4;
	v4 =	vld [tilespmem:s11+$0x43A0]  }
.LBB2_8:
0x8e: {  	p1 =	sne.s32 s8, $0xF800;
	v5 =	vld [tilespmem:s14+$0x43B0];
	[tilespmem:s11+$0xC320] =	vst v0  }
0x8f: {  	v0 =	vld [tilespmem:s14+$0x4200];
	[tilespmem:s11+$0xC330] =	vst v1  }
0x90: {  	v1 =	vld [tilespmem:s14+$0x4210];
	[tilespmem:s11+$0xC380] =	vst v2  }
0x91: {  	v2 =	vld [tilespmem:s14+$0x4220];
	[tilespmem:s11+$0xC390] =	vst v3  }
0x92: {  	v3 =	vld [tilespmem:s14+$0x4230];
	[tilespmem:s11+$0xC3A0] =	vst v4;
	s11 =	smov.u32 s14  }
0x93: {  	v4 =	vld [tilespmem:s11+$0x4280];
	[tilespmem:s11+$0xC3B0] =	vst v5  }
0x94: {  	[tilespmem:s11+$0xC200] =	vst v0;
	v0 =	vld [tilespmem:s11+$0x4290]  }
0x95: {  	[tilespmem:s11+$0xC210] =	vst v1;
	v1 =	vld [tilespmem:s11+$0x42A0]  }
0x96: {  	[tilespmem:s11+$0xC220] =	vst v2;
	v2 =	vld [tilespmem:s11+$0x42B0]  }
0x97: {  	[tilespmem:s11+$0xC230] =	vst v3;
	v3 =	vld [tilespmem:s11+$0x4300]  }
0x98: {  	[tilespmem:s11+$0xC280] =	vst v4;
	v4 =	vld [tilespmem:s11+$0x4310]  }
.Ltmp5:
0x99: {  	[tilespmem:s11+$0xC290] =	vst v0;
	v0 =	vld [tilespmem:s11+$0x4320];
	(pc) =	sbr.rel @p1 .LBB2_8-.Ltmp5, $4  }
0x9a: {  	[tilespmem:s11+$0xC2A0] =	vst v1;
	v1 =	vld [tilespmem:s11+$0x4330]  }
0x9b: {  	[tilespmem:s11+$0xC2B0] =	vst v2;
	v2 =	vld [tilespmem:s11+$0x4380]  }
0x9c: {  	[tilespmem:s11+$0xC300] =	vst v3;
	v3 =	vld [tilespmem:s11+$0x4390]  }
0x9d: {  	s14 =	sshra.s32 s8, $0x2;
	s8 =	sadd.s32 $0x800, s8;
	[tilespmem:s11+$0xC310] =	vst v4;
	v4 =	vld [tilespmem:s11+$0x43A0]  }
0x9e: {  	v5 =	vld [tilespmem:s14+$0x43B0];
	[tilespmem:s11+$0xC320] =	vst v0  }
0x9f: {  	v0 =	vld [tilespmem:s14+$0x4200];
	[tilespmem:s11+$0xC330] =	vst v1  }
0xa0: {  	v1 =	vld [tilespmem:s14+$0x4210];
	[tilespmem:s11+$0xC380] =	vst v2  }
0xa1: {  	v2 =	vld [tilespmem:s14+$0x4220];
	[tilespmem:s11+$0xC390] =	vst v3  }
0xa2: {  	v3 =	vld [tilespmem:s14+$0x4230];
	[tilespmem:s11+$0xC3A0] =	vst v4  }
0xa3: {  	v4 =	vld [tilespmem:s14+$0x4280];
	[tilespmem:s14+$0xC3B0] =	vst v5  }
0xa4: {  	[tilespmem:s14+$0xC200] =	vst v0;
	v0 =	vld [tilespmem:s14+$0x4290]  }
0xa5: {  	[tilespmem:s14+$0xC210] =	vst v1;
	v1 =	vld [tilespmem:s14+$0x42A0]  }
0xa6: {  	[tilespmem:s14+$0xC220] =	vst v2;
	v2 =	vld [tilespmem:s14+$0x42B0]  }
0xa7: {  	[tilespmem:s14+$0xC230] =	vst v3;
	v3 =	vld [tilespmem:s14+$0x4300]  }
0xa8: {  	[tilespmem:s14+$0xC280] =	vst v4;
	v4 =	vld [tilespmem:s14+$0x4310]  }
0xa9: {  	[tilespmem:s14+$0xC290] =	vst v0;
	v0 =	vld [tilespmem:s14+$0x4320]  }
0xaa: {  	[tilespmem:s14+$0xC2A0] =	vst v1;
	v1 =	vld [tilespmem:s14+$0x4330]  }
0xab: {  	[tilespmem:s14+$0xC2B0] =	vst v2;
	v2 =	vld [tilespmem:s14+$0x4380]  }
0xac: {  	[tilespmem:s14+$0xC300] =	vst v3;
	v3 =	vld [tilespmem:s14+$0x4390]  }
0xad: {  	[tilespmem:s14+$0xC310] =	vst v4;
	v4 =	vld [tilespmem:s14+$0x43A0]  }
0xae: {  	[tilespmem:s14+$0xC320] =	vst v0  }
0xaf: {  	[tilespmem:s14+$0xC330] =	vst v1  }
0xb0: {  	[tilespmem:s14+$0xC380] =	vst v2  }
0xb1: {  	s8 =	sshll.u32 s1, $0xD;
	[tilespmem:s14+$0xC390] =	vst v3  }
0xb2: {  	s8 =	sadd.s32 s15, s8;
	[tilespmem:s14+$0xC3A0] =	vst v4  }
0xb3: {  	[hbm4b:s8+s3] =	stream.linear.scatter [tilespmem:s28], [sflag:$0x8], $0x4000, $0x38;
	[tilespmem:$0x10200] =	vst v63  }
0xb4: {  	s8 =	sadd.s32 @!p0 $0x300, s9;
	_ =	swait.ge [sflag:s29], $0x80  }
0xb5: {  	s11 =	sand.u32 @!p0 $0xFC00, s8;
	[sflag:s29] =	ssyncset.done $0x0  }
0xb6: {  	s8 =	sand.u32 @!p0 $0x300, s8;
	s11 =	sadd.s32 @!p0 s4, s11;
	[sflag:s29] =	ssyncadd.s32 $0xFFFFFF80  }
0xb7: {  	[tilespmem:s22], [sflag:$0x6] =	stream.indirect.gather [hbm4b:s5+s16], $0x80, s18, s16, $0xb8;
	[tilespmem:$0x10200] =	vst v63  }
0xb8: {  	s8 =	sor.u32 @!p0 s8, s11;
	_ =	swait.ge [sflag:s23], $0x4000  }
0xb9: {  	s14 =	simm.s32 @!p0 $0x100;
	s8 =	sshrl.u32 @!p0 s8, $0x3;
	[sflag:s23] =	ssyncset.done $0x0  }
0xba: {  	s11 =	simm.s32 @!p0 $0x0;
	s8 =	sadd.s32 @!p0 s2, s8;
	[sflag:s23] =	ssyncadd.s32 $0xFFFFC000  }
0xbb: {  	[tilespmem:s14], [sflag:$0x3] =	stream.linear.gather @!p0 [hbm4b:s8+s11], $0x80, $0x38;
	[tilespmem:$0x10200] =	vst v63  }
0xbc: {  	_ =	swait.ge [sflag:s30], $0x4000  }
0xbd: {  	[sflag:s30] =	ssyncset.done $0x0  }
0xbe: {  	s11 =	simm.s32 $0x0;
	[sflag:s30] =	ssyncadd.s32 $0xFFFFC000  }
0xbf: {  	v0 =	vld [tilespmem:s11+$0x3B0]  }
0xc0: {  	v1 =	vld [tilespmem:s11+$0x200]  }
0xc1: {  	v2 =	vld [tilespmem:s11+$0x210]  }
0xc2: {  	v3 =	vld [tilespmem:s11+$0x220]  }
0xc3: {  	v4 =	vld [tilespmem:s11+$0x230]  }
0xc4: {  	v5 =	vld [tilespmem:s11+$0x280];
	[tilespmem:s11+$0x83B0] =	vst v0  }
0xc5: {  	[tilespmem:s11+$0x8200] =	vst v1;
	v0 =	vld [tilespmem:s11+$0x290]  }
0xc6: {  	[tilespmem:s11+$0x8210] =	vst v2;
	v1 =	vld [tilespmem:s11+$0x2A0]  }
0xc7: {  	[tilespmem:s11+$0x8220] =	vst v3;
	v2 =	vld [tilespmem:s11+$0x2B0]  }
0xc8: {  	[tilespmem:s11+$0x8230] =	vst v4;
	v3 =	vld [tilespmem:s11+$0x300]  }
0xc9: {  	[tilespmem:s11+$0x8280] =	vst v5;
	v4 =	vld [tilespmem:s11+$0x310]  }
0xca: {  	[tilespmem:s11+$0x8290] =	vst v0;
	v0 =	vld [tilespmem:s11+$0x320]  }
0xcb: {  	[tilespmem:s11+$0x82A0] =	vst v1;
	v1 =	vld [tilespmem:s11+$0x330]  }
0xcc: {  	[tilespmem:s11+$0x82B0] =	vst v2;
	v2 =	vld [tilespmem:s11+$0x380]  }
0xcd: {  	[tilespmem:s11+$0x8300] =	vst v3;
	v3 =	vld [tilespmem:s11+$0x390]  }
0xce: {  	s14 =	simm.s32 $0x200;
	s8 =	simm.s32 $0x1000;
	[tilespmem:s11+$0x8310] =	vst v4;
	v4 =	vld [tilespmem:s11+$0x3A0]  }
.LBB2_10:
0xcf: {  	p1 =	sne.s32 s8, $0xF800;
	v5 =	vld [tilespmem:s14+$0x3B0];
	[tilespmem:s11+$0x8320] =	vst v0  }
0xd0: {  	v0 =	vld [tilespmem:s14+$0x200];
	[tilespmem:s11+$0x8330] =	vst v1  }
0xd1: {  	v1 =	vld [tilespmem:s14+$0x210];
	[tilespmem:s11+$0x8380] =	vst v2  }
0xd2: {  	v2 =	vld [tilespmem:s14+$0x220];
	[tilespmem:s11+$0x8390] =	vst v3  }
0xd3: {  	v3 =	vld [tilespmem:s14+$0x230];
	[tilespmem:s11+$0x83A0] =	vst v4;
	s11 =	smov.u32 s14  }
0xd4: {  	v4 =	vld [tilespmem:s11+$0x280];
	[tilespmem:s11+$0x83B0] =	vst v5  }
0xd5: {  	[tilespmem:s11+$0x8200] =	vst v0;
	v0 =	vld [tilespmem:s11+$0x290]  }
0xd6: {  	[tilespmem:s11+$0x8210] =	vst v1;
	v1 =	vld [tilespmem:s11+$0x2A0]  }
0xd7: {  	[tilespmem:s11+$0x8220] =	vst v2;
	v2 =	vld [tilespmem:s11+$0x2B0]  }
0xd8: {  	[tilespmem:s11+$0x8230] =	vst v3;
	v3 =	vld [tilespmem:s11+$0x300]  }
0xd9: {  	[tilespmem:s11+$0x8280] =	vst v4;
	v4 =	vld [tilespmem:s11+$0x310]  }
.Ltmp6:
0xda: {  	[tilespmem:s11+$0x8290] =	vst v0;
	v0 =	vld [tilespmem:s11+$0x320];
	(pc) =	sbr.rel @p1 .LBB2_10-.Ltmp6, $4  }
0xdb: {  	[tilespmem:s11+$0x82A0] =	vst v1;
	v1 =	vld [tilespmem:s11+$0x330]  }
0xdc: {  	[tilespmem:s11+$0x82B0] =	vst v2;
	v2 =	vld [tilespmem:s11+$0x380]  }
0xdd: {  	[tilespmem:s11+$0x8300] =	vst v3;
	v3 =	vld [tilespmem:s11+$0x390]  }
0xde: {  	s14 =	sshra.s32 s8, $0x2;
	s8 =	sadd.s32 $0x800, s8;
	[tilespmem:s11+$0x8310] =	vst v4;
	v4 =	vld [tilespmem:s11+$0x3A0]  }
0xdf: {  	v5 =	vld [tilespmem:s14+$0x3B0];
	[tilespmem:s11+$0x8320] =	vst v0  }
0xe0: {  	v0 =	vld [tilespmem:s14+$0x200];
	[tilespmem:s11+$0x8330] =	vst v1  }
0xe1: {  	v1 =	vld [tilespmem:s14+$0x210];
	[tilespmem:s11+$0x8380] =	vst v2  }
0xe2: {  	v2 =	vld [tilespmem:s14+$0x220];
	[tilespmem:s11+$0x8390] =	vst v3  }
0xe3: {  	v3 =	vld [tilespmem:s14+$0x230];
	[tilespmem:s11+$0x83A0] =	vst v4  }
0xe4: {  	v4 =	vld [tilespmem:s14+$0x280];
	[tilespmem:s14+$0x83B0] =	vst v5  }
0xe5: {  	[tilespmem:s14+$0x8200] =	vst v0;
	v0 =	vld [tilespmem:s14+$0x290]  }
0xe6: {  	[tilespmem:s14+$0x8210] =	vst v1;
	v1 =	vld [tilespmem:s14+$0x2A0]  }
0xe7: {  	[tilespmem:s14+$0x8220] =	vst v2;
	v2 =	vld [tilespmem:s14+$0x2B0]  }
0xe8: {  	[tilespmem:s14+$0x8230] =	vst v3;
	v3 =	vld [tilespmem:s14+$0x300]  }
0xe9: {  	[tilespmem:s14+$0x8280] =	vst v4;
	v4 =	vld [tilespmem:s14+$0x310]  }
0xea: {  	[tilespmem:s14+$0x8290] =	vst v0;
	v0 =	vld [tilespmem:s14+$0x320]  }
0xeb: {  	[tilespmem:s14+$0x82A0] =	vst v1;
	v1 =	vld [tilespmem:s14+$0x330]  }
0xec: {  	[tilespmem:s14+$0x82B0] =	vst v2;
	v2 =	vld [tilespmem:s14+$0x380]  }
0xed: {  	[tilespmem:s14+$0x8300] =	vst v3;
	v3 =	vld [tilespmem:s14+$0x390]  }
0xee: {  	[tilespmem:s14+$0x8310] =	vst v4;
	v4 =	vld [tilespmem:s14+$0x3A0]  }
0xef: {  	[tilespmem:s14+$0x8320] =	vst v0  }
0xf0: {  	[tilespmem:s14+$0x8330] =	vst v1  }
0xf1: {  	s8 =	sadd.s32 s10, s12;
	[tilespmem:s14+$0x8380] =	vst v2  }
0xf2: {  	s8 =	sshrl.u32 s8, $0x3;
	[tilespmem:s14+$0x8390] =	vst v3  }
0xf3: {  	p1 =	sne.s32 s1, $0x31;
	s8 =	sadd.s32 s6, s8;
	[tilespmem:s14+$0x83A0] =	vst v4  }
0xf4: {  	[hbm4b:s8+s3] =	stream.linear.scatter [tilespmem:s24], [sflag:$0x7], $0x4000, $0x38;
	[tilespmem:$0x10200] =	vst v63  }
0xf5: {  	s8 =	simm.s32 @p1 $0x1  }
0xf6: {  	_ =	swait.ge @p1 [sflag:s8], $0x80  }
0xf7: {  	s11 =	simm.s32 @p1 $0x0;
	[sflag:s8] =	ssyncset.done @p1 $0x0  }
0xf8: {  	s14 =	simm.s32 @p1 $0x200;
	[sflag:s8] =	ssyncadd.s32 @p1 $0xFFFFFF80;
	s8 =	simm.s32 @p1 $0x80  }
0xf9: {  	[tilespmem:s14], [sflag:$0x5] =	stream.indirect.gather @p1 [hbm4b:s5+s8], $0x80, s11, s8, $0xb8;
	[tilespmem:$0x10200] =	vst v63  }
0xfa: {  	s8 =	sadd.s32 @p1 $0x380, s9  }
0xfb: {  	s9 =	sand.u32 @p1 $0xFC00, s8  }
0xfc: {  	s14 =	simm.s32 @p1 $0x6;
	s8 =	sand.u32 @p1 $0x380, s8;
	s9 =	sadd.s32 @p1 s4, s9  }
0xfd: {  	_ =	swait.ge @p1 [sflag:s14], $0x4000;
	s8 =	sor.u32 @p1 s8, s9  }
0xfe: {  	[sflag:s14] =	ssyncset.done @p1 $0x0;
	s8 =	sshrl.u32 @p1 s8, $0x3  }
0xff: {  	[sflag:s14] =	ssyncadd.s32 @p1 $0xFFFFC000;
	s9 =	simm.s32 @p1 $0x180;
	s8 =	sadd.s32 @p1 s2, s8  }
0x100: {  	[tilespmem:s9], [sflag:$0x4] =	stream.linear.gather @p1 [hbm4b:s8+s11], $0x80, $0x38;
	[tilespmem:$0x10200] =	vst v63  }
0x101: {  	s8 =	simm.s32 @!p1 $0x6  }
0x102: {  	_ =	swait.ge @!p1 [sflag:s8], $0x4000  }
0x103: {  	[sflag:s8] =	ssyncset.done @!p1 $0x0  }
0x104: {  	[sflag:s8] =	ssyncadd.s32 @!p1 $0xFFFFC000  }
0x105: {  	_ =	swait.ge [sflag:s31], $0x4000  }
0x106: {  	[sflag:s31] =	ssyncset.done $0x0  }
0x107: {  	s9 =	simm.s32 $0x0;
	[sflag:s31] =	ssyncadd.s32 $0xFFFFC000  }
0x108: {  	v0 =	vld [tilespmem:s9+$0x43B0]  }
0x109: {  	v1 =	vld [tilespmem:s9+$0x4200]  }
0x10a: {  	v2 =	vld [tilespmem:s9+$0x4210]  }
0x10b: {  	v3 =	vld [tilespmem:s9+$0x4220]  }
0x10c: {  	v4 =	vld [tilespmem:s9+$0x4230]  }
0x10d: {  	v5 =	vld [tilespmem:s9+$0x4280];
	[tilespmem:s9+$0xC3B0] =	vst v0  }
0x10e: {  	[tilespmem:s9+$0xC200] =	vst v1;
	v0 =	vld [tilespmem:s9+$0x4290]  }
0x10f: {  	[tilespmem:s9+$0xC210] =	vst v2;
	v1 =	vld [tilespmem:s9+$0x42A0]  }
0x110: {  	[tilespmem:s9+$0xC220] =	vst v3;
	v2 =	vld [tilespmem:s9+$0x42B0]  }
0x111: {  	[tilespmem:s9+$0xC230] =	vst v4;
	v3 =	vld [tilespmem:s9+$0x4300]  }
0x112: {  	[tilespmem:s9+$0xC280] =	vst v5;
	v4 =	vld [tilespmem:s9+$0x4310]  }
0x113: {  	[tilespmem:s9+$0xC290] =	vst v0;
	v0 =	vld [tilespmem:s9+$0x4320]  }
0x114: {  	[tilespmem:s9+$0xC2A0] =	vst v1;
	v1 =	vld [tilespmem:s9+$0x4330]  }
0x115: {  	[tilespmem:s9+$0xC2B0] =	vst v2;
	v2 =	vld [tilespmem:s9+$0x4380]  }
0x116: {  	[tilespmem:s9+$0xC300] =	vst v3;
	v3 =	vld [tilespmem:s9+$0x4390]  }
0x117: {  	s11 =	simm.s32 $0x200;
	s8 =	simm.s32 $0x1000;
	[tilespmem:s9+$0xC310] =	vst v4;
	v4 =	vld [tilespmem:s9+$0x43A0]  }
.LBB2_12:
0x118: {  	p1 =	sne.s32 s8, $0xF800;
	v5 =	vld [tilespmem:s11+$0x43B0];
	[tilespmem:s9+$0xC320] =	vst v0  }
0x119: {  	v0 =	vld [tilespmem:s11+$0x4200];
	[tilespmem:s9+$0xC330] =	vst v1  }
0x11a: {  	v1 =	vld [tilespmem:s11+$0x4210];
	[tilespmem:s9+$0xC380] =	vst v2  }
0x11b: {  	v2 =	vld [tilespmem:s11+$0x4220];
	[tilespmem:s9+$0xC390] =	vst v3  }
0x11c: {  	v3 =	vld [tilespmem:s11+$0x4230];
	[tilespmem:s9+$0xC3A0] =	vst v4;
	s9 =	smov.u32 s11  }
0x11d: {  	v4 =	vld [tilespmem:s9+$0x4280];
	[tilespmem:s9+$0xC3B0] =	vst v5  }
0x11e: {  	[tilespmem:s9+$0xC200] =	vst v0;
	v0 =	vld [tilespmem:s9+$0x4290]  }
0x11f: {  	[tilespmem:s9+$0xC210] =	vst v1;
	v1 =	vld [tilespmem:s9+$0x42A0]  }
0x120: {  	[tilespmem:s9+$0xC220] =	vst v2;
	v2 =	vld [tilespmem:s9+$0x42B0]  }
0x121: {  	[tilespmem:s9+$0xC230] =	vst v3;
	v3 =	vld [tilespmem:s9+$0x4300]  }
0x122: {  	[tilespmem:s9+$0xC280] =	vst v4;
	v4 =	vld [tilespmem:s9+$0x4310]  }
.Ltmp7:
0x123: {  	[tilespmem:s9+$0xC290] =	vst v0;
	v0 =	vld [tilespmem:s9+$0x4320];
	(pc) =	sbr.rel @p1 .LBB2_12-.Ltmp7, $4  }
0x124: {  	[tilespmem:s9+$0xC2A0] =	vst v1;
	v1 =	vld [tilespmem:s9+$0x4330]  }
0x125: {  	[tilespmem:s9+$0xC2B0] =	vst v2;
	v2 =	vld [tilespmem:s9+$0x4380]  }
0x126: {  	[tilespmem:s9+$0xC300] =	vst v3;
	v3 =	vld [tilespmem:s9+$0x4390]  }
0x127: {  	s11 =	sshra.s32 s8, $0x2;
	s8 =	sadd.s32 $0x800, s8;
	[tilespmem:s9+$0xC310] =	vst v4;
	v4 =	vld [tilespmem:s9+$0x43A0]  }
0x128: {  	v5 =	vld [tilespmem:s11+$0x43B0];
	[tilespmem:s9+$0xC320] =	vst v0  }
0x129: {  	v0 =	vld [tilespmem:s11+$0x4200];
	[tilespmem:s9+$0xC330] =	vst v1  }
0x12a: {  	v1 =	vld [tilespmem:s11+$0x4210];
	[tilespmem:s9+$0xC380] =	vst v2  }
0x12b: {  	v2 =	vld [tilespmem:s11+$0x4220];
	[tilespmem:s9+$0xC390] =	vst v3  }
0x12c: {  	v3 =	vld [tilespmem:s11+$0x4230];
	[tilespmem:s9+$0xC3A0] =	vst v4  }
0x12d: {  	v4 =	vld [tilespmem:s11+$0x4280];
	[tilespmem:s11+$0xC3B0] =	vst v5  }
0x12e: {  	v54 =	vld [tilespmem:s11+$0x4290];
	[tilespmem:s11+$0xC200] =	vst v0  }
0x12f: {  	v55 =	vld [tilespmem:s11+$0x42A0];
	[tilespmem:s11+$0xC210] =	vst v1  }
0x130: {  	v56 =	vld [tilespmem:s11+$0x42B0];
	[tilespmem:s11+$0xC220] =	vst v2  }
0x131: {  	v57 =	vld [tilespmem:s11+$0x4300];
	[tilespmem:s11+$0xC230] =	vst v3  }
0x132: {  	v58 =	vld [tilespmem:s11+$0x4310];
	[tilespmem:s11+$0xC280] =	vst v4  }
0x133: {  	v59 =	vld [tilespmem:s11+$0x4320];
	[tilespmem:s11+$0xC290] =	vst v54  }
0x134: {  	v60 =	vld [tilespmem:s11+$0x4330];
	[tilespmem:s11+$0xC2A0] =	vst v55  }
0x135: {  	v61 =	vld [tilespmem:s11+$0x4380];
	[tilespmem:s11+$0xC2B0] =	vst v56  }
0x136: {  	v62 =	vld [tilespmem:s11+$0x4390];
	[tilespmem:s11+$0xC300] =	vst v57  }
0x137: {  	v63 =	vld [tilespmem:s11+$0x43A0];
	[tilespmem:s11+$0xC310] =	vst v58  }
0x138: {  	[tilespmem:s11+$0xC320] =	vst v59  }
.Ltmp8:
0x139: {  	[tilespmem:s11+$0xC330] =	vst v60;
	(pc) =	sbr.rel @p0 .LBB2_15-.Ltmp8, $4  }
0x13a: {  	s8 =	sadd.s32 s10, s13;
	[tilespmem:s11+$0xC380] =	vst v61  }
0x13b: {  	s8 =	sshrl.u32 s8, $0x3;
	[tilespmem:s11+$0xC390] =	vst v62  }
0x13c: {  	s8 =	sadd.s32 s6, s8;
	[tilespmem:s11+$0xC3A0] =	vst v63  }
0x13d: {  	[hbm4b:s8+s3] =	stream.linear.scatter [tilespmem:s28], [sflag:$0x8], $0x4000, $0x38;
	[tilespmem:$0x10200] =	vst v63  }
.Ltmp9:
0x13e: {  	(pc) =	sbr.rel .LBB2_2-.Ltmp9, $4  }
0x13f: {  	_ =	swait.ge [sflag:s21], $0x80  }
0x140: {  	[sflag:s21] =	ssyncset.done $0x0  }
0x141: {  	s1 =	sadd.s32 $0x1, s1;
	[sflag:s21] =	ssyncadd.s32 $0xFFFFFF80  }
0x142: {  	[tilespmem:s22], [sflag:$0x6] =	stream.indirect.gather [hbm4b:s5+s16], $0x80, s16, s16, $0xb8;
	[tilespmem:$0x10200] =	vst v63  }
.LBB2_16:
0x143: {  	_ =	sfence.sel $0x180000  }
0x144: {  	[bflag:$0x0] =	sbarrier.arrive $0xFFFF  }
0x145: {  	_ =	strace $0x9000004A  }
0x146: {  	s0 =	stileid.u32;
	[bflag:$0x2] =	sbarrier.arrive $0xFFFF  }
0x147: {  	p0 =	sne.s32 s0, $0x0;
	s0 =	rddreg [dreg:$0x2]  }
0x148: {  	s0 =	sadd.s32 @!p0 $0x100000, s0  }
0x149: {  	[sflag:s0] =	ssyncadd.tile.s32 @!p0 $0x1;
	_ =	shalt  }
.Lfunc_end2:
_tile_overlayer_lowered:
.L_overlay_start_2:
0x14a: {  	(tag) =	ssettag $0x2  }
0x14b: {  	s0 =	rddreg [dreg:$0x0];
	s2 =	stileid.u32  }
0x14c: {  	s1 =	rddreg [dreg:$0x1];
	p0 =	sne.s32 s2, $0x0  }
0x14d: {  	s3 =	rddreg [dreg:$0x2];
	[bflag:$0x3] =	sbarrier.arrive $0xFFFF;
	s2 =	simm.s32 @!p0 $0x1C09  }
0x14e: {  	[timem:s3], [sflag:s2] =	dma.local @!p0 [hbm:s0], s1  }
0x14f: {  	s0 =	simm.s32 @!p0 $0x9  }
0x150: {  	_ =	swait.ge @!p0 [sflag:s0], s1  }
0x151: {  	s1 =	ssub.s32 @!p0 $0x0, s1;
	[sflag:s0] =	ssyncset.done @!p0 $0x0  }
0x152: {  	[sflag:s0] =	ssyncadd.s32 @!p0 s1  }
0x153: {  	[bflag:$0x3] =	sbarrier.arrive $0xFFFF  }
0x154: {  	_ =	shalt  }

// kernel: sparse-core-data-format-call.cloned.1.call-start
scs
called_computation_lowered:
.L_overlay_start_0:
0x0: {  	s2 =	sld [smem:$0x3FD9]  }
0x1: {  	s3 =	sld [smem:$0x3FFE];
	_ =	sdelay $0x1  }
0x2: {  	s1 =	srdreg.scid  }
0x3: {  	s0 =	sand.u32 $0x1, s1  }
0x4: {  	s18 =	sshll.u32 s0, $0xA;
	s2 =	sadd.s32 s3, s2  }
0x5: {  	s2 =	sadd.s32 s2, s18  }
0x6: {  	[smem:$0x3FC6] =	sst s2  }
0x7: {  	_ = 	snop  }
0x8: {  	s2 =	sld [smem:$0x3FD0];
	(tm) =	ssettm $0x1  }
0x9: {  	s19 =	sld [smem:$0x3FFB];
	_ =	sdelay $0x3  }
0xa: {  	_ =	strace s19  }
0xb: {  	s3 =	sld [smem:$0x3FFC];
	_ =	sdelay $0x3  }
0xc: {  	_ =	strace s3  }
0xd: {  	s3 =	sld [smem:$0x3FFD];
	_ =	sdelay $0x3  }
0xe: {  	_ =	strace s3  }
0xf: {  	_ =	strace $0x8FFFFFFF  }
0x10: {  	s20 =	sld [smem:$0x3FDB];
	_ =	sdelay $0x1  }
0x11: {  	s4 =	simm.s32 $_scs_section_size  }
0x12: {  	s5 =	simm.s32 $_size__tile_overlayer_lowered;
	s6 =	simm.s32 $_tile_overlayer_lowered  }
0x13: {  	s23 =	simm.s32 $0x1BFF;
	s22 =	sshll.u32 s6, $0x1;
	s3 =	sadd.s32 s4, s20  }
0x14: {  	s7 =	simm.s32 $0x0;
	s21 =	sshll.u32 s5, $0x1;
	s5 =	sadd.s32 s22, s3  }
0x15: {  	[timem:s7], [sflag:s23] =	dma.local [hbm:s5], s21  }
0x16: {  	_ =	swait.ge [sflag:s23], s21  }
0x17: {  	s4 =	ssub.s32 $0x0, s21;
	[sflag:s23] =	ssyncset.done $0x0  }
0x18: {  	[sflag:s23] =	ssyncadd.s32 s4;
	_ =	sdelay $0x1  }
0x19: {  	s24 =	simm.s32 $0x1B8B  }
0x1a: {  	_ =	swait.ge [sflag:s24], $0x1  }
0x1b: {  	[sflag:s24] =	ssyncset.done $0x0  }
0x1c: {  	s26 =	simm.s32 $0x1B8E;
	s25 =	sld [smem:$0x3FFE];
	[sflag:s24] =	ssyncadd.s32 $0xFFFFFFFF  }
0x1d: {  	s27 =	simm.s32 $execute0_lowered;
	[smem:$0x3FD2] =	sst s26  }
0x1e: {  	s5 =	sshll.u32 s27, $0x1;
	_ =	strace $0x8000004C;
	[dreg:$0x1] =	wrdreg $0xFFFFFFFF  }
0x1f: {  	s28 =	simm.s32 $_size_execute0_lowered;
	s3 =	sadd.s32 s3, s5;
	[dreg:$0x0] =	wrdreg $0x0  }
0x20: {  	s5 =	sshll.u32 s28, $0x1;
	[dreg:$0x2] =	wrdreg s3  }
0x21: {  	[dreg:$0x3] =	wrdreg s5  }
0x22: {  	[dreg:$0x4] =	wrdreg $0xC0  }
0x23: {  	_ =	task [dreg:s7], $0x5FFFF  }
0x24: {  	[dreg:$0x1] =	wrdreg $0xFFFFFFFF  }
0x25: {  	[dreg:$0x0] =	wrdreg $0x60  }
0x26: {  	[dreg:$0x2] =	wrdreg s25  }
0x27: {  	[dreg:$0x3] =	wrdreg s2  }
0x28: {  	[dreg:$0x4] =	wrdreg $0x9  }
0x29: {  	_ =	task.clear_ibuf [dreg:s7], $0x5FFFF;
	_ =	strace $0x9000004C  }
0x2a: {  	s29 =	simm.s32 $0x9;
	_ =	strace $0x8000004E  }
0x2b: {  	_ =	swait.ge [sflag:s29], $0x1  }
0x2c: {  	[sflag:s29] =	ssyncadd.s32 $0xFFFFFFFF  }
0x2d: {  	_ =	strace $0x9000004E  }
0x2e: {  	_ =	sfence  }
0x2f: {  	s30 =	sld [smem:$0x0];
	_ =	sdelay $0x2  }
0x30: {  	s31 =	sshll.u32 s1, $0xD;
	s1 =	sshrl.u32 s1, $0x2  }
0x31: {  	s3 =	sand.u32 $0x4000, s31;
	s1 =	sadd.s32 s1, s30  }
0x32: {  	s0 =	sor.u32 s3, s0;
	s1 =	sshll.u32 s1, $0x11  }
0x33: {  	s0 =	sor.u32 s1, s0  }
0x34: {  	s0 =	sadd.s32 $0x8F2B, s0  }
0x35: {  	[sflag:s0] =	ssyncadd.remote.s32 $0x1  }
0x36: {  	_ =	sfence.sel $0xFFFF  }
0x37: {  	[dreg:$0x0] =	wrdreg $0xFFFFFFFF;
	(pc) =	sbr.abs _section_cstart, $3  }
0x38: {  	[dreg:$0x1] =	wrdreg $0xFFFFFFFF  }
0x39: {  	_ =	task.clear_ibuf [dreg:s7], $0x2FFFF;
	_ =	strace $0x9FFFFFFF  }
0x3a: {  	(tm) =	ssettm $0x7FFFFFFF  }
0x3b: {  	_ =	shalt  }
tec
execute0_lowered:
.L_overlay_start_1:
0x0: {  	(tag) =	ssettag $0x1  }
0x1: {  	s0 =	srdreg.scid  }
0x2: {  	s1 =	sshll.u32 s0, $0x4  }
0x3: {  	s0 =	stileid.u32;
	s1 =	sand.u32 $0x10, s1  }
0x4: {  	s1 =	sor.u32 s0, s1  }
0x5: {  	s6 =	rddreg [dreg:$0x0];
	s4 =	simm.s32 $0x1;
	s2 =	sshll.u32 s1, $0x7  }
0x6: {  	s7 =	simm.s32 $0x2;
	s12 =	simm.s32 $0x0;
	s1 =	ssub.s32 $0x1000, s2  }
0x7: {  	s8 =	simm.s32 $0x8000;
	s13 =	simm.s32 $0x0;
	s3 =	sand.u32 $0xF80, s1  }
0x8: {  	s9 =	simm.s32 $0x0;
	s5 =	sshrl.u32 s1, $0xC;
	p0 =	sne.s32 s3, $0x0  }
.Ltmp0:
0x9: {  	s1 =	rddreg [dreg:$0x2];
	s4 =	simm.s32 @!p0 $0x0;
	(pc) =	sbr.rel .LBB1_1-.Ltmp0, $4  }
0xa: {  	s11 =	simm.s32 $0x0;
	s3 =	rddreg [dreg:$0x1];
	s5 =	sadd.s32 s4, s5  }
0xb: {  	_ =	strace $0x8000004D;
	s4 =	simm.s32 $0x1;
	s5 =	smul.u32 $0xC8, s5  }
0xc: {  	s6 =	sadd.s32 $0xE00, s6;
	s10 =	smov.u32 s2;
	[sflag:s4] =	ssyncpa.u1 $0x0  }
0xd: {  	p0 =	por $0x0, $0x0;
	[sflag:s7] =	ssyncpa.u1 $0x0;
	s7 =	sor.u32 $0x1, s5  }
.LBB1_4:
0xe: {  	s16 =	sshll.u32 s13, $0x3;
	s17 =	sand.u32 $0x78, s13  }
0xf: {  	s30 =	sand.u32 $0x7E00, s13;
	s12 =	sshll.u32 s12, $0xF;
	s16 =	sand.u32 $0xC00, s16  }
0x10: {  	[tilespmem:s15+$0x810 ss:$0x81] =	vst.msk $0xffff, v2;
	s31 =	sand.u32 $0x7, s13;
	s16 =	sor.u32 s17, s16;
	s17 =	sadd.s32 s3, s30  }
0x11: {  	[tilespmem:s15+$0x1020 ss:$0x81] =	vst.msk $0xffff, v0;
	s13 =	sshll.u32 s31, $0x12;
	s12 =	sadd.s32 s12, s17;
	s16 =	sshrl.u32 s16, $0x3  }
0x12: {  	[tilespmem:s15+$0x0 ss:$0x81] =	vst.msk $0xffff, v1;
	s13 =	sor.u32 $0x400, s13;
	s12 =	sadd.s32 s16, s12  }
0x13: {  	[hbm4b:s12+s13] =	stream.strided.scatter [tilespmem:s14], [sflag:$0x2], $0x2000, s8, s13, $0x20;
	[tilespmem:$0x8080] =	vst v63  }
.LBB1_5:
0x14: {  	s14 =	sadd.s32 $0x1, s9  }
0x15: {  	s12 =	sadd.s32 $0x1000, s10;
	s16 =	smov.u32 s10;
	p2 =	sgt.s32 s14, $0xC7  }
0x16: {  	s16 =	smov.u32 @p2 s12  }
0x17: {  	s14 =	simm.s32 @p2 $0x0;
	p2 =	sgt.s32 s16, $0xFFF  }
0x18: {  	s16 =	smov.u32 @p2 s2;
	p2 =	sne.s32 s11, s7  }
.Ltmp1:
0x19: {  	p1 =	slt.u32 s11, $0x2;
	(pc) =	sbr.rel @!p2 .LBB1_6-.Ltmp1, $4  }
0x1a: {  	s15 =	simm.s32 @!p1 $0x2  }
0x1b: {  	s13 =	smov.u32 s10;
	p0 =	por !p0, !p0;
	_ =	swait.ge @!p1 [sflag:s15], $0x2000  }
0x1c: {  	s12 =	smov.u32 s9;
	[sflag:s15] =	ssyncset.done @!p1 $0x0;
	s9 =	smov.u32 s14  }
0x1d: {  	s11 =	sadd.s32 $0x1, s11;
	[sflag:s15] =	ssyncadd.s32 @!p1 $0xFFFFE000;
	s10 =	smov.u32 s16  }
.LBB1_1:
0x1e: {  	p1 =	sge.u32 s11, s5  }
0x1f: {  	s14 =	sand.u32 @!p1 $0x1FFFFFF, s9  }
0x20: {  	s15 =	smulhi.u32 @!p1 $0x147AE15, s14;
	_ =	sdelay $0x1  }
0x21: {  	s15 =	smul.u32 @!p1 $0xC8, s15  }
0x22: {  	s16 =	sxor.u32 @!p1 $0xFFFFFFFF, s11;
	s17 =	smul.u32 @!p1 $0xC80, s10  }
0x23: {  	s31 =	sadd.s32 $0xFFFFFFFF, s11;
	s16 =	sshll.u32 @!p1 s16, $0xD;
	s14 =	ssub.s32 @!p1 s14, s15  }
0x24: {  	s15 =	sand.u32 @!p1 $0x2000, s16;
	s16 =	sadd.s32 @!p1 s6, s17;
	s14 =	sshll.u32 @!p1 s14, $0x4  }
0x25: {  	s17 =	simm.s32 @!p1 $0x6400;
	s14 =	sadd.s32 @!p1 s14, s16;
	s16 =	simm.s32 @!p1 $0x40  }
0x26: {  	[tilespmem:s15], [sflag:$0x1] =	stream.strided.gather @!p1 [hbm4b:s14+s16], $0x2000, s17, s16, $0x38;
	[tilespmem:$0x8080] =	vst v63  }
0x27: {  	p1 =	sge.u32 s31, s5  }
.Ltmp2:
0x28: {  	_ = 	snop;
	(pc) =	sbr.rel @p1 .LBB1_5-.Ltmp2, $1  }
0x29: {  	_ =	sdelay $0x3  }
0x2a: {  	s14 =	simm.s32 $0x1  }
0x2b: {  	_ =	swait.ge [sflag:s4], $0x2000;
	s14 =	simm.s32 @!p0 $0x0  }
0x2c: {  	[sflag:s4] =	ssyncset.done $0x0;
	s15 =	sshll.u32 s14, $0xD  }
0x2d: {  	[sflag:s4] =	ssyncadd.s32 $0xFFFFE000;
	s18 =	sor.u32 $0x20, s15  }
0x2e: {  	s14 =	smul.u32 $0x8100, s14;
	v3 =	vld [tilespmem:s18+$0x10]  }
0x2f: {  	s30 =	sand.u32 $0x1, s11;
	v2 =	vld [tilespmem:s18+$0xFFFFFFF0]  }
0x30: {  	s15 =	smul.u32 $0x8100, s30;
	s14 =	sshrl.u32 s14, $0x2;
	v0 =	vld [tilespmem:s18+$0x0]  }
0x31: {  	v1 =	vld [tilespmem:s18+$0xFFFFFFE0];
	s16 =	sor.u32 $0x4000, s14  }
0x32: {  	s31 =	sshrl.u32 s15, $0x2;
	s15 =	sadd.s32 $0x0, s16  }
0x33: {  	s17 =	simm.s32 $0x4;
	s18 =	sadd.s32 $0x40, s18;
	s14 =	sor.u32 $0x4000, s31;
	[tilespmem:s15+$0x1830 ss:$0x81] =	vst.msk $0xffff, v3  }
.LBB1_3:
0x34: {  	v3 =	vld [tilespmem:s18+$0x10];
	p1 =	sne.s32 s17, $0x1FC;
	[tilespmem:s15+$0x810 ss:$0x81] =	vst.msk $0xffff, v2;
	s19 =	smov.u32 s17;
	s17 =	sadd.s32 $0x4, s17  }
.Ltmp3:
0x35: {  	v2 =	vld [tilespmem:s18+$0xFFFFFFF0];
	[tilespmem:s15+$0x1020 ss:$0x81] =	vst.msk $0xffff, v0;
	(pc) =	sbr.rel @p1 .LBB1_3-.Ltmp3, $4  }
0x36: {  	v0 =	vld [tilespmem:s18+$0x0];
	[tilespmem:s15+$0x0 ss:$0x81] =	vst.msk $0xffff, v1  }
0x37: {  	s15 =	sshra.s32 s19, $0x2;
	v1 =	vld [tilespmem:s18+$0xFFFFFFE0]  }
0x38: {  	s15 =	sadd.s32 s15, s16  }
0x39: {  	s18 =	sadd.s32 $0x40, s18;
	[tilespmem:s15+$0x1830 ss:$0x81] =	vst.msk $0xffff, v3  }
.Ltmp4:
0x3a: {  	_ = 	snop;
	(pc) =	sbr.rel .LBB1_4-.Ltmp4, $1  }
0x3b: {  	_ =	sdelay $0x3  }
.LBB1_6:
0x3c: {  	_ =	sfence.sel $0x180000  }
0x3d: {  	s2 =	simm.s32 $0x1;
	[bflag:$0x0] =	sbarrier.arrive $0xFFFF  }
0x3e: {  	s31 =	simm.s32 $0x2;
	[sflag:s2] =	ssyncpa.u1 $0x1  }
0x3f: {  	[sflag:s31] =	ssyncpa.u1 $0x1  }
0x40: {  	p0 =	sne.s32 s0, $0x0;
	_ =	strace $0x9000004D  }
0x41: {  	s0 =	sadd.s32 @!p0 $0x100000, s1;
	[bflag:$0x2] =	sbarrier.arrive $0xFFFF  }
0x42: {  	[sflag:s0] =	ssyncadd.tile.s32 @!p0 $0x1;
	_ =	shalt  }
.Lfunc_end1:
_tile_overlayer_lowered:
.L_overlay_start_2:
0x43: {  	(tag) =	ssettag $0x2  }
0x44: {  	s0 =	rddreg [dreg:$0x0];
	s2 =	stileid.u32  }
0x45: {  	s1 =	rddreg [dreg:$0x1];
	p0 =	sne.s32 s2, $0x0  }
0x46: {  	s3 =	rddreg [dreg:$0x2];
	[bflag:$0x3] =	sbarrier.arrive $0xFFFF;
	s2 =	simm.s32 @!p0 $0x1C01  }
0x47: {  	[timem:s3], [sflag:s2] =	dma.local @!p0 [hbm:s0], s1  }
0x48: {  	s0 =	simm.s32 @!p0 $0x1  }
0x49: {  	_ =	swait.ge @!p0 [sflag:s0], s1  }
0x4a: {  	s1 =	ssub.s32 @!p0 $0x0, s1;
	[sflag:s0] =	ssyncset.done @!p0 $0x0  }
0x4b: {  	[sflag:s0] =	ssyncadd.s32 @!p0 s1  }
0x4c: {  	[bflag:$0x3] =	sbarrier.arrive $0xFFFF  }
0x4d: {  	_ =	shalt  }

</sc_bundles>
